<compile_context>
chip_gen: v7x
topology: tpu7x:2x2x1
jax: 0.10.2.dev20260603
libtpu: 0.0.44.dev20260713+nightly
codegen_flags: <defaults>
</compile_context>

<pallas_src>
import functools

import jax
import jax.numpy as jnp
from jax import lax
from jax.experimental import pallas as pl
from jax.experimental.pallas import tpu as pltpu
from jax.experimental.pallas import tpu_sc as plsc

N_NODES = 10000
N_EDGES = 320000
D = 128

NC = 2
NS = 16
NW = NC * NS

CHUNK = 80
NBUF = 4
NSC = 1
NGA = NBUF - NSC
GROUP = 16
GLENS = (16, 16, 16, 16, 16, 16, 16, 13)
CHUNKS_PER_TILE = 125
EDGES_PER_TILE = CHUNKS_PER_TILE * CHUNK

N_PAD = 10112
ROWS_PER_SUB = N_PAD // NS


_mesh = plsc.VectorSubcoreMesh(core_axis_name="c", subcore_axis_name="s")


@functools.partial(
    pl.kernel,
    out_type=jax.ShapeDtypeStruct((NC, N_PAD, D), jnp.float32),
    mesh=_mesh,
    scratch_types=[
        [pltpu.VMEM((GROUP, CHUNK), jnp.int32)] * 2,
        [pltpu.VMEM((GROUP, CHUNK), jnp.int32)] * 2,
        [pltpu.VMEM((CHUNK, D), jnp.float32)] * NBUF,
        pltpu.VMEM_SHARED((N_PAD, D), jnp.float32),
        [pltpu.SemaphoreType.DMA] * NBUF,
        [pltpu.SemaphoreType.DMA] * NBUF,
        [pltpu.SemaphoreType.DMA] * 2,
        [pltpu.SemaphoreType.DMA] * 2,
    ],
)
def _sc_aggregate(x_hbm, ei_hbm, part_hbm,
                  src_v, dst_v, rows_ring, acc_sh, sems, scsems, ssems, dsems):
    c = lax.axis_index("c")
    s = lax.axis_index("s")
    wid = s * NC + c

    row0 = s * ROWS_PER_SUB
    zbuf = rows_ring[0]

    @pl.loop(0, CHUNK)
    def _(i):
        for l in range(D // 16):
            zbuf[i, pl.ds(l * 16, 16)] = jnp.zeros((16,), jnp.float32)

    for t in range(ROWS_PER_SUB // CHUNK):
        pltpu.sync_copy(zbuf, acc_sh.at[pl.ds(row0 + t * CHUNK, CHUNK)])
    _rem = ROWS_PER_SUB % CHUNK
    if _rem:
        pltpu.sync_copy(
            zbuf.at[pl.ds(0, _rem)],
            acc_sh.at[pl.ds(row0 + (ROWS_PER_SUB // CHUNK) * CHUNK, _rem)])

    def _idx_start(g0, glen, gb):
        pltpu.async_copy(ei_hbm.at[0, wid, pl.ds(g0, glen)],
                         src_v[gb].at[pl.ds(0, glen)], ssems[gb])
        pltpu.async_copy(ei_hbm.at[1, wid, pl.ds(g0, glen)],
                         dst_v[gb].at[pl.ds(0, glen)], dsems[gb])

    def _idx_wait(g0, glen, gb):
        pltpu.make_async_copy(ei_hbm.at[0, wid, pl.ds(g0, glen)],
                              src_v[gb].at[pl.ds(0, glen)], ssems[gb]).wait()
        pltpu.make_async_copy(ei_hbm.at[1, wid, pl.ds(g0, glen)],
                              dst_v[gb].at[pl.ds(0, glen)], dsems[gb]).wait()

    _idx_start(0, GLENS[0], 0)

    plsc.subcore_barrier()

    def _g_start(k, b, gb):
        pltpu.async_copy(x_hbm.at[src_v[gb].at[k]], rows_ring[b], sems[b])

    def _g_wait(k, b, gb):
        pltpu.make_async_copy(x_hbm.at[src_v[gb].at[k]], rows_ring[b],
                              sems[b]).wait()

    def _s_start(k, b, gb):
        pltpu.async_copy(rows_ring[b], acc_sh.at[dst_v[gb].at[k]], scsems[b],
                         add=True)

    def _s_wait(k, b, gb):
        pltpu.make_async_copy(rows_ring[b], acc_sh.at[dst_v[gb].at[k]],
                              scsems[b]).wait()

    g0 = 0
    for g, glen in enumerate(GLENS):
        gb = g % 2
        _idx_wait(g0, glen, gb)
        if g + 1 < len(GLENS):
            _idx_start(g0 + glen, GLENS[g + 1], (g + 1) % 2)
        g0 += glen

        for p in range(NGA):
            _g_start(p, p, gb)
        for k in range(NSC):
            _g_wait(k, k % NBUF, gb)
            _s_start(k, k % NBUF, gb)
            _g_start(k + NGA, (k + NGA) % NBUF, gb)

        steady_end = NSC + ((glen - NGA - NSC) // NBUF) * NBUF

        @pl.loop(NSC, steady_end, step=NBUF)
        def _(k0):
            for u in range(NBUF):
                k = k0 + u
                b = (NSC + u) % NBUF
                _s_wait(k - NSC, (b + NBUF - NSC) % NBUF, gb)
                _g_start(k + NGA, (b + NGA) % NBUF, gb)
                _g_wait(k, b, gb)
                _s_start(k, b, gb)

        for k in range(steady_end, glen - NGA):
            b = k % NBUF
            _s_wait(k - NSC, (k - NSC) % NBUF, gb)
            _g_start(k + NGA, (k + NGA) % NBUF, gb)
            _g_wait(k, b, gb)
            _s_start(k, b, gb)

        for k in range(glen - NGA, glen):
            b = k % NBUF
            _s_wait(k - NSC, (k - NSC) % NBUF, gb)
            _g_wait(k, b, gb)
            _s_start(k, b, gb)
        for k in range(glen - NSC, glen):
            _s_wait(k, k % NBUF, gb)

    plsc.subcore_barrier()

    pltpu.sync_copy(acc_sh.at[pl.ds(row0, ROWS_PER_SUB)],
                    part_hbm.at[c, pl.ds(row0, ROWS_PER_SUB)])


def _mm_body(p0_ref, p1_ref, w_ref, b_ref, o_ref):
    a = p0_ref[0] + p1_ref[0]
    o_ref[...] = (
        jnp.dot(a, w_ref[...], preferred_element_type=jnp.float32) + b_ref[...]
    )


_ROW_BLK = 2000


def _combine_matmul(parts, W, b):
    grid = (N_NODES // _ROW_BLK,)
    return pl.pallas_call(
        _mm_body,
        grid=grid,
        in_specs=[
            pl.BlockSpec((1, _ROW_BLK, D), lambda i: (0, i, 0)),
            pl.BlockSpec((1, _ROW_BLK, D), lambda i: (1, i, 0)),
            pl.BlockSpec((D, D), lambda i: (0, 0)),
            pl.BlockSpec((1, D), lambda i: (0, 0)),
        ],
        out_specs=pl.BlockSpec((_ROW_BLK, D), lambda i: (i, 0)),
        out_shape=jax.ShapeDtypeStruct((N_NODES, D), jnp.float32),
    )(parts, parts, W, b.reshape(1, D))


@jax.jit
def kernel(x, edge_index, W, b):
    ei_p = edge_index.astype(jnp.int32).reshape(2, NW, CHUNKS_PER_TILE, CHUNK)

    parts = _sc_aggregate(x, ei_p)
    return _combine_matmul(parts, W, b)

# --- scband reference (transcript-rebuilt; emitter-appended) ---
"""Pipeline reference for scband-graph-convolution-layer-37864431681684 (READ-ONLY COPY).

The authoritative reference and input builder live on the scoring server;
editing this copy changes nothing except your own understanding.
"""

import jax, jax.numpy as jnp
import numpy as np

N_NODES = 10000
N_EDGES = 320000
D_IN = 128
D_OUT = 128

def setup_inputs(seed: int = 0) -> dict:
    key = jax.random.key(seed)
    k1, k2, k3, k4 = jax.random.split(key, 4)
    x = jax.random.normal(k1, (N_NODES, D_IN), dtype=jnp.float32)
    edge_index = jax.random.randint(k2, (2, N_EDGES), 0, N_NODES, dtype=jnp.int64)
    # xavier_uniform for weight [in_features, out_features]
    limit = float(np.sqrt(6.0 / (D_IN + D_OUT)))
    W = jax.random.uniform(k3, (D_IN, D_OUT), dtype=jnp.float32, minval=-limit, maxval=limit)
    b = jnp.zeros((D_OUT,), dtype=jnp.float32)
    return {"x": x, "edge_index": edge_index, "W": W, "b": b}

def reference(x, edge_index, W, b):
    # x: [N, D_IN], edge_index: [2, E]
    src = edge_index[0]
    dst = edge_index[1]
    xw = jnp.matmul(x, W)                      # [N, D_OUT]
    msgs = jnp.take(xw, src, axis=0)           # gather messages from source nodes [E, D_OUT]
    out = jnp.zeros_like(xw).at[dst].add(msgs) # scatter-add into destination nodes
    out = out + b
    return out

if __name__ == "__main__":
    import jax
    _d = setup_inputs()
    print(jax.jit(kernel)(*tuple(_d.values())))

</pallas_src>

<mosaic_0001>
#map = affine_map<(d0, d1) -> (0, 0)>
#map1 = affine_map<(d0, d1) -> (0, 0, 0, 0)>
#map2 = affine_map<(d0, d1) -> (0, 0, 0)>
module attributes {stable_mosaic.version = 14 : i64} {
  func.func @_sc_aggregate(%arg0: i32, %arg1: i32, %arg2: memref<10000x128xf32, #tpu.memory_space<hbm>>, %arg3: memref<2x32x125x80xi32, #tpu.memory_space<hbm>>, %arg4: memref<2x10112x128xf32, #tpu.memory_space<hbm>>, %arg5: memref<16x80xi32, #tpu.memory_space<vmem>>, %arg6: memref<16x80xi32, #tpu.memory_space<vmem>>, %arg7: memref<16x80xi32, #tpu.memory_space<vmem>>, %arg8: memref<16x80xi32, #tpu.memory_space<vmem>>, %arg9: memref<80x128xf32, #tpu.memory_space<vmem>>, %arg10: memref<80x128xf32, #tpu.memory_space<vmem>>, %arg11: memref<80x128xf32, #tpu.memory_space<vmem>>, %arg12: memref<80x128xf32, #tpu.memory_space<vmem>>, %arg13: memref<10112x128xf32, #tpu.memory_space<vmem_shared>>, %arg14: memref<!tpu.dma_semaphore, #tpu.memory_space<semaphore_mem>>, %arg15: memref<!tpu.dma_semaphore, #tpu.memory_space<semaphore_mem>>, %arg16: memref<!tpu.dma_semaphore, #tpu.memory_space<semaphore_mem>>, %arg17: memref<!tpu.dma_semaphore, #tpu.memory_space<semaphore_mem>>, %arg18: memref<!tpu.dma_semaphore, #tpu.memory_space<semaphore_mem>>, %arg19: memref<!tpu.dma_semaphore, #tpu.memory_space<semaphore_mem>>, %arg20: memref<!tpu.dma_semaphore, #tpu.memory_space<semaphore_mem>>, %arg21: memref<!tpu.dma_semaphore, #tpu.memory_space<semaphore_mem>>, %arg22: memref<!tpu.dma_semaphore, #tpu.memory_space<semaphore_mem>>, %arg23: memref<!tpu.dma_semaphore, #tpu.memory_space<semaphore_mem>>, %arg24: memref<!tpu.dma_semaphore, #tpu.memory_space<semaphore_mem>>, %arg25: memref<!tpu.dma_semaphore, #tpu.memory_space<semaphore_mem>>) attributes {dimension_semantics = [#tpu.dimension_semantics<core_parallel>, #tpu.dimension_semantics<subcore_parallel>], iteration_bounds = array<i64: 2, 16>, scalar_prefetch = 0 : i64, scratch_operands = 21 : i64, tpu.core_type = #tpu.core_type<sc_vector_subcore>, window_params = [{transform_indices = #map}, {transform_indices = #map1}, {transform_indices = #map2}]} {
    %mul3A = arith.constant 2 : i32
    %mul3A_0 = arith.muli %arg1, %mul3A : i32
    %add3A = arith.addi %mul3A_0, %arg0 : i32
    %mul3A_1 = arith.constant 632 : i32
    %mul3A_2 = arith.muli %arg1, %mul3A_1 : i32
    %scan3A = arith.constant 0 : i32
    %scan3A_3 = arith.constant 80 : i32
    %scan3A_4 = arith.addi %scan3A, %scan3A_3 : i32
    %scan3A_5 = arith.constant 1 : i32
    scf.for %scan3A_1466 = %scan3A to %scan3A_4 step %scan3A_5  : i32 {
      %mul3A_1467 = arith.constant 1 : i32
      %mul3A_1468 = arith.muli %scan3A_1466, %mul3A_1467 : i32
      %add3A_1469 = arith.constant 0 : i32
      %add3A_1470 = arith.addi %add3A_1469, %mul3A_1468 : i32
      %broadcast_in_dim3A = arith.constant 0.000000e+00 : f32
      %broadcast_in_dim3A_1471 = vector.broadcast %broadcast_in_dim3A : f32 to vector<16xf32>
      %swap3A = arith.index_cast %add3A_1470 : i32 to index
      %swap3A_1472 = arith.constant 0 : index
      %swap3A_1473 = tpu.vector_load %arg9[%swap3A, %swap3A_1472] {strides = array<i32>} : memref<80x128xf32, #tpu.memory_space<vmem>>, vector<1x16xf32>,
      %swap3A_1474 = vector.shape_cast %swap3A_1473 : vector<1x16xf32> to vector<16xf32>
      %swap3A_1475 = vector.shape_cast %broadcast_in_dim3A_1471 : vector<16xf32> to vector<1x16xf32>
      tpu.vector_store %arg9[%swap3A, %swap3A_1472], %swap3A_1475 {strides = array<i32>} : memref<80x128xf32, #tpu.memory_space<vmem>>, vector<1x16xf32>,
      %broadcast_in_dim3A_1476 = arith.constant 0.000000e+00 : f32
      %broadcast_in_dim3A_1477 = vector.broadcast %broadcast_in_dim3A_1476 : f32 to vector<16xf32>
      %swap3A_1478 = arith.index_cast %add3A_1470 : i32 to index
      %swap3A_1479 = arith.constant 16 : index
      %swap3A_1480 = tpu.vector_load %arg9[%swap3A_1478, %swap3A_1479] {strides = array<i32>} : memref<80x128xf32, #tpu.memory_space<vmem>>, vector<1x16xf32>,
      %swap3A_1481 = vector.shape_cast %swap3A_1480 : vector<1x16xf32> to vector<16xf32>
      %swap3A_1482 = vector.shape_cast %broadcast_in_dim3A_1477 : vector<16xf32> to vector<1x16xf32>
      tpu.vector_store %arg9[%swap3A_1478, %swap3A_1479], %swap3A_1482 {strides = array<i32>} : memref<80x128xf32, #tpu.memory_space<vmem>>, vector<1x16xf32>,
      %broadcast_in_dim3A_1483 = arith.constant 0.000000e+00 : f32
      %broadcast_in_dim3A_1484 = vector.broadcast %broadcast_in_dim3A_1483 : f32 to vector<16xf32>
      %swap3A_1485 = arith.index_cast %add3A_1470 : i32 to index
      %swap3A_1486 = arith.constant 32 : index
      %swap3A_1487 = tpu.vector_load %arg9[%swap3A_1485, %swap3A_1486] {strides = array<i32>} : memref<80x128xf32, #tpu.memory_space<vmem>>, vector<1x16xf32>,
      %swap3A_1488 = vector.shape_cast %swap3A_1487 : vector<1x16xf32> to vector<16xf32>
      %swap3A_1489 = vector.shape_cast %broadcast_in_dim3A_1484 : vector<16xf32> to vector<1x16xf32>
      tpu.vector_store %arg9[%swap3A_1485, %swap3A_1486], %swap3A_1489 {strides = array<i32>} : memref<80x128xf32, #tpu.memory_space<vmem>>, vector<1x16xf32>,
      %broadcast_in_dim3A_1490 = arith.constant 0.000000e+00 : f32
      %broadcast_in_dim3A_1491 = vector.broadcast %broadcast_in_dim3A_1490 : f32 to vector<16xf32>
      %swap3A_1492 = arith.index_cast %add3A_1470 : i32 to index
      %swap3A_1493 = arith.constant 48 : index
      %swap3A_1494 = tpu.vector_load %arg9[%swap3A_1492, %swap3A_1493] {strides = array<i32>} : memref<80x128xf32, #tpu.memory_space<vmem>>, vector<1x16xf32>,
      %swap3A_1495 = vector.shape_cast %swap3A_1494 : vector<1x16xf32> to vector<16xf32>
      %swap3A_1496 = vector.shape_cast %broadcast_in_dim3A_1491 : vector<16xf32> to vector<1x16xf32>
      tpu.vector_store %arg9[%swap3A_1492, %swap3A_1493], %swap3A_1496 {strides = array<i32>} : memref<80x128xf32, #tpu.memory_space<vmem>>, vector<1x16xf32>,
      %broadcast_in_dim3A_1497 = arith.constant 0.000000e+00 : f32
      %broadcast_in_dim3A_1498 = vector.broadcast %broadcast_in_dim3A_1497 : f32 to vector<16xf32>
      %swap3A_1499 = arith.index_cast %add3A_1470 : i32 to index
      %swap3A_1500 = arith.constant 64 : index
      %swap3A_1501 = tpu.vector_load %arg9[%swap3A_1499, %swap3A_1500] {strides = array<i32>} : memref<80x128xf32, #tpu.memory_space<vmem>>, vector<1x16xf32>,
      %swap3A_1502 = vector.shape_cast %swap3A_1501 : vector<1x16xf32> to vector<16xf32>
      %swap3A_1503 = vector.shape_cast %broadcast_in_dim3A_1498 : vector<16xf32> to vector<1x16xf32>
      tpu.vector_store %arg9[%swap3A_1499, %swap3A_1500], %swap3A_1503 {strides = array<i32>} : memref<80x128xf32, #tpu.memory_space<vmem>>, vector<1x16xf32>,
      %broadcast_in_dim3A_1504 = arith.constant 0.000000e+00 : f32
      %broadcast_in_dim3A_1505 = vector.broadcast %broadcast_in_dim3A_1504 : f32 to vector<16xf32>
      %swap3A_1506 = arith.index_cast %add3A_1470 : i32 to index
      %swap3A_1507 = arith.constant 80 : index
      %swap3A_1508 = tpu.vector_load %arg9[%swap3A_1506, %swap3A_1507] {strides = array<i32>} : memref<80x128xf32, #tpu.memory_space<vmem>>, vector<1x16xf32>,
      %swap3A_1509 = vector.shape_cast %swap3A_1508 : vector<1x16xf32> to vector<16xf32>
      %swap3A_1510 = vector.shape_cast %broadcast_in_dim3A_1505 : vector<16xf32> to vector<1x16xf32>
      tpu.vector_store %arg9[%swap3A_1506, %swap3A_1507], %swap3A_1510 {strides = array<i32>} : memref<80x128xf32, #tpu.memory_space<vmem>>, vector<1x16xf32>,
      %broadcast_in_dim3A_1511 = arith.constant 0.000000e+00 : f32
      %broadcast_in_dim3A_1512 = vector.broadcast %broadcast_in_dim3A_1511 : f32 to vector<16xf32>
      %swap3A_1513 = arith.index_cast %add3A_1470 : i32 to index
      %swap3A_1514 = arith.constant 96 : index
      %swap3A_1515 = tpu.vector_load %arg9[%swap3A_1513, %swap3A_1514] {strides = array<i32>} : memref<80x128xf32, #tpu.memory_space<vmem>>, vector<1x16xf32>,
      %swap3A_1516 = vector.shape_cast %swap3A_1515 : vector<1x16xf32> to vector<16xf32>
      %swap3A_1517 = vector.shape_cast %broadcast_in_dim3A_1512 : vector<16xf32> to vector<1x16xf32>
      tpu.vector_store %arg9[%swap3A_1513, %swap3A_1514], %swap3A_1517 {strides = array<i32>} : memref<80x128xf32, #tpu.memory_space<vmem>>, vector<1x16xf32>,
      %broadcast_in_dim3A_1518 = arith.constant 0.000000e+00 : f32
      %broadcast_in_dim3A_1519 = vector.broadcast %broadcast_in_dim3A_1518 : f32 to vector<16xf32>
      %swap3A_1520 = arith.index_cast %add3A_1470 : i32 to index
      %swap3A_1521 = arith.constant 112 : index
      %swap3A_1522 = tpu.vector_load %arg9[%swap3A_1520, %swap3A_1521] {strides = array<i32>} : memref<80x128xf32, #tpu.memory_space<vmem>>, vector<1x16xf32>,
      %swap3A_1523 = vector.shape_cast %swap3A_1522 : vector<1x16xf32> to vector<16xf32>
      %swap3A_1524 = vector.shape_cast %broadcast_in_dim3A_1519 : vector<16xf32> to vector<1x16xf32>
      tpu.vector_store %arg9[%swap3A_1520, %swap3A_1521], %swap3A_1524 {strides = array<i32>} : memref<80x128xf32, #tpu.memory_space<vmem>>, vector<1x16xf32>,
    }
    %scan3A_6 = arith.constant 80 : i32
    %add3A_7 = arith.constant 0 : i32
    %add3A_8 = arith.addi %mul3A_2, %add3A_7 : i32
    "tpu.region"() ({
      %run_scoped3A = tpu.sem_alloc : memref<!tpu.dma_semaphore, #tpu.memory_space<semaphore_mem>>
      %dma_start3A_1466 = arith.constant 0 : i32
      %dma_start3A_1467 = tpu.memref_slice %arg13[%add3A_8, %dma_start3A_1466] : memref<10112x128xf32, #tpu.memory_space<vmem_shared>> -> memref<80x128xf32, #tpu.memory_space<vmem_shared>>
      %dma_start3A_1468 = arith.constant 0 : i32
      %dma_start3A_1469 = tpu.memref_slice %arg13[%add3A_8, %dma_start3A_1468] : memref<10112x128xf32, #tpu.memory_space<vmem_shared>> -> memref<80x128xf32, #tpu.memory_space<vmem_shared>>
      tpu.enqueue_dma source(%arg9 : memref<80x128xf32, #tpu.memory_space<vmem>>) target(%dma_start3A_1469 : memref<80x128xf32, #tpu.memory_space<vmem_shared>>) target_semaphore(%run_scoped3A : memref<!tpu.dma_semaphore, #tpu.memory_space<semaphore_mem>>)
      %dma_wait3A_1470 = arith.constant 0 : i32
      %dma_wait3A_1471 = tpu.memref_slice %arg13[%add3A_8, %dma_wait3A_1470] : memref<10112x128xf32, #tpu.memory_space<vmem_shared>> -> memref<80x128xf32, #tpu.memory_space<vmem_shared>>
      %dma_wait3A_1472 = arith.constant 0 : i32
      %dma_wait3A_1473 = tpu.memref_slice %arg13[%add3A_8, %dma_wait3A_1472] : memref<10112x128xf32, #tpu.memory_space<vmem_shared>> -> memref<80x128xf32, #tpu.memory_space<vmem_shared>>
      tpu.wait_dma2 semaphore(%run_scoped3A : memref<!tpu.dma_semaphore, #tpu.memory_space<semaphore_mem>>) src(%arg9 : memref<80x128xf32, #tpu.memory_space<vmem>>) dst(%dma_wait3A_1473 : memref<80x128xf32, #tpu.memory_space<vmem_shared>>)
      tpu.yield
    }) : () -> ()
    %add3A_9 = arith.constant 80 : i32
    %add3A_10 = arith.addi %mul3A_2, %add3A_9 : i32
    "tpu.region"() ({
      %run_scoped3A = tpu.sem_alloc : memref<!tpu.dma_semaphore, #tpu.memory_space<semaphore_mem>>
      %dma_start3A_1466 = arith.constant 0 : i32
      %dma_start3A_1467 = tpu.memref_slice %arg13[%add3A_10, %dma_start3A_1466] : memref<10112x128xf32, #tpu.memory_space<vmem_shared>> -> memref<80x128xf32, #tpu.memory_space<vmem_shared>>
      %dma_start3A_1468 = arith.constant 0 : i32
      %dma_start3A_1469 = tpu.memref_slice %arg13[%add3A_10, %dma_start3A_1468] : memref<10112x128xf32, #tpu.memory_space<vmem_shared>> -> memref<80x128xf32, #tpu.memory_space<vmem_shared>>
      tpu.enqueue_dma source(%arg9 : memref<80x128xf32, #tpu.memory_space<vmem>>) target(%dma_start3A_1469 : memref<80x128xf32, #tpu.memory_space<vmem_shared>>) target_semaphore(%run_scoped3A : memref<!tpu.dma_semaphore, #tpu.memory_space<semaphore_mem>>)
      %dma_wait3A_1470 = arith.constant 0 : i32
      %dma_wait3A_1471 = tpu.memref_slice %arg13[%add3A_10, %dma_wait3A_1470] : memref<10112x128xf32, #tpu.memory_space<vmem_shared>> -> memref<80x128xf32, #tpu.memory_space<vmem_shared>>
      %dma_wait3A_1472 = arith.constant 0 : i32
      %dma_wait3A_1473 = tpu.memref_slice %arg13[%add3A_10, %dma_wait3A_1472] : memref<10112x128xf32, #tpu.memory_space<vmem_shared>> -> memref<80x128xf32, #tpu.memory_space<vmem_shared>>
      tpu.wait_dma2 semaphore(%run_scoped3A : memref<!tpu.dma_semaphore, #tpu.memory_space<semaphore_mem>>) src(%arg9 : memref<80x128xf32, #tpu.memory_space<vmem>>) dst(%dma_wait3A_1473 : memref<80x128xf32, #tpu.memory_space<vmem_shared>>)
      tpu.yield
    }) : () -> ()
    %add3A_11 = arith.constant 160 : i32
    %add3A_12 = arith.addi %mul3A_2, %add3A_11 : i32
    "tpu.region"() ({
      %run_scoped3A = tpu.sem_alloc : memref<!tpu.dma_semaphore, #tpu.memory_space<semaphore_mem>>
      %dma_start3A_1466 = arith.constant 0 : i32
      %dma_start3A_1467 = tpu.memref_slice %arg13[%add3A_12, %dma_start3A_1466] : memref<10112x128xf32, #tpu.memory_space<vmem_shared>> -> memref<80x128xf32, #tpu.memory_space<vmem_shared>>
      %dma_start3A_1468 = arith.constant 0 : i32
      %dma_start3A_1469 = tpu.memref_slice %arg13[%add3A_12, %dma_start3A_1468] : memref<10112x128xf32, #tpu.memory_space<vmem_shared>> -> memref<80x128xf32, #tpu.memory_space<vmem_shared>>
      tpu.enqueue_dma source(%arg9 : memref<80x128xf32, #tpu.memory_space<vmem>>) target(%dma_start3A_1469 : memref<80x128xf32, #tpu.memory_space<vmem_shared>>) target_semaphore(%run_scoped3A : memref<!tpu.dma_semaphore, #tpu.memory_space<semaphore_mem>>)
      %dma_wait3A_1470 = arith.constant 0 : i32
      %dma_wait3A_1471 = tpu.memref_slice %arg13[%add3A_12, %dma_wait3A_1470] : memref<10112x128xf32, #tpu.memory_space<vmem_shared>> -> memref<80x128xf32, #tpu.memory_space<vmem_shared>>
      %dma_wait3A_1472 = arith.constant 0 : i32
      %dma_wait3A_1473 = tpu.memref_slice %arg13[%add3A_12, %dma_wait3A_1472] : memref<10112x128xf32, #tpu.memory_space<vmem_shared>> -> memref<80x128xf32, #tpu.memory_space<vmem_shared>>
      tpu.wait_dma2 semaphore(%run_scoped3A : memref<!tpu.dma_semaphore, #tpu.memory_space<semaphore_mem>>) src(%arg9 : memref<80x128xf32, #tpu.memory_space<vmem>>) dst(%dma_wait3A_1473 : memref<80x128xf32, #tpu.memory_space<vmem_shared>>)
      tpu.yield
    }) : () -> ()
    %add3A_13 = arith.constant 240 : i32
    %add3A_14 = arith.addi %mul3A_2, %add3A_13 : i32
    "tpu.region"() ({
      %run_scoped3A = tpu.sem_alloc : memref<!tpu.dma_semaphore, #tpu.memory_space<semaphore_mem>>
      %dma_start3A_1466 = arith.constant 0 : i32
      %dma_start3A_1467 = tpu.memref_slice %arg13[%add3A_14, %dma_start3A_1466] : memref<10112x128xf32, #tpu.memory_space<vmem_shared>> -> memref<80x128xf32, #tpu.memory_space<vmem_shared>>
      %dma_start3A_1468 = arith.constant 0 : i32
      %dma_start3A_1469 = tpu.memref_slice %arg13[%add3A_14, %dma_start3A_1468] : memref<10112x128xf32, #tpu.memory_space<vmem_shared>> -> memref<80x128xf32, #tpu.memory_space<vmem_shared>>
      tpu.enqueue_dma source(%arg9 : memref<80x128xf32, #tpu.memory_space<vmem>>) target(%dma_start3A_1469 : memref<80x128xf32, #tpu.memory_space<vmem_shared>>) target_semaphore(%run_scoped3A : memref<!tpu.dma_semaphore, #tpu.memory_space<semaphore_mem>>)
      %dma_wait3A_1470 = arith.constant 0 : i32
      %dma_wait3A_1471 = tpu.memref_slice %arg13[%add3A_14, %dma_wait3A_1470] : memref<10112x128xf32, #tpu.memory_space<vmem_shared>> -> memref<80x128xf32, #tpu.memory_space<vmem_shared>>
      %dma_wait3A_1472 = arith.constant 0 : i32
      %dma_wait3A_1473 = tpu.memref_slice %arg13[%add3A_14, %dma_wait3A_1472] : memref<10112x128xf32, #tpu.memory_space<vmem_shared>> -> memref<80x128xf32, #tpu.memory_space<vmem_shared>>
      tpu.wait_dma2 semaphore(%run_scoped3A : memref<!tpu.dma_semaphore, #tpu.memory_space<semaphore_mem>>) src(%arg9 : memref<80x128xf32, #tpu.memory_space<vmem>>) dst(%dma_wait3A_1473 : memref<80x128xf32, #tpu.memory_space<vmem_shared>>)
      tpu.yield
    }) : () -> ()
    %add3A_15 = arith.constant 320 : i32
    %add3A_16 = arith.addi %mul3A_2, %add3A_15 : i32
    "tpu.region"() ({
      %run_scoped3A = tpu.sem_alloc : memref<!tpu.dma_semaphore, #tpu.memory_space<semaphore_mem>>
      %dma_start3A_1466 = arith.constant 0 : i32
      %dma_start3A_1467 = tpu.memref_slice %arg13[%add3A_16, %dma_start3A_1466] : memref<10112x128xf32, #tpu.memory_space<vmem_shared>> -> memref<80x128xf32, #tpu.memory_space<vmem_shared>>
      %dma_start3A_1468 = arith.constant 0 : i32
      %dma_start3A_1469 = tpu.memref_slice %arg13[%add3A_16, %dma_start3A_1468] : memref<10112x128xf32, #tpu.memory_space<vmem_shared>> -> memref<80x128xf32, #tpu.memory_space<vmem_shared>>
      tpu.enqueue_dma source(%arg9 : memref<80x128xf32, #tpu.memory_space<vmem>>) target(%dma_start3A_1469 : memref<80x128xf32, #tpu.memory_space<vmem_shared>>) target_semaphore(%run_scoped3A : memref<!tpu.dma_semaphore, #tpu.memory_space<semaphore_mem>>)
      %dma_wait3A_1470 = arith.constant 0 : i32
      %dma_wait3A_1471 = tpu.memref_slice %arg13[%add3A_16, %dma_wait3A_1470] : memref<10112x128xf32, #tpu.memory_space<vmem_shared>> -> memref<80x128xf32, #tpu.memory_space<vmem_shared>>
      %dma_wait3A_1472 = arith.constant 0 : i32
      %dma_wait3A_1473 = tpu.memref_slice %arg13[%add3A_16, %dma_wait3A_1472] : memref<10112x128xf32, #tpu.memory_space<vmem_shared>> -> memref<80x128xf32, #tpu.memory_space<vmem_shared>>
      tpu.wait_dma2 semaphore(%run_scoped3A : memref<!tpu.dma_semaphore, #tpu.memory_space<semaphore_mem>>) src(%arg9 : memref<80x128xf32, #tpu.memory_space<vmem>>) dst(%dma_wait3A_1473 : memref<80x128xf32, #tpu.memory_space<vmem_shared>>)
      tpu.yield
    }) : () -> ()
    %add3A_17 = arith.constant 400 : i32
    %add3A_18 = arith.addi %mul3A_2, %add3A_17 : i32
    "tpu.region"() ({
      %run_scoped3A = tpu.sem_alloc : memref<!tpu.dma_semaphore, #tpu.memory_space<semaphore_mem>>
      %dma_start3A_1466 = arith.constant 0 : i32
      %dma_start3A_1467 = tpu.memref_slice %arg13[%add3A_18, %dma_start3A_1466] : memref<10112x128xf32, #tpu.memory_space<vmem_shared>> -> memref<80x128xf32, #tpu.memory_space<vmem_shared>>
      %dma_start3A_1468 = arith.constant 0 : i32
      %dma_start3A_1469 = tpu.memref_slice %arg13[%add3A_18, %dma_start3A_1468] : memref<10112x128xf32, #tpu.memory_space<vmem_shared>> -> memref<80x128xf32, #tpu.memory_space<vmem_shared>>
      tpu.enqueue_dma source(%arg9 : memref<80x128xf32, #tpu.memory_space<vmem>>) target(%dma_start3A_1469 : memref<80x128xf32, #tpu.memory_space<vmem_shared>>) target_semaphore(%run_scoped3A : memref<!tpu.dma_semaphore, #tpu.memory_space<semaphore_mem>>)
      %dma_wait3A_1470 = arith.constant 0 : i32
      %dma_wait3A_1471 = tpu.memref_slice %arg13[%add3A_18, %dma_wait3A_1470] : memref<10112x128xf32, #tpu.memory_space<vmem_shared>> -> memref<80x128xf32, #tpu.memory_space<vmem_shared>>
      %dma_wait3A_1472 = arith.constant 0 : i32
      %dma_wait3A_1473 = tpu.memref_slice %arg13[%add3A_18, %dma_wait3A_1472] : memref<10112x128xf32, #tpu.memory_space<vmem_shared>> -> memref<80x128xf32, #tpu.memory_space<vmem_shared>>
      tpu.wait_dma2 semaphore(%run_scoped3A : memref<!tpu.dma_semaphore, #tpu.memory_space<semaphore_mem>>) src(%arg9 : memref<80x128xf32, #tpu.memory_space<vmem>>) dst(%dma_wait3A_1473 : memref<80x128xf32, #tpu.memory_space<vmem_shared>>)
      tpu.yield
    }) : () -> ()
    %add3A_19 = arith.constant 480 : i32
    %add3A_20 = arith.addi %mul3A_2, %add3A_19 : i32
    "tpu.region"() ({
      %run_scoped3A = tpu.sem_alloc : memref<!tpu.dma_semaphore, #tpu.memory_space<semaphore_mem>>
      %dma_start3A_1466 = arith.constant 0 : i32
      %dma_start3A_1467 = tpu.memref_slice %arg13[%add3A_20, %dma_start3A_1466] : memref<10112x128xf32, #tpu.memory_space<vmem_shared>> -> memref<80x128xf32, #tpu.memory_space<vmem_shared>>
      %dma_start3A_1468 = arith.constant 0 : i32
      %dma_start3A_1469 = tpu.memref_slice %arg13[%add3A_20, %dma_start3A_1468] : memref<10112x128xf32, #tpu.memory_space<vmem_shared>> -> memref<80x128xf32, #tpu.memory_space<vmem_shared>>
      tpu.enqueue_dma source(%arg9 : memref<80x128xf32, #tpu.memory_space<vmem>>) target(%dma_start3A_1469 : memref<80x128xf32, #tpu.memory_space<vmem_shared>>) target_semaphore(%run_scoped3A : memref<!tpu.dma_semaphore, #tpu.memory_space<semaphore_mem>>)
      %dma_wait3A_1470 = arith.constant 0 : i32
      %dma_wait3A_1471 = tpu.memref_slice %arg13[%add3A_20, %dma_wait3A_1470] : memref<10112x128xf32, #tpu.memory_space<vmem_shared>> -> memref<80x128xf32, #tpu.memory_space<vmem_shared>>
      %dma_wait3A_1472 = arith.constant 0 : i32
      %dma_wait3A_1473 = tpu.memref_slice %arg13[%add3A_20, %dma_wait3A_1472] : memref<10112x128xf32, #tpu.memory_space<vmem_shared>> -> memref<80x128xf32, #tpu.memory_space<vmem_shared>>
      tpu.wait_dma2 semaphore(%run_scoped3A : memref<!tpu.dma_semaphore, #tpu.memory_space<semaphore_mem>>) src(%arg9 : memref<80x128xf32, #tpu.memory_space<vmem>>) dst(%dma_wait3A_1473 : memref<80x128xf32, #tpu.memory_space<vmem_shared>>)
      tpu.yield
    }) : () -> ()
    %add3A_21 = arith.constant 560 : i32
    %add3A_22 = arith.addi %mul3A_2, %add3A_21 : i32
    "tpu.region"() ({
      %run_scoped3A = tpu.sem_alloc : memref<!tpu.dma_semaphore, #tpu.memory_space<semaphore_mem>>
      %dma_start3A_1466 = arith.constant 0 : i32
      %dma_start3A_1467 = arith.constant 0 : i32
      %dma_start3A_1468 = tpu.memref_slice %arg9[%dma_start3A_1466, %dma_start3A_1467] : memref<80x128xf32, #tpu.memory_space<vmem>> -> memref<72x128xf32, #tpu.memory_space<vmem>>
      %dma_start3A_1469 = arith.constant 0 : i32
      %dma_start3A_1470 = tpu.memref_slice %arg13[%add3A_22, %dma_start3A_1469] : memref<10112x128xf32, #tpu.memory_space<vmem_shared>> -> memref<72x128xf32, #tpu.memory_space<vmem_shared>>
      %dma_start3A_1471 = arith.constant 0 : i32
      %dma_start3A_1472 = tpu.memref_slice %arg13[%add3A_22, %dma_start3A_1471] : memref<10112x128xf32, #tpu.memory_space<vmem_shared>> -> memref<72x128xf32, #tpu.memory_space<vmem_shared>>
      %dma_start3A_1473 = arith.constant 0 : i32
      %dma_start3A_1474 = arith.constant 0 : i32
      %dma_start3A_1475 = tpu.memref_slice %arg9[%dma_start3A_1473, %dma_start3A_1474] : memref<80x128xf32, #tpu.memory_space<vmem>> -> memref<72x128xf32, #tpu.memory_space<vmem>>
      tpu.enqueue_dma source(%dma_start3A_1475 : memref<72x128xf32, #tpu.memory_space<vmem>>) target(%dma_start3A_1472 : memref<72x128xf32, #tpu.memory_space<vmem_shared>>) target_semaphore(%run_scoped3A : memref<!tpu.dma_semaphore, #tpu.memory_space<semaphore_mem>>)
      %dma_wait3A_1476 = arith.constant 0 : i32
      %dma_wait3A_1477 = arith.constant 0 : i32
      %dma_wait3A_1478 = tpu.memref_slice %arg9[%dma_wait3A_1476, %dma_wait3A_1477] : memref<80x128xf32, #tpu.memory_space<vmem>> -> memref<72x128xf32, #tpu.memory_space<vmem>>
      %dma_wait3A_1479 = arith.constant 0 : i32
      %dma_wait3A_1480 = tpu.memref_slice %arg13[%add3A_22, %dma_wait3A_1479] : memref<10112x128xf32, #tpu.memory_space<vmem_shared>> -> memref<72x128xf32, #tpu.memory_space<vmem_shared>>
      %dma_wait3A_1481 = arith.constant 0 : i32
      %dma_wait3A_1482 = tpu.memref_slice %arg13[%add3A_22, %dma_wait3A_1481] : memref<10112x128xf32, #tpu.memory_space<vmem_shared>> -> memref<72x128xf32, #tpu.memory_space<vmem_shared>>
      %dma_wait3A_1483 = arith.constant 0 : i32
      %dma_wait3A_1484 = arith.constant 0 : i32
      %dma_wait3A_1485 = tpu.memref_slice %arg9[%dma_wait3A_1483, %dma_wait3A_1484] : memref<80x128xf32, #tpu.memory_space<vmem>> -> memref<72x128xf32, #tpu.memory_space<vmem>>
      tpu.wait_dma2 semaphore(%run_scoped3A : memref<!tpu.dma_semaphore, #tpu.memory_space<semaphore_mem>>) src(%dma_wait3A_1485 : memref<72x128xf32, #tpu.memory_space<vmem>>) dst(%dma_wait3A_1482 : memref<72x128xf32, #tpu.memory_space<vmem_shared>>)
      tpu.yield
    }) : () -> ()
    %dma_start3A = arith.constant 0 : i32
    %dma_start3A_23 = arith.constant 0 : i32
    %dma_start3A_24 = arith.constant 0 : i32
    %dma_start3A_25 = tpu.memref_slice %arg5[%dma_start3A_23, %dma_start3A_24] : memref<16x80xi32, #tpu.memory_space<vmem>> -> memref<16x80xi32, #tpu.memory_space<vmem>>
    %dma_start3A_26 = arith.constant 0 : i32
    %dma_start3A_27 = arith.constant 0 : i32
    %dma_start3A_28 = tpu.memref_slice %arg3[%dma_start3A, %add3A, %dma_start3A_26, %dma_start3A_27] : memref<2x32x125x80xi32, #tpu.memory_space<hbm>> -> memref<1x1x16x80xi32, #tpu.memory_space<hbm>>
    %dma_start3A_29 = tpu.memref_squeeze %dma_start3A_28 : memref<1x1x16x80xi32, #tpu.memory_space<hbm>> -> memref<16x80xi32, #tpu.memory_space<hbm>>
    %dma_start3A_30 = arith.constant 0 : i32
    %dma_start3A_31 = arith.constant 0 : i32
    %dma_start3A_32 = tpu.memref_slice %arg5[%dma_start3A_30, %dma_start3A_31] : memref<16x80xi32, #tpu.memory_space<vmem>> -> memref<16x80xi32, #tpu.memory_space<vmem>>
    %dma_start3A_33 = arith.constant 0 : i32
    %dma_start3A_34 = arith.constant 0 : i32
    %dma_start3A_35 = tpu.memref_slice %arg3[%dma_start3A, %add3A, %dma_start3A_33, %dma_start3A_34] : memref<2x32x125x80xi32, #tpu.memory_space<hbm>> -> memref<1x1x16x80xi32, #tpu.memory_space<hbm>>
    %dma_start3A_36 = tpu.memref_squeeze %dma_start3A_35 : memref<1x1x16x80xi32, #tpu.memory_space<hbm>> -> memref<16x80xi32, #tpu.memory_space<hbm>>
    tpu.enqueue_dma source(%dma_start3A_36 : memref<16x80xi32, #tpu.memory_space<hbm>>) target(%dma_start3A_32 : memref<16x80xi32, #tpu.memory_space<vmem>>) target_semaphore(%arg22 : memref<!tpu.dma_semaphore, #tpu.memory_space<semaphore_mem>>)
    %dma_start3A_37 = arith.constant 1 : i32
    %dma_start3A_38 = arith.constant 0 : i32
    %dma_start3A_39 = arith.constant 0 : i32
    %dma_start3A_40 = tpu.memref_slice %arg7[%dma_start3A_38, %dma_start3A_39] : memref<16x80xi32, #tpu.memory_space<vmem>> -> memref<16x80xi32, #tpu.memory_space<vmem>>
    %dma_start3A_41 = arith.constant 0 : i32
    %dma_start3A_42 = arith.constant 0 : i32
    %dma_start3A_43 = tpu.memref_slice %arg3[%dma_start3A_37, %add3A, %dma_start3A_41, %dma_start3A_42] : memref<2x32x125x80xi32, #tpu.memory_space<hbm>> -> memref<1x1x16x80xi32, #tpu.memory_space<hbm>>
    %dma_start3A_44 = tpu.memref_squeeze %dma_start3A_43 : memref<1x1x16x80xi32, #tpu.memory_space<hbm>> -> memref<16x80xi32, #tpu.memory_space<hbm>>
    %dma_start3A_45 = arith.constant 0 : i32
    %dma_start3A_46 = arith.constant 0 : i32
    %dma_start3A_47 = tpu.memref_slice %arg7[%dma_start3A_45, %dma_start3A_46] : memref<16x80xi32, #tpu.memory_space<vmem>> -> memref<16x80xi32, #tpu.memory_space<vmem>>
    %dma_start3A_48 = arith.constant 0 : i32
    %dma_start3A_49 = arith.constant 0 : i32
    %dma_start3A_50 = tpu.memref_slice %arg3[%dma_start3A_37, %add3A, %dma_start3A_48, %dma_start3A_49] : memref<2x32x125x80xi32, #tpu.memory_space<hbm>> -> memref<1x1x16x80xi32, #tpu.memory_space<hbm>>
    %dma_start3A_51 = tpu.memref_squeeze %dma_start3A_50 : memref<1x1x16x80xi32, #tpu.memory_space<hbm>> -> memref<16x80xi32, #tpu.memory_space<hbm>>
    tpu.enqueue_dma source(%dma_start3A_51 : memref<16x80xi32, #tpu.memory_space<hbm>>) target(%dma_start3A_47 : memref<16x80xi32, #tpu.memory_space<vmem>>) target_semaphore(%arg24 : memref<!tpu.dma_semaphore, #tpu.memory_space<semaphore_mem>>)
    %barrier3A = arith.constant 0 : index
    tpu.barrier barrier_id(%barrier3A)
    %dma_wait3A = arith.constant 0 : i32
    %dma_wait3A_52 = arith.constant 0 : i32
    %dma_wait3A_53 = arith.constant 0 : i32
    %dma_wait3A_54 = tpu.memref_slice %arg5[%dma_wait3A_52, %dma_wait3A_53] : memref<16x80xi32, #tpu.memory_space<vmem>> -> memref<16x80xi32, #tpu.memory_space<vmem>>
    %dma_wait3A_55 = arith.constant 0 : i32
    %dma_wait3A_56 = arith.constant 0 : i32
    %dma_wait3A_57 = tpu.memref_slice %arg3[%dma_wait3A, %add3A, %dma_wait3A_55, %dma_wait3A_56] : memref<2x32x125x80xi32, #tpu.memory_space<hbm>> -> memref<1x1x16x80xi32, #tpu.memory_space<hbm>>
    %dma_wait3A_58 = tpu.memref_squeeze %dma_wait3A_57 : memref<1x1x16x80xi32, #tpu.memory_space<hbm>> -> memref<16x80xi32, #tpu.memory_space<hbm>>
    %dma_wait3A_59 = arith.constant 0 : i32
    %dma_wait3A_60 = arith.constant 0 : i32
    %dma_wait3A_61 = tpu.memref_slice %arg5[%dma_wait3A_59, %dma_wait3A_60] : memref<16x80xi32, #tpu.memory_space<vmem>> -> memref<16x80xi32, #tpu.memory_space<vmem>>
    %dma_wait3A_62 = arith.constant 0 : i32
    %dma_wait3A_63 = arith.constant 0 : i32
    %dma_wait3A_64 = tpu.memref_slice %arg3[%dma_wait3A, %add3A, %dma_wait3A_62, %dma_wait3A_63] : memref<2x32x125x80xi32, #tpu.memory_space<hbm>> -> memref<1x1x16x80xi32, #tpu.memory_space<hbm>>
    %dma_wait3A_65 = tpu.memref_squeeze %dma_wait3A_64 : memref<1x1x16x80xi32, #tpu.memory_space<hbm>> -> memref<16x80xi32, #tpu.memory_space<hbm>>
    tpu.wait_dma2 semaphore(%arg22 : memref<!tpu.dma_semaphore, #tpu.memory_space<semaphore_mem>>) src(%dma_wait3A_65 : memref<16x80xi32, #tpu.memory_space<hbm>>) dst(%dma_wait3A_61 : memref<16x80xi32, #tpu.memory_space<vmem>>)
    %dma_wait3A_66 = arith.constant 1 : i32
    %dma_wait3A_67 = arith.constant 0 : i32
    %dma_wait3A_68 = arith.constant 0 : i32
    %dma_wait3A_69 = tpu.memref_slice %arg7[%dma_wait3A_67, %dma_wait3A_68] : memref<16x80xi32, #tpu.memory_space<vmem>> -> memref<16x80xi32, #tpu.memory_space<vmem>>
    %dma_wait3A_70 = arith.constant 0 : i32
    %dma_wait3A_71 = arith.constant 0 : i32
    %dma_wait3A_72 = tpu.memref_slice %arg3[%dma_wait3A_66, %add3A, %dma_wait3A_70, %dma_wait3A_71] : memref<2x32x125x80xi32, #tpu.memory_space<hbm>> -> memref<1x1x16x80xi32, #tpu.memory_space<hbm>>
    %dma_wait3A_73 = tpu.memref_squeeze %dma_wait3A_72 : memref<1x1x16x80xi32, #tpu.memory_space<hbm>> -> memref<16x80xi32, #tpu.memory_space<hbm>>
    %dma_wait3A_74 = arith.constant 0 : i32
    %dma_wait3A_75 = arith.constant 0 : i32
    %dma_wait3A_76 = tpu.memref_slice %arg7[%dma_wait3A_74, %dma_wait3A_75] : memref<16x80xi32, #tpu.memory_space<vmem>> -> memref<16x80xi32, #tpu.memory_space<vmem>>
    %dma_wait3A_77 = arith.constant 0 : i32
    %dma_wait3A_78 = arith.constant 0 : i32
    %dma_wait3A_79 = tpu.memref_slice %arg3[%dma_wait3A_66, %add3A, %dma_wait3A_77, %dma_wait3A_78] : memref<2x32x125x80xi32, #tpu.memory_space<hbm>> -> memref<1x1x16x80xi32, #tpu.memory_space<hbm>>
    %dma_wait3A_80 = tpu.memref_squeeze %dma_wait3A_79 : memref<1x1x16x80xi32, #tpu.memory_space<hbm>> -> memref<16x80xi32, #tpu.memory_space<hbm>>
    tpu.wait_dma2 semaphore(%arg24 : memref<!tpu.dma_semaphore, #tpu.memory_space<semaphore_mem>>) src(%dma_wait3A_80 : memref<16x80xi32, #tpu.memory_space<hbm>>) dst(%dma_wait3A_76 : memref<16x80xi32, #tpu.memory_space<vmem>>)
    %dma_start3A_81 = arith.constant 0 : i32
    %dma_start3A_82 = arith.constant 0 : i32
    %dma_start3A_83 = arith.constant 0 : i32
    %dma_start3A_84 = tpu.memref_slice %arg6[%dma_start3A_82, %dma_start3A_83] : memref<16x80xi32, #tpu.memory_space<vmem>> -> memref<16x80xi32, #tpu.memory_space<vmem>>
    %dma_start3A_85 = arith.constant 16 : i32
    %dma_start3A_86 = arith.constant 0 : i32
    %dma_start3A_87 = tpu.memref_slice %arg3[%dma_start3A_81, %add3A, %dma_start3A_85, %dma_start3A_86] : memref<2x32x125x80xi32, #tpu.memory_space<hbm>> -> memref<1x1x16x80xi32, #tpu.memory_space<hbm>>
    %dma_start3A_88 = tpu.memref_squeeze %dma_start3A_87 : memref<1x1x16x80xi32, #tpu.memory_space<hbm>> -> memref<16x80xi32, #tpu.memory_space<hbm>>
    %dma_start3A_89 = arith.constant 0 : i32
    %dma_start3A_90 = arith.constant 0 : i32
    %dma_start3A_91 = tpu.memref_slice %arg6[%dma_start3A_89, %dma_start3A_90] : memref<16x80xi32, #tpu.memory_space<vmem>> -> memref<16x80xi32, #tpu.memory_space<vmem>>
    %dma_start3A_92 = arith.constant 16 : i32
    %dma_start3A_93 = arith.constant 0 : i32
    %dma_start3A_94 = tpu.memref_slice %arg3[%dma_start3A_81, %add3A, %dma_start3A_92, %dma_start3A_93] : memref<2x32x125x80xi32, #tpu.memory_space<hbm>> -> memref<1x1x16x80xi32, #tpu.memory_space<hbm>>
    %dma_start3A_95 = tpu.memref_squeeze %dma_start3A_94 : memref<1x1x16x80xi32, #tpu.memory_space<hbm>> -> memref<16x80xi32, #tpu.memory_space<hbm>>
    tpu.enqueue_dma source(%dma_start3A_95 : memref<16x80xi32, #tpu.memory_space<hbm>>) target(%dma_start3A_91 : memref<16x80xi32, #tpu.memory_space<vmem>>) target_semaphore(%arg23 : memref<!tpu.dma_semaphore, #tpu.memory_space<semaphore_mem>>)
    %dma_start3A_96 = arith.constant 1 : i32
    %dma_start3A_97 = arith.constant 0 : i32
    %dma_start3A_98 = arith.constant 0 : i32
    %dma_start3A_99 = tpu.memref_slice %arg8[%dma_start3A_97, %dma_start3A_98] : memref<16x80xi32, #tpu.memory_space<vmem>> -> memref<16x80xi32, #tpu.memory_space<vmem>>
    %dma_start3A_100 = arith.constant 16 : i32
    %dma_start3A_101 = arith.constant 0 : i32
    %dma_start3A_102 = tpu.memref_slice %arg3[%dma_start3A_96, %add3A, %dma_start3A_100, %dma_start3A_101] : memref<2x32x125x80xi32, #tpu.memory_space<hbm>> -> memref<1x1x16x80xi32, #tpu.memory_space<hbm>>
    %dma_start3A_103 = tpu.memref_squeeze %dma_start3A_102 : memref<1x1x16x80xi32, #tpu.memory_space<hbm>> -> memref<16x80xi32, #tpu.memory_space<hbm>>
    %dma_start3A_104 = arith.constant 0 : i32
    %dma_start3A_105 = arith.constant 0 : i32
    %dma_start3A_106 = tpu.memref_slice %arg8[%dma_start3A_104, %dma_start3A_105] : memref<16x80xi32, #tpu.memory_space<vmem>> -> memref<16x80xi32, #tpu.memory_space<vmem>>
    %dma_start3A_107 = arith.constant 16 : i32
    %dma_start3A_108 = arith.constant 0 : i32
    %dma_start3A_109 = tpu.memref_slice %arg3[%dma_start3A_96, %add3A, %dma_start3A_107, %dma_start3A_108] : memref<2x32x125x80xi32, #tpu.memory_space<hbm>> -> memref<1x1x16x80xi32, #tpu.memory_space<hbm>>
    %dma_start3A_110 = tpu.memref_squeeze %dma_start3A_109 : memref<1x1x16x80xi32, #tpu.memory_space<hbm>> -> memref<16x80xi32, #tpu.memory_space<hbm>>
    tpu.enqueue_dma source(%dma_start3A_110 : memref<16x80xi32, #tpu.memory_space<hbm>>) target(%dma_start3A_106 : memref<16x80xi32, #tpu.memory_space<vmem>>) target_semaphore(%arg25 : memref<!tpu.dma_semaphore, #tpu.memory_space<semaphore_mem>>)
    %dma_start3A_111 = arith.constant 0 : i32
    %dma_start3A_112 = arith.constant 0 : i32
    %dma_start3A_113 = tpu.memref_slice %arg5[%dma_start3A_111, %dma_start3A_112] : memref<16x80xi32, #tpu.memory_space<vmem>> -> memref<1x80xi32, #tpu.memory_space<vmem>>
    %dma_start3A_114 = tpu.memref_squeeze %dma_start3A_113 : memref<1x80xi32, #tpu.memory_space<vmem>> -> memref<80xi32, #tpu.memory_space<vmem>>
    %dma_start3A_115 = arith.constant 0 : i32
    %dma_start3A_116 = arith.constant 0 : i32
    %dma_start3A_117 = tpu.memref_slice %arg2[%dma_start3A_115, %dma_start3A_116] : memref<10000x128xf32, #tpu.memory_space<hbm>> -> memref<10000x128xf32, #tpu.memory_space<hbm>>
    tpu.enqueue_indirect_dma source(%dma_start3A_117 : memref<10000x128xf32, #tpu.memory_space<hbm>>) target(%arg9 : memref<80x128xf32, #tpu.memory_space<vmem>>) offsets(%dma_start3A_114 : memref<80xi32, #tpu.memory_space<vmem>>) semaphore(%arg14 : memref<!tpu.dma_semaphore, #tpu.memory_space<semaphore_mem>>)
    %dma_start3A_118 = arith.constant 1 : i32
    %dma_start3A_119 = arith.constant 0 : i32
    %dma_start3A_120 = tpu.memref_slice %arg5[%dma_start3A_118, %dma_start3A_119] : memref<16x80xi32, #tpu.memory_space<vmem>> -> memref<1x80xi32, #tpu.memory_space<vmem>>
    %dma_start3A_121 = tpu.memref_squeeze %dma_start3A_120 : memref<1x80xi32, #tpu.memory_space<vmem>> -> memref<80xi32, #tpu.memory_space<vmem>>
    %dma_start3A_122 = arith.constant 0 : i32
    %dma_start3A_123 = arith.constant 0 : i32
    %dma_start3A_124 = tpu.memref_slice %arg2[%dma_start3A_122, %dma_start3A_123] : memref<10000x128xf32, #tpu.memory_space<hbm>> -> memref<10000x128xf32, #tpu.memory_space<hbm>>
    tpu.enqueue_indirect_dma source(%dma_start3A_124 : memref<10000x128xf32, #tpu.memory_space<hbm>>) target(%arg10 : memref<80x128xf32, #tpu.memory_space<vmem>>) offsets(%dma_start3A_121 : memref<80xi32, #tpu.memory_space<vmem>>) semaphore(%arg15 : memref<!tpu.dma_semaphore, #tpu.memory_space<semaphore_mem>>)
    %dma_start3A_125 = arith.constant 2 : i32
    %dma_start3A_126 = arith.constant 0 : i32
    %dma_start3A_127 = tpu.memref_slice %arg5[%dma_start3A_125, %dma_start3A_126] : memref<16x80xi32, #tpu.memory_space<vmem>> -> memref<1x80xi32, #tpu.memory_space<vmem>>
    %dma_start3A_128 = tpu.memref_squeeze %dma_start3A_127 : memref<1x80xi32, #tpu.memory_space<vmem>> -> memref<80xi32, #tpu.memory_space<vmem>>
    %dma_start3A_129 = arith.constant 0 : i32
    %dma_start3A_130 = arith.constant 0 : i32
    %dma_start3A_131 = tpu.memref_slice %arg2[%dma_start3A_129, %dma_start3A_130] : memref<10000x128xf32, #tpu.memory_space<hbm>> -> memref<10000x128xf32, #tpu.memory_space<hbm>>
    tpu.enqueue_indirect_dma source(%dma_start3A_131 : memref<10000x128xf32, #tpu.memory_space<hbm>>) target(%arg11 : memref<80x128xf32, #tpu.memory_space<vmem>>) offsets(%dma_start3A_128 : memref<80xi32, #tpu.memory_space<vmem>>) semaphore(%arg16 : memref<!tpu.dma_semaphore, #tpu.memory_space<semaphore_mem>>)
    %dma_wait3A_132 = arith.constant 0 : i32
    %dma_wait3A_133 = arith.constant 0 : i32
    %dma_wait3A_134 = tpu.memref_slice %arg5[%dma_wait3A_132, %dma_wait3A_133] : memref<16x80xi32, #tpu.memory_space<vmem>> -> memref<1x80xi32, #tpu.memory_space<vmem>>
    %dma_wait3A_135 = tpu.memref_squeeze %dma_wait3A_134 : memref<1x80xi32, #tpu.memory_space<vmem>> -> memref<80xi32, #tpu.memory_space<vmem>>
    %dma_wait3A_136 = arith.constant 0 : i32
    %dma_wait3A_137 = arith.constant 0 : i32
    %dma_wait3A_138 = tpu.memref_slice %arg2[%dma_wait3A_136, %dma_wait3A_137] : memref<10000x128xf32, #tpu.memory_space<hbm>> -> memref<10000x128xf32, #tpu.memory_space<hbm>>
    tpu.wait_indirect_dma semaphore(%arg14 : memref<!tpu.dma_semaphore, #tpu.memory_space<semaphore_mem>>) src(%dma_wait3A_138 : memref<10000x128xf32, #tpu.memory_space<hbm>>) dst(%arg9 : memref<80x128xf32, #tpu.memory_space<vmem>>)
    %dma_start3A_139 = arith.constant 0 : i32
    %dma_start3A_140 = arith.constant 0 : i32
    %dma_start3A_141 = tpu.memref_slice %arg7[%dma_start3A_139, %dma_start3A_140] : memref<16x80xi32, #tpu.memory_space<vmem>> -> memref<1x80xi32, #tpu.memory_space<vmem>>
    %dma_start3A_142 = tpu.memref_squeeze %dma_start3A_141 : memref<1x80xi32, #tpu.memory_space<vmem>> -> memref<80xi32, #tpu.memory_space<vmem>>
    %dma_start3A_143 = arith.constant 0 : i32
    %dma_start3A_144 = arith.constant 0 : i32
    %dma_start3A_145 = tpu.memref_slice %arg13[%dma_start3A_143, %dma_start3A_144] : memref<10112x128xf32, #tpu.memory_space<vmem_shared>> -> memref<10112x128xf32, #tpu.memory_space<vmem_shared>>
    tpu.enqueue_indirect_dma source(%arg9 : memref<80x128xf32, #tpu.memory_space<vmem>>) target(%dma_start3A_145 : memref<10112x128xf32, #tpu.memory_space<vmem_shared>>) offsets(%dma_start3A_142 : memref<80xi32, #tpu.memory_space<vmem>>) semaphore(%arg18 : memref<!tpu.dma_semaphore, #tpu.memory_space<semaphore_mem>>) {add = true}
    %dma_start3A_146 = arith.constant 3 : i32
    %dma_start3A_147 = arith.constant 0 : i32
    %dma_start3A_148 = tpu.memref_slice %arg5[%dma_start3A_146, %dma_start3A_147] : memref<16x80xi32, #tpu.memory_space<vmem>> -> memref<1x80xi32, #tpu.memory_space<vmem>>
    %dma_start3A_149 = tpu.memref_squeeze %dma_start3A_148 : memref<1x80xi32, #tpu.memory_space<vmem>> -> memref<80xi32, #tpu.memory_space<vmem>>
    %dma_start3A_150 = arith.constant 0 : i32
    %dma_start3A_151 = arith.constant 0 : i32
    %dma_start3A_152 = tpu.memref_slice %arg2[%dma_start3A_150, %dma_start3A_151] : memref<10000x128xf32, #tpu.memory_space<hbm>> -> memref<10000x128xf32, #tpu.memory_space<hbm>>
    tpu.enqueue_indirect_dma source(%dma_start3A_152 : memref<10000x128xf32, #tpu.memory_space<hbm>>) target(%arg12 : memref<80x128xf32, #tpu.memory_space<vmem>>) offsets(%dma_start3A_149 : memref<80xi32, #tpu.memory_space<vmem>>) semaphore(%arg17 : memref<!tpu.dma_semaphore, #tpu.memory_space<semaphore_mem>>)
    %scan3A_153 = arith.constant 0 : i32
    %scan3A_154 = arith.constant 3 : i32
    %scan3A_155 = arith.addi %scan3A_153, %scan3A_154 : i32
    %scan3A_156 = arith.constant 1 : i32
    scf.for %scan3A_1466 = %scan3A_153 to %scan3A_155 step %scan3A_156  : i32 {
      %mul3A_1467 = arith.constant 4 : i32
      %mul3A_1468 = arith.muli %scan3A_1466, %mul3A_1467 : i32
      %add3A_1469 = arith.constant 1 : i32
      %add3A_1470 = arith.addi %add3A_1469, %mul3A_1468 : i32
      %add3A_1471 = arith.constant 0 : i32
      %add3A_1472 = arith.addi %add3A_1470, %add3A_1471 : i32
      %sub3A = arith.constant 1 : i32
      %sub3A_1473 = arith.subi %add3A_1472, %sub3A : i32
      %dma_wait3A_1474 = arith.constant 0 : i32
      %dma_wait3A_1475 = tpu.memref_slice %arg7[%sub3A_1473, %dma_wait3A_1474] : memref<16x80xi32, #tpu.memory_space<vmem>> -> memref<1x80xi32, #tpu.memory_space<vmem>>
      %dma_wait3A_1476 = tpu.memref_squeeze %dma_wait3A_1475 : memref<1x80xi32, #tpu.memory_space<vmem>> -> memref<80xi32, #tpu.memory_space<vmem>>
      %dma_wait3A_1477 = arith.constant 0 : i32
      %dma_wait3A_1478 = arith.constant 0 : i32
      %dma_wait3A_1479 = tpu.memref_slice %arg13[%dma_wait3A_1477, %dma_wait3A_1478] : memref<10112x128xf32, #tpu.memory_space<vmem_shared>> -> memref<10112x128xf32, #tpu.memory_space<vmem_shared>>
      tpu.wait_indirect_dma semaphore(%arg18 : memref<!tpu.dma_semaphore, #tpu.memory_space<semaphore_mem>>) src(%arg9 : memref<80x128xf32, #tpu.memory_space<vmem>>) dst(%dma_wait3A_1479 : memref<10112x128xf32, #tpu.memory_space<vmem_shared>>)
      %add3A_1480 = arith.constant 3 : i32
      %add3A_1481 = arith.addi %add3A_1472, %add3A_1480 : i32
      %dma_start3A_1482 = arith.constant 0 : i32
      %dma_start3A_1483 = tpu.memref_slice %arg5[%add3A_1481, %dma_start3A_1482] : memref<16x80xi32, #tpu.memory_space<vmem>> -> memref<1x80xi32, #tpu.memory_space<vmem>>
      %dma_start3A_1484 = tpu.memref_squeeze %dma_start3A_1483 : memref<1x80xi32, #tpu.memory_space<vmem>> -> memref<80xi32, #tpu.memory_space<vmem>>
      %dma_start3A_1485 = arith.constant 0 : i32
      %dma_start3A_1486 = arith.constant 0 : i32
      %dma_start3A_1487 = tpu.memref_slice %arg2[%dma_start3A_1485, %dma_start3A_1486] : memref<10000x128xf32, #tpu.memory_space<hbm>> -> memref<10000x128xf32, #tpu.memory_space<hbm>>
      tpu.enqueue_indirect_dma source(%dma_start3A_1487 : memref<10000x128xf32, #tpu.memory_space<hbm>>) target(%arg9 : memref<80x128xf32, #tpu.memory_space<vmem>>) offsets(%dma_start3A_1484 : memref<80xi32, #tpu.memory_space<vmem>>) semaphore(%arg14 : memref<!tpu.dma_semaphore, #tpu.memory_space<semaphore_mem>>)
      %dma_wait3A_1488 = arith.constant 0 : i32
      %dma_wait3A_1489 = tpu.memref_slice %arg5[%add3A_1472, %dma_wait3A_1488] : memref<16x80xi32, #tpu.memory_space<vmem>> -> memref<1x80xi32, #tpu.memory_space<vmem>>
      %dma_wait3A_1490 = tpu.memref_squeeze %dma_wait3A_1489 : memref<1x80xi32, #tpu.memory_space<vmem>> -> memref<80xi32, #tpu.memory_space<vmem>>
      %dma_wait3A_1491 = arith.constant 0 : i32
      %dma_wait3A_1492 = arith.constant 0 : i32
      %dma_wait3A_1493 = tpu.memref_slice %arg2[%dma_wait3A_1491, %dma_wait3A_1492] : memref<10000x128xf32, #tpu.memory_space<hbm>> -> memref<10000x128xf32, #tpu.memory_space<hbm>>
      tpu.wait_indirect_dma semaphore(%arg15 : memref<!tpu.dma_semaphore, #tpu.memory_space<semaphore_mem>>) src(%dma_wait3A_1493 : memref<10000x128xf32, #tpu.memory_space<hbm>>) dst(%arg10 : memref<80x128xf32, #tpu.memory_space<vmem>>)
      %dma_start3A_1494 = arith.constant 0 : i32
      %dma_start3A_1495 = tpu.memref_slice %arg7[%add3A_1472, %dma_start3A_1494] : memref<16x80xi32, #tpu.memory_space<vmem>> -> memref<1x80xi32, #tpu.memory_space<vmem>>
      %dma_start3A_1496 = tpu.memref_squeeze %dma_start3A_1495 : memref<1x80xi32, #tpu.memory_space<vmem>> -> memref<80xi32, #tpu.memory_space<vmem>>
      %dma_start3A_1497 = arith.constant 0 : i32
      %dma_start3A_1498 = arith.constant 0 : i32
      %dma_start3A_1499 = tpu.memref_slice %arg13[%dma_start3A_1497, %dma_start3A_1498] : memref<10112x128xf32, #tpu.memory_space<vmem_shared>> -> memref<10112x128xf32, #tpu.memory_space<vmem_shared>>
      tpu.enqueue_indirect_dma source(%arg10 : memref<80x128xf32, #tpu.memory_space<vmem>>) target(%dma_start3A_1499 : memref<10112x128xf32, #tpu.memory_space<vmem_shared>>) offsets(%dma_start3A_1496 : memref<80xi32, #tpu.memory_space<vmem>>) semaphore(%arg19 : memref<!tpu.dma_semaphore, #tpu.memory_space<semaphore_mem>>) {add = true}
      %add3A_1500 = arith.constant 1 : i32
      %add3A_1501 = arith.addi %add3A_1470, %add3A_1500 : i32
      %sub3A_1502 = arith.constant 1 : i32
      %sub3A_1503 = arith.subi %add3A_1501, %sub3A_1502 : i32
      %dma_wait3A_1504 = arith.constant 0 : i32
      %dma_wait3A_1505 = tpu.memref_slice %arg7[%sub3A_1503, %dma_wait3A_1504] : memref<16x80xi32, #tpu.memory_space<vmem>> -> memref<1x80xi32, #tpu.memory_space<vmem>>
      %dma_wait3A_1506 = tpu.memref_squeeze %dma_wait3A_1505 : memref<1x80xi32, #tpu.memory_space<vmem>> -> memref<80xi32, #tpu.memory_space<vmem>>
      %dma_wait3A_1507 = arith.constant 0 : i32
      %dma_wait3A_1508 = arith.constant 0 : i32
      %dma_wait3A_1509 = tpu.memref_slice %arg13[%dma_wait3A_1507, %dma_wait3A_1508] : memref<10112x128xf32, #tpu.memory_space<vmem_shared>> -> memref<10112x128xf32, #tpu.memory_space<vmem_shared>>
      tpu.wait_indirect_dma semaphore(%arg19 : memref<!tpu.dma_semaphore, #tpu.memory_space<semaphore_mem>>) src(%arg10 : memref<80x128xf32, #tpu.memory_space<vmem>>) dst(%dma_wait3A_1509 : memref<10112x128xf32, #tpu.memory_space<vmem_shared>>)
      %add3A_1510 = arith.constant 3 : i32
      %add3A_1511 = arith.addi %add3A_1501, %add3A_1510 : i32
      %dma_start3A_1512 = arith.constant 0 : i32
      %dma_start3A_1513 = tpu.memref_slice %arg5[%add3A_1511, %dma_start3A_1512] : memref<16x80xi32, #tpu.memory_space<vmem>> -> memref<1x80xi32, #tpu.memory_space<vmem>>
      %dma_start3A_1514 = tpu.memref_squeeze %dma_start3A_1513 : memref<1x80xi32, #tpu.memory_space<vmem>> -> memref<80xi32, #tpu.memory_space<vmem>>
      %dma_start3A_1515 = arith.constant 0 : i32
      %dma_start3A_1516 = arith.constant 0 : i32
      %dma_start3A_1517 = tpu.memref_slice %arg2[%dma_start3A_1515, %dma_start3A_1516] : memref<10000x128xf32, #tpu.memory_space<hbm>> -> memref<10000x128xf32, #tpu.memory_space<hbm>>
      tpu.enqueue_indirect_dma source(%dma_start3A_1517 : memref<10000x128xf32, #tpu.memory_space<hbm>>) target(%arg10 : memref<80x128xf32, #tpu.memory_space<vmem>>) offsets(%dma_start3A_1514 : memref<80xi32, #tpu.memory_space<vmem>>) semaphore(%arg15 : memref<!tpu.dma_semaphore, #tpu.memory_space<semaphore_mem>>)
      %dma_wait3A_1518 = arith.constant 0 : i32
      %dma_wait3A_1519 = tpu.memref_slice %arg5[%add3A_1501, %dma_wait3A_1518] : memref<16x80xi32, #tpu.memory_space<vmem>> -> memref<1x80xi32, #tpu.memory_space<vmem>>
      %dma_wait3A_1520 = tpu.memref_squeeze %dma_wait3A_1519 : memref<1x80xi32, #tpu.memory_space<vmem>> -> memref<80xi32, #tpu.memory_space<vmem>>
      %dma_wait3A_1521 = arith.constant 0 : i32
      %dma_wait3A_1522 = arith.constant 0 : i32
      %dma_wait3A_1523 = tpu.memref_slice %arg2[%dma_wait3A_1521, %dma_wait3A_1522] : memref<10000x128xf32, #tpu.memory_space<hbm>> -> memref<10000x128xf32, #tpu.memory_space<hbm>>
      tpu.wait_indirect_dma semaphore(%arg16 : memref<!tpu.dma_semaphore, #tpu.memory_space<semaphore_mem>>) src(%dma_wait3A_1523 : memref<10000x128xf32, #tpu.memory_space<hbm>>) dst(%arg11 : memref<80x128xf32, #tpu.memory_space<vmem>>)
      %dma_start3A_1524 = arith.constant 0 : i32
      %dma_start3A_1525 = tpu.memref_slice %arg7[%add3A_1501, %dma_start3A_1524] : memref<16x80xi32, #tpu.memory_space<vmem>> -> memref<1x80xi32, #tpu.memory_space<vmem>>
      %dma_start3A_1526 = tpu.memref_squeeze %dma_start3A_1525 : memref<1x80xi32, #tpu.memory_space<vmem>> -> memref<80xi32, #tpu.memory_space<vmem>>
      %dma_start3A_1527 = arith.constant 0 : i32
      %dma_start3A_1528 = arith.constant 0 : i32
      %dma_start3A_1529 = tpu.memref_slice %arg13[%dma_start3A_1527, %dma_start3A_1528] : memref<10112x128xf32, #tpu.memory_space<vmem_shared>> -> memref<10112x128xf32, #tpu.memory_space<vmem_shared>>
      tpu.enqueue_indirect_dma source(%arg11 : memref<80x128xf32, #tpu.memory_space<vmem>>) target(%dma_start3A_1529 : memref<10112x128xf32, #tpu.memory_space<vmem_shared>>) offsets(%dma_start3A_1526 : memref<80xi32, #tpu.memory_space<vmem>>) semaphore(%arg20 : memref<!tpu.dma_semaphore, #tpu.memory_space<semaphore_mem>>) {add = true}
      %add3A_1530 = arith.constant 2 : i32
      %add3A_1531 = arith.addi %add3A_1470, %add3A_1530 : i32
      %sub3A_1532 = arith.constant 1 : i32
      %sub3A_1533 = arith.subi %add3A_1531, %sub3A_1532 : i32
      %dma_wait3A_1534 = arith.constant 0 : i32
      %dma_wait3A_1535 = tpu.memref_slice %arg7[%sub3A_1533, %dma_wait3A_1534] : memref<16x80xi32, #tpu.memory_space<vmem>> -> memref<1x80xi32, #tpu.memory_space<vmem>>
      %dma_wait3A_1536 = tpu.memref_squeeze %dma_wait3A_1535 : memref<1x80xi32, #tpu.memory_space<vmem>> -> memref<80xi32, #tpu.memory_space<vmem>>
      %dma_wait3A_1537 = arith.constant 0 : i32
      %dma_wait3A_1538 = arith.constant 0 : i32
      %dma_wait3A_1539 = tpu.memref_slice %arg13[%dma_wait3A_1537, %dma_wait3A_1538] : memref<10112x128xf32, #tpu.memory_space<vmem_shared>> -> memref<10112x128xf32, #tpu.memory_space<vmem_shared>>
      tpu.wait_indirect_dma semaphore(%arg20 : memref<!tpu.dma_semaphore, #tpu.memory_space<semaphore_mem>>) src(%arg11 : memref<80x128xf32, #tpu.memory_space<vmem>>) dst(%dma_wait3A_1539 : memref<10112x128xf32, #tpu.memory_space<vmem_shared>>)
      %add3A_1540 = arith.constant 3 : i32
      %add3A_1541 = arith.addi %add3A_1531, %add3A_1540 : i32
      %dma_start3A_1542 = arith.constant 0 : i32
      %dma_start3A_1543 = tpu.memref_slice %arg5[%add3A_1541, %dma_start3A_1542] : memref<16x80xi32, #tpu.memory_space<vmem>> -> memref<1x80xi32, #tpu.memory_space<vmem>>
      %dma_start3A_1544 = tpu.memref_squeeze %dma_start3A_1543 : memref<1x80xi32, #tpu.memory_space<vmem>> -> memref<80xi32, #tpu.memory_space<vmem>>
      %dma_start3A_1545 = arith.constant 0 : i32
      %dma_start3A_1546 = arith.constant 0 : i32
      %dma_start3A_1547 = tpu.memref_slice %arg2[%dma_start3A_1545, %dma_start3A_1546] : memref<10000x128xf32, #tpu.memory_space<hbm>> -> memref<10000x128xf32, #tpu.memory_space<hbm>>
      tpu.enqueue_indirect_dma source(%dma_start3A_1547 : memref<10000x128xf32, #tpu.memory_space<hbm>>) target(%arg11 : memref<80x128xf32, #tpu.memory_space<vmem>>) offsets(%dma_start3A_1544 : memref<80xi32, #tpu.memory_space<vmem>>) semaphore(%arg16 : memref<!tpu.dma_semaphore, #tpu.memory_space<semaphore_mem>>)
      %dma_wait3A_1548 = arith.constant 0 : i32
      %dma_wait3A_1549 = tpu.memref_slice %arg5[%add3A_1531, %dma_wait3A_1548] : memref<16x80xi32, #tpu.memory_space<vmem>> -> memref<1x80xi32, #tpu.memory_space<vmem>>
      %dma_wait3A_1550 = tpu.memref_squeeze %dma_wait3A_1549 : memref<1x80xi32, #tpu.memory_space<vmem>> -> memref<80xi32, #tpu.memory_space<vmem>>
      %dma_wait3A_1551 = arith.constant 0 : i32
      %dma_wait3A_1552 = arith.constant 0 : i32
      %dma_wait3A_1553 = tpu.memref_slice %arg2[%dma_wait3A_1551, %dma_wait3A_1552] : memref<10000x128xf32, #tpu.memory_space<hbm>> -> memref<10000x128xf32, #tpu.memory_space<hbm>>
      tpu.wait_indirect_dma semaphore(%arg17 : memref<!tpu.dma_semaphore, #tpu.memory_space<semaphore_mem>>) src(%dma_wait3A_1553 : memref<10000x128xf32, #tpu.memory_space<hbm>>) dst(%arg12 : memref<80x128xf32, #tpu.memory_space<vmem>>)
      %dma_start3A_1554 = arith.constant 0 : i32
      %dma_start3A_1555 = tpu.memref_slice %arg7[%add3A_1531, %dma_start3A_1554] : memref<16x80xi32, #tpu.memory_space<vmem>> -> memref<1x80xi32, #tpu.memory_space<vmem>>
      %dma_start3A_1556 = tpu.memref_squeeze %dma_start3A_1555 : memref<1x80xi32, #tpu.memory_space<vmem>> -> memref<80xi32, #tpu.memory_space<vmem>>
      %dma_start3A_1557 = arith.constant 0 : i32
      %dma_start3A_1558 = arith.constant 0 : i32
      %dma_start3A_1559 = tpu.memref_slice %arg13[%dma_start3A_1557, %dma_start3A_1558] : memref<10112x128xf32, #tpu.memory_space<vmem_shared>> -> memref<10112x128xf32, #tpu.memory_space<vmem_shared>>
      tpu.enqueue_indirect_dma source(%arg12 : memref<80x128xf32, #tpu.memory_space<vmem>>) target(%dma_start3A_1559 : memref<10112x128xf32, #tpu.memory_space<vmem_shared>>) offsets(%dma_start3A_1556 : memref<80xi32, #tpu.memory_space<vmem>>) semaphore(%arg21 : memref<!tpu.dma_semaphore, #tpu.memory_space<semaphore_mem>>) {add = true}
      %add3A_1560 = arith.constant 3 : i32
      %add3A_1561 = arith.addi %add3A_1470, %add3A_1560 : i32
      %sub3A_1562 = arith.constant 1 : i32
      %sub3A_1563 = arith.subi %add3A_1561, %sub3A_1562 : i32
      %dma_wait3A_1564 = arith.constant 0 : i32
      %dma_wait3A_1565 = tpu.memref_slice %arg7[%sub3A_1563, %dma_wait3A_1564] : memref<16x80xi32, #tpu.memory_space<vmem>> -> memref<1x80xi32, #tpu.memory_space<vmem>>
      %dma_wait3A_1566 = tpu.memref_squeeze %dma_wait3A_1565 : memref<1x80xi32, #tpu.memory_space<vmem>> -> memref<80xi32, #tpu.memory_space<vmem>>
      %dma_wait3A_1567 = arith.constant 0 : i32
      %dma_wait3A_1568 = arith.constant 0 : i32
      %dma_wait3A_1569 = tpu.memref_slice %arg13[%dma_wait3A_1567, %dma_wait3A_1568] : memref<10112x128xf32, #tpu.memory_space<vmem_shared>> -> memref<10112x128xf32, #tpu.memory_space<vmem_shared>>
      tpu.wait_indirect_dma semaphore(%arg21 : memref<!tpu.dma_semaphore, #tpu.memory_space<semaphore_mem>>) src(%arg12 : memref<80x128xf32, #tpu.memory_space<vmem>>) dst(%dma_wait3A_1569 : memref<10112x128xf32, #tpu.memory_space<vmem_shared>>)
      %add3A_1570 = arith.constant 3 : i32
      %add3A_1571 = arith.addi %add3A_1561, %add3A_1570 : i32
      %dma_start3A_1572 = arith.constant 0 : i32
      %dma_start3A_1573 = tpu.memref_slice %arg5[%add3A_1571, %dma_start3A_1572] : memref<16x80xi32, #tpu.memory_space<vmem>> -> memref<1x80xi32, #tpu.memory_space<vmem>>
      %dma_start3A_1574 = tpu.memref_squeeze %dma_start3A_1573 : memref<1x80xi32, #tpu.memory_space<vmem>> -> memref<80xi32, #tpu.memory_space<vmem>>
      %dma_start3A_1575 = arith.constant 0 : i32
      %dma_start3A_1576 = arith.constant 0 : i32
      %dma_start3A_1577 = tpu.memref_slice %arg2[%dma_start3A_1575, %dma_start3A_1576] : memref<10000x128xf32, #tpu.memory_space<hbm>> -> memref<10000x128xf32, #tpu.memory_space<hbm>>
      tpu.enqueue_indirect_dma source(%dma_start3A_1577 : memref<10000x128xf32, #tpu.memory_space<hbm>>) target(%arg12 : memref<80x128xf32, #tpu.memory_space<vmem>>) offsets(%dma_start3A_1574 : memref<80xi32, #tpu.memory_space<vmem>>) semaphore(%arg17 : memref<!tpu.dma_semaphore, #tpu.memory_space<semaphore_mem>>)
      %dma_wait3A_1578 = arith.constant 0 : i32
      %dma_wait3A_1579 = tpu.memref_slice %arg5[%add3A_1561, %dma_wait3A_1578] : memref<16x80xi32, #tpu.memory_space<vmem>> -> memref<1x80xi32, #tpu.memory_space<vmem>>
      %dma_wait3A_1580 = tpu.memref_squeeze %dma_wait3A_1579 : memref<1x80xi32, #tpu.memory_space<vmem>> -> memref<80xi32, #tpu.memory_space<vmem>>
      %dma_wait3A_1581 = arith.constant 0 : i32
      %dma_wait3A_1582 = arith.constant 0 : i32
      %dma_wait3A_1583 = tpu.memref_slice %arg2[%dma_wait3A_1581, %dma_wait3A_1582] : memref<10000x128xf32, #tpu.memory_space<hbm>> -> memref<10000x128xf32, #tpu.memory_space<hbm>>
      tpu.wait_indirect_dma semaphore(%arg14 : memref<!tpu.dma_semaphore, #tpu.memory_space<semaphore_mem>>) src(%dma_wait3A_1583 : memref<10000x128xf32, #tpu.memory_space<hbm>>) dst(%arg9 : memref<80x128xf32, #tpu.memory_space<vmem>>)
      %dma_start3A_1584 = arith.constant 0 : i32
      %dma_start3A_1585 = tpu.memref_slice %arg7[%add3A_1561, %dma_start3A_1584] : memref<16x80xi32, #tpu.memory_space<vmem>> -> memref<1x80xi32, #tpu.memory_space<vmem>>
      %dma_start3A_1586 = tpu.memref_squeeze %dma_start3A_1585 : memref<1x80xi32, #tpu.memory_space<vmem>> -> memref<80xi32, #tpu.memory_space<vmem>>
      %dma_start3A_1587 = arith.constant 0 : i32
      %dma_start3A_1588 = arith.constant 0 : i32
      %dma_start3A_1589 = tpu.memref_slice %arg13[%dma_start3A_1587, %dma_start3A_1588] : memref<10112x128xf32, #tpu.memory_space<vmem_shared>> -> memref<10112x128xf32, #tpu.memory_space<vmem_shared>>
      tpu.enqueue_indirect_dma source(%arg9 : memref<80x128xf32, #tpu.memory_space<vmem>>) target(%dma_start3A_1589 : memref<10112x128xf32, #tpu.memory_space<vmem_shared>>) offsets(%dma_start3A_1586 : memref<80xi32, #tpu.memory_space<vmem>>) semaphore(%arg18 : memref<!tpu.dma_semaphore, #tpu.memory_space<semaphore_mem>>) {add = true}
    }
    %scan3A_157 = arith.constant 3 : i32
    %dma_wait3A_158 = arith.constant 12 : i32
    %dma_wait3A_159 = arith.constant 0 : i32
    %dma_wait3A_160 = tpu.memref_slice %arg7[%dma_wait3A_158, %dma_wait3A_159] : memref<16x80xi32, #tpu.memory_space<vmem>> -> memref<1x80xi32, #tpu.memory_space<vmem>>
    %dma_wait3A_161 = tpu.memref_squeeze %dma_wait3A_160 : memref<1x80xi32, #tpu.memory_space<vmem>> -> memref<80xi32, #tpu.memory_space<vmem>>
    %dma_wait3A_162 = arith.constant 0 : i32
    %dma_wait3A_163 = arith.constant 0 : i32
    %dma_wait3A_164 = tpu.memref_slice %arg13[%dma_wait3A_162, %dma_wait3A_163] : memref<10112x128xf32, #tpu.memory_space<vmem_shared>> -> memref<10112x128xf32, #tpu.memory_space<vmem_shared>>
    tpu.wait_indirect_dma semaphore(%arg18 : memref<!tpu.dma_semaphore, #tpu.memory_space<semaphore_mem>>) src(%arg9 : memref<80x128xf32, #tpu.memory_space<vmem>>) dst(%dma_wait3A_164 : memref<10112x128xf32, #tpu.memory_space<vmem_shared>>)
    %dma_wait3A_165 = arith.constant 13 : i32
    %dma_wait3A_166 = arith.constant 0 : i32
    %dma_wait3A_167 = tpu.memref_slice %arg5[%dma_wait3A_165, %dma_wait3A_166] : memref<16x80xi32, #tpu.memory_space<vmem>> -> memref<1x80xi32, #tpu.memory_space<vmem>>
    %dma_wait3A_168 = tpu.memref_squeeze %dma_wait3A_167 : memref<1x80xi32, #tpu.memory_space<vmem>> -> memref<80xi32, #tpu.memory_space<vmem>>
    %dma_wait3A_169 = arith.constant 0 : i32
    %dma_wait3A_170 = arith.constant 0 : i32
    %dma_wait3A_171 = tpu.memref_slice %arg2[%dma_wait3A_169, %dma_wait3A_170] : memref<10000x128xf32, #tpu.memory_space<hbm>> -> memref<10000x128xf32, #tpu.memory_space<hbm>>
    tpu.wait_indirect_dma semaphore(%arg15 : memref<!tpu.dma_semaphore, #tpu.memory_space<semaphore_mem>>) src(%dma_wait3A_171 : memref<10000x128xf32, #tpu.memory_space<hbm>>) dst(%arg10 : memref<80x128xf32, #tpu.memory_space<vmem>>)
    %dma_start3A_172 = arith.constant 13 : i32
    %dma_start3A_173 = arith.constant 0 : i32
    %dma_start3A_174 = tpu.memref_slice %arg7[%dma_start3A_172, %dma_start3A_173] : memref<16x80xi32, #tpu.memory_space<vmem>> -> memref<1x80xi32, #tpu.memory_space<vmem>>
    %dma_start3A_175 = tpu.memref_squeeze %dma_start3A_174 : memref<1x80xi32, #tpu.memory_space<vmem>> -> memref<80xi32, #tpu.memory_space<vmem>>
    %dma_start3A_176 = arith.constant 0 : i32
    %dma_start3A_177 = arith.constant 0 : i32
    %dma_start3A_178 = tpu.memref_slice %arg13[%dma_start3A_176, %dma_start3A_177] : memref<10112x128xf32, #tpu.memory_space<vmem_shared>> -> memref<10112x128xf32, #tpu.memory_space<vmem_shared>>
    tpu.enqueue_indirect_dma source(%arg10 : memref<80x128xf32, #tpu.memory_space<vmem>>) target(%dma_start3A_178 : memref<10112x128xf32, #tpu.memory_space<vmem_shared>>) offsets(%dma_start3A_175 : memref<80xi32, #tpu.memory_space<vmem>>) semaphore(%arg19 : memref<!tpu.dma_semaphore, #tpu.memory_space<semaphore_mem>>) {add = true}
    %dma_wait3A_179 = arith.constant 13 : i32
    %dma_wait3A_180 = arith.constant 0 : i32
    %dma_wait3A_181 = tpu.memref_slice %arg7[%dma_wait3A_179, %dma_wait3A_180] : memref<16x80xi32, #tpu.memory_space<vmem>> -> memref<1x80xi32, #tpu.memory_space<vmem>>
    %dma_wait3A_182 = tpu.memref_squeeze %dma_wait3A_181 : memref<1x80xi32, #tpu.memory_space<vmem>> -> memref<80xi32, #tpu.memory_space<vmem>>
    %dma_wait3A_183 = arith.constant 0 : i32
    %dma_wait3A_184 = arith.constant 0 : i32
    %dma_wait3A_185 = tpu.memref_slice %arg13[%dma_wait3A_183, %dma_wait3A_184] : memref<10112x128xf32, #tpu.memory_space<vmem_shared>> -> memref<10112x128xf32, #tpu.memory_space<vmem_shared>>
    tpu.wait_indirect_dma semaphore(%arg19 : memref<!tpu.dma_semaphore, #tpu.memory_space<semaphore_mem>>) src(%arg10 : memref<80x128xf32, #tpu.memory_space<vmem>>) dst(%dma_wait3A_185 : memref<10112x128xf32, #tpu.memory_space<vmem_shared>>)
    %dma_wait3A_186 = arith.constant 14 : i32
    %dma_wait3A_187 = arith.constant 0 : i32
    %dma_wait3A_188 = tpu.memref_slice %arg5[%dma_wait3A_186, %dma_wait3A_187] : memref<16x80xi32, #tpu.memory_space<vmem>> -> memref<1x80xi32, #tpu.memory_space<vmem>>
    %dma_wait3A_189 = tpu.memref_squeeze %dma_wait3A_188 : memref<1x80xi32, #tpu.memory_space<vmem>> -> memref<80xi32, #tpu.memory_space<vmem>>
    %dma_wait3A_190 = arith.constant 0 : i32
    %dma_wait3A_191 = arith.constant 0 : i32
    %dma_wait3A_192 = tpu.memref_slice %arg2[%dma_wait3A_190, %dma_wait3A_191] : memref<10000x128xf32, #tpu.memory_space<hbm>> -> memref<10000x128xf32, #tpu.memory_space<hbm>>
    tpu.wait_indirect_dma semaphore(%arg16 : memref<!tpu.dma_semaphore, #tpu.memory_space<semaphore_mem>>) src(%dma_wait3A_192 : memref<10000x128xf32, #tpu.memory_space<hbm>>) dst(%arg11 : memref<80x128xf32, #tpu.memory_space<vmem>>)
    %dma_start3A_193 = arith.constant 14 : i32
    %dma_start3A_194 = arith.constant 0 : i32
    %dma_start3A_195 = tpu.memref_slice %arg7[%dma_start3A_193, %dma_start3A_194] : memref<16x80xi32, #tpu.memory_space<vmem>> -> memref<1x80xi32, #tpu.memory_space<vmem>>
    %dma_start3A_196 = tpu.memref_squeeze %dma_start3A_195 : memref<1x80xi32, #tpu.memory_space<vmem>> -> memref<80xi32, #tpu.memory_space<vmem>>
    %dma_start3A_197 = arith.constant 0 : i32
    %dma_start3A_198 = arith.constant 0 : i32
    %dma_start3A_199 = tpu.memref_slice %arg13[%dma_start3A_197, %dma_start3A_198] : memref<10112x128xf32, #tpu.memory_space<vmem_shared>> -> memref<10112x128xf32, #tpu.memory_space<vmem_shared>>
    tpu.enqueue_indirect_dma source(%arg11 : memref<80x128xf32, #tpu.memory_space<vmem>>) target(%dma_start3A_199 : memref<10112x128xf32, #tpu.memory_space<vmem_shared>>) offsets(%dma_start3A_196 : memref<80xi32, #tpu.memory_space<vmem>>) semaphore(%arg20 : memref<!tpu.dma_semaphore, #tpu.memory_space<semaphore_mem>>) {add = true}
    %dma_wait3A_200 = arith.constant 14 : i32
    %dma_wait3A_201 = arith.constant 0 : i32
    %dma_wait3A_202 = tpu.memref_slice %arg7[%dma_wait3A_200, %dma_wait3A_201] : memref<16x80xi32, #tpu.memory_space<vmem>> -> memref<1x80xi32, #tpu.memory_space<vmem>>
    %dma_wait3A_203 = tpu.memref_squeeze %dma_wait3A_202 : memref<1x80xi32, #tpu.memory_space<vmem>> -> memref<80xi32, #tpu.memory_space<vmem>>
    %dma_wait3A_204 = arith.constant 0 : i32
    %dma_wait3A_205 = arith.constant 0 : i32
    %dma_wait3A_206 = tpu.memref_slice %arg13[%dma_wait3A_204, %dma_wait3A_205] : memref<10112x128xf32, #tpu.memory_space<vmem_shared>> -> memref<10112x128xf32, #tpu.memory_space<vmem_shared>>
    tpu.wait_indirect_dma semaphore(%arg20 : memref<!tpu.dma_semaphore, #tpu.memory_space<semaphore_mem>>) src(%arg11 : memref<80x128xf32, #tpu.memory_space<vmem>>) dst(%dma_wait3A_206 : memref<10112x128xf32, #tpu.memory_space<vmem_shared>>)
    %dma_wait3A_207 = arith.constant 15 : i32
    %dma_wait3A_208 = arith.constant 0 : i32
    %dma_wait3A_209 = tpu.memref_slice %arg5[%dma_wait3A_207, %dma_wait3A_208] : memref<16x80xi32, #tpu.memory_space<vmem>> -> memref<1x80xi32, #tpu.memory_space<vmem>>
    %dma_wait3A_210 = tpu.memref_squeeze %dma_wait3A_209 : memref<1x80xi32, #tpu.memory_space<vmem>> -> memref<80xi32, #tpu.memory_space<vmem>>
    %dma_wait3A_211 = arith.constant 0 : i32
    %dma_wait3A_212 = arith.constant 0 : i32
    %dma_wait3A_213 = tpu.memref_slice %arg2[%dma_wait3A_211, %dma_wait3A_212] : memref<10000x128xf32, #tpu.memory_space<hbm>> -> memref<10000x128xf32, #tpu.memory_space<hbm>>
    tpu.wait_indirect_dma semaphore(%arg17 : memref<!tpu.dma_semaphore, #tpu.memory_space<semaphore_mem>>) src(%dma_wait3A_213 : memref<10000x128xf32, #tpu.memory_space<hbm>>) dst(%arg12 : memref<80x128xf32, #tpu.memory_space<vmem>>)
    %dma_start3A_214 = arith.constant 15 : i32
    %dma_start3A_215 = arith.constant 0 : i32
    %dma_start3A_216 = tpu.memref_slice %arg7[%dma_start3A_214, %dma_start3A_215] : memref<16x80xi32, #tpu.memory_space<vmem>> -> memref<1x80xi32, #tpu.memory_space<vmem>>
    %dma_start3A_217 = tpu.memref_squeeze %dma_start3A_216 : memref<1x80xi32, #tpu.memory_space<vmem>> -> memref<80xi32, #tpu.memory_space<vmem>>
    %dma_start3A_218 = arith.constant 0 : i32
    %dma_start3A_219 = arith.constant 0 : i32
    %dma_start3A_220 = tpu.memref_slice %arg13[%dma_start3A_218, %dma_start3A_219] : memref<10112x128xf32, #tpu.memory_space<vmem_shared>> -> memref<10112x128xf32, #tpu.memory_space<vmem_shared>>
    tpu.enqueue_indirect_dma source(%arg12 : memref<80x128xf32, #tpu.memory_space<vmem>>) target(%dma_start3A_220 : memref<10112x128xf32, #tpu.memory_space<vmem_shared>>) offsets(%dma_start3A_217 : memref<80xi32, #tpu.memory_space<vmem>>) semaphore(%arg21 : memref<!tpu.dma_semaphore, #tpu.memory_space<semaphore_mem>>) {add = true}
    %dma_wait3A_221 = arith.constant 15 : i32
    %dma_wait3A_222 = arith.constant 0 : i32
    %dma_wait3A_223 = tpu.memref_slice %arg7[%dma_wait3A_221, %dma_wait3A_222] : memref<16x80xi32, #tpu.memory_space<vmem>> -> memref<1x80xi32, #tpu.memory_space<vmem>>
    %dma_wait3A_224 = tpu.memref_squeeze %dma_wait3A_223 : memref<1x80xi32, #tpu.memory_space<vmem>> -> memref<80xi32, #tpu.memory_space<vmem>>
    %dma_wait3A_225 = arith.constant 0 : i32
    %dma_wait3A_226 = arith.constant 0 : i32
    %dma_wait3A_227 = tpu.memref_slice %arg13[%dma_wait3A_225, %dma_wait3A_226] : memref<10112x128xf32, #tpu.memory_space<vmem_shared>> -> memref<10112x128xf32, #tpu.memory_space<vmem_shared>>
    tpu.wait_indirect_dma semaphore(%arg21 : memref<!tpu.dma_semaphore, #tpu.memory_space<semaphore_mem>>) src(%arg12 : memref<80x128xf32, #tpu.memory_space<vmem>>) dst(%dma_wait3A_227 : memref<10112x128xf32, #tpu.memory_space<vmem_shared>>)
    %dma_wait3A_228 = arith.constant 0 : i32
    %dma_wait3A_229 = arith.constant 0 : i32
    %dma_wait3A_230 = arith.constant 0 : i32
    %dma_wait3A_231 = tpu.memref_slice %arg6[%dma_wait3A_229, %dma_wait3A_230] : memref<16x80xi32, #tpu.memory_space<vmem>> -> memref<16x80xi32, #tpu.memory_space<vmem>>
    %dma_wait3A_232 = arith.constant 16 : i32
    %dma_wait3A_233 = arith.constant 0 : i32
    %dma_wait3A_234 = tpu.memref_slice %arg3[%dma_wait3A_228, %add3A, %dma_wait3A_232, %dma_wait3A_233] : memref<2x32x125x80xi32, #tpu.memory_space<hbm>> -> memref<1x1x16x80xi32, #tpu.memory_space<hbm>>
    %dma_wait3A_235 = tpu.memref_squeeze %dma_wait3A_234 : memref<1x1x16x80xi32, #tpu.memory_space<hbm>> -> memref<16x80xi32, #tpu.memory_space<hbm>>
    %dma_wait3A_236 = arith.constant 0 : i32
    %dma_wait3A_237 = arith.constant 0 : i32
    %dma_wait3A_238 = tpu.memref_slice %arg6[%dma_wait3A_236, %dma_wait3A_237] : memref<16x80xi32, #tpu.memory_space<vmem>> -> memref<16x80xi32, #tpu.memory_space<vmem>>
    %dma_wait3A_239 = arith.constant 16 : i32
    %dma_wait3A_240 = arith.constant 0 : i32
    %dma_wait3A_241 = tpu.memref_slice %arg3[%dma_wait3A_228, %add3A, %dma_wait3A_239, %dma_wait3A_240] : memref<2x32x125x80xi32, #tpu.memory_space<hbm>> -> memref<1x1x16x80xi32, #tpu.memory_space<hbm>>
    %dma_wait3A_242 = tpu.memref_squeeze %dma_wait3A_241 : memref<1x1x16x80xi32, #tpu.memory_space<hbm>> -> memref<16x80xi32, #tpu.memory_space<hbm>>
    tpu.wait_dma2 semaphore(%arg23 : memref<!tpu.dma_semaphore, #tpu.memory_space<semaphore_mem>>) src(%dma_wait3A_242 : memref<16x80xi32, #tpu.memory_space<hbm>>) dst(%dma_wait3A_238 : memref<16x80xi32, #tpu.memory_space<vmem>>)
    %dma_wait3A_243 = arith.constant 1 : i32
    %dma_wait3A_244 = arith.constant 0 : i32
    %dma_wait3A_245 = arith.constant 0 : i32
    %dma_wait3A_246 = tpu.memref_slice %arg8[%dma_wait3A_244, %dma_wait3A_245] : memref<16x80xi32, #tpu.memory_space<vmem>> -> memref<16x80xi32, #tpu.memory_space<vmem>>
    %dma_wait3A_247 = arith.constant 16 : i32
    %dma_wait3A_248 = arith.constant 0 : i32
    %dma_wait3A_249 = tpu.memref_slice %arg3[%dma_wait3A_243, %add3A, %dma_wait3A_247, %dma_wait3A_248] : memref<2x32x125x80xi32, #tpu.memory_space<hbm>> -> memref<1x1x16x80xi32, #tpu.memory_space<hbm>>
    %dma_wait3A_250 = tpu.memref_squeeze %dma_wait3A_249 : memref<1x1x16x80xi32, #tpu.memory_space<hbm>> -> memref<16x80xi32, #tpu.memory_space<hbm>>
    %dma_wait3A_251 = arith.constant 0 : i32
    %dma_wait3A_252 = arith.constant 0 : i32
    %dma_wait3A_253 = tpu.memref_slice %arg8[%dma_wait3A_251, %dma_wait3A_252] : memref<16x80xi32, #tpu.memory_space<vmem>> -> memref<16x80xi32, #tpu.memory_space<vmem>>
    %dma_wait3A_254 = arith.constant 16 : i32
    %dma_wait3A_255 = arith.constant 0 : i32
    %dma_wait3A_256 = tpu.memref_slice %arg3[%dma_wait3A_243, %add3A, %dma_wait3A_254, %dma_wait3A_255] : memref<2x32x125x80xi32, #tpu.memory_space<hbm>> -> memref<1x1x16x80xi32, #tpu.memory_space<hbm>>
    %dma_wait3A_257 = tpu.memref_squeeze %dma_wait3A_256 : memref<1x1x16x80xi32, #tpu.memory_space<hbm>> -> memref<16x80xi32, #tpu.memory_space<hbm>>
    tpu.wait_dma2 semaphore(%arg25 : memref<!tpu.dma_semaphore, #tpu.memory_space<semaphore_mem>>) src(%dma_wait3A_257 : memref<16x80xi32, #tpu.memory_space<hbm>>) dst(%dma_wait3A_253 : memref<16x80xi32, #tpu.memory_space<vmem>>)
    %dma_start3A_258 = arith.constant 0 : i32
    %dma_start3A_259 = arith.constant 0 : i32
    %dma_start3A_260 = arith.constant 0 : i32
    %dma_start3A_261 = tpu.memref_slice %arg5[%dma_start3A_259, %dma_start3A_260] : memref<16x80xi32, #tpu.memory_space<vmem>> -> memref<16x80xi32, #tpu.memory_space<vmem>>
    %dma_start3A_262 = arith.constant 32 : i32
    %dma_start3A_263 = arith.constant 0 : i32
    %dma_start3A_264 = tpu.memref_slice %arg3[%dma_start3A_258, %add3A, %dma_start3A_262, %dma_start3A_263] : memref<2x32x125x80xi32, #tpu.memory_space<hbm>> -> memref<1x1x16x80xi32, #tpu.memory_space<hbm>>
    %dma_start3A_265 = tpu.memref_squeeze %dma_start3A_264 : memref<1x1x16x80xi32, #tpu.memory_space<hbm>> -> memref<16x80xi32, #tpu.memory_space<hbm>>
    %dma_start3A_266 = arith.constant 0 : i32
    %dma_start3A_267 = arith.constant 0 : i32
    %dma_start3A_268 = tpu.memref_slice %arg5[%dma_start3A_266, %dma_start3A_267] : memref<16x80xi32, #tpu.memory_space<vmem>> -> memref<16x80xi32, #tpu.memory_space<vmem>>
    %dma_start3A_269 = arith.constant 32 : i32
    %dma_start3A_270 = arith.constant 0 : i32
    %dma_start3A_271 = tpu.memref_slice %arg3[%dma_start3A_258, %add3A, %dma_start3A_269, %dma_start3A_270] : memref<2x32x125x80xi32, #tpu.memory_space<hbm>> -> memref<1x1x16x80xi32, #tpu.memory_space<hbm>>
    %dma_start3A_272 = tpu.memref_squeeze %dma_start3A_271 : memref<1x1x16x80xi32, #tpu.memory_space<hbm>> -> memref<16x80xi32, #tpu.memory_space<hbm>>
    tpu.enqueue_dma source(%dma_start3A_272 : memref<16x80xi32, #tpu.memory_space<hbm>>) target(%dma_start3A_268 : memref<16x80xi32, #tpu.memory_space<vmem>>) target_semaphore(%arg22 : memref<!tpu.dma_semaphore, #tpu.memory_space<semaphore_mem>>)
    %dma_start3A_273 = arith.constant 1 : i32
    %dma_start3A_274 = arith.constant 0 : i32
    %dma_start3A_275 = arith.constant 0 : i32
    %dma_start3A_276 = tpu.memref_slice %arg7[%dma_start3A_274, %dma_start3A_275] : memref<16x80xi32, #tpu.memory_space<vmem>> -> memref<16x80xi32, #tpu.memory_space<vmem>>
    %dma_start3A_277 = arith.constant 32 : i32
    %dma_start3A_278 = arith.constant 0 : i32
    %dma_start3A_279 = tpu.memref_slice %arg3[%dma_start3A_273, %add3A, %dma_start3A_277, %dma_start3A_278] : memref<2x32x125x80xi32, #tpu.memory_space<hbm>> -> memref<1x1x16x80xi32, #tpu.memory_space<hbm>>
    %dma_start3A_280 = tpu.memref_squeeze %dma_start3A_279 : memref<1x1x16x80xi32, #tpu.memory_space<hbm>> -> memref<16x80xi32, #tpu.memory_space<hbm>>
    %dma_start3A_281 = arith.constant 0 : i32
    %dma_start3A_282 = arith.constant 0 : i32
    %dma_start3A_283 = tpu.memref_slice %arg7[%dma_start3A_281, %dma_start3A_282] : memref<16x80xi32, #tpu.memory_space<vmem>> -> memref<16x80xi32, #tpu.memory_space<vmem>>
    %dma_start3A_284 = arith.constant 32 : i32
    %dma_start3A_285 = arith.constant 0 : i32
    %dma_start3A_286 = tpu.memref_slice %arg3[%dma_start3A_273, %add3A, %dma_start3A_284, %dma_start3A_285] : memref<2x32x125x80xi32, #tpu.memory_space<hbm>> -> memref<1x1x16x80xi32, #tpu.memory_space<hbm>>
    %dma_start3A_287 = tpu.memref_squeeze %dma_start3A_286 : memref<1x1x16x80xi32, #tpu.memory_space<hbm>> -> memref<16x80xi32, #tpu.memory_space<hbm>>
    tpu.enqueue_dma source(%dma_start3A_287 : memref<16x80xi32, #tpu.memory_space<hbm>>) target(%dma_start3A_283 : memref<16x80xi32, #tpu.memory_space<vmem>>) target_semaphore(%arg24 : memref<!tpu.dma_semaphore, #tpu.memory_space<semaphore_mem>>)
    %dma_start3A_288 = arith.constant 0 : i32
    %dma_start3A_289 = arith.constant 0 : i32
    %dma_start3A_290 = tpu.memref_slice %arg6[%dma_start3A_288, %dma_start3A_289] : memref<16x80xi32, #tpu.memory_space<vmem>> -> memref<1x80xi32, #tpu.memory_space<vmem>>
    %dma_start3A_291 = tpu.memref_squeeze %dma_start3A_290 : memref<1x80xi32, #tpu.memory_space<vmem>> -> memref<80xi32, #tpu.memory_space<vmem>>
    %dma_start3A_292 = arith.constant 0 : i32
    %dma_start3A_293 = arith.constant 0 : i32
    %dma_start3A_294 = tpu.memref_slice %arg2[%dma_start3A_292, %dma_start3A_293] : memref<10000x128xf32, #tpu.memory_space<hbm>> -> memref<10000x128xf32, #tpu.memory_space<hbm>>
    tpu.enqueue_indirect_dma source(%dma_start3A_294 : memref<10000x128xf32, #tpu.memory_space<hbm>>) target(%arg9 : memref<80x128xf32, #tpu.memory_space<vmem>>) offsets(%dma_start3A_291 : memref<80xi32, #tpu.memory_space<vmem>>) semaphore(%arg14 : memref<!tpu.dma_semaphore, #tpu.memory_space<semaphore_mem>>)
    %dma_start3A_295 = arith.constant 1 : i32
    %dma_start3A_296 = arith.constant 0 : i32
    %dma_start3A_297 = tpu.memref_slice %arg6[%dma_start3A_295, %dma_start3A_296] : memref<16x80xi32, #tpu.memory_space<vmem>> -> memref<1x80xi32, #tpu.memory_space<vmem>>
    %dma_start3A_298 = tpu.memref_squeeze %dma_start3A_297 : memref<1x80xi32, #tpu.memory_space<vmem>> -> memref<80xi32, #tpu.memory_space<vmem>>
    %dma_start3A_299 = arith.constant 0 : i32
    %dma_start3A_300 = arith.constant 0 : i32
    %dma_start3A_301 = tpu.memref_slice %arg2[%dma_start3A_299, %dma_start3A_300] : memref<10000x128xf32, #tpu.memory_space<hbm>> -> memref<10000x128xf32, #tpu.memory_space<hbm>>
    tpu.enqueue_indirect_dma source(%dma_start3A_301 : memref<10000x128xf32, #tpu.memory_space<hbm>>) target(%arg10 : memref<80x128xf32, #tpu.memory_space<vmem>>) offsets(%dma_start3A_298 : memref<80xi32, #tpu.memory_space<vmem>>) semaphore(%arg15 : memref<!tpu.dma_semaphore, #tpu.memory_space<semaphore_mem>>)
    %dma_start3A_302 = arith.constant 2 : i32
    %dma_start3A_303 = arith.constant 0 : i32
    %dma_start3A_304 = tpu.memref_slice %arg6[%dma_start3A_302, %dma_start3A_303] : memref<16x80xi32, #tpu.memory_space<vmem>> -> memref<1x80xi32, #tpu.memory_space<vmem>>
    %dma_start3A_305 = tpu.memref_squeeze %dma_start3A_304 : memref<1x80xi32, #tpu.memory_space<vmem>> -> memref<80xi32, #tpu.memory_space<vmem>>
    %dma_start3A_306 = arith.constant 0 : i32
    %dma_start3A_307 = arith.constant 0 : i32
    %dma_start3A_308 = tpu.memref_slice %arg2[%dma_start3A_306, %dma_start3A_307] : memref<10000x128xf32, #tpu.memory_space<hbm>> -> memref<10000x128xf32, #tpu.memory_space<hbm>>
    tpu.enqueue_indirect_dma source(%dma_start3A_308 : memref<10000x128xf32, #tpu.memory_space<hbm>>) target(%arg11 : memref<80x128xf32, #tpu.memory_space<vmem>>) offsets(%dma_start3A_305 : memref<80xi32, #tpu.memory_space<vmem>>) semaphore(%arg16 : memref<!tpu.dma_semaphore, #tpu.memory_space<semaphore_mem>>)
    %dma_wait3A_309 = arith.constant 0 : i32
    %dma_wait3A_310 = arith.constant 0 : i32
    %dma_wait3A_311 = tpu.memref_slice %arg6[%dma_wait3A_309, %dma_wait3A_310] : memref<16x80xi32, #tpu.memory_space<vmem>> -> memref<1x80xi32, #tpu.memory_space<vmem>>
    %dma_wait3A_312 = tpu.memref_squeeze %dma_wait3A_311 : memref<1x80xi32, #tpu.memory_space<vmem>> -> memref<80xi32, #tpu.memory_space<vmem>>
    %dma_wait3A_313 = arith.constant 0 : i32
    %dma_wait3A_314 = arith.constant 0 : i32
    %dma_wait3A_315 = tpu.memref_slice %arg2[%dma_wait3A_313, %dma_wait3A_314] : memref<10000x128xf32, #tpu.memory_space<hbm>> -> memref<10000x128xf32, #tpu.memory_space<hbm>>
    tpu.wait_indirect_dma semaphore(%arg14 : memref<!tpu.dma_semaphore, #tpu.memory_space<semaphore_mem>>) src(%dma_wait3A_315 : memref<10000x128xf32, #tpu.memory_space<hbm>>) dst(%arg9 : memref<80x128xf32, #tpu.memory_space<vmem>>)
    %dma_start3A_316 = arith.constant 0 : i32
    %dma_start3A_317 = arith.constant 0 : i32
    %dma_start3A_318 = tpu.memref_slice %arg8[%dma_start3A_316, %dma_start3A_317] : memref<16x80xi32, #tpu.memory_space<vmem>> -> memref<1x80xi32, #tpu.memory_space<vmem>>
    %dma_start3A_319 = tpu.memref_squeeze %dma_start3A_318 : memref<1x80xi32, #tpu.memory_space<vmem>> -> memref<80xi32, #tpu.memory_space<vmem>>
    %dma_start3A_320 = arith.constant 0 : i32
    %dma_start3A_321 = arith.constant 0 : i32
    %dma_start3A_322 = tpu.memref_slice %arg13[%dma_start3A_320, %dma_start3A_321] : memref<10112x128xf32, #tpu.memory_space<vmem_shared>> -> memref<10112x128xf32, #tpu.memory_space<vmem_shared>>
    tpu.enqueue_indirect_dma source(%arg9 : memref<80x128xf32, #tpu.memory_space<vmem>>) target(%dma_start3A_322 : memref<10112x128xf32, #tpu.memory_space<vmem_shared>>) offsets(%dma_start3A_319 : memref<80xi32, #tpu.memory_space<vmem>>) semaphore(%arg18 : memref<!tpu.dma_semaphore, #tpu.memory_space<semaphore_mem>>) {add = true}
    %dma_start3A_323 = arith.constant 3 : i32
    %dma_start3A_324 = arith.constant 0 : i32
    %dma_start3A_325 = tpu.memref_slice %arg6[%dma_start3A_323, %dma_start3A_324] : memref<16x80xi32, #tpu.memory_space<vmem>> -> memref<1x80xi32, #tpu.memory_space<vmem>>
    %dma_start3A_326 = tpu.memref_squeeze %dma_start3A_325 : memref<1x80xi32, #tpu.memory_space<vmem>> -> memref<80xi32, #tpu.memory_space<vmem>>
    %dma_start3A_327 = arith.constant 0 : i32
    %dma_start3A_328 = arith.constant 0 : i32
    %dma_start3A_329 = tpu.memref_slice %arg2[%dma_start3A_327, %dma_start3A_328] : memref<10000x128xf32, #tpu.memory_space<hbm>> -> memref<10000x128xf32, #tpu.memory_space<hbm>>
    tpu.enqueue_indirect_dma source(%dma_start3A_329 : memref<10000x128xf32, #tpu.memory_space<hbm>>) target(%arg12 : memref<80x128xf32, #tpu.memory_space<vmem>>) offsets(%dma_start3A_326 : memref<80xi32, #tpu.memory_space<vmem>>) semaphore(%arg17 : memref<!tpu.dma_semaphore, #tpu.memory_space<semaphore_mem>>)
    %scan3A_330 = arith.constant 0 : i32
    %scan3A_331 = arith.constant 3 : i32
    %scan3A_332 = arith.addi %scan3A_330, %scan3A_331 : i32
    %scan3A_333 = arith.constant 1 : i32
    scf.for %scan3A_1466 = %scan3A_330 to %scan3A_332 step %scan3A_333  : i32 {
      %mul3A_1467 = arith.constant 4 : i32
      %mul3A_1468 = arith.muli %scan3A_1466, %mul3A_1467 : i32
      %add3A_1469 = arith.constant 1 : i32
      %add3A_1470 = arith.addi %add3A_1469, %mul3A_1468 : i32
      %add3A_1471 = arith.constant 0 : i32
      %add3A_1472 = arith.addi %add3A_1470, %add3A_1471 : i32
      %sub3A = arith.constant 1 : i32
      %sub3A_1473 = arith.subi %add3A_1472, %sub3A : i32
      %dma_wait3A_1474 = arith.constant 0 : i32
      %dma_wait3A_1475 = tpu.memref_slice %arg8[%sub3A_1473, %dma_wait3A_1474] : memref<16x80xi32, #tpu.memory_space<vmem>> -> memref<1x80xi32, #tpu.memory_space<vmem>>
      %dma_wait3A_1476 = tpu.memref_squeeze %dma_wait3A_1475 : memref<1x80xi32, #tpu.memory_space<vmem>> -> memref<80xi32, #tpu.memory_space<vmem>>
      %dma_wait3A_1477 = arith.constant 0 : i32
      %dma_wait3A_1478 = arith.constant 0 : i32
      %dma_wait3A_1479 = tpu.memref_slice %arg13[%dma_wait3A_1477, %dma_wait3A_1478] : memref<10112x128xf32, #tpu.memory_space<vmem_shared>> -> memref<10112x128xf32, #tpu.memory_space<vmem_shared>>
      tpu.wait_indirect_dma semaphore(%arg18 : memref<!tpu.dma_semaphore, #tpu.memory_space<semaphore_mem>>) src(%arg9 : memref<80x128xf32, #tpu.memory_space<vmem>>) dst(%dma_wait3A_1479 : memref<10112x128xf32, #tpu.memory_space<vmem_shared>>)
      %add3A_1480 = arith.constant 3 : i32
      %add3A_1481 = arith.addi %add3A_1472, %add3A_1480 : i32
      %dma_start3A_1482 = arith.constant 0 : i32
      %dma_start3A_1483 = tpu.memref_slice %arg6[%add3A_1481, %dma_start3A_1482] : memref<16x80xi32, #tpu.memory_space<vmem>> -> memref<1x80xi32, #tpu.memory_space<vmem>>
      %dma_start3A_1484 = tpu.memref_squeeze %dma_start3A_1483 : memref<1x80xi32, #tpu.memory_space<vmem>> -> memref<80xi32, #tpu.memory_space<vmem>>
      %dma_start3A_1485 = arith.constant 0 : i32
      %dma_start3A_1486 = arith.constant 0 : i32
      %dma_start3A_1487 = tpu.memref_slice %arg2[%dma_start3A_1485, %dma_start3A_1486] : memref<10000x128xf32, #tpu.memory_space<hbm>> -> memref<10000x128xf32, #tpu.memory_space<hbm>>
      tpu.enqueue_indirect_dma source(%dma_start3A_1487 : memref<10000x128xf32, #tpu.memory_space<hbm>>) target(%arg9 : memref<80x128xf32, #tpu.memory_space<vmem>>) offsets(%dma_start3A_1484 : memref<80xi32, #tpu.memory_space<vmem>>) semaphore(%arg14 : memref<!tpu.dma_semaphore, #tpu.memory_space<semaphore_mem>>)
      %dma_wait3A_1488 = arith.constant 0 : i32
      %dma_wait3A_1489 = tpu.memref_slice %arg6[%add3A_1472, %dma_wait3A_1488] : memref<16x80xi32, #tpu.memory_space<vmem>> -> memref<1x80xi32, #tpu.memory_space<vmem>>
      %dma_wait3A_1490 = tpu.memref_squeeze %dma_wait3A_1489 : memref<1x80xi32, #tpu.memory_space<vmem>> -> memref<80xi32, #tpu.memory_space<vmem>>
      %dma_wait3A_1491 = arith.constant 0 : i32
      %dma_wait3A_1492 = arith.constant 0 : i32
      %dma_wait3A_1493 = tpu.memref_slice %arg2[%dma_wait3A_1491, %dma_wait3A_1492] : memref<10000x128xf32, #tpu.memory_space<hbm>> -> memref<10000x128xf32, #tpu.memory_space<hbm>>
      tpu.wait_indirect_dma semaphore(%arg15 : memref<!tpu.dma_semaphore, #tpu.memory_space<semaphore_mem>>) src(%dma_wait3A_1493 : memref<10000x128xf32, #tpu.memory_space<hbm>>) dst(%arg10 : memref<80x128xf32, #tpu.memory_space<vmem>>)
      %dma_start3A_1494 = arith.constant 0 : i32
      %dma_start3A_1495 = tpu.memref_slice %arg8[%add3A_1472, %dma_start3A_1494] : memref<16x80xi32, #tpu.memory_space<vmem>> -> memref<1x80xi32, #tpu.memory_space<vmem>>
      %dma_start3A_1496 = tpu.memref_squeeze %dma_start3A_1495 : memref<1x80xi32, #tpu.memory_space<vmem>> -> memref<80xi32, #tpu.memory_space<vmem>>
      %dma_start3A_1497 = arith.constant 0 : i32
      %dma_start3A_1498 = arith.constant 0 : i32
      %dma_start3A_1499 = tpu.memref_slice %arg13[%dma_start3A_1497, %dma_start3A_1498] : memref<10112x128xf32, #tpu.memory_space<vmem_shared>> -> memref<10112x128xf32, #tpu.memory_space<vmem_shared>>
      tpu.enqueue_indirect_dma source(%arg10 : memref<80x128xf32, #tpu.memory_space<vmem>>) target(%dma_start3A_1499 : memref<10112x128xf32, #tpu.memory_space<vmem_shared>>) offsets(%dma_start3A_1496 : memref<80xi32, #tpu.memory_space<vmem>>) semaphore(%arg19 : memref<!tpu.dma_semaphore, #tpu.memory_space<semaphore_mem>>) {add = true}
      %add3A_1500 = arith.constant 1 : i32
      %add3A_1501 = arith.addi %add3A_1470, %add3A_1500 : i32
      %sub3A_1502 = arith.constant 1 : i32
      %sub3A_1503 = arith.subi %add3A_1501, %sub3A_1502 : i32
      %dma_wait3A_1504 = arith.constant 0 : i32
      %dma_wait3A_1505 = tpu.memref_slice %arg8[%sub3A_1503, %dma_wait3A_1504] : memref<16x80xi32, #tpu.memory_space<vmem>> -> memref<1x80xi32, #tpu.memory_space<vmem>>
      %dma_wait3A_1506 = tpu.memref_squeeze %dma_wait3A_1505 : memref<1x80xi32, #tpu.memory_space<vmem>> -> memref<80xi32, #tpu.memory_space<vmem>>
      %dma_wait3A_1507 = arith.constant 0 : i32
      %dma_wait3A_1508 = arith.constant 0 : i32
      %dma_wait3A_1509 = tpu.memref_slice %arg13[%dma_wait3A_1507, %dma_wait3A_1508] : memref<10112x128xf32, #tpu.memory_space<vmem_shared>> -> memref<10112x128xf32, #tpu.memory_space<vmem_shared>>
      tpu.wait_indirect_dma semaphore(%arg19 : memref<!tpu.dma_semaphore, #tpu.memory_space<semaphore_mem>>) src(%arg10 : memref<80x128xf32, #tpu.memory_space<vmem>>) dst(%dma_wait3A_1509 : memref<10112x128xf32, #tpu.memory_space<vmem_shared>>)
      %add3A_1510 = arith.constant 3 : i32
      %add3A_1511 = arith.addi %add3A_1501, %add3A_1510 : i32
      %dma_start3A_1512 = arith.constant 0 : i32
      %dma_start3A_1513 = tpu.memref_slice %arg6[%add3A_1511, %dma_start3A_1512] : memref<16x80xi32, #tpu.memory_space<vmem>> -> memref<1x80xi32, #tpu.memory_space<vmem>>
      %dma_start3A_1514 = tpu.memref_squeeze %dma_start3A_1513 : memref<1x80xi32, #tpu.memory_space<vmem>> -> memref<80xi32, #tpu.memory_space<vmem>>
      %dma_start3A_1515 = arith.constant 0 : i32
      %dma_start3A_1516 = arith.constant 0 : i32
      %dma_start3A_1517 = tpu.memref_slice %arg2[%dma_start3A_1515, %dma_start3A_1516] : memref<10000x128xf32, #tpu.memory_space<hbm>> -> memref<10000x128xf32, #tpu.memory_space<hbm>>
      tpu.enqueue_indirect_dma source(%dma_start3A_1517 : memref<10000x128xf32, #tpu.memory_space<hbm>>) target(%arg10 : memref<80x128xf32, #tpu.memory_space<vmem>>) offsets(%dma_start3A_1514 : memref<80xi32, #tpu.memory_space<vmem>>) semaphore(%arg15 : memref<!tpu.dma_semaphore, #tpu.memory_space<semaphore_mem>>)
      %dma_wait3A_1518 = arith.constant 0 : i32
      %dma_wait3A_1519 = tpu.memref_slice %arg6[%add3A_1501, %dma_wait3A_1518] : memref<16x80xi32, #tpu.memory_space<vmem>> -> memref<1x80xi32, #tpu.memory_space<vmem>>
      %dma_wait3A_1520 = tpu.memref_squeeze %dma_wait3A_1519 : memref<1x80xi32, #tpu.memory_space<vmem>> -> memref<80xi32, #tpu.memory_space<vmem>>
      %dma_wait3A_1521 = arith.constant 0 : i32
      %dma_wait3A_1522 = arith.constant 0 : i32
      %dma_wait3A_1523 = tpu.memref_slice %arg2[%dma_wait3A_1521, %dma_wait3A_1522] : memref<10000x128xf32, #tpu.memory_space<hbm>> -> memref<10000x128xf32, #tpu.memory_space<hbm>>
      tpu.wait_indirect_dma semaphore(%arg16 : memref<!tpu.dma_semaphore, #tpu.memory_space<semaphore_mem>>) src(%dma_wait3A_1523 : memref<10000x128xf32, #tpu.memory_space<hbm>>) dst(%arg11 : memref<80x128xf32, #tpu.memory_space<vmem>>)
      %dma_start3A_1524 = arith.constant 0 : i32
      %dma_start3A_1525 = tpu.memref_slice %arg8[%add3A_1501, %dma_start3A_1524] : memref<16x80xi32, #tpu.memory_space<vmem>> -> memref<1x80xi32, #tpu.memory_space<vmem>>
      %dma_start3A_1526 = tpu.memref_squeeze %dma_start3A_1525 : memref<1x80xi32, #tpu.memory_space<vmem>> -> memref<80xi32, #tpu.memory_space<vmem>>
      %dma_start3A_1527 = arith.constant 0 : i32
      %dma_start3A_1528 = arith.constant 0 : i32
      %dma_start3A_1529 = tpu.memref_slice %arg13[%dma_start3A_1527, %dma_start3A_1528] : memref<10112x128xf32, #tpu.memory_space<vmem_shared>> -> memref<10112x128xf32, #tpu.memory_space<vmem_shared>>
      tpu.enqueue_indirect_dma source(%arg11 : memref<80x128xf32, #tpu.memory_space<vmem>>) target(%dma_start3A_1529 : memref<10112x128xf32, #tpu.memory_space<vmem_shared>>) offsets(%dma_start3A_1526 : memref<80xi32, #tpu.memory_space<vmem>>) semaphore(%arg20 : memref<!tpu.dma_semaphore, #tpu.memory_space<semaphore_mem>>) {add = true}
      %add3A_1530 = arith.constant 2 : i32
      %add3A_1531 = arith.addi %add3A_1470, %add3A_1530 : i32
      %sub3A_1532 = arith.constant 1 : i32
      %sub3A_1533 = arith.subi %add3A_1531, %sub3A_1532 : i32
      %dma_wait3A_1534 = arith.constant 0 : i32
      %dma_wait3A_1535 = tpu.memref_slice %arg8[%sub3A_1533, %dma_wait3A_1534] : memref<16x80xi32, #tpu.memory_space<vmem>> -> memref<1x80xi32, #tpu.memory_space<vmem>>
      %dma_wait3A_1536 = tpu.memref_squeeze %dma_wait3A_1535 : memref<1x80xi32, #tpu.memory_space<vmem>> -> memref<80xi32, #tpu.memory_space<vmem>>
      %dma_wait3A_1537 = arith.constant 0 : i32
      %dma_wait3A_1538 = arith.constant 0 : i32
      %dma_wait3A_1539 = tpu.memref_slice %arg13[%dma_wait3A_1537, %dma_wait3A_1538] : memref<10112x128xf32, #tpu.memory_space<vmem_shared>> -> memref<10112x128xf32, #tpu.memory_space<vmem_shared>>
      tpu.wait_indirect_dma semaphore(%arg20 : memref<!tpu.dma_semaphore, #tpu.memory_space<semaphore_mem>>) src(%arg11 : memref<80x128xf32, #tpu.memory_space<vmem>>) dst(%dma_wait3A_1539 : memref<10112x128xf32, #tpu.memory_space<vmem_shared>>)
      %add3A_1540 = arith.constant 3 : i32
      %add3A_1541 = arith.addi %add3A_1531, %add3A_1540 : i32
      %dma_start3A_1542 = arith.constant 0 : i32
      %dma_start3A_1543 = tpu.memref_slice %arg6[%add3A_1541, %dma_start3A_1542] : memref<16x80xi32, #tpu.memory_space<vmem>> -> memref<1x80xi32, #tpu.memory_space<vmem>>
      %dma_start3A_1544 = tpu.memref_squeeze %dma_start3A_1543 : memref<1x80xi32, #tpu.memory_space<vmem>> -> memref<80xi32, #tpu.memory_space<vmem>>
      %dma_start3A_1545 = arith.constant 0 : i32
      %dma_start3A_1546 = arith.constant 0 : i32
      %dma_start3A_1547 = tpu.memref_slice %arg2[%dma_start3A_1545, %dma_start3A_1546] : memref<10000x128xf32, #tpu.memory_space<hbm>> -> memref<10000x128xf32, #tpu.memory_space<hbm>>
      tpu.enqueue_indirect_dma source(%dma_start3A_1547 : memref<10000x128xf32, #tpu.memory_space<hbm>>) target(%arg11 : memref<80x128xf32, #tpu.memory_space<vmem>>) offsets(%dma_start3A_1544 : memref<80xi32, #tpu.memory_space<vmem>>) semaphore(%arg16 : memref<!tpu.dma_semaphore, #tpu.memory_space<semaphore_mem>>)
      %dma_wait3A_1548 = arith.constant 0 : i32
      %dma_wait3A_1549 = tpu.memref_slice %arg6[%add3A_1531, %dma_wait3A_1548] : memref<16x80xi32, #tpu.memory_space<vmem>> -> memref<1x80xi32, #tpu.memory_space<vmem>>
      %dma_wait3A_1550 = tpu.memref_squeeze %dma_wait3A_1549 : memref<1x80xi32, #tpu.memory_space<vmem>> -> memref<80xi32, #tpu.memory_space<vmem>>
      %dma_wait3A_1551 = arith.constant 0 : i32
      %dma_wait3A_1552 = arith.constant 0 : i32
      %dma_wait3A_1553 = tpu.memref_slice %arg2[%dma_wait3A_1551, %dma_wait3A_1552] : memref<10000x128xf32, #tpu.memory_space<hbm>> -> memref<10000x128xf32, #tpu.memory_space<hbm>>
      tpu.wait_indirect_dma semaphore(%arg17 : memref<!tpu.dma_semaphore, #tpu.memory_space<semaphore_mem>>) src(%dma_wait3A_1553 : memref<10000x128xf32, #tpu.memory_space<hbm>>) dst(%arg12 : memref<80x128xf32, #tpu.memory_space<vmem>>)
      %dma_start3A_1554 = arith.constant 0 : i32
      %dma_start3A_1555 = tpu.memref_slice %arg8[%add3A_1531, %dma_start3A_1554] : memref<16x80xi32, #tpu.memory_space<vmem>> -> memref<1x80xi32, #tpu.memory_space<vmem>>
      %dma_start3A_1556 = tpu.memref_squeeze %dma_start3A_1555 : memref<1x80xi32, #tpu.memory_space<vmem>> -> memref<80xi32, #tpu.memory_space<vmem>>
      %dma_start3A_1557 = arith.constant 0 : i32
      %dma_start3A_1558 = arith.constant 0 : i32
      %dma_start3A_1559 = tpu.memref_slice %arg13[%dma_start3A_1557, %dma_start3A_1558] : memref<10112x128xf32, #tpu.memory_space<vmem_shared>> -> memref<10112x128xf32, #tpu.memory_space<vmem_shared>>
      tpu.enqueue_indirect_dma source(%arg12 : memref<80x128xf32, #tpu.memory_space<vmem>>) target(%dma_start3A_1559 : memref<10112x128xf32, #tpu.memory_space<vmem_shared>>) offsets(%dma_start3A_1556 : memref<80xi32, #tpu.memory_space<vmem>>) semaphore(%arg21 : memref<!tpu.dma_semaphore, #tpu.memory_space<semaphore_mem>>) {add = true}
      %add3A_1560 = arith.constant 3 : i32
      %add3A_1561 = arith.addi %add3A_1470, %add3A_1560 : i32
      %sub3A_1562 = arith.constant 1 : i32
      %sub3A_1563 = arith.subi %add3A_1561, %sub3A_1562 : i32
      %dma_wait3A_1564 = arith.constant 0 : i32
      %dma_wait3A_1565 = tpu.memref_slice %arg8[%sub3A_1563, %dma_wait3A_1564] : memref<16x80xi32, #tpu.memory_space<vmem>> -> memref<1x80xi32, #tpu.memory_space<vmem>>
      %dma_wait3A_1566 = tpu.memref_squeeze %dma_wait3A_1565 : memref<1x80xi32, #tpu.memory_space<vmem>> -> memref<80xi32, #tpu.memory_space<vmem>>
      %dma_wait3A_1567 = arith.constant 0 : i32
      %dma_wait3A_1568 = arith.constant 0 : i32
      %dma_wait3A_1569 = tpu.memref_slice %arg13[%dma_wait3A_1567, %dma_wait3A_1568] : memref<10112x128xf32, #tpu.memory_space<vmem_shared>> -> memref<10112x128xf32, #tpu.memory_space<vmem_shared>>
      tpu.wait_indirect_dma semaphore(%arg21 : memref<!tpu.dma_semaphore, #tpu.memory_space<semaphore_mem>>) src(%arg12 : memref<80x128xf32, #tpu.memory_space<vmem>>) dst(%dma_wait3A_1569 : memref<10112x128xf32, #tpu.memory_space<vmem_shared>>)
      %add3A_1570 = arith.constant 3 : i32
      %add3A_1571 = arith.addi %add3A_1561, %add3A_1570 : i32
      %dma_start3A_1572 = arith.constant 0 : i32
      %dma_start3A_1573 = tpu.memref_slice %arg6[%add3A_1571, %dma_start3A_1572] : memref<16x80xi32, #tpu.memory_space<vmem>> -> memref<1x80xi32, #tpu.memory_space<vmem>>
      %dma_start3A_1574 = tpu.memref_squeeze %dma_start3A_1573 : memref<1x80xi32, #tpu.memory_space<vmem>> -> memref<80xi32, #tpu.memory_space<vmem>>
      %dma_start3A_1575 = arith.constant 0 : i32
      %dma_start3A_1576 = arith.constant 0 : i32
      %dma_start3A_1577 = tpu.memref_slice %arg2[%dma_start3A_1575, %dma_start3A_1576] : memref<10000x128xf32, #tpu.memory_space<hbm>> -> memref<10000x128xf32, #tpu.memory_space<hbm>>
      tpu.enqueue_indirect_dma source(%dma_start3A_1577 : memref<10000x128xf32, #tpu.memory_space<hbm>>) target(%arg12 : memref<80x128xf32, #tpu.memory_space<vmem>>) offsets(%dma_start3A_1574 : memref<80xi32, #tpu.memory_space<vmem>>) semaphore(%arg17 : memref<!tpu.dma_semaphore, #tpu.memory_space<semaphore_mem>>)
      %dma_wait3A_1578 = arith.constant 0 : i32
      %dma_wait3A_1579 = tpu.memref_slice %arg6[%add3A_1561, %dma_wait3A_1578] : memref<16x80xi32, #tpu.memory_space<vmem>> -> memref<1x80xi32, #tpu.memory_space<vmem>>
      %dma_wait3A_1580 = tpu.memref_squeeze %dma_wait3A_1579 : memref<1x80xi32, #tpu.memory_space<vmem>> -> memref<80xi32, #tpu.memory_space<vmem>>
      %dma_wait3A_1581 = arith.constant 0 : i32
      %dma_wait3A_1582 = arith.constant 0 : i32
      %dma_wait3A_1583 = tpu.memref_slice %arg2[%dma_wait3A_1581, %dma_wait3A_1582] : memref<10000x128xf32, #tpu.memory_space<hbm>> -> memref<10000x128xf32, #tpu.memory_space<hbm>>
      tpu.wait_indirect_dma semaphore(%arg14 : memref<!tpu.dma_semaphore, #tpu.memory_space<semaphore_mem>>) src(%dma_wait3A_1583 : memref<10000x128xf32, #tpu.memory_space<hbm>>) dst(%arg9 : memref<80x128xf32, #tpu.memory_space<vmem>>)
      %dma_start3A_1584 = arith.constant 0 : i32
      %dma_start3A_1585 = tpu.memref_slice %arg8[%add3A_1561, %dma_start3A_1584] : memref<16x80xi32, #tpu.memory_space<vmem>> -> memref<1x80xi32, #tpu.memory_space<vmem>>
      %dma_start3A_1586 = tpu.memref_squeeze %dma_start3A_1585 : memref<1x80xi32, #tpu.memory_space<vmem>> -> memref<80xi32, #tpu.memory_space<vmem>>
      %dma_start3A_1587 = arith.constant 0 : i32
      %dma_start3A_1588 = arith.constant 0 : i32
      %dma_start3A_1589 = tpu.memref_slice %arg13[%dma_start3A_1587, %dma_start3A_1588] : memref<10112x128xf32, #tpu.memory_space<vmem_shared>> -> memref<10112x128xf32, #tpu.memory_space<vmem_shared>>
      tpu.enqueue_indirect_dma source(%arg9 : memref<80x128xf32, #tpu.memory_space<vmem>>) target(%dma_start3A_1589 : memref<10112x128xf32, #tpu.memory_space<vmem_shared>>) offsets(%dma_start3A_1586 : memref<80xi32, #tpu.memory_space<vmem>>) semaphore(%arg18 : memref<!tpu.dma_semaphore, #tpu.memory_space<semaphore_mem>>) {add = true}
    }
    %scan3A_334 = arith.constant 3 : i32
    %dma_wait3A_335 = arith.constant 12 : i32
    %dma_wait3A_336 = arith.constant 0 : i32
    %dma_wait3A_337 = tpu.memref_slice %arg8[%dma_wait3A_335, %dma_wait3A_336] : memref<16x80xi32, #tpu.memory_space<vmem>> -> memref<1x80xi32, #tpu.memory_space<vmem>>
    %dma_wait3A_338 = tpu.memref_squeeze %dma_wait3A_337 : memref<1x80xi32, #tpu.memory_space<vmem>> -> memref<80xi32, #tpu.memory_space<vmem>>
    %dma_wait3A_339 = arith.constant 0 : i32
    %dma_wait3A_340 = arith.constant 0 : i32
    %dma_wait3A_341 = tpu.memref_slice %arg13[%dma_wait3A_339, %dma_wait3A_340] : memref<10112x128xf32, #tpu.memory_space<vmem_shared>> -> memref<10112x128xf32, #tpu.memory_space<vmem_shared>>
    tpu.wait_indirect_dma semaphore(%arg18 : memref<!tpu.dma_semaphore, #tpu.memory_space<semaphore_mem>>) src(%arg9 : memref<80x128xf32, #tpu.memory_space<vmem>>) dst(%dma_wait3A_341 : memref<10112x128xf32, #tpu.memory_space<vmem_shared>>)
    %dma_wait3A_342 = arith.constant 13 : i32
    %dma_wait3A_343 = arith.constant 0 : i32
    %dma_wait3A_344 = tpu.memref_slice %arg6[%dma_wait3A_342, %dma_wait3A_343] : memref<16x80xi32, #tpu.memory_space<vmem>> -> memref<1x80xi32, #tpu.memory_space<vmem>>
    %dma_wait3A_345 = tpu.memref_squeeze %dma_wait3A_344 : memref<1x80xi32, #tpu.memory_space<vmem>> -> memref<80xi32, #tpu.memory_space<vmem>>
    %dma_wait3A_346 = arith.constant 0 : i32
    %dma_wait3A_347 = arith.constant 0 : i32
    %dma_wait3A_348 = tpu.memref_slice %arg2[%dma_wait3A_346, %dma_wait3A_347] : memref<10000x128xf32, #tpu.memory_space<hbm>> -> memref<10000x128xf32, #tpu.memory_space<hbm>>
    tpu.wait_indirect_dma semaphore(%arg15 : memref<!tpu.dma_semaphore, #tpu.memory_space<semaphore_mem>>) src(%dma_wait3A_348 : memref<10000x128xf32, #tpu.memory_space<hbm>>) dst(%arg10 : memref<80x128xf32, #tpu.memory_space<vmem>>)
    %dma_start3A_349 = arith.constant 13 : i32
    %dma_start3A_350 = arith.constant 0 : i32
    %dma_start3A_351 = tpu.memref_slice %arg8[%dma_start3A_349, %dma_start3A_350] : memref<16x80xi32, #tpu.memory_space<vmem>> -> memref<1x80xi32, #tpu.memory_space<vmem>>
    %dma_start3A_352 = tpu.memref_squeeze %dma_start3A_351 : memref<1x80xi32, #tpu.memory_space<vmem>> -> memref<80xi32, #tpu.memory_space<vmem>>
    %dma_start3A_353 = arith.constant 0 : i32
    %dma_start3A_354 = arith.constant 0 : i32
    %dma_start3A_355 = tpu.memref_slice %arg13[%dma_start3A_353, %dma_start3A_354] : memref<10112x128xf32, #tpu.memory_space<vmem_shared>> -> memref<10112x128xf32, #tpu.memory_space<vmem_shared>>
    tpu.enqueue_indirect_dma source(%arg10 : memref<80x128xf32, #tpu.memory_space<vmem>>) target(%dma_start3A_355 : memref<10112x128xf32, #tpu.memory_space<vmem_shared>>) offsets(%dma_start3A_352 : memref<80xi32, #tpu.memory_space<vmem>>) semaphore(%arg19 : memref<!tpu.dma_semaphore, #tpu.memory_space<semaphore_mem>>) {add = true}
    %dma_wait3A_356 = arith.constant 13 : i32
    %dma_wait3A_357 = arith.constant 0 : i32
    %dma_wait3A_358 = tpu.memref_slice %arg8[%dma_wait3A_356, %dma_wait3A_357] : memref<16x80xi32, #tpu.memory_space<vmem>> -> memref<1x80xi32, #tpu.memory_space<vmem>>
    %dma_wait3A_359 = tpu.memref_squeeze %dma_wait3A_358 : memref<1x80xi32, #tpu.memory_space<vmem>> -> memref<80xi32, #tpu.memory_space<vmem>>
    %dma_wait3A_360 = arith.constant 0 : i32
    %dma_wait3A_361 = arith.constant 0 : i32
    %dma_wait3A_362 = tpu.memref_slice %arg13[%dma_wait3A_360, %dma_wait3A_361] : memref<10112x128xf32, #tpu.memory_space<vmem_shared>> -> memref<10112x128xf32, #tpu.memory_space<vmem_shared>>
    tpu.wait_indirect_dma semaphore(%arg19 : memref<!tpu.dma_semaphore, #tpu.memory_space<semaphore_mem>>) src(%arg10 : memref<80x128xf32, #tpu.memory_space<vmem>>) dst(%dma_wait3A_362 : memref<10112x128xf32, #tpu.memory_space<vmem_shared>>)
    %dma_wait3A_363 = arith.constant 14 : i32
    %dma_wait3A_364 = arith.constant 0 : i32
    %dma_wait3A_365 = tpu.memref_slice %arg6[%dma_wait3A_363, %dma_wait3A_364] : memref<16x80xi32, #tpu.memory_space<vmem>> -> memref<1x80xi32, #tpu.memory_space<vmem>>
    %dma_wait3A_366 = tpu.memref_squeeze %dma_wait3A_365 : memref<1x80xi32, #tpu.memory_space<vmem>> -> memref<80xi32, #tpu.memory_space<vmem>>
    %dma_wait3A_367 = arith.constant 0 : i32
    %dma_wait3A_368 = arith.constant 0 : i32
    %dma_wait3A_369 = tpu.memref_slice %arg2[%dma_wait3A_367, %dma_wait3A_368] : memref<10000x128xf32, #tpu.memory_space<hbm>> -> memref<10000x128xf32, #tpu.memory_space<hbm>>
    tpu.wait_indirect_dma semaphore(%arg16 : memref<!tpu.dma_semaphore, #tpu.memory_space<semaphore_mem>>) src(%dma_wait3A_369 : memref<10000x128xf32, #tpu.memory_space<hbm>>) dst(%arg11 : memref<80x128xf32, #tpu.memory_space<vmem>>)
    %dma_start3A_370 = arith.constant 14 : i32
    %dma_start3A_371 = arith.constant 0 : i32
    %dma_start3A_372 = tpu.memref_slice %arg8[%dma_start3A_370, %dma_start3A_371] : memref<16x80xi32, #tpu.memory_space<vmem>> -> memref<1x80xi32, #tpu.memory_space<vmem>>
    %dma_start3A_373 = tpu.memref_squeeze %dma_start3A_372 : memref<1x80xi32, #tpu.memory_space<vmem>> -> memref<80xi32, #tpu.memory_space<vmem>>
    %dma_start3A_374 = arith.constant 0 : i32
    %dma_start3A_375 = arith.constant 0 : i32
    %dma_start3A_376 = tpu.memref_slice %arg13[%dma_start3A_374, %dma_start3A_375] : memref<10112x128xf32, #tpu.memory_space<vmem_shared>> -> memref<10112x128xf32, #tpu.memory_space<vmem_shared>>
    tpu.enqueue_indirect_dma source(%arg11 : memref<80x128xf32, #tpu.memory_space<vmem>>) target(%dma_start3A_376 : memref<10112x128xf32, #tpu.memory_space<vmem_shared>>) offsets(%dma_start3A_373 : memref<80xi32, #tpu.memory_space<vmem>>) semaphore(%arg20 : memref<!tpu.dma_semaphore, #tpu.memory_space<semaphore_mem>>) {add = true}
    %dma_wait3A_377 = arith.constant 14 : i32
    %dma_wait3A_378 = arith.constant 0 : i32
    %dma_wait3A_379 = tpu.memref_slice %arg8[%dma_wait3A_377, %dma_wait3A_378] : memref<16x80xi32, #tpu.memory_space<vmem>> -> memref<1x80xi32, #tpu.memory_space<vmem>>
    %dma_wait3A_380 = tpu.memref_squeeze %dma_wait3A_379 : memref<1x80xi32, #tpu.memory_space<vmem>> -> memref<80xi32, #tpu.memory_space<vmem>>
    %dma_wait3A_381 = arith.constant 0 : i32
    %dma_wait3A_382 = arith.constant 0 : i32
    %dma_wait3A_383 = tpu.memref_slice %arg13[%dma_wait3A_381, %dma_wait3A_382] : memref<10112x128xf32, #tpu.memory_space<vmem_shared>> -> memref<10112x128xf32, #tpu.memory_space<vmem_shared>>
    tpu.wait_indirect_dma semaphore(%arg20 : memref<!tpu.dma_semaphore, #tpu.memory_space<semaphore_mem>>) src(%arg11 : memref<80x128xf32, #tpu.memory_space<vmem>>) dst(%dma_wait3A_383 : memref<10112x128xf32, #tpu.memory_space<vmem_shared>>)
    %dma_wait3A_384 = arith.constant 15 : i32
    %dma_wait3A_385 = arith.constant 0 : i32
    %dma_wait3A_386 = tpu.memref_slice %arg6[%dma_wait3A_384, %dma_wait3A_385] : memref<16x80xi32, #tpu.memory_space<vmem>> -> memref<1x80xi32, #tpu.memory_space<vmem>>
    %dma_wait3A_387 = tpu.memref_squeeze %dma_wait3A_386 : memref<1x80xi32, #tpu.memory_space<vmem>> -> memref<80xi32, #tpu.memory_space<vmem>>
    %dma_wait3A_388 = arith.constant 0 : i32
    %dma_wait3A_389 = arith.constant 0 : i32
    %dma_wait3A_390 = tpu.memref_slice %arg2[%dma_wait3A_388, %dma_wait3A_389] : memref<10000x128xf32, #tpu.memory_space<hbm>> -> memref<10000x128xf32, #tpu.memory_space<hbm>>
    tpu.wait_indirect_dma semaphore(%arg17 : memref<!tpu.dma_semaphore, #tpu.memory_space<semaphore_mem>>) src(%dma_wait3A_390 : memref<10000x128xf32, #tpu.memory_space<hbm>>) dst(%arg12 : memref<80x128xf32, #tpu.memory_space<vmem>>)
    %dma_start3A_391 = arith.constant 15 : i32
    %dma_start3A_392 = arith.constant 0 : i32
    %dma_start3A_393 = tpu.memref_slice %arg8[%dma_start3A_391, %dma_start3A_392] : memref<16x80xi32, #tpu.memory_space<vmem>> -> memref<1x80xi32, #tpu.memory_space<vmem>>
    %dma_start3A_394 = tpu.memref_squeeze %dma_start3A_393 : memref<1x80xi32, #tpu.memory_space<vmem>> -> memref<80xi32, #tpu.memory_space<vmem>>
    %dma_start3A_395 = arith.constant 0 : i32
    %dma_start3A_396 = arith.constant 0 : i32
    %dma_start3A_397 = tpu.memref_slice %arg13[%dma_start3A_395, %dma_start3A_396] : memref<10112x128xf32, #tpu.memory_space<vmem_shared>> -> memref<10112x128xf32, #tpu.memory_space<vmem_shared>>
    tpu.enqueue_indirect_dma source(%arg12 : memref<80x128xf32, #tpu.memory_space<vmem>>) target(%dma_start3A_397 : memref<10112x128xf32, #tpu.memory_space<vmem_shared>>) offsets(%dma_start3A_394 : memref<80xi32, #tpu.memory_space<vmem>>) semaphore(%arg21 : memref<!tpu.dma_semaphore, #tpu.memory_space<semaphore_mem>>) {add = true}
    %dma_wait3A_398 = arith.constant 15 : i32
    %dma_wait3A_399 = arith.constant 0 : i32
    %dma_wait3A_400 = tpu.memref_slice %arg8[%dma_wait3A_398, %dma_wait3A_399] : memref<16x80xi32, #tpu.memory_space<vmem>> -> memref<1x80xi32, #tpu.memory_space<vmem>>
    %dma_wait3A_401 = tpu.memref_squeeze %dma_wait3A_400 : memref<1x80xi32, #tpu.memory_space<vmem>> -> memref<80xi32, #tpu.memory_space<vmem>>
    %dma_wait3A_402 = arith.constant 0 : i32
    %dma_wait3A_403 = arith.constant 0 : i32
    %dma_wait3A_404 = tpu.memref_slice %arg13[%dma_wait3A_402, %dma_wait3A_403] : memref<10112x128xf32, #tpu.memory_space<vmem_shared>> -> memref<10112x128xf32, #tpu.memory_space<vmem_shared>>
    tpu.wait_indirect_dma semaphore(%arg21 : memref<!tpu.dma_semaphore, #tpu.memory_space<semaphore_mem>>) src(%arg12 : memref<80x128xf32, #tpu.memory_space<vmem>>) dst(%dma_wait3A_404 : memref<10112x128xf32, #tpu.memory_space<vmem_shared>>)
    %dma_wait3A_405 = arith.constant 0 : i32
    %dma_wait3A_406 = arith.constant 0 : i32
    %dma_wait3A_407 = arith.constant 0 : i32
    %dma_wait3A_408 = tpu.memref_slice %arg5[%dma_wait3A_406, %dma_wait3A_407] : memref<16x80xi32, #tpu.memory_space<vmem>> -> memref<16x80xi32, #tpu.memory_space<vmem>>
    %dma_wait3A_409 = arith.constant 32 : i32
    %dma_wait3A_410 = arith.constant 0 : i32
    %dma_wait3A_411 = tpu.memref_slice %arg3[%dma_wait3A_405, %add3A, %dma_wait3A_409, %dma_wait3A_410] : memref<2x32x125x80xi32, #tpu.memory_space<hbm>> -> memref<1x1x16x80xi32, #tpu.memory_space<hbm>>
    %dma_wait3A_412 = tpu.memref_squeeze %dma_wait3A_411 : memref<1x1x16x80xi32, #tpu.memory_space<hbm>> -> memref<16x80xi32, #tpu.memory_space<hbm>>
    %dma_wait3A_413 = arith.constant 0 : i32
    %dma_wait3A_414 = arith.constant 0 : i32
    %dma_wait3A_415 = tpu.memref_slice %arg5[%dma_wait3A_413, %dma_wait3A_414] : memref<16x80xi32, #tpu.memory_space<vmem>> -> memref<16x80xi32, #tpu.memory_space<vmem>>
    %dma_wait3A_416 = arith.constant 32 : i32
    %dma_wait3A_417 = arith.constant 0 : i32
    %dma_wait3A_418 = tpu.memref_slice %arg3[%dma_wait3A_405, %add3A, %dma_wait3A_416, %dma_wait3A_417] : memref<2x32x125x80xi32, #tpu.memory_space<hbm>> -> memref<1x1x16x80xi32, #tpu.memory_space<hbm>>
    %dma_wait3A_419 = tpu.memref_squeeze %dma_wait3A_418 : memref<1x1x16x80xi32, #tpu.memory_space<hbm>> -> memref<16x80xi32, #tpu.memory_space<hbm>>
    tpu.wait_dma2 semaphore(%arg22 : memref<!tpu.dma_semaphore, #tpu.memory_space<semaphore_mem>>) src(%dma_wait3A_419 : memref<16x80xi32, #tpu.memory_space<hbm>>) dst(%dma_wait3A_415 : memref<16x80xi32, #tpu.memory_space<vmem>>)
    %dma_wait3A_420 = arith.constant 1 : i32
    %dma_wait3A_421 = arith.constant 0 : i32
    %dma_wait3A_422 = arith.constant 0 : i32
    %dma_wait3A_423 = tpu.memref_slice %arg7[%dma_wait3A_421, %dma_wait3A_422] : memref<16x80xi32, #tpu.memory_space<vmem>> -> memref<16x80xi32, #tpu.memory_space<vmem>>
    %dma_wait3A_424 = arith.constant 32 : i32
    %dma_wait3A_425 = arith.constant 0 : i32
    %dma_wait3A_426 = tpu.memref_slice %arg3[%dma_wait3A_420, %add3A, %dma_wait3A_424, %dma_wait3A_425] : memref<2x32x125x80xi32, #tpu.memory_space<hbm>> -> memref<1x1x16x80xi32, #tpu.memory_space<hbm>>
    %dma_wait3A_427 = tpu.memref_squeeze %dma_wait3A_426 : memref<1x1x16x80xi32, #tpu.memory_space<hbm>> -> memref<16x80xi32, #tpu.memory_space<hbm>>
    %dma_wait3A_428 = arith.constant 0 : i32
    %dma_wait3A_429 = arith.constant 0 : i32
    %dma_wait3A_430 = tpu.memref_slice %arg7[%dma_wait3A_428, %dma_wait3A_429] : memref<16x80xi32, #tpu.memory_space<vmem>> -> memref<16x80xi32, #tpu.memory_space<vmem>>
    %dma_wait3A_431 = arith.constant 32 : i32
    %dma_wait3A_432 = arith.constant 0 : i32
    %dma_wait3A_433 = tpu.memref_slice %arg3[%dma_wait3A_420, %add3A, %dma_wait3A_431, %dma_wait3A_432] : memref<2x32x125x80xi32, #tpu.memory_space<hbm>> -> memref<1x1x16x80xi32, #tpu.memory_space<hbm>>
    %dma_wait3A_434 = tpu.memref_squeeze %dma_wait3A_433 : memref<1x1x16x80xi32, #tpu.memory_space<hbm>> -> memref<16x80xi32, #tpu.memory_space<hbm>>
    tpu.wait_dma2 semaphore(%arg24 : memref<!tpu.dma_semaphore, #tpu.memory_space<semaphore_mem>>) src(%dma_wait3A_434 : memref<16x80xi32, #tpu.memory_space<hbm>>) dst(%dma_wait3A_430 : memref<16x80xi32, #tpu.memory_space<vmem>>)
    %dma_start3A_435 = arith.constant 0 : i32
    %dma_start3A_436 = arith.constant 0 : i32
    %dma_start3A_437 = arith.constant 0 : i32
    %dma_start3A_438 = tpu.memref_slice %arg6[%dma_start3A_436, %dma_start3A_437] : memref<16x80xi32, #tpu.memory_space<vmem>> -> memref<16x80xi32, #tpu.memory_space<vmem>>
    %dma_start3A_439 = arith.constant 48 : i32
    %dma_start3A_440 = arith.constant 0 : i32
    %dma_start3A_441 = tpu.memref_slice %arg3[%dma_start3A_435, %add3A, %dma_start3A_439, %dma_start3A_440] : memref<2x32x125x80xi32, #tpu.memory_space<hbm>> -> memref<1x1x16x80xi32, #tpu.memory_space<hbm>>
    %dma_start3A_442 = tpu.memref_squeeze %dma_start3A_441 : memref<1x1x16x80xi32, #tpu.memory_space<hbm>> -> memref<16x80xi32, #tpu.memory_space<hbm>>
    %dma_start3A_443 = arith.constant 0 : i32
    %dma_start3A_444 = arith.constant 0 : i32
    %dma_start3A_445 = tpu.memref_slice %arg6[%dma_start3A_443, %dma_start3A_444] : memref<16x80xi32, #tpu.memory_space<vmem>> -> memref<16x80xi32, #tpu.memory_space<vmem>>
    %dma_start3A_446 = arith.constant 48 : i32
    %dma_start3A_447 = arith.constant 0 : i32
    %dma_start3A_448 = tpu.memref_slice %arg3[%dma_start3A_435, %add3A, %dma_start3A_446, %dma_start3A_447] : memref<2x32x125x80xi32, #tpu.memory_space<hbm>> -> memref<1x1x16x80xi32, #tpu.memory_space<hbm>>
    %dma_start3A_449 = tpu.memref_squeeze %dma_start3A_448 : memref<1x1x16x80xi32, #tpu.memory_space<hbm>> -> memref<16x80xi32, #tpu.memory_space<hbm>>
    tpu.enqueue_dma source(%dma_start3A_449 : memref<16x80xi32, #tpu.memory_space<hbm>>) target(%dma_start3A_445 : memref<16x80xi32, #tpu.memory_space<vmem>>) target_semaphore(%arg23 : memref<!tpu.dma_semaphore, #tpu.memory_space<semaphore_mem>>)
    %dma_start3A_450 = arith.constant 1 : i32
    %dma_start3A_451 = arith.constant 0 : i32
    %dma_start3A_452 = arith.constant 0 : i32
    %dma_start3A_453 = tpu.memref_slice %arg8[%dma_start3A_451, %dma_start3A_452] : memref<16x80xi32, #tpu.memory_space<vmem>> -> memref<16x80xi32, #tpu.memory_space<vmem>>
    %dma_start3A_454 = arith.constant 48 : i32
    %dma_start3A_455 = arith.constant 0 : i32
    %dma_start3A_456 = tpu.memref_slice %arg3[%dma_start3A_450, %add3A, %dma_start3A_454, %dma_start3A_455] : memref<2x32x125x80xi32, #tpu.memory_space<hbm>> -> memref<1x1x16x80xi32, #tpu.memory_space<hbm>>
    %dma_start3A_457 = tpu.memref_squeeze %dma_start3A_456 : memref<1x1x16x80xi32, #tpu.memory_space<hbm>> -> memref<16x80xi32, #tpu.memory_space<hbm>>
    %dma_start3A_458 = arith.constant 0 : i32
    %dma_start3A_459 = arith.constant 0 : i32
    %dma_start3A_460 = tpu.memref_slice %arg8[%dma_start3A_458, %dma_start3A_459] : memref<16x80xi32, #tpu.memory_space<vmem>> -> memref<16x80xi32, #tpu.memory_space<vmem>>
    %dma_start3A_461 = arith.constant 48 : i32
    %dma_start3A_462 = arith.constant 0 : i32
    %dma_start3A_463 = tpu.memref_slice %arg3[%dma_start3A_450, %add3A, %dma_start3A_461, %dma_start3A_462] : memref<2x32x125x80xi32, #tpu.memory_space<hbm>> -> memref<1x1x16x80xi32, #tpu.memory_space<hbm>>
    %dma_start3A_464 = tpu.memref_squeeze %dma_start3A_463 : memref<1x1x16x80xi32, #tpu.memory_space<hbm>> -> memref<16x80xi32, #tpu.memory_space<hbm>>
    tpu.enqueue_dma source(%dma_start3A_464 : memref<16x80xi32, #tpu.memory_space<hbm>>) target(%dma_start3A_460 : memref<16x80xi32, #tpu.memory_space<vmem>>) target_semaphore(%arg25 : memref<!tpu.dma_semaphore, #tpu.memory_space<semaphore_mem>>)
    %dma_start3A_465 = arith.constant 0 : i32
    %dma_start3A_466 = arith.constant 0 : i32
    %dma_start3A_467 = tpu.memref_slice %arg5[%dma_start3A_465, %dma_start3A_466] : memref<16x80xi32, #tpu.memory_space<vmem>> -> memref<1x80xi32, #tpu.memory_space<vmem>>
    %dma_start3A_468 = tpu.memref_squeeze %dma_start3A_467 : memref<1x80xi32, #tpu.memory_space<vmem>> -> memref<80xi32, #tpu.memory_space<vmem>>
    %dma_start3A_469 = arith.constant 0 : i32
    %dma_start3A_470 = arith.constant 0 : i32
    %dma_start3A_471 = tpu.memref_slice %arg2[%dma_start3A_469, %dma_start3A_470] : memref<10000x128xf32, #tpu.memory_space<hbm>> -> memref<10000x128xf32, #tpu.memory_space<hbm>>
    tpu.enqueue_indirect_dma source(%dma_start3A_471 : memref<10000x128xf32, #tpu.memory_space<hbm>>) target(%arg9 : memref<80x128xf32, #tpu.memory_space<vmem>>) offsets(%dma_start3A_468 : memref<80xi32, #tpu.memory_space<vmem>>) semaphore(%arg14 : memref<!tpu.dma_semaphore, #tpu.memory_space<semaphore_mem>>)
    %dma_start3A_472 = arith.constant 1 : i32
    %dma_start3A_473 = arith.constant 0 : i32
    %dma_start3A_474 = tpu.memref_slice %arg5[%dma_start3A_472, %dma_start3A_473] : memref<16x80xi32, #tpu.memory_space<vmem>> -> memref<1x80xi32, #tpu.memory_space<vmem>>
    %dma_start3A_475 = tpu.memref_squeeze %dma_start3A_474 : memref<1x80xi32, #tpu.memory_space<vmem>> -> memref<80xi32, #tpu.memory_space<vmem>>
    %dma_start3A_476 = arith.constant 0 : i32
    %dma_start3A_477 = arith.constant 0 : i32
    %dma_start3A_478 = tpu.memref_slice %arg2[%dma_start3A_476, %dma_start3A_477] : memref<10000x128xf32, #tpu.memory_space<hbm>> -> memref<10000x128xf32, #tpu.memory_space<hbm>>
    tpu.enqueue_indirect_dma source(%dma_start3A_478 : memref<10000x128xf32, #tpu.memory_space<hbm>>) target(%arg10 : memref<80x128xf32, #tpu.memory_space<vmem>>) offsets(%dma_start3A_475 : memref<80xi32, #tpu.memory_space<vmem>>) semaphore(%arg15 : memref<!tpu.dma_semaphore, #tpu.memory_space<semaphore_mem>>)
    %dma_start3A_479 = arith.constant 2 : i32
    %dma_start3A_480 = arith.constant 0 : i32
    %dma_start3A_481 = tpu.memref_slice %arg5[%dma_start3A_479, %dma_start3A_480] : memref<16x80xi32, #tpu.memory_space<vmem>> -> memref<1x80xi32, #tpu.memory_space<vmem>>
    %dma_start3A_482 = tpu.memref_squeeze %dma_start3A_481 : memref<1x80xi32, #tpu.memory_space<vmem>> -> memref<80xi32, #tpu.memory_space<vmem>>
    %dma_start3A_483 = arith.constant 0 : i32
    %dma_start3A_484 = arith.constant 0 : i32
    %dma_start3A_485 = tpu.memref_slice %arg2[%dma_start3A_483, %dma_start3A_484] : memref<10000x128xf32, #tpu.memory_space<hbm>> -> memref<10000x128xf32, #tpu.memory_space<hbm>>
    tpu.enqueue_indirect_dma source(%dma_start3A_485 : memref<10000x128xf32, #tpu.memory_space<hbm>>) target(%arg11 : memref<80x128xf32, #tpu.memory_space<vmem>>) offsets(%dma_start3A_482 : memref<80xi32, #tpu.memory_space<vmem>>) semaphore(%arg16 : memref<!tpu.dma_semaphore, #tpu.memory_space<semaphore_mem>>)
    %dma_wait3A_486 = arith.constant 0 : i32
    %dma_wait3A_487 = arith.constant 0 : i32
    %dma_wait3A_488 = tpu.memref_slice %arg5[%dma_wait3A_486, %dma_wait3A_487] : memref<16x80xi32, #tpu.memory_space<vmem>> -> memref<1x80xi32, #tpu.memory_space<vmem>>
    %dma_wait3A_489 = tpu.memref_squeeze %dma_wait3A_488 : memref<1x80xi32, #tpu.memory_space<vmem>> -> memref<80xi32, #tpu.memory_space<vmem>>
    %dma_wait3A_490 = arith.constant 0 : i32
    %dma_wait3A_491 = arith.constant 0 : i32
    %dma_wait3A_492 = tpu.memref_slice %arg2[%dma_wait3A_490, %dma_wait3A_491] : memref<10000x128xf32, #tpu.memory_space<hbm>> -> memref<10000x128xf32, #tpu.memory_space<hbm>>
    tpu.wait_indirect_dma semaphore(%arg14 : memref<!tpu.dma_semaphore, #tpu.memory_space<semaphore_mem>>) src(%dma_wait3A_492 : memref<10000x128xf32, #tpu.memory_space<hbm>>) dst(%arg9 : memref<80x128xf32, #tpu.memory_space<vmem>>)
    %dma_start3A_493 = arith.constant 0 : i32
    %dma_start3A_494 = arith.constant 0 : i32
    %dma_start3A_495 = tpu.memref_slice %arg7[%dma_start3A_493, %dma_start3A_494] : memref<16x80xi32, #tpu.memory_space<vmem>> -> memref<1x80xi32, #tpu.memory_space<vmem>>
    %dma_start3A_496 = tpu.memref_squeeze %dma_start3A_495 : memref<1x80xi32, #tpu.memory_space<vmem>> -> memref<80xi32, #tpu.memory_space<vmem>>
    %dma_start3A_497 = arith.constant 0 : i32
    %dma_start3A_498 = arith.constant 0 : i32
    %dma_start3A_499 = tpu.memref_slice %arg13[%dma_start3A_497, %dma_start3A_498] : memref<10112x128xf32, #tpu.memory_space<vmem_shared>> -> memref<10112x128xf32, #tpu.memory_space<vmem_shared>>
    tpu.enqueue_indirect_dma source(%arg9 : memref<80x128xf32, #tpu.memory_space<vmem>>) target(%dma_start3A_499 : memref<10112x128xf32, #tpu.memory_space<vmem_shared>>) offsets(%dma_start3A_496 : memref<80xi32, #tpu.memory_space<vmem>>) semaphore(%arg18 : memref<!tpu.dma_semaphore, #tpu.memory_space<semaphore_mem>>) {add = true}
    %dma_start3A_500 = arith.constant 3 : i32
    %dma_start3A_501 = arith.constant 0 : i32
    %dma_start3A_502 = tpu.memref_slice %arg5[%dma_start3A_500, %dma_start3A_501] : memref<16x80xi32, #tpu.memory_space<vmem>> -> memref<1x80xi32, #tpu.memory_space<vmem>>
    %dma_start3A_503 = tpu.memref_squeeze %dma_start3A_502 : memref<1x80xi32, #tpu.memory_space<vmem>> -> memref<80xi32, #tpu.memory_space<vmem>>
    %dma_start3A_504 = arith.constant 0 : i32
    %dma_start3A_505 = arith.constant 0 : i32
    %dma_start3A_506 = tpu.memref_slice %arg2[%dma_start3A_504, %dma_start3A_505] : memref<10000x128xf32, #tpu.memory_space<hbm>> -> memref<10000x128xf32, #tpu.memory_space<hbm>>
    tpu.enqueue_indirect_dma source(%dma_start3A_506 : memref<10000x128xf32, #tpu.memory_space<hbm>>) target(%arg12 : memref<80x128xf32, #tpu.memory_space<vmem>>) offsets(%dma_start3A_503 : memref<80xi32, #tpu.memory_space<vmem>>) semaphore(%arg17 : memref<!tpu.dma_semaphore, #tpu.memory_space<semaphore_mem>>)
    %scan3A_507 = arith.constant 0 : i32
    %scan3A_508 = arith.constant 3 : i32
    %scan3A_509 = arith.addi %scan3A_507, %scan3A_508 : i32
    %scan3A_510 = arith.constant 1 : i32
    scf.for %scan3A_1466 = %scan3A_507 to %scan3A_509 step %scan3A_510  : i32 {
      %mul3A_1467 = arith.constant 4 : i32
      %mul3A_1468 = arith.muli %scan3A_1466, %mul3A_1467 : i32
      %add3A_1469 = arith.constant 1 : i32
      %add3A_1470 = arith.addi %add3A_1469, %mul3A_1468 : i32
      %add3A_1471 = arith.constant 0 : i32
      %add3A_1472 = arith.addi %add3A_1470, %add3A_1471 : i32
      %sub3A = arith.constant 1 : i32
      %sub3A_1473 = arith.subi %add3A_1472, %sub3A : i32
      %dma_wait3A_1474 = arith.constant 0 : i32
      %dma_wait3A_1475 = tpu.memref_slice %arg7[%sub3A_1473, %dma_wait3A_1474] : memref<16x80xi32, #tpu.memory_space<vmem>> -> memref<1x80xi32, #tpu.memory_space<vmem>>
      %dma_wait3A_1476 = tpu.memref_squeeze %dma_wait3A_1475 : memref<1x80xi32, #tpu.memory_space<vmem>> -> memref<80xi32, #tpu.memory_space<vmem>>
      %dma_wait3A_1477 = arith.constant 0 : i32
      %dma_wait3A_1478 = arith.constant 0 : i32
      %dma_wait3A_1479 = tpu.memref_slice %arg13[%dma_wait3A_1477, %dma_wait3A_1478] : memref<10112x128xf32, #tpu.memory_space<vmem_shared>> -> memref<10112x128xf32, #tpu.memory_space<vmem_shared>>
      tpu.wait_indirect_dma semaphore(%arg18 : memref<!tpu.dma_semaphore, #tpu.memory_space<semaphore_mem>>) src(%arg9 : memref<80x128xf32, #tpu.memory_space<vmem>>) dst(%dma_wait3A_1479 : memref<10112x128xf32, #tpu.memory_space<vmem_shared>>)
      %add3A_1480 = arith.constant 3 : i32
      %add3A_1481 = arith.addi %add3A_1472, %add3A_1480 : i32
      %dma_start3A_1482 = arith.constant 0 : i32
      %dma_start3A_1483 = tpu.memref_slice %arg5[%add3A_1481, %dma_start3A_1482] : memref<16x80xi32, #tpu.memory_space<vmem>> -> memref<1x80xi32, #tpu.memory_space<vmem>>
      %dma_start3A_1484 = tpu.memref_squeeze %dma_start3A_1483 : memref<1x80xi32, #tpu.memory_space<vmem>> -> memref<80xi32, #tpu.memory_space<vmem>>
      %dma_start3A_1485 = arith.constant 0 : i32
      %dma_start3A_1486 = arith.constant 0 : i32
      %dma_start3A_1487 = tpu.memref_slice %arg2[%dma_start3A_1485, %dma_start3A_1486] : memref<10000x128xf32, #tpu.memory_space<hbm>> -> memref<10000x128xf32, #tpu.memory_space<hbm>>
      tpu.enqueue_indirect_dma source(%dma_start3A_1487 : memref<10000x128xf32, #tpu.memory_space<hbm>>) target(%arg9 : memref<80x128xf32, #tpu.memory_space<vmem>>) offsets(%dma_start3A_1484 : memref<80xi32, #tpu.memory_space<vmem>>) semaphore(%arg14 : memref<!tpu.dma_semaphore, #tpu.memory_space<semaphore_mem>>)
      %dma_wait3A_1488 = arith.constant 0 : i32
      %dma_wait3A_1489 = tpu.memref_slice %arg5[%add3A_1472, %dma_wait3A_1488] : memref<16x80xi32, #tpu.memory_space<vmem>> -> memref<1x80xi32, #tpu.memory_space<vmem>>
      %dma_wait3A_1490 = tpu.memref_squeeze %dma_wait3A_1489 : memref<1x80xi32, #tpu.memory_space<vmem>> -> memref<80xi32, #tpu.memory_space<vmem>>
      %dma_wait3A_1491 = arith.constant 0 : i32
      %dma_wait3A_1492 = arith.constant 0 : i32
      %dma_wait3A_1493 = tpu.memref_slice %arg2[%dma_wait3A_1491, %dma_wait3A_1492] : memref<10000x128xf32, #tpu.memory_space<hbm>> -> memref<10000x128xf32, #tpu.memory_space<hbm>>
      tpu.wait_indirect_dma semaphore(%arg15 : memref<!tpu.dma_semaphore, #tpu.memory_space<semaphore_mem>>) src(%dma_wait3A_1493 : memref<10000x128xf32, #tpu.memory_space<hbm>>) dst(%arg10 : memref<80x128xf32, #tpu.memory_space<vmem>>)
      %dma_start3A_1494 = arith.constant 0 : i32
      %dma_start3A_1495 = tpu.memref_slice %arg7[%add3A_1472, %dma_start3A_1494] : memref<16x80xi32, #tpu.memory_space<vmem>> -> memref<1x80xi32, #tpu.memory_space<vmem>>
      %dma_start3A_1496 = tpu.memref_squeeze %dma_start3A_1495 : memref<1x80xi32, #tpu.memory_space<vmem>> -> memref<80xi32, #tpu.memory_space<vmem>>
      %dma_start3A_1497 = arith.constant 0 : i32
      %dma_start3A_1498 = arith.constant 0 : i32
      %dma_start3A_1499 = tpu.memref_slice %arg13[%dma_start3A_1497, %dma_start3A_1498] : memref<10112x128xf32, #tpu.memory_space<vmem_shared>> -> memref<10112x128xf32, #tpu.memory_space<vmem_shared>>
      tpu.enqueue_indirect_dma source(%arg10 : memref<80x128xf32, #tpu.memory_space<vmem>>) target(%dma_start3A_1499 : memref<10112x128xf32, #tpu.memory_space<vmem_shared>>) offsets(%dma_start3A_1496 : memref<80xi32, #tpu.memory_space<vmem>>) semaphore(%arg19 : memref<!tpu.dma_semaphore, #tpu.memory_space<semaphore_mem>>) {add = true}
      %add3A_1500 = arith.constant 1 : i32
      %add3A_1501 = arith.addi %add3A_1470, %add3A_1500 : i32
      %sub3A_1502 = arith.constant 1 : i32
      %sub3A_1503 = arith.subi %add3A_1501, %sub3A_1502 : i32
      %dma_wait3A_1504 = arith.constant 0 : i32
      %dma_wait3A_1505 = tpu.memref_slice %arg7[%sub3A_1503, %dma_wait3A_1504] : memref<16x80xi32, #tpu.memory_space<vmem>> -> memref<1x80xi32, #tpu.memory_space<vmem>>
      %dma_wait3A_1506 = tpu.memref_squeeze %dma_wait3A_1505 : memref<1x80xi32, #tpu.memory_space<vmem>> -> memref<80xi32, #tpu.memory_space<vmem>>
      %dma_wait3A_1507 = arith.constant 0 : i32
      %dma_wait3A_1508 = arith.constant 0 : i32
      %dma_wait3A_1509 = tpu.memref_slice %arg13[%dma_wait3A_1507, %dma_wait3A_1508] : memref<10112x128xf32, #tpu.memory_space<vmem_shared>> -> memref<10112x128xf32, #tpu.memory_space<vmem_shared>>
      tpu.wait_indirect_dma semaphore(%arg19 : memref<!tpu.dma_semaphore, #tpu.memory_space<semaphore_mem>>) src(%arg10 : memref<80x128xf32, #tpu.memory_space<vmem>>) dst(%dma_wait3A_1509 : memref<10112x128xf32, #tpu.memory_space<vmem_shared>>)
      %add3A_1510 = arith.constant 3 : i32
      %add3A_1511 = arith.addi %add3A_1501, %add3A_1510 : i32
      %dma_start3A_1512 = arith.constant 0 : i32
      %dma_start3A_1513 = tpu.memref_slice %arg5[%add3A_1511, %dma_start3A_1512] : memref<16x80xi32, #tpu.memory_space<vmem>> -> memref<1x80xi32, #tpu.memory_space<vmem>>
      %dma_start3A_1514 = tpu.memref_squeeze %dma_start3A_1513 : memref<1x80xi32, #tpu.memory_space<vmem>> -> memref<80xi32, #tpu.memory_space<vmem>>
      %dma_start3A_1515 = arith.constant 0 : i32
      %dma_start3A_1516 = arith.constant 0 : i32
      %dma_start3A_1517 = tpu.memref_slice %arg2[%dma_start3A_1515, %dma_start3A_1516] : memref<10000x128xf32, #tpu.memory_space<hbm>> -> memref<10000x128xf32, #tpu.memory_space<hbm>>
      tpu.enqueue_indirect_dma source(%dma_start3A_1517 : memref<10000x128xf32, #tpu.memory_space<hbm>>) target(%arg10 : memref<80x128xf32, #tpu.memory_space<vmem>>) offsets(%dma_start3A_1514 : memref<80xi32, #tpu.memory_space<vmem>>) semaphore(%arg15 : memref<!tpu.dma_semaphore, #tpu.memory_space<semaphore_mem>>)
      %dma_wait3A_1518 = arith.constant 0 : i32
      %dma_wait3A_1519 = tpu.memref_slice %arg5[%add3A_1501, %dma_wait3A_1518] : memref<16x80xi32, #tpu.memory_space<vmem>> -> memref<1x80xi32, #tpu.memory_space<vmem>>
      %dma_wait3A_1520 = tpu.memref_squeeze %dma_wait3A_1519 : memref<1x80xi32, #tpu.memory_space<vmem>> -> memref<80xi32, #tpu.memory_space<vmem>>
      %dma_wait3A_1521 = arith.constant 0 : i32
      %dma_wait3A_1522 = arith.constant 0 : i32
      %dma_wait3A_1523 = tpu.memref_slice %arg2[%dma_wait3A_1521, %dma_wait3A_1522] : memref<10000x128xf32, #tpu.memory_space<hbm>> -> memref<10000x128xf32, #tpu.memory_space<hbm>>
      tpu.wait_indirect_dma semaphore(%arg16 : memref<!tpu.dma_semaphore, #tpu.memory_space<semaphore_mem>>) src(%dma_wait3A_1523 : memref<10000x128xf32, #tpu.memory_space<hbm>>) dst(%arg11 : memref<80x128xf32, #tpu.memory_space<vmem>>)
      %dma_start3A_1524 = arith.constant 0 : i32
      %dma_start3A_1525 = tpu.memref_slice %arg7[%add3A_1501, %dma_start3A_1524] : memref<16x80xi32, #tpu.memory_space<vmem>> -> memref<1x80xi32, #tpu.memory_space<vmem>>
      %dma_start3A_1526 = tpu.memref_squeeze %dma_start3A_1525 : memref<1x80xi32, #tpu.memory_space<vmem>> -> memref<80xi32, #tpu.memory_space<vmem>>
      %dma_start3A_1527 = arith.constant 0 : i32
      %dma_start3A_1528 = arith.constant 0 : i32
      %dma_start3A_1529 = tpu.memref_slice %arg13[%dma_start3A_1527, %dma_start3A_1528] : memref<10112x128xf32, #tpu.memory_space<vmem_shared>> -> memref<10112x128xf32, #tpu.memory_space<vmem_shared>>
      tpu.enqueue_indirect_dma source(%arg11 : memref<80x128xf32, #tpu.memory_space<vmem>>) target(%dma_start3A_1529 : memref<10112x128xf32, #tpu.memory_space<vmem_shared>>) offsets(%dma_start3A_1526 : memref<80xi32, #tpu.memory_space<vmem>>) semaphore(%arg20 : memref<!tpu.dma_semaphore, #tpu.memory_space<semaphore_mem>>) {add = true}
      %add3A_1530 = arith.constant 2 : i32
      %add3A_1531 = arith.addi %add3A_1470, %add3A_1530 : i32
      %sub3A_1532 = arith.constant 1 : i32
      %sub3A_1533 = arith.subi %add3A_1531, %sub3A_1532 : i32
      %dma_wait3A_1534 = arith.constant 0 : i32
      %dma_wait3A_1535 = tpu.memref_slice %arg7[%sub3A_1533, %dma_wait3A_1534] : memref<16x80xi32, #tpu.memory_space<vmem>> -> memref<1x80xi32, #tpu.memory_space<vmem>>
      %dma_wait3A_1536 = tpu.memref_squeeze %dma_wait3A_1535 : memref<1x80xi32, #tpu.memory_space<vmem>> -> memref<80xi32, #tpu.memory_space<vmem>>
      %dma_wait3A_1537 = arith.constant 0 : i32
      %dma_wait3A_1538 = arith.constant 0 : i32
      %dma_wait3A_1539 = tpu.memref_slice %arg13[%dma_wait3A_1537, %dma_wait3A_1538] : memref<10112x128xf32, #tpu.memory_space<vmem_shared>> -> memref<10112x128xf32, #tpu.memory_space<vmem_shared>>
      tpu.wait_indirect_dma semaphore(%arg20 : memref<!tpu.dma_semaphore, #tpu.memory_space<semaphore_mem>>) src(%arg11 : memref<80x128xf32, #tpu.memory_space<vmem>>) dst(%dma_wait3A_1539 : memref<10112x128xf32, #tpu.memory_space<vmem_shared>>)
      %add3A_1540 = arith.constant 3 : i32
      %add3A_1541 = arith.addi %add3A_1531, %add3A_1540 : i32
      %dma_start3A_1542 = arith.constant 0 : i32
      %dma_start3A_1543 = tpu.memref_slice %arg5[%add3A_1541, %dma_start3A_1542] : memref<16x80xi32, #tpu.memory_space<vmem>> -> memref<1x80xi32, #tpu.memory_space<vmem>>
      %dma_start3A_1544 = tpu.memref_squeeze %dma_start3A_1543 : memref<1x80xi32, #tpu.memory_space<vmem>> -> memref<80xi32, #tpu.memory_space<vmem>>
      %dma_start3A_1545 = arith.constant 0 : i32
      %dma_start3A_1546 = arith.constant 0 : i32
      %dma_start3A_1547 = tpu.memref_slice %arg2[%dma_start3A_1545, %dma_start3A_1546] : memref<10000x128xf32, #tpu.memory_space<hbm>> -> memref<10000x128xf32, #tpu.memory_space<hbm>>
      tpu.enqueue_indirect_dma source(%dma_start3A_1547 : memref<10000x128xf32, #tpu.memory_space<hbm>>) target(%arg11 : memref<80x128xf32, #tpu.memory_space<vmem>>) offsets(%dma_start3A_1544 : memref<80xi32, #tpu.memory_space<vmem>>) semaphore(%arg16 : memref<!tpu.dma_semaphore, #tpu.memory_space<semaphore_mem>>)
      %dma_wait3A_1548 = arith.constant 0 : i32
      %dma_wait3A_1549 = tpu.memref_slice %arg5[%add3A_1531, %dma_wait3A_1548] : memref<16x80xi32, #tpu.memory_space<vmem>> -> memref<1x80xi32, #tpu.memory_space<vmem>>
      %dma_wait3A_1550 = tpu.memref_squeeze %dma_wait3A_1549 : memref<1x80xi32, #tpu.memory_space<vmem>> -> memref<80xi32, #tpu.memory_space<vmem>>
      %dma_wait3A_1551 = arith.constant 0 : i32
      %dma_wait3A_1552 = arith.constant 0 : i32
      %dma_wait3A_1553 = tpu.memref_slice %arg2[%dma_wait3A_1551, %dma_wait3A_1552] : memref<10000x128xf32, #tpu.memory_space<hbm>> -> memref<10000x128xf32, #tpu.memory_space<hbm>>
      tpu.wait_indirect_dma semaphore(%arg17 : memref<!tpu.dma_semaphore, #tpu.memory_space<semaphore_mem>>) src(%dma_wait3A_1553 : memref<10000x128xf32, #tpu.memory_space<hbm>>) dst(%arg12 : memref<80x128xf32, #tpu.memory_space<vmem>>)
      %dma_start3A_1554 = arith.constant 0 : i32
      %dma_start3A_1555 = tpu.memref_slice %arg7[%add3A_1531, %dma_start3A_1554] : memref<16x80xi32, #tpu.memory_space<vmem>> -> memref<1x80xi32, #tpu.memory_space<vmem>>
      %dma_start3A_1556 = tpu.memref_squeeze %dma_start3A_1555 : memref<1x80xi32, #tpu.memory_space<vmem>> -> memref<80xi32, #tpu.memory_space<vmem>>
      %dma_start3A_1557 = arith.constant 0 : i32
      %dma_start3A_1558 = arith.constant 0 : i32
      %dma_start3A_1559 = tpu.memref_slice %arg13[%dma_start3A_1557, %dma_start3A_1558] : memref<10112x128xf32, #tpu.memory_space<vmem_shared>> -> memref<10112x128xf32, #tpu.memory_space<vmem_shared>>
      tpu.enqueue_indirect_dma source(%arg12 : memref<80x128xf32, #tpu.memory_space<vmem>>) target(%dma_start3A_1559 : memref<10112x128xf32, #tpu.memory_space<vmem_shared>>) offsets(%dma_start3A_1556 : memref<80xi32, #tpu.memory_space<vmem>>) semaphore(%arg21 : memref<!tpu.dma_semaphore, #tpu.memory_space<semaphore_mem>>) {add = true}
      %add3A_1560 = arith.constant 3 : i32
      %add3A_1561 = arith.addi %add3A_1470, %add3A_1560 : i32
      %sub3A_1562 = arith.constant 1 : i32
      %sub3A_1563 = arith.subi %add3A_1561, %sub3A_1562 : i32
      %dma_wait3A_1564 = arith.constant 0 : i32
      %dma_wait3A_1565 = tpu.memref_slice %arg7[%sub3A_1563, %dma_wait3A_1564] : memref<16x80xi32, #tpu.memory_space<vmem>> -> memref<1x80xi32, #tpu.memory_space<vmem>>
      %dma_wait3A_1566 = tpu.memref_squeeze %dma_wait3A_1565 : memref<1x80xi32, #tpu.memory_space<vmem>> -> memref<80xi32, #tpu.memory_space<vmem>>
      %dma_wait3A_1567 = arith.constant 0 : i32
      %dma_wait3A_1568 = arith.constant 0 : i32
      %dma_wait3A_1569 = tpu.memref_slice %arg13[%dma_wait3A_1567, %dma_wait3A_1568] : memref<10112x128xf32, #tpu.memory_space<vmem_shared>> -> memref<10112x128xf32, #tpu.memory_space<vmem_shared>>
      tpu.wait_indirect_dma semaphore(%arg21 : memref<!tpu.dma_semaphore, #tpu.memory_space<semaphore_mem>>) src(%arg12 : memref<80x128xf32, #tpu.memory_space<vmem>>) dst(%dma_wait3A_1569 : memref<10112x128xf32, #tpu.memory_space<vmem_shared>>)
      %add3A_1570 = arith.constant 3 : i32
      %add3A_1571 = arith.addi %add3A_1561, %add3A_1570 : i32
      %dma_start3A_1572 = arith.constant 0 : i32
      %dma_start3A_1573 = tpu.memref_slice %arg5[%add3A_1571, %dma_start3A_1572] : memref<16x80xi32, #tpu.memory_space<vmem>> -> memref<1x80xi32, #tpu.memory_space<vmem>>
      %dma_start3A_1574 = tpu.memref_squeeze %dma_start3A_1573 : memref<1x80xi32, #tpu.memory_space<vmem>> -> memref<80xi32, #tpu.memory_space<vmem>>
      %dma_start3A_1575 = arith.constant 0 : i32
      %dma_start3A_1576 = arith.constant 0 : i32
      %dma_start3A_1577 = tpu.memref_slice %arg2[%dma_start3A_1575, %dma_start3A_1576] : memref<10000x128xf32, #tpu.memory_space<hbm>> -> memref<10000x128xf32, #tpu.memory_space<hbm>>
      tpu.enqueue_indirect_dma source(%dma_start3A_1577 : memref<10000x128xf32, #tpu.memory_space<hbm>>) target(%arg12 : memref<80x128xf32, #tpu.memory_space<vmem>>) offsets(%dma_start3A_1574 : memref<80xi32, #tpu.memory_space<vmem>>) semaphore(%arg17 : memref<!tpu.dma_semaphore, #tpu.memory_space<semaphore_mem>>)
      %dma_wait3A_1578 = arith.constant 0 : i32
      %dma_wait3A_1579 = tpu.memref_slice %arg5[%add3A_1561, %dma_wait3A_1578] : memref<16x80xi32, #tpu.memory_space<vmem>> -> memref<1x80xi32, #tpu.memory_space<vmem>>
      %dma_wait3A_1580 = tpu.memref_squeeze %dma_wait3A_1579 : memref<1x80xi32, #tpu.memory_space<vmem>> -> memref<80xi32, #tpu.memory_space<vmem>>
      %dma_wait3A_1581 = arith.constant 0 : i32
      %dma_wait3A_1582 = arith.constant 0 : i32
      %dma_wait3A_1583 = tpu.memref_slice %arg2[%dma_wait3A_1581, %dma_wait3A_1582] : memref<10000x128xf32, #tpu.memory_space<hbm>> -> memref<10000x128xf32, #tpu.memory_space<hbm>>
      tpu.wait_indirect_dma semaphore(%arg14 : memref<!tpu.dma_semaphore, #tpu.memory_space<semaphore_mem>>) src(%dma_wait3A_1583 : memref<10000x128xf32, #tpu.memory_space<hbm>>) dst(%arg9 : memref<80x128xf32, #tpu.memory_space<vmem>>)
      %dma_start3A_1584 = arith.constant 0 : i32
      %dma_start3A_1585 = tpu.memref_slice %arg7[%add3A_1561, %dma_start3A_1584] : memref<16x80xi32, #tpu.memory_space<vmem>> -> memref<1x80xi32, #tpu.memory_space<vmem>>
      %dma_start3A_1586 = tpu.memref_squeeze %dma_start3A_1585 : memref<1x80xi32, #tpu.memory_space<vmem>> -> memref<80xi32, #tpu.memory_space<vmem>>
      %dma_start3A_1587 = arith.constant 0 : i32
      %dma_start3A_1588 = arith.constant 0 : i32
      %dma_start3A_1589 = tpu.memref_slice %arg13[%dma_start3A_1587, %dma_start3A_1588] : memref<10112x128xf32, #tpu.memory_space<vmem_shared>> -> memref<10112x128xf32, #tpu.memory_space<vmem_shared>>
      tpu.enqueue_indirect_dma source(%arg9 : memref<80x128xf32, #tpu.memory_space<vmem>>) target(%dma_start3A_1589 : memref<10112x128xf32, #tpu.memory_space<vmem_shared>>) offsets(%dma_start3A_1586 : memref<80xi32, #tpu.memory_space<vmem>>) semaphore(%arg18 : memref<!tpu.dma_semaphore, #tpu.memory_space<semaphore_mem>>) {add = true}
    }
    %scan3A_511 = arith.constant 3 : i32
    %dma_wait3A_512 = arith.constant 12 : i32
    %dma_wait3A_513 = arith.constant 0 : i32
    %dma_wait3A_514 = tpu.memref_slice %arg7[%dma_wait3A_512, %dma_wait3A_513] : memref<16x80xi32, #tpu.memory_space<vmem>> -> memref<1x80xi32, #tpu.memory_space<vmem>>
    %dma_wait3A_515 = tpu.memref_squeeze %dma_wait3A_514 : memref<1x80xi32, #tpu.memory_space<vmem>> -> memref<80xi32, #tpu.memory_space<vmem>>
    %dma_wait3A_516 = arith.constant 0 : i32
    %dma_wait3A_517 = arith.constant 0 : i32
    %dma_wait3A_518 = tpu.memref_slice %arg13[%dma_wait3A_516, %dma_wait3A_517] : memref<10112x128xf32, #tpu.memory_space<vmem_shared>> -> memref<10112x128xf32, #tpu.memory_space<vmem_shared>>
    tpu.wait_indirect_dma semaphore(%arg18 : memref<!tpu.dma_semaphore, #tpu.memory_space<semaphore_mem>>) src(%arg9 : memref<80x128xf32, #tpu.memory_space<vmem>>) dst(%dma_wait3A_518 : memref<10112x128xf32, #tpu.memory_space<vmem_shared>>)
    %dma_wait3A_519 = arith.constant 13 : i32
    %dma_wait3A_520 = arith.constant 0 : i32
    %dma_wait3A_521 = tpu.memref_slice %arg5[%dma_wait3A_519, %dma_wait3A_520] : memref<16x80xi32, #tpu.memory_space<vmem>> -> memref<1x80xi32, #tpu.memory_space<vmem>>
    %dma_wait3A_522 = tpu.memref_squeeze %dma_wait3A_521 : memref<1x80xi32, #tpu.memory_space<vmem>> -> memref<80xi32, #tpu.memory_space<vmem>>
    %dma_wait3A_523 = arith.constant 0 : i32
    %dma_wait3A_524 = arith.constant 0 : i32
    %dma_wait3A_525 = tpu.memref_slice %arg2[%dma_wait3A_523, %dma_wait3A_524] : memref<10000x128xf32, #tpu.memory_space<hbm>> -> memref<10000x128xf32, #tpu.memory_space<hbm>>
    tpu.wait_indirect_dma semaphore(%arg15 : memref<!tpu.dma_semaphore, #tpu.memory_space<semaphore_mem>>) src(%dma_wait3A_525 : memref<10000x128xf32, #tpu.memory_space<hbm>>) dst(%arg10 : memref<80x128xf32, #tpu.memory_space<vmem>>)
    %dma_start3A_526 = arith.constant 13 : i32
    %dma_start3A_527 = arith.constant 0 : i32
    %dma_start3A_528 = tpu.memref_slice %arg7[%dma_start3A_526, %dma_start3A_527] : memref<16x80xi32, #tpu.memory_space<vmem>> -> memref<1x80xi32, #tpu.memory_space<vmem>>
    %dma_start3A_529 = tpu.memref_squeeze %dma_start3A_528 : memref<1x80xi32, #tpu.memory_space<vmem>> -> memref<80xi32, #tpu.memory_space<vmem>>
    %dma_start3A_530 = arith.constant 0 : i32
    %dma_start3A_531 = arith.constant 0 : i32
    %dma_start3A_532 = tpu.memref_slice %arg13[%dma_start3A_530, %dma_start3A_531] : memref<10112x128xf32, #tpu.memory_space<vmem_shared>> -> memref<10112x128xf32, #tpu.memory_space<vmem_shared>>
    tpu.enqueue_indirect_dma source(%arg10 : memref<80x128xf32, #tpu.memory_space<vmem>>) target(%dma_start3A_532 : memref<10112x128xf32, #tpu.memory_space<vmem_shared>>) offsets(%dma_start3A_529 : memref<80xi32, #tpu.memory_space<vmem>>) semaphore(%arg19 : memref<!tpu.dma_semaphore, #tpu.memory_space<semaphore_mem>>) {add = true}
    %dma_wait3A_533 = arith.constant 13 : i32
    %dma_wait3A_534 = arith.constant 0 : i32
    %dma_wait3A_535 = tpu.memref_slice %arg7[%dma_wait3A_533, %dma_wait3A_534] : memref<16x80xi32, #tpu.memory_space<vmem>> -> memref<1x80xi32, #tpu.memory_space<vmem>>
    %dma_wait3A_536 = tpu.memref_squeeze %dma_wait3A_535 : memref<1x80xi32, #tpu.memory_space<vmem>> -> memref<80xi32, #tpu.memory_space<vmem>>
    %dma_wait3A_537 = arith.constant 0 : i32
    %dma_wait3A_538 = arith.constant 0 : i32
    %dma_wait3A_539 = tpu.memref_slice %arg13[%dma_wait3A_537, %dma_wait3A_538] : memref<10112x128xf32, #tpu.memory_space<vmem_shared>> -> memref<10112x128xf32, #tpu.memory_space<vmem_shared>>
    tpu.wait_indirect_dma semaphore(%arg19 : memref<!tpu.dma_semaphore, #tpu.memory_space<semaphore_mem>>) src(%arg10 : memref<80x128xf32, #tpu.memory_space<vmem>>) dst(%dma_wait3A_539 : memref<10112x128xf32, #tpu.memory_space<vmem_shared>>)
    %dma_wait3A_540 = arith.constant 14 : i32
    %dma_wait3A_541 = arith.constant 0 : i32
    %dma_wait3A_542 = tpu.memref_slice %arg5[%dma_wait3A_540, %dma_wait3A_541] : memref<16x80xi32, #tpu.memory_space<vmem>> -> memref<1x80xi32, #tpu.memory_space<vmem>>
    %dma_wait3A_543 = tpu.memref_squeeze %dma_wait3A_542 : memref<1x80xi32, #tpu.memory_space<vmem>> -> memref<80xi32, #tpu.memory_space<vmem>>
    %dma_wait3A_544 = arith.constant 0 : i32
    %dma_wait3A_545 = arith.constant 0 : i32
    %dma_wait3A_546 = tpu.memref_slice %arg2[%dma_wait3A_544, %dma_wait3A_545] : memref<10000x128xf32, #tpu.memory_space<hbm>> -> memref<10000x128xf32, #tpu.memory_space<hbm>>
    tpu.wait_indirect_dma semaphore(%arg16 : memref<!tpu.dma_semaphore, #tpu.memory_space<semaphore_mem>>) src(%dma_wait3A_546 : memref<10000x128xf32, #tpu.memory_space<hbm>>) dst(%arg11 : memref<80x128xf32, #tpu.memory_space<vmem>>)
    %dma_start3A_547 = arith.constant 14 : i32
    %dma_start3A_548 = arith.constant 0 : i32
    %dma_start3A_549 = tpu.memref_slice %arg7[%dma_start3A_547, %dma_start3A_548] : memref<16x80xi32, #tpu.memory_space<vmem>> -> memref<1x80xi32, #tpu.memory_space<vmem>>
    %dma_start3A_550 = tpu.memref_squeeze %dma_start3A_549 : memref<1x80xi32, #tpu.memory_space<vmem>> -> memref<80xi32, #tpu.memory_space<vmem>>
    %dma_start3A_551 = arith.constant 0 : i32
    %dma_start3A_552 = arith.constant 0 : i32
    %dma_start3A_553 = tpu.memref_slice %arg13[%dma_start3A_551, %dma_start3A_552] : memref<10112x128xf32, #tpu.memory_space<vmem_shared>> -> memref<10112x128xf32, #tpu.memory_space<vmem_shared>>
    tpu.enqueue_indirect_dma source(%arg11 : memref<80x128xf32, #tpu.memory_space<vmem>>) target(%dma_start3A_553 : memref<10112x128xf32, #tpu.memory_space<vmem_shared>>) offsets(%dma_start3A_550 : memref<80xi32, #tpu.memory_space<vmem>>) semaphore(%arg20 : memref<!tpu.dma_semaphore, #tpu.memory_space<semaphore_mem>>) {add = true}
    %dma_wait3A_554 = arith.constant 14 : i32
    %dma_wait3A_555 = arith.constant 0 : i32
    %dma_wait3A_556 = tpu.memref_slice %arg7[%dma_wait3A_554, %dma_wait3A_555] : memref<16x80xi32, #tpu.memory_space<vmem>> -> memref<1x80xi32, #tpu.memory_space<vmem>>
    %dma_wait3A_557 = tpu.memref_squeeze %dma_wait3A_556 : memref<1x80xi32, #tpu.memory_space<vmem>> -> memref<80xi32, #tpu.memory_space<vmem>>
    %dma_wait3A_558 = arith.constant 0 : i32
    %dma_wait3A_559 = arith.constant 0 : i32
    %dma_wait3A_560 = tpu.memref_slice %arg13[%dma_wait3A_558, %dma_wait3A_559] : memref<10112x128xf32, #tpu.memory_space<vmem_shared>> -> memref<10112x128xf32, #tpu.memory_space<vmem_shared>>
    tpu.wait_indirect_dma semaphore(%arg20 : memref<!tpu.dma_semaphore, #tpu.memory_space<semaphore_mem>>) src(%arg11 : memref<80x128xf32, #tpu.memory_space<vmem>>) dst(%dma_wait3A_560 : memref<10112x128xf32, #tpu.memory_space<vmem_shared>>)
    %dma_wait3A_561 = arith.constant 15 : i32
    %dma_wait3A_562 = arith.constant 0 : i32
    %dma_wait3A_563 = tpu.memref_slice %arg5[%dma_wait3A_561, %dma_wait3A_562] : memref<16x80xi32, #tpu.memory_space<vmem>> -> memref<1x80xi32, #tpu.memory_space<vmem>>
    %dma_wait3A_564 = tpu.memref_squeeze %dma_wait3A_563 : memref<1x80xi32, #tpu.memory_space<vmem>> -> memref<80xi32, #tpu.memory_space<vmem>>
    %dma_wait3A_565 = arith.constant 0 : i32
    %dma_wait3A_566 = arith.constant 0 : i32
    %dma_wait3A_567 = tpu.memref_slice %arg2[%dma_wait3A_565, %dma_wait3A_566] : memref<10000x128xf32, #tpu.memory_space<hbm>> -> memref<10000x128xf32, #tpu.memory_space<hbm>>
    tpu.wait_indirect_dma semaphore(%arg17 : memref<!tpu.dma_semaphore, #tpu.memory_space<semaphore_mem>>) src(%dma_wait3A_567 : memref<10000x128xf32, #tpu.memory_space<hbm>>) dst(%arg12 : memref<80x128xf32, #tpu.memory_space<vmem>>)
    %dma_start3A_568 = arith.constant 15 : i32
    %dma_start3A_569 = arith.constant 0 : i32
    %dma_start3A_570 = tpu.memref_slice %arg7[%dma_start3A_568, %dma_start3A_569] : memref<16x80xi32, #tpu.memory_space<vmem>> -> memref<1x80xi32, #tpu.memory_space<vmem>>
    %dma_start3A_571 = tpu.memref_squeeze %dma_start3A_570 : memref<1x80xi32, #tpu.memory_space<vmem>> -> memref<80xi32, #tpu.memory_space<vmem>>
    %dma_start3A_572 = arith.constant 0 : i32
    %dma_start3A_573 = arith.constant 0 : i32
    %dma_start3A_574 = tpu.memref_slice %arg13[%dma_start3A_572, %dma_start3A_573] : memref<10112x128xf32, #tpu.memory_space<vmem_shared>> -> memref<10112x128xf32, #tpu.memory_space<vmem_shared>>
    tpu.enqueue_indirect_dma source(%arg12 : memref<80x128xf32, #tpu.memory_space<vmem>>) target(%dma_start3A_574 : memref<10112x128xf32, #tpu.memory_space<vmem_shared>>) offsets(%dma_start3A_571 : memref<80xi32, #tpu.memory_space<vmem>>) semaphore(%arg21 : memref<!tpu.dma_semaphore, #tpu.memory_space<semaphore_mem>>) {add = true}
    %dma_wait3A_575 = arith.constant 15 : i32
    %dma_wait3A_576 = arith.constant 0 : i32
    %dma_wait3A_577 = tpu.memref_slice %arg7[%dma_wait3A_575, %dma_wait3A_576] : memref<16x80xi32, #tpu.memory_space<vmem>> -> memref<1x80xi32, #tpu.memory_space<vmem>>
    %dma_wait3A_578 = tpu.memref_squeeze %dma_wait3A_577 : memref<1x80xi32, #tpu.memory_space<vmem>> -> memref<80xi32, #tpu.memory_space<vmem>>
    %dma_wait3A_579 = arith.constant 0 : i32
    %dma_wait3A_580 = arith.constant 0 : i32
    %dma_wait3A_581 = tpu.memref_slice %arg13[%dma_wait3A_579, %dma_wait3A_580] : memref<10112x128xf32, #tpu.memory_space<vmem_shared>> -> memref<10112x128xf32, #tpu.memory_space<vmem_shared>>
    tpu.wait_indirect_dma semaphore(%arg21 : memref<!tpu.dma_semaphore, #tpu.memory_space<semaphore_mem>>) src(%arg12 : memref<80x128xf32, #tpu.memory_space<vmem>>) dst(%dma_wait3A_581 : memref<10112x128xf32, #tpu.memory_space<vmem_shared>>)
    %dma_wait3A_582 = arith.constant 0 : i32
    %dma_wait3A_583 = arith.constant 0 : i32
    %dma_wait3A_584 = arith.constant 0 : i32
    %dma_wait3A_585 = tpu.memref_slice %arg6[%dma_wait3A_583, %dma_wait3A_584] : memref<16x80xi32, #tpu.memory_space<vmem>> -> memref<16x80xi32, #tpu.memory_space<vmem>>
    %dma_wait3A_586 = arith.constant 48 : i32
    %dma_wait3A_587 = arith.constant 0 : i32
    %dma_wait3A_588 = tpu.memref_slice %arg3[%dma_wait3A_582, %add3A, %dma_wait3A_586, %dma_wait3A_587] : memref<2x32x125x80xi32, #tpu.memory_space<hbm>> -> memref<1x1x16x80xi32, #tpu.memory_space<hbm>>
    %dma_wait3A_589 = tpu.memref_squeeze %dma_wait3A_588 : memref<1x1x16x80xi32, #tpu.memory_space<hbm>> -> memref<16x80xi32, #tpu.memory_space<hbm>>
    %dma_wait3A_590 = arith.constant 0 : i32
    %dma_wait3A_591 = arith.constant 0 : i32
    %dma_wait3A_592 = tpu.memref_slice %arg6[%dma_wait3A_590, %dma_wait3A_591] : memref<16x80xi32, #tpu.memory_space<vmem>> -> memref<16x80xi32, #tpu.memory_space<vmem>>
    %dma_wait3A_593 = arith.constant 48 : i32
    %dma_wait3A_594 = arith.constant 0 : i32
    %dma_wait3A_595 = tpu.memref_slice %arg3[%dma_wait3A_582, %add3A, %dma_wait3A_593, %dma_wait3A_594] : memref<2x32x125x80xi32, #tpu.memory_space<hbm>> -> memref<1x1x16x80xi32, #tpu.memory_space<hbm>>
    %dma_wait3A_596 = tpu.memref_squeeze %dma_wait3A_595 : memref<1x1x16x80xi32, #tpu.memory_space<hbm>> -> memref<16x80xi32, #tpu.memory_space<hbm>>
    tpu.wait_dma2 semaphore(%arg23 : memref<!tpu.dma_semaphore, #tpu.memory_space<semaphore_mem>>) src(%dma_wait3A_596 : memref<16x80xi32, #tpu.memory_space<hbm>>) dst(%dma_wait3A_592 : memref<16x80xi32, #tpu.memory_space<vmem>>)
    %dma_wait3A_597 = arith.constant 1 : i32
    %dma_wait3A_598 = arith.constant 0 : i32
    %dma_wait3A_599 = arith.constant 0 : i32
    %dma_wait3A_600 = tpu.memref_slice %arg8[%dma_wait3A_598, %dma_wait3A_599] : memref<16x80xi32, #tpu.memory_space<vmem>> -> memref<16x80xi32, #tpu.memory_space<vmem>>
    %dma_wait3A_601 = arith.constant 48 : i32
    %dma_wait3A_602 = arith.constant 0 : i32
    %dma_wait3A_603 = tpu.memref_slice %arg3[%dma_wait3A_597, %add3A, %dma_wait3A_601, %dma_wait3A_602] : memref<2x32x125x80xi32, #tpu.memory_space<hbm>> -> memref<1x1x16x80xi32, #tpu.memory_space<hbm>>
    %dma_wait3A_604 = tpu.memref_squeeze %dma_wait3A_603 : memref<1x1x16x80xi32, #tpu.memory_space<hbm>> -> memref<16x80xi32, #tpu.memory_space<hbm>>
    %dma_wait3A_605 = arith.constant 0 : i32
    %dma_wait3A_606 = arith.constant 0 : i32
    %dma_wait3A_607 = tpu.memref_slice %arg8[%dma_wait3A_605, %dma_wait3A_606] : memref<16x80xi32, #tpu.memory_space<vmem>> -> memref<16x80xi32, #tpu.memory_space<vmem>>
    %dma_wait3A_608 = arith.constant 48 : i32
    %dma_wait3A_609 = arith.constant 0 : i32
    %dma_wait3A_610 = tpu.memref_slice %arg3[%dma_wait3A_597, %add3A, %dma_wait3A_608, %dma_wait3A_609] : memref<2x32x125x80xi32, #tpu.memory_space<hbm>> -> memref<1x1x16x80xi32, #tpu.memory_space<hbm>>
    %dma_wait3A_611 = tpu.memref_squeeze %dma_wait3A_610 : memref<1x1x16x80xi32, #tpu.memory_space<hbm>> -> memref<16x80xi32, #tpu.memory_space<hbm>>
    tpu.wait_dma2 semaphore(%arg25 : memref<!tpu.dma_semaphore, #tpu.memory_space<semaphore_mem>>) src(%dma_wait3A_611 : memref<16x80xi32, #tpu.memory_space<hbm>>) dst(%dma_wait3A_607 : memref<16x80xi32, #tpu.memory_space<vmem>>)
    %dma_start3A_612 = arith.constant 0 : i32
    %dma_start3A_613 = arith.constant 0 : i32
    %dma_start3A_614 = arith.constant 0 : i32
    %dma_start3A_615 = tpu.memref_slice %arg5[%dma_start3A_613, %dma_start3A_614] : memref<16x80xi32, #tpu.memory_space<vmem>> -> memref<16x80xi32, #tpu.memory_space<vmem>>
    %dma_start3A_616 = arith.constant 64 : i32
    %dma_start3A_617 = arith.constant 0 : i32
    %dma_start3A_618 = tpu.memref_slice %arg3[%dma_start3A_612, %add3A, %dma_start3A_616, %dma_start3A_617] : memref<2x32x125x80xi32, #tpu.memory_space<hbm>> -> memref<1x1x16x80xi32, #tpu.memory_space<hbm>>
    %dma_start3A_619 = tpu.memref_squeeze %dma_start3A_618 : memref<1x1x16x80xi32, #tpu.memory_space<hbm>> -> memref<16x80xi32, #tpu.memory_space<hbm>>
    %dma_start3A_620 = arith.constant 0 : i32
    %dma_start3A_621 = arith.constant 0 : i32
    %dma_start3A_622 = tpu.memref_slice %arg5[%dma_start3A_620, %dma_start3A_621] : memref<16x80xi32, #tpu.memory_space<vmem>> -> memref<16x80xi32, #tpu.memory_space<vmem>>
    %dma_start3A_623 = arith.constant 64 : i32
    %dma_start3A_624 = arith.constant 0 : i32
    %dma_start3A_625 = tpu.memref_slice %arg3[%dma_start3A_612, %add3A, %dma_start3A_623, %dma_start3A_624] : memref<2x32x125x80xi32, #tpu.memory_space<hbm>> -> memref<1x1x16x80xi32, #tpu.memory_space<hbm>>
    %dma_start3A_626 = tpu.memref_squeeze %dma_start3A_625 : memref<1x1x16x80xi32, #tpu.memory_space<hbm>> -> memref<16x80xi32, #tpu.memory_space<hbm>>
    tpu.enqueue_dma source(%dma_start3A_626 : memref<16x80xi32, #tpu.memory_space<hbm>>) target(%dma_start3A_622 : memref<16x80xi32, #tpu.memory_space<vmem>>) target_semaphore(%arg22 : memref<!tpu.dma_semaphore, #tpu.memory_space<semaphore_mem>>)
    %dma_start3A_627 = arith.constant 1 : i32
    %dma_start3A_628 = arith.constant 0 : i32
    %dma_start3A_629 = arith.constant 0 : i32
    %dma_start3A_630 = tpu.memref_slice %arg7[%dma_start3A_628, %dma_start3A_629] : memref<16x80xi32, #tpu.memory_space<vmem>> -> memref<16x80xi32, #tpu.memory_space<vmem>>
    %dma_start3A_631 = arith.constant 64 : i32
    %dma_start3A_632 = arith.constant 0 : i32
    %dma_start3A_633 = tpu.memref_slice %arg3[%dma_start3A_627, %add3A, %dma_start3A_631, %dma_start3A_632] : memref<2x32x125x80xi32, #tpu.memory_space<hbm>> -> memref<1x1x16x80xi32, #tpu.memory_space<hbm>>
    %dma_start3A_634 = tpu.memref_squeeze %dma_start3A_633 : memref<1x1x16x80xi32, #tpu.memory_space<hbm>> -> memref<16x80xi32, #tpu.memory_space<hbm>>
    %dma_start3A_635 = arith.constant 0 : i32
    %dma_start3A_636 = arith.constant 0 : i32
    %dma_start3A_637 = tpu.memref_slice %arg7[%dma_start3A_635, %dma_start3A_636] : memref<16x80xi32, #tpu.memory_space<vmem>> -> memref<16x80xi32, #tpu.memory_space<vmem>>
    %dma_start3A_638 = arith.constant 64 : i32
    %dma_start3A_639 = arith.constant 0 : i32
    %dma_start3A_640 = tpu.memref_slice %arg3[%dma_start3A_627, %add3A, %dma_start3A_638, %dma_start3A_639] : memref<2x32x125x80xi32, #tpu.memory_space<hbm>> -> memref<1x1x16x80xi32, #tpu.memory_space<hbm>>
    %dma_start3A_641 = tpu.memref_squeeze %dma_start3A_640 : memref<1x1x16x80xi32, #tpu.memory_space<hbm>> -> memref<16x80xi32, #tpu.memory_space<hbm>>
    tpu.enqueue_dma source(%dma_start3A_641 : memref<16x80xi32, #tpu.memory_space<hbm>>) target(%dma_start3A_637 : memref<16x80xi32, #tpu.memory_space<vmem>>) target_semaphore(%arg24 : memref<!tpu.dma_semaphore, #tpu.memory_space<semaphore_mem>>)
    %dma_start3A_642 = arith.constant 0 : i32
    %dma_start3A_643 = arith.constant 0 : i32
    %dma_start3A_644 = tpu.memref_slice %arg6[%dma_start3A_642, %dma_start3A_643] : memref<16x80xi32, #tpu.memory_space<vmem>> -> memref<1x80xi32, #tpu.memory_space<vmem>>
    %dma_start3A_645 = tpu.memref_squeeze %dma_start3A_644 : memref<1x80xi32, #tpu.memory_space<vmem>> -> memref<80xi32, #tpu.memory_space<vmem>>
    %dma_start3A_646 = arith.constant 0 : i32
    %dma_start3A_647 = arith.constant 0 : i32
    %dma_start3A_648 = tpu.memref_slice %arg2[%dma_start3A_646, %dma_start3A_647] : memref<10000x128xf32, #tpu.memory_space<hbm>> -> memref<10000x128xf32, #tpu.memory_space<hbm>>
    tpu.enqueue_indirect_dma source(%dma_start3A_648 : memref<10000x128xf32, #tpu.memory_space<hbm>>) target(%arg9 : memref<80x128xf32, #tpu.memory_space<vmem>>) offsets(%dma_start3A_645 : memref<80xi32, #tpu.memory_space<vmem>>) semaphore(%arg14 : memref<!tpu.dma_semaphore, #tpu.memory_space<semaphore_mem>>)
    %dma_start3A_649 = arith.constant 1 : i32
    %dma_start3A_650 = arith.constant 0 : i32
    %dma_start3A_651 = tpu.memref_slice %arg6[%dma_start3A_649, %dma_start3A_650] : memref<16x80xi32, #tpu.memory_space<vmem>> -> memref<1x80xi32, #tpu.memory_space<vmem>>
    %dma_start3A_652 = tpu.memref_squeeze %dma_start3A_651 : memref<1x80xi32, #tpu.memory_space<vmem>> -> memref<80xi32, #tpu.memory_space<vmem>>
    %dma_start3A_653 = arith.constant 0 : i32
    %dma_start3A_654 = arith.constant 0 : i32
    %dma_start3A_655 = tpu.memref_slice %arg2[%dma_start3A_653, %dma_start3A_654] : memref<10000x128xf32, #tpu.memory_space<hbm>> -> memref<10000x128xf32, #tpu.memory_space<hbm>>
    tpu.enqueue_indirect_dma source(%dma_start3A_655 : memref<10000x128xf32, #tpu.memory_space<hbm>>) target(%arg10 : memref<80x128xf32, #tpu.memory_space<vmem>>) offsets(%dma_start3A_652 : memref<80xi32, #tpu.memory_space<vmem>>) semaphore(%arg15 : memref<!tpu.dma_semaphore, #tpu.memory_space<semaphore_mem>>)
    %dma_start3A_656 = arith.constant 2 : i32
    %dma_start3A_657 = arith.constant 0 : i32
    %dma_start3A_658 = tpu.memref_slice %arg6[%dma_start3A_656, %dma_start3A_657] : memref<16x80xi32, #tpu.memory_space<vmem>> -> memref<1x80xi32, #tpu.memory_space<vmem>>
    %dma_start3A_659 = tpu.memref_squeeze %dma_start3A_658 : memref<1x80xi32, #tpu.memory_space<vmem>> -> memref<80xi32, #tpu.memory_space<vmem>>
    %dma_start3A_660 = arith.constant 0 : i32
    %dma_start3A_661 = arith.constant 0 : i32
    %dma_start3A_662 = tpu.memref_slice %arg2[%dma_start3A_660, %dma_start3A_661] : memref<10000x128xf32, #tpu.memory_space<hbm>> -> memref<10000x128xf32, #tpu.memory_space<hbm>>
    tpu.enqueue_indirect_dma source(%dma_start3A_662 : memref<10000x128xf32, #tpu.memory_space<hbm>>) target(%arg11 : memref<80x128xf32, #tpu.memory_space<vmem>>) offsets(%dma_start3A_659 : memref<80xi32, #tpu.memory_space<vmem>>) semaphore(%arg16 : memref<!tpu.dma_semaphore, #tpu.memory_space<semaphore_mem>>)
    %dma_wait3A_663 = arith.constant 0 : i32
    %dma_wait3A_664 = arith.constant 0 : i32
    %dma_wait3A_665 = tpu.memref_slice %arg6[%dma_wait3A_663, %dma_wait3A_664] : memref<16x80xi32, #tpu.memory_space<vmem>> -> memref<1x80xi32, #tpu.memory_space<vmem>>
    %dma_wait3A_666 = tpu.memref_squeeze %dma_wait3A_665 : memref<1x80xi32, #tpu.memory_space<vmem>> -> memref<80xi32, #tpu.memory_space<vmem>>
    %dma_wait3A_667 = arith.constant 0 : i32
    %dma_wait3A_668 = arith.constant 0 : i32
    %dma_wait3A_669 = tpu.memref_slice %arg2[%dma_wait3A_667, %dma_wait3A_668] : memref<10000x128xf32, #tpu.memory_space<hbm>> -> memref<10000x128xf32, #tpu.memory_space<hbm>>
    tpu.wait_indirect_dma semaphore(%arg14 : memref<!tpu.dma_semaphore, #tpu.memory_space<semaphore_mem>>) src(%dma_wait3A_669 : memref<10000x128xf32, #tpu.memory_space<hbm>>) dst(%arg9 : memref<80x128xf32, #tpu.memory_space<vmem>>)
    %dma_start3A_670 = arith.constant 0 : i32
    %dma_start3A_671 = arith.constant 0 : i32
    %dma_start3A_672 = tpu.memref_slice %arg8[%dma_start3A_670, %dma_start3A_671] : memref<16x80xi32, #tpu.memory_space<vmem>> -> memref<1x80xi32, #tpu.memory_space<vmem>>
    %dma_start3A_673 = tpu.memref_squeeze %dma_start3A_672 : memref<1x80xi32, #tpu.memory_space<vmem>> -> memref<80xi32, #tpu.memory_space<vmem>>
    %dma_start3A_674 = arith.constant 0 : i32
    %dma_start3A_675 = arith.constant 0 : i32
    %dma_start3A_676 = tpu.memref_slice %arg13[%dma_start3A_674, %dma_start3A_675] : memref<10112x128xf32, #tpu.memory_space<vmem_shared>> -> memref<10112x128xf32, #tpu.memory_space<vmem_shared>>
    tpu.enqueue_indirect_dma source(%arg9 : memref<80x128xf32, #tpu.memory_space<vmem>>) target(%dma_start3A_676 : memref<10112x128xf32, #tpu.memory_space<vmem_shared>>) offsets(%dma_start3A_673 : memref<80xi32, #tpu.memory_space<vmem>>) semaphore(%arg18 : memref<!tpu.dma_semaphore, #tpu.memory_space<semaphore_mem>>) {add = true}
    %dma_start3A_677 = arith.constant 3 : i32
    %dma_start3A_678 = arith.constant 0 : i32
    %dma_start3A_679 = tpu.memref_slice %arg6[%dma_start3A_677, %dma_start3A_678] : memref<16x80xi32, #tpu.memory_space<vmem>> -> memref<1x80xi32, #tpu.memory_space<vmem>>
    %dma_start3A_680 = tpu.memref_squeeze %dma_start3A_679 : memref<1x80xi32, #tpu.memory_space<vmem>> -> memref<80xi32, #tpu.memory_space<vmem>>
    %dma_start3A_681 = arith.constant 0 : i32
    %dma_start3A_682 = arith.constant 0 : i32
    %dma_start3A_683 = tpu.memref_slice %arg2[%dma_start3A_681, %dma_start3A_682] : memref<10000x128xf32, #tpu.memory_space<hbm>> -> memref<10000x128xf32, #tpu.memory_space<hbm>>
    tpu.enqueue_indirect_dma source(%dma_start3A_683 : memref<10000x128xf32, #tpu.memory_space<hbm>>) target(%arg12 : memref<80x128xf32, #tpu.memory_space<vmem>>) offsets(%dma_start3A_680 : memref<80xi32, #tpu.memory_space<vmem>>) semaphore(%arg17 : memref<!tpu.dma_semaphore, #tpu.memory_space<semaphore_mem>>)
    %scan3A_684 = arith.constant 0 : i32
    %scan3A_685 = arith.constant 3 : i32
    %scan3A_686 = arith.addi %scan3A_684, %scan3A_685 : i32
    %scan3A_687 = arith.constant 1 : i32
    scf.for %scan3A_1466 = %scan3A_684 to %scan3A_686 step %scan3A_687  : i32 {
      %mul3A_1467 = arith.constant 4 : i32
      %mul3A_1468 = arith.muli %scan3A_1466, %mul3A_1467 : i32
      %add3A_1469 = arith.constant 1 : i32
      %add3A_1470 = arith.addi %add3A_1469, %mul3A_1468 : i32
      %add3A_1471 = arith.constant 0 : i32
      %add3A_1472 = arith.addi %add3A_1470, %add3A_1471 : i32
      %sub3A = arith.constant 1 : i32
      %sub3A_1473 = arith.subi %add3A_1472, %sub3A : i32
      %dma_wait3A_1474 = arith.constant 0 : i32
      %dma_wait3A_1475 = tpu.memref_slice %arg8[%sub3A_1473, %dma_wait3A_1474] : memref<16x80xi32, #tpu.memory_space<vmem>> -> memref<1x80xi32, #tpu.memory_space<vmem>>
      %dma_wait3A_1476 = tpu.memref_squeeze %dma_wait3A_1475 : memref<1x80xi32, #tpu.memory_space<vmem>> -> memref<80xi32, #tpu.memory_space<vmem>>
      %dma_wait3A_1477 = arith.constant 0 : i32
      %dma_wait3A_1478 = arith.constant 0 : i32
      %dma_wait3A_1479 = tpu.memref_slice %arg13[%dma_wait3A_1477, %dma_wait3A_1478] : memref<10112x128xf32, #tpu.memory_space<vmem_shared>> -> memref<10112x128xf32, #tpu.memory_space<vmem_shared>>
      tpu.wait_indirect_dma semaphore(%arg18 : memref<!tpu.dma_semaphore, #tpu.memory_space<semaphore_mem>>) src(%arg9 : memref<80x128xf32, #tpu.memory_space<vmem>>) dst(%dma_wait3A_1479 : memref<10112x128xf32, #tpu.memory_space<vmem_shared>>)
      %add3A_1480 = arith.constant 3 : i32
      %add3A_1481 = arith.addi %add3A_1472, %add3A_1480 : i32
      %dma_start3A_1482 = arith.constant 0 : i32
      %dma_start3A_1483 = tpu.memref_slice %arg6[%add3A_1481, %dma_start3A_1482] : memref<16x80xi32, #tpu.memory_space<vmem>> -> memref<1x80xi32, #tpu.memory_space<vmem>>
      %dma_start3A_1484 = tpu.memref_squeeze %dma_start3A_1483 : memref<1x80xi32, #tpu.memory_space<vmem>> -> memref<80xi32, #tpu.memory_space<vmem>>
      %dma_start3A_1485 = arith.constant 0 : i32
      %dma_start3A_1486 = arith.constant 0 : i32
      %dma_start3A_1487 = tpu.memref_slice %arg2[%dma_start3A_1485, %dma_start3A_1486] : memref<10000x128xf32, #tpu.memory_space<hbm>> -> memref<10000x128xf32, #tpu.memory_space<hbm>>
      tpu.enqueue_indirect_dma source(%dma_start3A_1487 : memref<10000x128xf32, #tpu.memory_space<hbm>>) target(%arg9 : memref<80x128xf32, #tpu.memory_space<vmem>>) offsets(%dma_start3A_1484 : memref<80xi32, #tpu.memory_space<vmem>>) semaphore(%arg14 : memref<!tpu.dma_semaphore, #tpu.memory_space<semaphore_mem>>)
      %dma_wait3A_1488 = arith.constant 0 : i32
      %dma_wait3A_1489 = tpu.memref_slice %arg6[%add3A_1472, %dma_wait3A_1488] : memref<16x80xi32, #tpu.memory_space<vmem>> -> memref<1x80xi32, #tpu.memory_space<vmem>>
      %dma_wait3A_1490 = tpu.memref_squeeze %dma_wait3A_1489 : memref<1x80xi32, #tpu.memory_space<vmem>> -> memref<80xi32, #tpu.memory_space<vmem>>
      %dma_wait3A_1491 = arith.constant 0 : i32
      %dma_wait3A_1492 = arith.constant 0 : i32
      %dma_wait3A_1493 = tpu.memref_slice %arg2[%dma_wait3A_1491, %dma_wait3A_1492] : memref<10000x128xf32, #tpu.memory_space<hbm>> -> memref<10000x128xf32, #tpu.memory_space<hbm>>
      tpu.wait_indirect_dma semaphore(%arg15 : memref<!tpu.dma_semaphore, #tpu.memory_space<semaphore_mem>>) src(%dma_wait3A_1493 : memref<10000x128xf32, #tpu.memory_space<hbm>>) dst(%arg10 : memref<80x128xf32, #tpu.memory_space<vmem>>)
      %dma_start3A_1494 = arith.constant 0 : i32
      %dma_start3A_1495 = tpu.memref_slice %arg8[%add3A_1472, %dma_start3A_1494] : memref<16x80xi32, #tpu.memory_space<vmem>> -> memref<1x80xi32, #tpu.memory_space<vmem>>
      %dma_start3A_1496 = tpu.memref_squeeze %dma_start3A_1495 : memref<1x80xi32, #tpu.memory_space<vmem>> -> memref<80xi32, #tpu.memory_space<vmem>>
      %dma_start3A_1497 = arith.constant 0 : i32
      %dma_start3A_1498 = arith.constant 0 : i32
      %dma_start3A_1499 = tpu.memref_slice %arg13[%dma_start3A_1497, %dma_start3A_1498] : memref<10112x128xf32, #tpu.memory_space<vmem_shared>> -> memref<10112x128xf32, #tpu.memory_space<vmem_shared>>
      tpu.enqueue_indirect_dma source(%arg10 : memref<80x128xf32, #tpu.memory_space<vmem>>) target(%dma_start3A_1499 : memref<10112x128xf32, #tpu.memory_space<vmem_shared>>) offsets(%dma_start3A_1496 : memref<80xi32, #tpu.memory_space<vmem>>) semaphore(%arg19 : memref<!tpu.dma_semaphore, #tpu.memory_space<semaphore_mem>>) {add = true}
      %add3A_1500 = arith.constant 1 : i32
      %add3A_1501 = arith.addi %add3A_1470, %add3A_1500 : i32
      %sub3A_1502 = arith.constant 1 : i32
      %sub3A_1503 = arith.subi %add3A_1501, %sub3A_1502 : i32
      %dma_wait3A_1504 = arith.constant 0 : i32
      %dma_wait3A_1505 = tpu.memref_slice %arg8[%sub3A_1503, %dma_wait3A_1504] : memref<16x80xi32, #tpu.memory_space<vmem>> -> memref<1x80xi32, #tpu.memory_space<vmem>>
      %dma_wait3A_1506 = tpu.memref_squeeze %dma_wait3A_1505 : memref<1x80xi32, #tpu.memory_space<vmem>> -> memref<80xi32, #tpu.memory_space<vmem>>
      %dma_wait3A_1507 = arith.constant 0 : i32
      %dma_wait3A_1508 = arith.constant 0 : i32
      %dma_wait3A_1509 = tpu.memref_slice %arg13[%dma_wait3A_1507, %dma_wait3A_1508] : memref<10112x128xf32, #tpu.memory_space<vmem_shared>> -> memref<10112x128xf32, #tpu.memory_space<vmem_shared>>
      tpu.wait_indirect_dma semaphore(%arg19 : memref<!tpu.dma_semaphore, #tpu.memory_space<semaphore_mem>>) src(%arg10 : memref<80x128xf32, #tpu.memory_space<vmem>>) dst(%dma_wait3A_1509 : memref<10112x128xf32, #tpu.memory_space<vmem_shared>>)
      %add3A_1510 = arith.constant 3 : i32
      %add3A_1511 = arith.addi %add3A_1501, %add3A_1510 : i32
      %dma_start3A_1512 = arith.constant 0 : i32
      %dma_start3A_1513 = tpu.memref_slice %arg6[%add3A_1511, %dma_start3A_1512] : memref<16x80xi32, #tpu.memory_space<vmem>> -> memref<1x80xi32, #tpu.memory_space<vmem>>
      %dma_start3A_1514 = tpu.memref_squeeze %dma_start3A_1513 : memref<1x80xi32, #tpu.memory_space<vmem>> -> memref<80xi32, #tpu.memory_space<vmem>>
      %dma_start3A_1515 = arith.constant 0 : i32
      %dma_start3A_1516 = arith.constant 0 : i32
      %dma_start3A_1517 = tpu.memref_slice %arg2[%dma_start3A_1515, %dma_start3A_1516] : memref<10000x128xf32, #tpu.memory_space<hbm>> -> memref<10000x128xf32, #tpu.memory_space<hbm>>
      tpu.enqueue_indirect_dma source(%dma_start3A_1517 : memref<10000x128xf32, #tpu.memory_space<hbm>>) target(%arg10 : memref<80x128xf32, #tpu.memory_space<vmem>>) offsets(%dma_start3A_1514 : memref<80xi32, #tpu.memory_space<vmem>>) semaphore(%arg15 : memref<!tpu.dma_semaphore, #tpu.memory_space<semaphore_mem>>)
      %dma_wait3A_1518 = arith.constant 0 : i32
      %dma_wait3A_1519 = tpu.memref_slice %arg6[%add3A_1501, %dma_wait3A_1518] : memref<16x80xi32, #tpu.memory_space<vmem>> -> memref<1x80xi32, #tpu.memory_space<vmem>>
      %dma_wait3A_1520 = tpu.memref_squeeze %dma_wait3A_1519 : memref<1x80xi32, #tpu.memory_space<vmem>> -> memref<80xi32, #tpu.memory_space<vmem>>
      %dma_wait3A_1521 = arith.constant 0 : i32
      %dma_wait3A_1522 = arith.constant 0 : i32
      %dma_wait3A_1523 = tpu.memref_slice %arg2[%dma_wait3A_1521, %dma_wait3A_1522] : memref<10000x128xf32, #tpu.memory_space<hbm>> -> memref<10000x128xf32, #tpu.memory_space<hbm>>
      tpu.wait_indirect_dma semaphore(%arg16 : memref<!tpu.dma_semaphore, #tpu.memory_space<semaphore_mem>>) src(%dma_wait3A_1523 : memref<10000x128xf32, #tpu.memory_space<hbm>>) dst(%arg11 : memref<80x128xf32, #tpu.memory_space<vmem>>)
      %dma_start3A_1524 = arith.constant 0 : i32
      %dma_start3A_1525 = tpu.memref_slice %arg8[%add3A_1501, %dma_start3A_1524] : memref<16x80xi32, #tpu.memory_space<vmem>> -> memref<1x80xi32, #tpu.memory_space<vmem>>
      %dma_start3A_1526 = tpu.memref_squeeze %dma_start3A_1525 : memref<1x80xi32, #tpu.memory_space<vmem>> -> memref<80xi32, #tpu.memory_space<vmem>>
      %dma_start3A_1527 = arith.constant 0 : i32
      %dma_start3A_1528 = arith.constant 0 : i32
      %dma_start3A_1529 = tpu.memref_slice %arg13[%dma_start3A_1527, %dma_start3A_1528] : memref<10112x128xf32, #tpu.memory_space<vmem_shared>> -> memref<10112x128xf32, #tpu.memory_space<vmem_shared>>
      tpu.enqueue_indirect_dma source(%arg11 : memref<80x128xf32, #tpu.memory_space<vmem>>) target(%dma_start3A_1529 : memref<10112x128xf32, #tpu.memory_space<vmem_shared>>) offsets(%dma_start3A_1526 : memref<80xi32, #tpu.memory_space<vmem>>) semaphore(%arg20 : memref<!tpu.dma_semaphore, #tpu.memory_space<semaphore_mem>>) {add = true}
      %add3A_1530 = arith.constant 2 : i32
      %add3A_1531 = arith.addi %add3A_1470, %add3A_1530 : i32
      %sub3A_1532 = arith.constant 1 : i32
      %sub3A_1533 = arith.subi %add3A_1531, %sub3A_1532 : i32
      %dma_wait3A_1534 = arith.constant 0 : i32
      %dma_wait3A_1535 = tpu.memref_slice %arg8[%sub3A_1533, %dma_wait3A_1534] : memref<16x80xi32, #tpu.memory_space<vmem>> -> memref<1x80xi32, #tpu.memory_space<vmem>>
      %dma_wait3A_1536 = tpu.memref_squeeze %dma_wait3A_1535 : memref<1x80xi32, #tpu.memory_space<vmem>> -> memref<80xi32, #tpu.memory_space<vmem>>
      %dma_wait3A_1537 = arith.constant 0 : i32
      %dma_wait3A_1538 = arith.constant 0 : i32
      %dma_wait3A_1539 = tpu.memref_slice %arg13[%dma_wait3A_1537, %dma_wait3A_1538] : memref<10112x128xf32, #tpu.memory_space<vmem_shared>> -> memref<10112x128xf32, #tpu.memory_space<vmem_shared>>
      tpu.wait_indirect_dma semaphore(%arg20 : memref<!tpu.dma_semaphore, #tpu.memory_space<semaphore_mem>>) src(%arg11 : memref<80x128xf32, #tpu.memory_space<vmem>>) dst(%dma_wait3A_1539 : memref<10112x128xf32, #tpu.memory_space<vmem_shared>>)
      %add3A_1540 = arith.constant 3 : i32
      %add3A_1541 = arith.addi %add3A_1531, %add3A_1540 : i32
      %dma_start3A_1542 = arith.constant 0 : i32
      %dma_start3A_1543 = tpu.memref_slice %arg6[%add3A_1541, %dma_start3A_1542] : memref<16x80xi32, #tpu.memory_space<vmem>> -> memref<1x80xi32, #tpu.memory_space<vmem>>
      %dma_start3A_1544 = tpu.memref_squeeze %dma_start3A_1543 : memref<1x80xi32, #tpu.memory_space<vmem>> -> memref<80xi32, #tpu.memory_space<vmem>>
      %dma_start3A_1545 = arith.constant 0 : i32
      %dma_start3A_1546 = arith.constant 0 : i32
      %dma_start3A_1547 = tpu.memref_slice %arg2[%dma_start3A_1545, %dma_start3A_1546] : memref<10000x128xf32, #tpu.memory_space<hbm>> -> memref<10000x128xf32, #tpu.memory_space<hbm>>
      tpu.enqueue_indirect_dma source(%dma_start3A_1547 : memref<10000x128xf32, #tpu.memory_space<hbm>>) target(%arg11 : memref<80x128xf32, #tpu.memory_space<vmem>>) offsets(%dma_start3A_1544 : memref<80xi32, #tpu.memory_space<vmem>>) semaphore(%arg16 : memref<!tpu.dma_semaphore, #tpu.memory_space<semaphore_mem>>)
      %dma_wait3A_1548 = arith.constant 0 : i32
      %dma_wait3A_1549 = tpu.memref_slice %arg6[%add3A_1531, %dma_wait3A_1548] : memref<16x80xi32, #tpu.memory_space<vmem>> -> memref<1x80xi32, #tpu.memory_space<vmem>>
      %dma_wait3A_1550 = tpu.memref_squeeze %dma_wait3A_1549 : memref<1x80xi32, #tpu.memory_space<vmem>> -> memref<80xi32, #tpu.memory_space<vmem>>
      %dma_wait3A_1551 = arith.constant 0 : i32
      %dma_wait3A_1552 = arith.constant 0 : i32
      %dma_wait3A_1553 = tpu.memref_slice %arg2[%dma_wait3A_1551, %dma_wait3A_1552] : memref<10000x128xf32, #tpu.memory_space<hbm>> -> memref<10000x128xf32, #tpu.memory_space<hbm>>
      tpu.wait_indirect_dma semaphore(%arg17 : memref<!tpu.dma_semaphore, #tpu.memory_space<semaphore_mem>>) src(%dma_wait3A_1553 : memref<10000x128xf32, #tpu.memory_space<hbm>>) dst(%arg12 : memref<80x128xf32, #tpu.memory_space<vmem>>)
      %dma_start3A_1554 = arith.constant 0 : i32
      %dma_start3A_1555 = tpu.memref_slice %arg8[%add3A_1531, %dma_start3A_1554] : memref<16x80xi32, #tpu.memory_space<vmem>> -> memref<1x80xi32, #tpu.memory_space<vmem>>
      %dma_start3A_1556 = tpu.memref_squeeze %dma_start3A_1555 : memref<1x80xi32, #tpu.memory_space<vmem>> -> memref<80xi32, #tpu.memory_space<vmem>>
      %dma_start3A_1557 = arith.constant 0 : i32
      %dma_start3A_1558 = arith.constant 0 : i32
      %dma_start3A_1559 = tpu.memref_slice %arg13[%dma_start3A_1557, %dma_start3A_1558] : memref<10112x128xf32, #tpu.memory_space<vmem_shared>> -> memref<10112x128xf32, #tpu.memory_space<vmem_shared>>
      tpu.enqueue_indirect_dma source(%arg12 : memref<80x128xf32, #tpu.memory_space<vmem>>) target(%dma_start3A_1559 : memref<10112x128xf32, #tpu.memory_space<vmem_shared>>) offsets(%dma_start3A_1556 : memref<80xi32, #tpu.memory_space<vmem>>) semaphore(%arg21 : memref<!tpu.dma_semaphore, #tpu.memory_space<semaphore_mem>>) {add = true}
      %add3A_1560 = arith.constant 3 : i32
      %add3A_1561 = arith.addi %add3A_1470, %add3A_1560 : i32
      %sub3A_1562 = arith.constant 1 : i32
      %sub3A_1563 = arith.subi %add3A_1561, %sub3A_1562 : i32
      %dma_wait3A_1564 = arith.constant 0 : i32
      %dma_wait3A_1565 = tpu.memref_slice %arg8[%sub3A_1563, %dma_wait3A_1564] : memref<16x80xi32, #tpu.memory_space<vmem>> -> memref<1x80xi32, #tpu.memory_space<vmem>>
      %dma_wait3A_1566 = tpu.memref_squeeze %dma_wait3A_1565 : memref<1x80xi32, #tpu.memory_space<vmem>> -> memref<80xi32, #tpu.memory_space<vmem>>
      %dma_wait3A_1567 = arith.constant 0 : i32
      %dma_wait3A_1568 = arith.constant 0 : i32
      %dma_wait3A_1569 = tpu.memref_slice %arg13[%dma_wait3A_1567, %dma_wait3A_1568] : memref<10112x128xf32, #tpu.memory_space<vmem_shared>> -> memref<10112x128xf32, #tpu.memory_space<vmem_shared>>
      tpu.wait_indirect_dma semaphore(%arg21 : memref<!tpu.dma_semaphore, #tpu.memory_space<semaphore_mem>>) src(%arg12 : memref<80x128xf32, #tpu.memory_space<vmem>>) dst(%dma_wait3A_1569 : memref<10112x128xf32, #tpu.memory_space<vmem_shared>>)
      %add3A_1570 = arith.constant 3 : i32
      %add3A_1571 = arith.addi %add3A_1561, %add3A_1570 : i32
      %dma_start3A_1572 = arith.constant 0 : i32
      %dma_start3A_1573 = tpu.memref_slice %arg6[%add3A_1571, %dma_start3A_1572] : memref<16x80xi32, #tpu.memory_space<vmem>> -> memref<1x80xi32, #tpu.memory_space<vmem>>
      %dma_start3A_1574 = tpu.memref_squeeze %dma_start3A_1573 : memref<1x80xi32, #tpu.memory_space<vmem>> -> memref<80xi32, #tpu.memory_space<vmem>>
      %dma_start3A_1575 = arith.constant 0 : i32
      %dma_start3A_1576 = arith.constant 0 : i32
      %dma_start3A_1577 = tpu.memref_slice %arg2[%dma_start3A_1575, %dma_start3A_1576] : memref<10000x128xf32, #tpu.memory_space<hbm>> -> memref<10000x128xf32, #tpu.memory_space<hbm>>
      tpu.enqueue_indirect_dma source(%dma_start3A_1577 : memref<10000x128xf32, #tpu.memory_space<hbm>>) target(%arg12 : memref<80x128xf32, #tpu.memory_space<vmem>>) offsets(%dma_start3A_1574 : memref<80xi32, #tpu.memory_space<vmem>>) semaphore(%arg17 : memref<!tpu.dma_semaphore, #tpu.memory_space<semaphore_mem>>)
      %dma_wait3A_1578 = arith.constant 0 : i32
      %dma_wait3A_1579 = tpu.memref_slice %arg6[%add3A_1561, %dma_wait3A_1578] : memref<16x80xi32, #tpu.memory_space<vmem>> -> memref<1x80xi32, #tpu.memory_space<vmem>>
      %dma_wait3A_1580 = tpu.memref_squeeze %dma_wait3A_1579 : memref<1x80xi32, #tpu.memory_space<vmem>> -> memref<80xi32, #tpu.memory_space<vmem>>
      %dma_wait3A_1581 = arith.constant 0 : i32
      %dma_wait3A_1582 = arith.constant 0 : i32
      %dma_wait3A_1583 = tpu.memref_slice %arg2[%dma_wait3A_1581, %dma_wait3A_1582] : memref<10000x128xf32, #tpu.memory_space<hbm>> -> memref<10000x128xf32, #tpu.memory_space<hbm>>
      tpu.wait_indirect_dma semaphore(%arg14 : memref<!tpu.dma_semaphore, #tpu.memory_space<semaphore_mem>>) src(%dma_wait3A_1583 : memref<10000x128xf32, #tpu.memory_space<hbm>>) dst(%arg9 : memref<80x128xf32, #tpu.memory_space<vmem>>)
      %dma_start3A_1584 = arith.constant 0 : i32
      %dma_start3A_1585 = tpu.memref_slice %arg8[%add3A_1561, %dma_start3A_1584] : memref<16x80xi32, #tpu.memory_space<vmem>> -> memref<1x80xi32, #tpu.memory_space<vmem>>
      %dma_start3A_1586 = tpu.memref_squeeze %dma_start3A_1585 : memref<1x80xi32, #tpu.memory_space<vmem>> -> memref<80xi32, #tpu.memory_space<vmem>>
      %dma_start3A_1587 = arith.constant 0 : i32
      %dma_start3A_1588 = arith.constant 0 : i32
      %dma_start3A_1589 = tpu.memref_slice %arg13[%dma_start3A_1587, %dma_start3A_1588] : memref<10112x128xf32, #tpu.memory_space<vmem_shared>> -> memref<10112x128xf32, #tpu.memory_space<vmem_shared>>
      tpu.enqueue_indirect_dma source(%arg9 : memref<80x128xf32, #tpu.memory_space<vmem>>) target(%dma_start3A_1589 : memref<10112x128xf32, #tpu.memory_space<vmem_shared>>) offsets(%dma_start3A_1586 : memref<80xi32, #tpu.memory_space<vmem>>) semaphore(%arg18 : memref<!tpu.dma_semaphore, #tpu.memory_space<semaphore_mem>>) {add = true}
    }
    %scan3A_688 = arith.constant 3 : i32
    %dma_wait3A_689 = arith.constant 12 : i32
    %dma_wait3A_690 = arith.constant 0 : i32
    %dma_wait3A_691 = tpu.memref_slice %arg8[%dma_wait3A_689, %dma_wait3A_690] : memref<16x80xi32, #tpu.memory_space<vmem>> -> memref<1x80xi32, #tpu.memory_space<vmem>>
    %dma_wait3A_692 = tpu.memref_squeeze %dma_wait3A_691 : memref<1x80xi32, #tpu.memory_space<vmem>> -> memref<80xi32, #tpu.memory_space<vmem>>
    %dma_wait3A_693 = arith.constant 0 : i32
    %dma_wait3A_694 = arith.constant 0 : i32
    %dma_wait3A_695 = tpu.memref_slice %arg13[%dma_wait3A_693, %dma_wait3A_694] : memref<10112x128xf32, #tpu.memory_space<vmem_shared>> -> memref<10112x128xf32, #tpu.memory_space<vmem_shared>>
    tpu.wait_indirect_dma semaphore(%arg18 : memref<!tpu.dma_semaphore, #tpu.memory_space<semaphore_mem>>) src(%arg9 : memref<80x128xf32, #tpu.memory_space<vmem>>) dst(%dma_wait3A_695 : memref<10112x128xf32, #tpu.memory_space<vmem_shared>>)
    %dma_wait3A_696 = arith.constant 13 : i32
    %dma_wait3A_697 = arith.constant 0 : i32
    %dma_wait3A_698 = tpu.memref_slice %arg6[%dma_wait3A_696, %dma_wait3A_697] : memref<16x80xi32, #tpu.memory_space<vmem>> -> memref<1x80xi32, #tpu.memory_space<vmem>>
    %dma_wait3A_699 = tpu.memref_squeeze %dma_wait3A_698 : memref<1x80xi32, #tpu.memory_space<vmem>> -> memref<80xi32, #tpu.memory_space<vmem>>
    %dma_wait3A_700 = arith.constant 0 : i32
    %dma_wait3A_701 = arith.constant 0 : i32
    %dma_wait3A_702 = tpu.memref_slice %arg2[%dma_wait3A_700, %dma_wait3A_701] : memref<10000x128xf32, #tpu.memory_space<hbm>> -> memref<10000x128xf32, #tpu.memory_space<hbm>>
    tpu.wait_indirect_dma semaphore(%arg15 : memref<!tpu.dma_semaphore, #tpu.memory_space<semaphore_mem>>) src(%dma_wait3A_702 : memref<10000x128xf32, #tpu.memory_space<hbm>>) dst(%arg10 : memref<80x128xf32, #tpu.memory_space<vmem>>)
    %dma_start3A_703 = arith.constant 13 : i32
    %dma_start3A_704 = arith.constant 0 : i32
    %dma_start3A_705 = tpu.memref_slice %arg8[%dma_start3A_703, %dma_start3A_704] : memref<16x80xi32, #tpu.memory_space<vmem>> -> memref<1x80xi32, #tpu.memory_space<vmem>>
    %dma_start3A_706 = tpu.memref_squeeze %dma_start3A_705 : memref<1x80xi32, #tpu.memory_space<vmem>> -> memref<80xi32, #tpu.memory_space<vmem>>
    %dma_start3A_707 = arith.constant 0 : i32
    %dma_start3A_708 = arith.constant 0 : i32
    %dma_start3A_709 = tpu.memref_slice %arg13[%dma_start3A_707, %dma_start3A_708] : memref<10112x128xf32, #tpu.memory_space<vmem_shared>> -> memref<10112x128xf32, #tpu.memory_space<vmem_shared>>
    tpu.enqueue_indirect_dma source(%arg10 : memref<80x128xf32, #tpu.memory_space<vmem>>) target(%dma_start3A_709 : memref<10112x128xf32, #tpu.memory_space<vmem_shared>>) offsets(%dma_start3A_706 : memref<80xi32, #tpu.memory_space<vmem>>) semaphore(%arg19 : memref<!tpu.dma_semaphore, #tpu.memory_space<semaphore_mem>>) {add = true}
    %dma_wait3A_710 = arith.constant 13 : i32
    %dma_wait3A_711 = arith.constant 0 : i32
    %dma_wait3A_712 = tpu.memref_slice %arg8[%dma_wait3A_710, %dma_wait3A_711] : memref<16x80xi32, #tpu.memory_space<vmem>> -> memref<1x80xi32, #tpu.memory_space<vmem>>
    %dma_wait3A_713 = tpu.memref_squeeze %dma_wait3A_712 : memref<1x80xi32, #tpu.memory_space<vmem>> -> memref<80xi32, #tpu.memory_space<vmem>>
    %dma_wait3A_714 = arith.constant 0 : i32
    %dma_wait3A_715 = arith.constant 0 : i32
    %dma_wait3A_716 = tpu.memref_slice %arg13[%dma_wait3A_714, %dma_wait3A_715] : memref<10112x128xf32, #tpu.memory_space<vmem_shared>> -> memref<10112x128xf32, #tpu.memory_space<vmem_shared>>
    tpu.wait_indirect_dma semaphore(%arg19 : memref<!tpu.dma_semaphore, #tpu.memory_space<semaphore_mem>>) src(%arg10 : memref<80x128xf32, #tpu.memory_space<vmem>>) dst(%dma_wait3A_716 : memref<10112x128xf32, #tpu.memory_space<vmem_shared>>)
    %dma_wait3A_717 = arith.constant 14 : i32
    %dma_wait3A_718 = arith.constant 0 : i32
    %dma_wait3A_719 = tpu.memref_slice %arg6[%dma_wait3A_717, %dma_wait3A_718] : memref<16x80xi32, #tpu.memory_space<vmem>> -> memref<1x80xi32, #tpu.memory_space<vmem>>
    %dma_wait3A_720 = tpu.memref_squeeze %dma_wait3A_719 : memref<1x80xi32, #tpu.memory_space<vmem>> -> memref<80xi32, #tpu.memory_space<vmem>>
    %dma_wait3A_721 = arith.constant 0 : i32
    %dma_wait3A_722 = arith.constant 0 : i32
    %dma_wait3A_723 = tpu.memref_slice %arg2[%dma_wait3A_721, %dma_wait3A_722] : memref<10000x128xf32, #tpu.memory_space<hbm>> -> memref<10000x128xf32, #tpu.memory_space<hbm>>
    tpu.wait_indirect_dma semaphore(%arg16 : memref<!tpu.dma_semaphore, #tpu.memory_space<semaphore_mem>>) src(%dma_wait3A_723 : memref<10000x128xf32, #tpu.memory_space<hbm>>) dst(%arg11 : memref<80x128xf32, #tpu.memory_space<vmem>>)
    %dma_start3A_724 = arith.constant 14 : i32
    %dma_start3A_725 = arith.constant 0 : i32
    %dma_start3A_726 = tpu.memref_slice %arg8[%dma_start3A_724, %dma_start3A_725] : memref<16x80xi32, #tpu.memory_space<vmem>> -> memref<1x80xi32, #tpu.memory_space<vmem>>
    %dma_start3A_727 = tpu.memref_squeeze %dma_start3A_726 : memref<1x80xi32, #tpu.memory_space<vmem>> -> memref<80xi32, #tpu.memory_space<vmem>>
    %dma_start3A_728 = arith.constant 0 : i32
    %dma_start3A_729 = arith.constant 0 : i32
    %dma_start3A_730 = tpu.memref_slice %arg13[%dma_start3A_728, %dma_start3A_729] : memref<10112x128xf32, #tpu.memory_space<vmem_shared>> -> memref<10112x128xf32, #tpu.memory_space<vmem_shared>>
    tpu.enqueue_indirect_dma source(%arg11 : memref<80x128xf32, #tpu.memory_space<vmem>>) target(%dma_start3A_730 : memref<10112x128xf32, #tpu.memory_space<vmem_shared>>) offsets(%dma_start3A_727 : memref<80xi32, #tpu.memory_space<vmem>>) semaphore(%arg20 : memref<!tpu.dma_semaphore, #tpu.memory_space<semaphore_mem>>) {add = true}
    %dma_wait3A_731 = arith.constant 14 : i32
    %dma_wait3A_732 = arith.constant 0 : i32
    %dma_wait3A_733 = tpu.memref_slice %arg8[%dma_wait3A_731, %dma_wait3A_732] : memref<16x80xi32, #tpu.memory_space<vmem>> -> memref<1x80xi32, #tpu.memory_space<vmem>>
    %dma_wait3A_734 = tpu.memref_squeeze %dma_wait3A_733 : memref<1x80xi32, #tpu.memory_space<vmem>> -> memref<80xi32, #tpu.memory_space<vmem>>
    %dma_wait3A_735 = arith.constant 0 : i32
    %dma_wait3A_736 = arith.constant 0 : i32
    %dma_wait3A_737 = tpu.memref_slice %arg13[%dma_wait3A_735, %dma_wait3A_736] : memref<10112x128xf32, #tpu.memory_space<vmem_shared>> -> memref<10112x128xf32, #tpu.memory_space<vmem_shared>>
    tpu.wait_indirect_dma semaphore(%arg20 : memref<!tpu.dma_semaphore, #tpu.memory_space<semaphore_mem>>) src(%arg11 : memref<80x128xf32, #tpu.memory_space<vmem>>) dst(%dma_wait3A_737 : memref<10112x128xf32, #tpu.memory_space<vmem_shared>>)
    %dma_wait3A_738 = arith.constant 15 : i32
    %dma_wait3A_739 = arith.constant 0 : i32
    %dma_wait3A_740 = tpu.memref_slice %arg6[%dma_wait3A_738, %dma_wait3A_739] : memref<16x80xi32, #tpu.memory_space<vmem>> -> memref<1x80xi32, #tpu.memory_space<vmem>>
    %dma_wait3A_741 = tpu.memref_squeeze %dma_wait3A_740 : memref<1x80xi32, #tpu.memory_space<vmem>> -> memref<80xi32, #tpu.memory_space<vmem>>
    %dma_wait3A_742 = arith.constant 0 : i32
    %dma_wait3A_743 = arith.constant 0 : i32
    %dma_wait3A_744 = tpu.memref_slice %arg2[%dma_wait3A_742, %dma_wait3A_743] : memref<10000x128xf32, #tpu.memory_space<hbm>> -> memref<10000x128xf32, #tpu.memory_space<hbm>>
    tpu.wait_indirect_dma semaphore(%arg17 : memref<!tpu.dma_semaphore, #tpu.memory_space<semaphore_mem>>) src(%dma_wait3A_744 : memref<10000x128xf32, #tpu.memory_space<hbm>>) dst(%arg12 : memref<80x128xf32, #tpu.memory_space<vmem>>)
    %dma_start3A_745 = arith.constant 15 : i32
    %dma_start3A_746 = arith.constant 0 : i32
    %dma_start3A_747 = tpu.memref_slice %arg8[%dma_start3A_745, %dma_start3A_746] : memref<16x80xi32, #tpu.memory_space<vmem>> -> memref<1x80xi32, #tpu.memory_space<vmem>>
    %dma_start3A_748 = tpu.memref_squeeze %dma_start3A_747 : memref<1x80xi32, #tpu.memory_space<vmem>> -> memref<80xi32, #tpu.memory_space<vmem>>
    %dma_start3A_749 = arith.constant 0 : i32
    %dma_start3A_750 = arith.constant 0 : i32
    %dma_start3A_751 = tpu.memref_slice %arg13[%dma_start3A_749, %dma_start3A_750] : memref<10112x128xf32, #tpu.memory_space<vmem_shared>> -> memref<10112x128xf32, #tpu.memory_space<vmem_shared>>
    tpu.enqueue_indirect_dma source(%arg12 : memref<80x128xf32, #tpu.memory_space<vmem>>) target(%dma_start3A_751 : memref<10112x128xf32, #tpu.memory_space<vmem_shared>>) offsets(%dma_start3A_748 : memref<80xi32, #tpu.memory_space<vmem>>) semaphore(%arg21 : memref<!tpu.dma_semaphore, #tpu.memory_space<semaphore_mem>>) {add = true}
    %dma_wait3A_752 = arith.constant 15 : i32
    %dma_wait3A_753 = arith.constant 0 : i32
    %dma_wait3A_754 = tpu.memref_slice %arg8[%dma_wait3A_752, %dma_wait3A_753] : memref<16x80xi32, #tpu.memory_space<vmem>> -> memref<1x80xi32, #tpu.memory_space<vmem>>
    %dma_wait3A_755 = tpu.memref_squeeze %dma_wait3A_754 : memref<1x80xi32, #tpu.memory_space<vmem>> -> memref<80xi32, #tpu.memory_space<vmem>>
    %dma_wait3A_756 = arith.constant 0 : i32
    %dma_wait3A_757 = arith.constant 0 : i32
    %dma_wait3A_758 = tpu.memref_slice %arg13[%dma_wait3A_756, %dma_wait3A_757] : memref<10112x128xf32, #tpu.memory_space<vmem_shared>> -> memref<10112x128xf32, #tpu.memory_space<vmem_shared>>
    tpu.wait_indirect_dma semaphore(%arg21 : memref<!tpu.dma_semaphore, #tpu.memory_space<semaphore_mem>>) src(%arg12 : memref<80x128xf32, #tpu.memory_space<vmem>>) dst(%dma_wait3A_758 : memref<10112x128xf32, #tpu.memory_space<vmem_shared>>)
    %dma_wait3A_759 = arith.constant 0 : i32
    %dma_wait3A_760 = arith.constant 0 : i32
    %dma_wait3A_761 = arith.constant 0 : i32
    %dma_wait3A_762 = tpu.memref_slice %arg5[%dma_wait3A_760, %dma_wait3A_761] : memref<16x80xi32, #tpu.memory_space<vmem>> -> memref<16x80xi32, #tpu.memory_space<vmem>>
    %dma_wait3A_763 = arith.constant 64 : i32
    %dma_wait3A_764 = arith.constant 0 : i32
    %dma_wait3A_765 = tpu.memref_slice %arg3[%dma_wait3A_759, %add3A, %dma_wait3A_763, %dma_wait3A_764] : memref<2x32x125x80xi32, #tpu.memory_space<hbm>> -> memref<1x1x16x80xi32, #tpu.memory_space<hbm>>
    %dma_wait3A_766 = tpu.memref_squeeze %dma_wait3A_765 : memref<1x1x16x80xi32, #tpu.memory_space<hbm>> -> memref<16x80xi32, #tpu.memory_space<hbm>>
    %dma_wait3A_767 = arith.constant 0 : i32
    %dma_wait3A_768 = arith.constant 0 : i32
    %dma_wait3A_769 = tpu.memref_slice %arg5[%dma_wait3A_767, %dma_wait3A_768] : memref<16x80xi32, #tpu.memory_space<vmem>> -> memref<16x80xi32, #tpu.memory_space<vmem>>
    %dma_wait3A_770 = arith.constant 64 : i32
    %dma_wait3A_771 = arith.constant 0 : i32
    %dma_wait3A_772 = tpu.memref_slice %arg3[%dma_wait3A_759, %add3A, %dma_wait3A_770, %dma_wait3A_771] : memref<2x32x125x80xi32, #tpu.memory_space<hbm>> -> memref<1x1x16x80xi32, #tpu.memory_space<hbm>>
    %dma_wait3A_773 = tpu.memref_squeeze %dma_wait3A_772 : memref<1x1x16x80xi32, #tpu.memory_space<hbm>> -> memref<16x80xi32, #tpu.memory_space<hbm>>
    tpu.wait_dma2 semaphore(%arg22 : memref<!tpu.dma_semaphore, #tpu.memory_space<semaphore_mem>>) src(%dma_wait3A_773 : memref<16x80xi32, #tpu.memory_space<hbm>>) dst(%dma_wait3A_769 : memref<16x80xi32, #tpu.memory_space<vmem>>)
    %dma_wait3A_774 = arith.constant 1 : i32
    %dma_wait3A_775 = arith.constant 0 : i32
    %dma_wait3A_776 = arith.constant 0 : i32
    %dma_wait3A_777 = tpu.memref_slice %arg7[%dma_wait3A_775, %dma_wait3A_776] : memref<16x80xi32, #tpu.memory_space<vmem>> -> memref<16x80xi32, #tpu.memory_space<vmem>>
    %dma_wait3A_778 = arith.constant 64 : i32
    %dma_wait3A_779 = arith.constant 0 : i32
    %dma_wait3A_780 = tpu.memref_slice %arg3[%dma_wait3A_774, %add3A, %dma_wait3A_778, %dma_wait3A_779] : memref<2x32x125x80xi32, #tpu.memory_space<hbm>> -> memref<1x1x16x80xi32, #tpu.memory_space<hbm>>
    %dma_wait3A_781 = tpu.memref_squeeze %dma_wait3A_780 : memref<1x1x16x80xi32, #tpu.memory_space<hbm>> -> memref<16x80xi32, #tpu.memory_space<hbm>>
    %dma_wait3A_782 = arith.constant 0 : i32
    %dma_wait3A_783 = arith.constant 0 : i32
    %dma_wait3A_784 = tpu.memref_slice %arg7[%dma_wait3A_782, %dma_wait3A_783] : memref<16x80xi32, #tpu.memory_space<vmem>> -> memref<16x80xi32, #tpu.memory_space<vmem>>
    %dma_wait3A_785 = arith.constant 64 : i32
    %dma_wait3A_786 = arith.constant 0 : i32
    %dma_wait3A_787 = tpu.memref_slice %arg3[%dma_wait3A_774, %add3A, %dma_wait3A_785, %dma_wait3A_786] : memref<2x32x125x80xi32, #tpu.memory_space<hbm>> -> memref<1x1x16x80xi32, #tpu.memory_space<hbm>>
    %dma_wait3A_788 = tpu.memref_squeeze %dma_wait3A_787 : memref<1x1x16x80xi32, #tpu.memory_space<hbm>> -> memref<16x80xi32, #tpu.memory_space<hbm>>
    tpu.wait_dma2 semaphore(%arg24 : memref<!tpu.dma_semaphore, #tpu.memory_space<semaphore_mem>>) src(%dma_wait3A_788 : memref<16x80xi32, #tpu.memory_space<hbm>>) dst(%dma_wait3A_784 : memref<16x80xi32, #tpu.memory_space<vmem>>)
    %dma_start3A_789 = arith.constant 0 : i32
    %dma_start3A_790 = arith.constant 0 : i32
    %dma_start3A_791 = arith.constant 0 : i32
    %dma_start3A_792 = tpu.memref_slice %arg6[%dma_start3A_790, %dma_start3A_791] : memref<16x80xi32, #tpu.memory_space<vmem>> -> memref<16x80xi32, #tpu.memory_space<vmem>>
    %dma_start3A_793 = arith.constant 80 : i32
    %dma_start3A_794 = arith.constant 0 : i32
    %dma_start3A_795 = tpu.memref_slice %arg3[%dma_start3A_789, %add3A, %dma_start3A_793, %dma_start3A_794] : memref<2x32x125x80xi32, #tpu.memory_space<hbm>> -> memref<1x1x16x80xi32, #tpu.memory_space<hbm>>
    %dma_start3A_796 = tpu.memref_squeeze %dma_start3A_795 : memref<1x1x16x80xi32, #tpu.memory_space<hbm>> -> memref<16x80xi32, #tpu.memory_space<hbm>>
    %dma_start3A_797 = arith.constant 0 : i32
    %dma_start3A_798 = arith.constant 0 : i32
    %dma_start3A_799 = tpu.memref_slice %arg6[%dma_start3A_797, %dma_start3A_798] : memref<16x80xi32, #tpu.memory_space<vmem>> -> memref<16x80xi32, #tpu.memory_space<vmem>>
    %dma_start3A_800 = arith.constant 80 : i32
    %dma_start3A_801 = arith.constant 0 : i32
    %dma_start3A_802 = tpu.memref_slice %arg3[%dma_start3A_789, %add3A, %dma_start3A_800, %dma_start3A_801] : memref<2x32x125x80xi32, #tpu.memory_space<hbm>> -> memref<1x1x16x80xi32, #tpu.memory_space<hbm>>
    %dma_start3A_803 = tpu.memref_squeeze %dma_start3A_802 : memref<1x1x16x80xi32, #tpu.memory_space<hbm>> -> memref<16x80xi32, #tpu.memory_space<hbm>>
    tpu.enqueue_dma source(%dma_start3A_803 : memref<16x80xi32, #tpu.memory_space<hbm>>) target(%dma_start3A_799 : memref<16x80xi32, #tpu.memory_space<vmem>>) target_semaphore(%arg23 : memref<!tpu.dma_semaphore, #tpu.memory_space<semaphore_mem>>)
    %dma_start3A_804 = arith.constant 1 : i32
    %dma_start3A_805 = arith.constant 0 : i32
    %dma_start3A_806 = arith.constant 0 : i32
    %dma_start3A_807 = tpu.memref_slice %arg8[%dma_start3A_805, %dma_start3A_806] : memref<16x80xi32, #tpu.memory_space<vmem>> -> memref<16x80xi32, #tpu.memory_space<vmem>>
    %dma_start3A_808 = arith.constant 80 : i32
    %dma_start3A_809 = arith.constant 0 : i32
    %dma_start3A_810 = tpu.memref_slice %arg3[%dma_start3A_804, %add3A, %dma_start3A_808, %dma_start3A_809] : memref<2x32x125x80xi32, #tpu.memory_space<hbm>> -> memref<1x1x16x80xi32, #tpu.memory_space<hbm>>
    %dma_start3A_811 = tpu.memref_squeeze %dma_start3A_810 : memref<1x1x16x80xi32, #tpu.memory_space<hbm>> -> memref<16x80xi32, #tpu.memory_space<hbm>>
    %dma_start3A_812 = arith.constant 0 : i32
    %dma_start3A_813 = arith.constant 0 : i32
    %dma_start3A_814 = tpu.memref_slice %arg8[%dma_start3A_812, %dma_start3A_813] : memref<16x80xi32, #tpu.memory_space<vmem>> -> memref<16x80xi32, #tpu.memory_space<vmem>>
    %dma_start3A_815 = arith.constant 80 : i32
    %dma_start3A_816 = arith.constant 0 : i32
    %dma_start3A_817 = tpu.memref_slice %arg3[%dma_start3A_804, %add3A, %dma_start3A_815, %dma_start3A_816] : memref<2x32x125x80xi32, #tpu.memory_space<hbm>> -> memref<1x1x16x80xi32, #tpu.memory_space<hbm>>
    %dma_start3A_818 = tpu.memref_squeeze %dma_start3A_817 : memref<1x1x16x80xi32, #tpu.memory_space<hbm>> -> memref<16x80xi32, #tpu.memory_space<hbm>>
    tpu.enqueue_dma source(%dma_start3A_818 : memref<16x80xi32, #tpu.memory_space<hbm>>) target(%dma_start3A_814 : memref<16x80xi32, #tpu.memory_space<vmem>>) target_semaphore(%arg25 : memref<!tpu.dma_semaphore, #tpu.memory_space<semaphore_mem>>)
    %dma_start3A_819 = arith.constant 0 : i32
    %dma_start3A_820 = arith.constant 0 : i32
    %dma_start3A_821 = tpu.memref_slice %arg5[%dma_start3A_819, %dma_start3A_820] : memref<16x80xi32, #tpu.memory_space<vmem>> -> memref<1x80xi32, #tpu.memory_space<vmem>>
    %dma_start3A_822 = tpu.memref_squeeze %dma_start3A_821 : memref<1x80xi32, #tpu.memory_space<vmem>> -> memref<80xi32, #tpu.memory_space<vmem>>
    %dma_start3A_823 = arith.constant 0 : i32
    %dma_start3A_824 = arith.constant 0 : i32
    %dma_start3A_825 = tpu.memref_slice %arg2[%dma_start3A_823, %dma_start3A_824] : memref<10000x128xf32, #tpu.memory_space<hbm>> -> memref<10000x128xf32, #tpu.memory_space<hbm>>
    tpu.enqueue_indirect_dma source(%dma_start3A_825 : memref<10000x128xf32, #tpu.memory_space<hbm>>) target(%arg9 : memref<80x128xf32, #tpu.memory_space<vmem>>) offsets(%dma_start3A_822 : memref<80xi32, #tpu.memory_space<vmem>>) semaphore(%arg14 : memref<!tpu.dma_semaphore, #tpu.memory_space<semaphore_mem>>)
    %dma_start3A_826 = arith.constant 1 : i32
    %dma_start3A_827 = arith.constant 0 : i32
    %dma_start3A_828 = tpu.memref_slice %arg5[%dma_start3A_826, %dma_start3A_827] : memref<16x80xi32, #tpu.memory_space<vmem>> -> memref<1x80xi32, #tpu.memory_space<vmem>>
    %dma_start3A_829 = tpu.memref_squeeze %dma_start3A_828 : memref<1x80xi32, #tpu.memory_space<vmem>> -> memref<80xi32, #tpu.memory_space<vmem>>
    %dma_start3A_830 = arith.constant 0 : i32
    %dma_start3A_831 = arith.constant 0 : i32
    %dma_start3A_832 = tpu.memref_slice %arg2[%dma_start3A_830, %dma_start3A_831] : memref<10000x128xf32, #tpu.memory_space<hbm>> -> memref<10000x128xf32, #tpu.memory_space<hbm>>
    tpu.enqueue_indirect_dma source(%dma_start3A_832 : memref<10000x128xf32, #tpu.memory_space<hbm>>) target(%arg10 : memref<80x128xf32, #tpu.memory_space<vmem>>) offsets(%dma_start3A_829 : memref<80xi32, #tpu.memory_space<vmem>>) semaphore(%arg15 : memref<!tpu.dma_semaphore, #tpu.memory_space<semaphore_mem>>)
    %dma_start3A_833 = arith.constant 2 : i32
    %dma_start3A_834 = arith.constant 0 : i32
    %dma_start3A_835 = tpu.memref_slice %arg5[%dma_start3A_833, %dma_start3A_834] : memref<16x80xi32, #tpu.memory_space<vmem>> -> memref<1x80xi32, #tpu.memory_space<vmem>>
    %dma_start3A_836 = tpu.memref_squeeze %dma_start3A_835 : memref<1x80xi32, #tpu.memory_space<vmem>> -> memref<80xi32, #tpu.memory_space<vmem>>
    %dma_start3A_837 = arith.constant 0 : i32
    %dma_start3A_838 = arith.constant 0 : i32
    %dma_start3A_839 = tpu.memref_slice %arg2[%dma_start3A_837, %dma_start3A_838] : memref<10000x128xf32, #tpu.memory_space<hbm>> -> memref<10000x128xf32, #tpu.memory_space<hbm>>
    tpu.enqueue_indirect_dma source(%dma_start3A_839 : memref<10000x128xf32, #tpu.memory_space<hbm>>) target(%arg11 : memref<80x128xf32, #tpu.memory_space<vmem>>) offsets(%dma_start3A_836 : memref<80xi32, #tpu.memory_space<vmem>>) semaphore(%arg16 : memref<!tpu.dma_semaphore, #tpu.memory_space<semaphore_mem>>)
    %dma_wait3A_840 = arith.constant 0 : i32
    %dma_wait3A_841 = arith.constant 0 : i32
    %dma_wait3A_842 = tpu.memref_slice %arg5[%dma_wait3A_840, %dma_wait3A_841] : memref<16x80xi32, #tpu.memory_space<vmem>> -> memref<1x80xi32, #tpu.memory_space<vmem>>
    %dma_wait3A_843 = tpu.memref_squeeze %dma_wait3A_842 : memref<1x80xi32, #tpu.memory_space<vmem>> -> memref<80xi32, #tpu.memory_space<vmem>>
    %dma_wait3A_844 = arith.constant 0 : i32
    %dma_wait3A_845 = arith.constant 0 : i32
    %dma_wait3A_846 = tpu.memref_slice %arg2[%dma_wait3A_844, %dma_wait3A_845] : memref<10000x128xf32, #tpu.memory_space<hbm>> -> memref<10000x128xf32, #tpu.memory_space<hbm>>
    tpu.wait_indirect_dma semaphore(%arg14 : memref<!tpu.dma_semaphore, #tpu.memory_space<semaphore_mem>>) src(%dma_wait3A_846 : memref<10000x128xf32, #tpu.memory_space<hbm>>) dst(%arg9 : memref<80x128xf32, #tpu.memory_space<vmem>>)
    %dma_start3A_847 = arith.constant 0 : i32
    %dma_start3A_848 = arith.constant 0 : i32
    %dma_start3A_849 = tpu.memref_slice %arg7[%dma_start3A_847, %dma_start3A_848] : memref<16x80xi32, #tpu.memory_space<vmem>> -> memref<1x80xi32, #tpu.memory_space<vmem>>
    %dma_start3A_850 = tpu.memref_squeeze %dma_start3A_849 : memref<1x80xi32, #tpu.memory_space<vmem>> -> memref<80xi32, #tpu.memory_space<vmem>>
    %dma_start3A_851 = arith.constant 0 : i32
    %dma_start3A_852 = arith.constant 0 : i32
    %dma_start3A_853 = tpu.memref_slice %arg13[%dma_start3A_851, %dma_start3A_852] : memref<10112x128xf32, #tpu.memory_space<vmem_shared>> -> memref<10112x128xf32, #tpu.memory_space<vmem_shared>>
    tpu.enqueue_indirect_dma source(%arg9 : memref<80x128xf32, #tpu.memory_space<vmem>>) target(%dma_start3A_853 : memref<10112x128xf32, #tpu.memory_space<vmem_shared>>) offsets(%dma_start3A_850 : memref<80xi32, #tpu.memory_space<vmem>>) semaphore(%arg18 : memref<!tpu.dma_semaphore, #tpu.memory_space<semaphore_mem>>) {add = true}
    %dma_start3A_854 = arith.constant 3 : i32
    %dma_start3A_855 = arith.constant 0 : i32
    %dma_start3A_856 = tpu.memref_slice %arg5[%dma_start3A_854, %dma_start3A_855] : memref<16x80xi32, #tpu.memory_space<vmem>> -> memref<1x80xi32, #tpu.memory_space<vmem>>
    %dma_start3A_857 = tpu.memref_squeeze %dma_start3A_856 : memref<1x80xi32, #tpu.memory_space<vmem>> -> memref<80xi32, #tpu.memory_space<vmem>>
    %dma_start3A_858 = arith.constant 0 : i32
    %dma_start3A_859 = arith.constant 0 : i32
    %dma_start3A_860 = tpu.memref_slice %arg2[%dma_start3A_858, %dma_start3A_859] : memref<10000x128xf32, #tpu.memory_space<hbm>> -> memref<10000x128xf32, #tpu.memory_space<hbm>>
    tpu.enqueue_indirect_dma source(%dma_start3A_860 : memref<10000x128xf32, #tpu.memory_space<hbm>>) target(%arg12 : memref<80x128xf32, #tpu.memory_space<vmem>>) offsets(%dma_start3A_857 : memref<80xi32, #tpu.memory_space<vmem>>) semaphore(%arg17 : memref<!tpu.dma_semaphore, #tpu.memory_space<semaphore_mem>>)
    %scan3A_861 = arith.constant 0 : i32
    %scan3A_862 = arith.constant 3 : i32
    %scan3A_863 = arith.addi %scan3A_861, %scan3A_862 : i32
    %scan3A_864 = arith.constant 1 : i32
    scf.for %scan3A_1466 = %scan3A_861 to %scan3A_863 step %scan3A_864  : i32 {
      %mul3A_1467 = arith.constant 4 : i32
      %mul3A_1468 = arith.muli %scan3A_1466, %mul3A_1467 : i32
      %add3A_1469 = arith.constant 1 : i32
      %add3A_1470 = arith.addi %add3A_1469, %mul3A_1468 : i32
      %add3A_1471 = arith.constant 0 : i32
      %add3A_1472 = arith.addi %add3A_1470, %add3A_1471 : i32
      %sub3A = arith.constant 1 : i32
      %sub3A_1473 = arith.subi %add3A_1472, %sub3A : i32
      %dma_wait3A_1474 = arith.constant 0 : i32
      %dma_wait3A_1475 = tpu.memref_slice %arg7[%sub3A_1473, %dma_wait3A_1474] : memref<16x80xi32, #tpu.memory_space<vmem>> -> memref<1x80xi32, #tpu.memory_space<vmem>>
      %dma_wait3A_1476 = tpu.memref_squeeze %dma_wait3A_1475 : memref<1x80xi32, #tpu.memory_space<vmem>> -> memref<80xi32, #tpu.memory_space<vmem>>
      %dma_wait3A_1477 = arith.constant 0 : i32
      %dma_wait3A_1478 = arith.constant 0 : i32
      %dma_wait3A_1479 = tpu.memref_slice %arg13[%dma_wait3A_1477, %dma_wait3A_1478] : memref<10112x128xf32, #tpu.memory_space<vmem_shared>> -> memref<10112x128xf32, #tpu.memory_space<vmem_shared>>
      tpu.wait_indirect_dma semaphore(%arg18 : memref<!tpu.dma_semaphore, #tpu.memory_space<semaphore_mem>>) src(%arg9 : memref<80x128xf32, #tpu.memory_space<vmem>>) dst(%dma_wait3A_1479 : memref<10112x128xf32, #tpu.memory_space<vmem_shared>>)
      %add3A_1480 = arith.constant 3 : i32
      %add3A_1481 = arith.addi %add3A_1472, %add3A_1480 : i32
      %dma_start3A_1482 = arith.constant 0 : i32
      %dma_start3A_1483 = tpu.memref_slice %arg5[%add3A_1481, %dma_start3A_1482] : memref<16x80xi32, #tpu.memory_space<vmem>> -> memref<1x80xi32, #tpu.memory_space<vmem>>
      %dma_start3A_1484 = tpu.memref_squeeze %dma_start3A_1483 : memref<1x80xi32, #tpu.memory_space<vmem>> -> memref<80xi32, #tpu.memory_space<vmem>>
      %dma_start3A_1485 = arith.constant 0 : i32
      %dma_start3A_1486 = arith.constant 0 : i32
      %dma_start3A_1487 = tpu.memref_slice %arg2[%dma_start3A_1485, %dma_start3A_1486] : memref<10000x128xf32, #tpu.memory_space<hbm>> -> memref<10000x128xf32, #tpu.memory_space<hbm>>
      tpu.enqueue_indirect_dma source(%dma_start3A_1487 : memref<10000x128xf32, #tpu.memory_space<hbm>>) target(%arg9 : memref<80x128xf32, #tpu.memory_space<vmem>>) offsets(%dma_start3A_1484 : memref<80xi32, #tpu.memory_space<vmem>>) semaphore(%arg14 : memref<!tpu.dma_semaphore, #tpu.memory_space<semaphore_mem>>)
      %dma_wait3A_1488 = arith.constant 0 : i32
      %dma_wait3A_1489 = tpu.memref_slice %arg5[%add3A_1472, %dma_wait3A_1488] : memref<16x80xi32, #tpu.memory_space<vmem>> -> memref<1x80xi32, #tpu.memory_space<vmem>>
      %dma_wait3A_1490 = tpu.memref_squeeze %dma_wait3A_1489 : memref<1x80xi32, #tpu.memory_space<vmem>> -> memref<80xi32, #tpu.memory_space<vmem>>
      %dma_wait3A_1491 = arith.constant 0 : i32
      %dma_wait3A_1492 = arith.constant 0 : i32
      %dma_wait3A_1493 = tpu.memref_slice %arg2[%dma_wait3A_1491, %dma_wait3A_1492] : memref<10000x128xf32, #tpu.memory_space<hbm>> -> memref<10000x128xf32, #tpu.memory_space<hbm>>
      tpu.wait_indirect_dma semaphore(%arg15 : memref<!tpu.dma_semaphore, #tpu.memory_space<semaphore_mem>>) src(%dma_wait3A_1493 : memref<10000x128xf32, #tpu.memory_space<hbm>>) dst(%arg10 : memref<80x128xf32, #tpu.memory_space<vmem>>)
      %dma_start3A_1494 = arith.constant 0 : i32
      %dma_start3A_1495 = tpu.memref_slice %arg7[%add3A_1472, %dma_start3A_1494] : memref<16x80xi32, #tpu.memory_space<vmem>> -> memref<1x80xi32, #tpu.memory_space<vmem>>
      %dma_start3A_1496 = tpu.memref_squeeze %dma_start3A_1495 : memref<1x80xi32, #tpu.memory_space<vmem>> -> memref<80xi32, #tpu.memory_space<vmem>>
      %dma_start3A_1497 = arith.constant 0 : i32
      %dma_start3A_1498 = arith.constant 0 : i32
      %dma_start3A_1499 = tpu.memref_slice %arg13[%dma_start3A_1497, %dma_start3A_1498] : memref<10112x128xf32, #tpu.memory_space<vmem_shared>> -> memref<10112x128xf32, #tpu.memory_space<vmem_shared>>
      tpu.enqueue_indirect_dma source(%arg10 : memref<80x128xf32, #tpu.memory_space<vmem>>) target(%dma_start3A_1499 : memref<10112x128xf32, #tpu.memory_space<vmem_shared>>) offsets(%dma_start3A_1496 : memref<80xi32, #tpu.memory_space<vmem>>) semaphore(%arg19 : memref<!tpu.dma_semaphore, #tpu.memory_space<semaphore_mem>>) {add = true}
      %add3A_1500 = arith.constant 1 : i32
      %add3A_1501 = arith.addi %add3A_1470, %add3A_1500 : i32
      %sub3A_1502 = arith.constant 1 : i32
      %sub3A_1503 = arith.subi %add3A_1501, %sub3A_1502 : i32
      %dma_wait3A_1504 = arith.constant 0 : i32
      %dma_wait3A_1505 = tpu.memref_slice %arg7[%sub3A_1503, %dma_wait3A_1504] : memref<16x80xi32, #tpu.memory_space<vmem>> -> memref<1x80xi32, #tpu.memory_space<vmem>>
      %dma_wait3A_1506 = tpu.memref_squeeze %dma_wait3A_1505 : memref<1x80xi32, #tpu.memory_space<vmem>> -> memref<80xi32, #tpu.memory_space<vmem>>
      %dma_wait3A_1507 = arith.constant 0 : i32
      %dma_wait3A_1508 = arith.constant 0 : i32
      %dma_wait3A_1509 = tpu.memref_slice %arg13[%dma_wait3A_1507, %dma_wait3A_1508] : memref<10112x128xf32, #tpu.memory_space<vmem_shared>> -> memref<10112x128xf32, #tpu.memory_space<vmem_shared>>
      tpu.wait_indirect_dma semaphore(%arg19 : memref<!tpu.dma_semaphore, #tpu.memory_space<semaphore_mem>>) src(%arg10 : memref<80x128xf32, #tpu.memory_space<vmem>>) dst(%dma_wait3A_1509 : memref<10112x128xf32, #tpu.memory_space<vmem_shared>>)
      %add3A_1510 = arith.constant 3 : i32
      %add3A_1511 = arith.addi %add3A_1501, %add3A_1510 : i32
      %dma_start3A_1512 = arith.constant 0 : i32
      %dma_start3A_1513 = tpu.memref_slice %arg5[%add3A_1511, %dma_start3A_1512] : memref<16x80xi32, #tpu.memory_space<vmem>> -> memref<1x80xi32, #tpu.memory_space<vmem>>
      %dma_start3A_1514 = tpu.memref_squeeze %dma_start3A_1513 : memref<1x80xi32, #tpu.memory_space<vmem>> -> memref<80xi32, #tpu.memory_space<vmem>>
      %dma_start3A_1515 = arith.constant 0 : i32
      %dma_start3A_1516 = arith.constant 0 : i32
      %dma_start3A_1517 = tpu.memref_slice %arg2[%dma_start3A_1515, %dma_start3A_1516] : memref<10000x128xf32, #tpu.memory_space<hbm>> -> memref<10000x128xf32, #tpu.memory_space<hbm>>
      tpu.enqueue_indirect_dma source(%dma_start3A_1517 : memref<10000x128xf32, #tpu.memory_space<hbm>>) target(%arg10 : memref<80x128xf32, #tpu.memory_space<vmem>>) offsets(%dma_start3A_1514 : memref<80xi32, #tpu.memory_space<vmem>>) semaphore(%arg15 : memref<!tpu.dma_semaphore, #tpu.memory_space<semaphore_mem>>)
      %dma_wait3A_1518 = arith.constant 0 : i32
      %dma_wait3A_1519 = tpu.memref_slice %arg5[%add3A_1501, %dma_wait3A_1518] : memref<16x80xi32, #tpu.memory_space<vmem>> -> memref<1x80xi32, #tpu.memory_space<vmem>>
      %dma_wait3A_1520 = tpu.memref_squeeze %dma_wait3A_1519 : memref<1x80xi32, #tpu.memory_space<vmem>> -> memref<80xi32, #tpu.memory_space<vmem>>
      %dma_wait3A_1521 = arith.constant 0 : i32
      %dma_wait3A_1522 = arith.constant 0 : i32
      %dma_wait3A_1523 = tpu.memref_slice %arg2[%dma_wait3A_1521, %dma_wait3A_1522] : memref<10000x128xf32, #tpu.memory_space<hbm>> -> memref<10000x128xf32, #tpu.memory_space<hbm>>
      tpu.wait_indirect_dma semaphore(%arg16 : memref<!tpu.dma_semaphore, #tpu.memory_space<semaphore_mem>>) src(%dma_wait3A_1523 : memref<10000x128xf32, #tpu.memory_space<hbm>>) dst(%arg11 : memref<80x128xf32, #tpu.memory_space<vmem>>)
      %dma_start3A_1524 = arith.constant 0 : i32
      %dma_start3A_1525 = tpu.memref_slice %arg7[%add3A_1501, %dma_start3A_1524] : memref<16x80xi32, #tpu.memory_space<vmem>> -> memref<1x80xi32, #tpu.memory_space<vmem>>
      %dma_start3A_1526 = tpu.memref_squeeze %dma_start3A_1525 : memref<1x80xi32, #tpu.memory_space<vmem>> -> memref<80xi32, #tpu.memory_space<vmem>>
      %dma_start3A_1527 = arith.constant 0 : i32
      %dma_start3A_1528 = arith.constant 0 : i32
      %dma_start3A_1529 = tpu.memref_slice %arg13[%dma_start3A_1527, %dma_start3A_1528] : memref<10112x128xf32, #tpu.memory_space<vmem_shared>> -> memref<10112x128xf32, #tpu.memory_space<vmem_shared>>
      tpu.enqueue_indirect_dma source(%arg11 : memref<80x128xf32, #tpu.memory_space<vmem>>) target(%dma_start3A_1529 : memref<10112x128xf32, #tpu.memory_space<vmem_shared>>) offsets(%dma_start3A_1526 : memref<80xi32, #tpu.memory_space<vmem>>) semaphore(%arg20 : memref<!tpu.dma_semaphore, #tpu.memory_space<semaphore_mem>>) {add = true}
      %add3A_1530 = arith.constant 2 : i32
      %add3A_1531 = arith.addi %add3A_1470, %add3A_1530 : i32
      %sub3A_1532 = arith.constant 1 : i32
      %sub3A_1533 = arith.subi %add3A_1531, %sub3A_1532 : i32
      %dma_wait3A_1534 = arith.constant 0 : i32
      %dma_wait3A_1535 = tpu.memref_slice %arg7[%sub3A_1533, %dma_wait3A_1534] : memref<16x80xi32, #tpu.memory_space<vmem>> -> memref<1x80xi32, #tpu.memory_space<vmem>>
      %dma_wait3A_1536 = tpu.memref_squeeze %dma_wait3A_1535 : memref<1x80xi32, #tpu.memory_space<vmem>> -> memref<80xi32, #tpu.memory_space<vmem>>
      %dma_wait3A_1537 = arith.constant 0 : i32
      %dma_wait3A_1538 = arith.constant 0 : i32
      %dma_wait3A_1539 = tpu.memref_slice %arg13[%dma_wait3A_1537, %dma_wait3A_1538] : memref<10112x128xf32, #tpu.memory_space<vmem_shared>> -> memref<10112x128xf32, #tpu.memory_space<vmem_shared>>
      tpu.wait_indirect_dma semaphore(%arg20 : memref<!tpu.dma_semaphore, #tpu.memory_space<semaphore_mem>>) src(%arg11 : memref<80x128xf32, #tpu.memory_space<vmem>>) dst(%dma_wait3A_1539 : memref<10112x128xf32, #tpu.memory_space<vmem_shared>>)
      %add3A_1540 = arith.constant 3 : i32
      %add3A_1541 = arith.addi %add3A_1531, %add3A_1540 : i32
      %dma_start3A_1542 = arith.constant 0 : i32
      %dma_start3A_1543 = tpu.memref_slice %arg5[%add3A_1541, %dma_start3A_1542] : memref<16x80xi32, #tpu.memory_space<vmem>> -> memref<1x80xi32, #tpu.memory_space<vmem>>
      %dma_start3A_1544 = tpu.memref_squeeze %dma_start3A_1543 : memref<1x80xi32, #tpu.memory_space<vmem>> -> memref<80xi32, #tpu.memory_space<vmem>>
      %dma_start3A_1545 = arith.constant 0 : i32
      %dma_start3A_1546 = arith.constant 0 : i32
      %dma_start3A_1547 = tpu.memref_slice %arg2[%dma_start3A_1545, %dma_start3A_1546] : memref<10000x128xf32, #tpu.memory_space<hbm>> -> memref<10000x128xf32, #tpu.memory_space<hbm>>
      tpu.enqueue_indirect_dma source(%dma_start3A_1547 : memref<10000x128xf32, #tpu.memory_space<hbm>>) target(%arg11 : memref<80x128xf32, #tpu.memory_space<vmem>>) offsets(%dma_start3A_1544 : memref<80xi32, #tpu.memory_space<vmem>>) semaphore(%arg16 : memref<!tpu.dma_semaphore, #tpu.memory_space<semaphore_mem>>)
      %dma_wait3A_1548 = arith.constant 0 : i32
      %dma_wait3A_1549 = tpu.memref_slice %arg5[%add3A_1531, %dma_wait3A_1548] : memref<16x80xi32, #tpu.memory_space<vmem>> -> memref<1x80xi32, #tpu.memory_space<vmem>>
      %dma_wait3A_1550 = tpu.memref_squeeze %dma_wait3A_1549 : memref<1x80xi32, #tpu.memory_space<vmem>> -> memref<80xi32, #tpu.memory_space<vmem>>
      %dma_wait3A_1551 = arith.constant 0 : i32
      %dma_wait3A_1552 = arith.constant 0 : i32
      %dma_wait3A_1553 = tpu.memref_slice %arg2[%dma_wait3A_1551, %dma_wait3A_1552] : memref<10000x128xf32, #tpu.memory_space<hbm>> -> memref<10000x128xf32, #tpu.memory_space<hbm>>
      tpu.wait_indirect_dma semaphore(%arg17 : memref<!tpu.dma_semaphore, #tpu.memory_space<semaphore_mem>>) src(%dma_wait3A_1553 : memref<10000x128xf32, #tpu.memory_space<hbm>>) dst(%arg12 : memref<80x128xf32, #tpu.memory_space<vmem>>)
      %dma_start3A_1554 = arith.constant 0 : i32
      %dma_start3A_1555 = tpu.memref_slice %arg7[%add3A_1531, %dma_start3A_1554] : memref<16x80xi32, #tpu.memory_space<vmem>> -> memref<1x80xi32, #tpu.memory_space<vmem>>
      %dma_start3A_1556 = tpu.memref_squeeze %dma_start3A_1555 : memref<1x80xi32, #tpu.memory_space<vmem>> -> memref<80xi32, #tpu.memory_space<vmem>>
      %dma_start3A_1557 = arith.constant 0 : i32
      %dma_start3A_1558 = arith.constant 0 : i32
      %dma_start3A_1559 = tpu.memref_slice %arg13[%dma_start3A_1557, %dma_start3A_1558] : memref<10112x128xf32, #tpu.memory_space<vmem_shared>> -> memref<10112x128xf32, #tpu.memory_space<vmem_shared>>
      tpu.enqueue_indirect_dma source(%arg12 : memref<80x128xf32, #tpu.memory_space<vmem>>) target(%dma_start3A_1559 : memref<10112x128xf32, #tpu.memory_space<vmem_shared>>) offsets(%dma_start3A_1556 : memref<80xi32, #tpu.memory_space<vmem>>) semaphore(%arg21 : memref<!tpu.dma_semaphore, #tpu.memory_space<semaphore_mem>>) {add = true}
      %add3A_1560 = arith.constant 3 : i32
      %add3A_1561 = arith.addi %add3A_1470, %add3A_1560 : i32
      %sub3A_1562 = arith.constant 1 : i32
      %sub3A_1563 = arith.subi %add3A_1561, %sub3A_1562 : i32
      %dma_wait3A_1564 = arith.constant 0 : i32
      %dma_wait3A_1565 = tpu.memref_slice %arg7[%sub3A_1563, %dma_wait3A_1564] : memref<16x80xi32, #tpu.memory_space<vmem>> -> memref<1x80xi32, #tpu.memory_space<vmem>>
      %dma_wait3A_1566 = tpu.memref_squeeze %dma_wait3A_1565 : memref<1x80xi32, #tpu.memory_space<vmem>> -> memref<80xi32, #tpu.memory_space<vmem>>
      %dma_wait3A_1567 = arith.constant 0 : i32
      %dma_wait3A_1568 = arith.constant 0 : i32
      %dma_wait3A_1569 = tpu.memref_slice %arg13[%dma_wait3A_1567, %dma_wait3A_1568] : memref<10112x128xf32, #tpu.memory_space<vmem_shared>> -> memref<10112x128xf32, #tpu.memory_space<vmem_shared>>
      tpu.wait_indirect_dma semaphore(%arg21 : memref<!tpu.dma_semaphore, #tpu.memory_space<semaphore_mem>>) src(%arg12 : memref<80x128xf32, #tpu.memory_space<vmem>>) dst(%dma_wait3A_1569 : memref<10112x128xf32, #tpu.memory_space<vmem_shared>>)
      %add3A_1570 = arith.constant 3 : i32
      %add3A_1571 = arith.addi %add3A_1561, %add3A_1570 : i32
      %dma_start3A_1572 = arith.constant 0 : i32
      %dma_start3A_1573 = tpu.memref_slice %arg5[%add3A_1571, %dma_start3A_1572] : memref<16x80xi32, #tpu.memory_space<vmem>> -> memref<1x80xi32, #tpu.memory_space<vmem>>
      %dma_start3A_1574 = tpu.memref_squeeze %dma_start3A_1573 : memref<1x80xi32, #tpu.memory_space<vmem>> -> memref<80xi32, #tpu.memory_space<vmem>>
      %dma_start3A_1575 = arith.constant 0 : i32
      %dma_start3A_1576 = arith.constant 0 : i32
      %dma_start3A_1577 = tpu.memref_slice %arg2[%dma_start3A_1575, %dma_start3A_1576] : memref<10000x128xf32, #tpu.memory_space<hbm>> -> memref<10000x128xf32, #tpu.memory_space<hbm>>
      tpu.enqueue_indirect_dma source(%dma_start3A_1577 : memref<10000x128xf32, #tpu.memory_space<hbm>>) target(%arg12 : memref<80x128xf32, #tpu.memory_space<vmem>>) offsets(%dma_start3A_1574 : memref<80xi32, #tpu.memory_space<vmem>>) semaphore(%arg17 : memref<!tpu.dma_semaphore, #tpu.memory_space<semaphore_mem>>)
      %dma_wait3A_1578 = arith.constant 0 : i32
      %dma_wait3A_1579 = tpu.memref_slice %arg5[%add3A_1561, %dma_wait3A_1578] : memref<16x80xi32, #tpu.memory_space<vmem>> -> memref<1x80xi32, #tpu.memory_space<vmem>>
      %dma_wait3A_1580 = tpu.memref_squeeze %dma_wait3A_1579 : memref<1x80xi32, #tpu.memory_space<vmem>> -> memref<80xi32, #tpu.memory_space<vmem>>
      %dma_wait3A_1581 = arith.constant 0 : i32
      %dma_wait3A_1582 = arith.constant 0 : i32
      %dma_wait3A_1583 = tpu.memref_slice %arg2[%dma_wait3A_1581, %dma_wait3A_1582] : memref<10000x128xf32, #tpu.memory_space<hbm>> -> memref<10000x128xf32, #tpu.memory_space<hbm>>
      tpu.wait_indirect_dma semaphore(%arg14 : memref<!tpu.dma_semaphore, #tpu.memory_space<semaphore_mem>>) src(%dma_wait3A_1583 : memref<10000x128xf32, #tpu.memory_space<hbm>>) dst(%arg9 : memref<80x128xf32, #tpu.memory_space<vmem>>)
      %dma_start3A_1584 = arith.constant 0 : i32
      %dma_start3A_1585 = tpu.memref_slice %arg7[%add3A_1561, %dma_start3A_1584] : memref<16x80xi32, #tpu.memory_space<vmem>> -> memref<1x80xi32, #tpu.memory_space<vmem>>
      %dma_start3A_1586 = tpu.memref_squeeze %dma_start3A_1585 : memref<1x80xi32, #tpu.memory_space<vmem>> -> memref<80xi32, #tpu.memory_space<vmem>>
      %dma_start3A_1587 = arith.constant 0 : i32
      %dma_start3A_1588 = arith.constant 0 : i32
      %dma_start3A_1589 = tpu.memref_slice %arg13[%dma_start3A_1587, %dma_start3A_1588] : memref<10112x128xf32, #tpu.memory_space<vmem_shared>> -> memref<10112x128xf32, #tpu.memory_space<vmem_shared>>
      tpu.enqueue_indirect_dma source(%arg9 : memref<80x128xf32, #tpu.memory_space<vmem>>) target(%dma_start3A_1589 : memref<10112x128xf32, #tpu.memory_space<vmem_shared>>) offsets(%dma_start3A_1586 : memref<80xi32, #tpu.memory_space<vmem>>) semaphore(%arg18 : memref<!tpu.dma_semaphore, #tpu.memory_space<semaphore_mem>>) {add = true}
    }
    %scan3A_865 = arith.constant 3 : i32
    %dma_wait3A_866 = arith.constant 12 : i32
    %dma_wait3A_867 = arith.constant 0 : i32
    %dma_wait3A_868 = tpu.memref_slice %arg7[%dma_wait3A_866, %dma_wait3A_867] : memref<16x80xi32, #tpu.memory_space<vmem>> -> memref<1x80xi32, #tpu.memory_space<vmem>>
    %dma_wait3A_869 = tpu.memref_squeeze %dma_wait3A_868 : memref<1x80xi32, #tpu.memory_space<vmem>> -> memref<80xi32, #tpu.memory_space<vmem>>
    %dma_wait3A_870 = arith.constant 0 : i32
    %dma_wait3A_871 = arith.constant 0 : i32
    %dma_wait3A_872 = tpu.memref_slice %arg13[%dma_wait3A_870, %dma_wait3A_871] : memref<10112x128xf32, #tpu.memory_space<vmem_shared>> -> memref<10112x128xf32, #tpu.memory_space<vmem_shared>>
    tpu.wait_indirect_dma semaphore(%arg18 : memref<!tpu.dma_semaphore, #tpu.memory_space<semaphore_mem>>) src(%arg9 : memref<80x128xf32, #tpu.memory_space<vmem>>) dst(%dma_wait3A_872 : memref<10112x128xf32, #tpu.memory_space<vmem_shared>>)
    %dma_wait3A_873 = arith.constant 13 : i32
    %dma_wait3A_874 = arith.constant 0 : i32
    %dma_wait3A_875 = tpu.memref_slice %arg5[%dma_wait3A_873, %dma_wait3A_874] : memref<16x80xi32, #tpu.memory_space<vmem>> -> memref<1x80xi32, #tpu.memory_space<vmem>>
    %dma_wait3A_876 = tpu.memref_squeeze %dma_wait3A_875 : memref<1x80xi32, #tpu.memory_space<vmem>> -> memref<80xi32, #tpu.memory_space<vmem>>
    %dma_wait3A_877 = arith.constant 0 : i32
    %dma_wait3A_878 = arith.constant 0 : i32
    %dma_wait3A_879 = tpu.memref_slice %arg2[%dma_wait3A_877, %dma_wait3A_878] : memref<10000x128xf32, #tpu.memory_space<hbm>> -> memref<10000x128xf32, #tpu.memory_space<hbm>>
    tpu.wait_indirect_dma semaphore(%arg15 : memref<!tpu.dma_semaphore, #tpu.memory_space<semaphore_mem>>) src(%dma_wait3A_879 : memref<10000x128xf32, #tpu.memory_space<hbm>>) dst(%arg10 : memref<80x128xf32, #tpu.memory_space<vmem>>)
    %dma_start3A_880 = arith.constant 13 : i32
    %dma_start3A_881 = arith.constant 0 : i32
    %dma_start3A_882 = tpu.memref_slice %arg7[%dma_start3A_880, %dma_start3A_881] : memref<16x80xi32, #tpu.memory_space<vmem>> -> memref<1x80xi32, #tpu.memory_space<vmem>>
    %dma_start3A_883 = tpu.memref_squeeze %dma_start3A_882 : memref<1x80xi32, #tpu.memory_space<vmem>> -> memref<80xi32, #tpu.memory_space<vmem>>
    %dma_start3A_884 = arith.constant 0 : i32
    %dma_start3A_885 = arith.constant 0 : i32
    %dma_start3A_886 = tpu.memref_slice %arg13[%dma_start3A_884, %dma_start3A_885] : memref<10112x128xf32, #tpu.memory_space<vmem_shared>> -> memref<10112x128xf32, #tpu.memory_space<vmem_shared>>
    tpu.enqueue_indirect_dma source(%arg10 : memref<80x128xf32, #tpu.memory_space<vmem>>) target(%dma_start3A_886 : memref<10112x128xf32, #tpu.memory_space<vmem_shared>>) offsets(%dma_start3A_883 : memref<80xi32, #tpu.memory_space<vmem>>) semaphore(%arg19 : memref<!tpu.dma_semaphore, #tpu.memory_space<semaphore_mem>>) {add = true}
    %dma_wait3A_887 = arith.constant 13 : i32
    %dma_wait3A_888 = arith.constant 0 : i32
    %dma_wait3A_889 = tpu.memref_slice %arg7[%dma_wait3A_887, %dma_wait3A_888] : memref<16x80xi32, #tpu.memory_space<vmem>> -> memref<1x80xi32, #tpu.memory_space<vmem>>
    %dma_wait3A_890 = tpu.memref_squeeze %dma_wait3A_889 : memref<1x80xi32, #tpu.memory_space<vmem>> -> memref<80xi32, #tpu.memory_space<vmem>>
    %dma_wait3A_891 = arith.constant 0 : i32
    %dma_wait3A_892 = arith.constant 0 : i32
    %dma_wait3A_893 = tpu.memref_slice %arg13[%dma_wait3A_891, %dma_wait3A_892] : memref<10112x128xf32, #tpu.memory_space<vmem_shared>> -> memref<10112x128xf32, #tpu.memory_space<vmem_shared>>
    tpu.wait_indirect_dma semaphore(%arg19 : memref<!tpu.dma_semaphore, #tpu.memory_space<semaphore_mem>>) src(%arg10 : memref<80x128xf32, #tpu.memory_space<vmem>>) dst(%dma_wait3A_893 : memref<10112x128xf32, #tpu.memory_space<vmem_shared>>)
    %dma_wait3A_894 = arith.constant 14 : i32
    %dma_wait3A_895 = arith.constant 0 : i32
    %dma_wait3A_896 = tpu.memref_slice %arg5[%dma_wait3A_894, %dma_wait3A_895] : memref<16x80xi32, #tpu.memory_space<vmem>> -> memref<1x80xi32, #tpu.memory_space<vmem>>
    %dma_wait3A_897 = tpu.memref_squeeze %dma_wait3A_896 : memref<1x80xi32, #tpu.memory_space<vmem>> -> memref<80xi32, #tpu.memory_space<vmem>>
    %dma_wait3A_898 = arith.constant 0 : i32
    %dma_wait3A_899 = arith.constant 0 : i32
    %dma_wait3A_900 = tpu.memref_slice %arg2[%dma_wait3A_898, %dma_wait3A_899] : memref<10000x128xf32, #tpu.memory_space<hbm>> -> memref<10000x128xf32, #tpu.memory_space<hbm>>
    tpu.wait_indirect_dma semaphore(%arg16 : memref<!tpu.dma_semaphore, #tpu.memory_space<semaphore_mem>>) src(%dma_wait3A_900 : memref<10000x128xf32, #tpu.memory_space<hbm>>) dst(%arg11 : memref<80x128xf32, #tpu.memory_space<vmem>>)
    %dma_start3A_901 = arith.constant 14 : i32
    %dma_start3A_902 = arith.constant 0 : i32
    %dma_start3A_903 = tpu.memref_slice %arg7[%dma_start3A_901, %dma_start3A_902] : memref<16x80xi32, #tpu.memory_space<vmem>> -> memref<1x80xi32, #tpu.memory_space<vmem>>
    %dma_start3A_904 = tpu.memref_squeeze %dma_start3A_903 : memref<1x80xi32, #tpu.memory_space<vmem>> -> memref<80xi32, #tpu.memory_space<vmem>>
    %dma_start3A_905 = arith.constant 0 : i32
    %dma_start3A_906 = arith.constant 0 : i32
    %dma_start3A_907 = tpu.memref_slice %arg13[%dma_start3A_905, %dma_start3A_906] : memref<10112x128xf32, #tpu.memory_space<vmem_shared>> -> memref<10112x128xf32, #tpu.memory_space<vmem_shared>>
    tpu.enqueue_indirect_dma source(%arg11 : memref<80x128xf32, #tpu.memory_space<vmem>>) target(%dma_start3A_907 : memref<10112x128xf32, #tpu.memory_space<vmem_shared>>) offsets(%dma_start3A_904 : memref<80xi32, #tpu.memory_space<vmem>>) semaphore(%arg20 : memref<!tpu.dma_semaphore, #tpu.memory_space<semaphore_mem>>) {add = true}
    %dma_wait3A_908 = arith.constant 14 : i32
    %dma_wait3A_909 = arith.constant 0 : i32
    %dma_wait3A_910 = tpu.memref_slice %arg7[%dma_wait3A_908, %dma_wait3A_909] : memref<16x80xi32, #tpu.memory_space<vmem>> -> memref<1x80xi32, #tpu.memory_space<vmem>>
    %dma_wait3A_911 = tpu.memref_squeeze %dma_wait3A_910 : memref<1x80xi32, #tpu.memory_space<vmem>> -> memref<80xi32, #tpu.memory_space<vmem>>
    %dma_wait3A_912 = arith.constant 0 : i32
    %dma_wait3A_913 = arith.constant 0 : i32
    %dma_wait3A_914 = tpu.memref_slice %arg13[%dma_wait3A_912, %dma_wait3A_913] : memref<10112x128xf32, #tpu.memory_space<vmem_shared>> -> memref<10112x128xf32, #tpu.memory_space<vmem_shared>>
    tpu.wait_indirect_dma semaphore(%arg20 : memref<!tpu.dma_semaphore, #tpu.memory_space<semaphore_mem>>) src(%arg11 : memref<80x128xf32, #tpu.memory_space<vmem>>) dst(%dma_wait3A_914 : memref<10112x128xf32, #tpu.memory_space<vmem_shared>>)
    %dma_wait3A_915 = arith.constant 15 : i32
    %dma_wait3A_916 = arith.constant 0 : i32
    %dma_wait3A_917 = tpu.memref_slice %arg5[%dma_wait3A_915, %dma_wait3A_916] : memref<16x80xi32, #tpu.memory_space<vmem>> -> memref<1x80xi32, #tpu.memory_space<vmem>>
    %dma_wait3A_918 = tpu.memref_squeeze %dma_wait3A_917 : memref<1x80xi32, #tpu.memory_space<vmem>> -> memref<80xi32, #tpu.memory_space<vmem>>
    %dma_wait3A_919 = arith.constant 0 : i32
    %dma_wait3A_920 = arith.constant 0 : i32
    %dma_wait3A_921 = tpu.memref_slice %arg2[%dma_wait3A_919, %dma_wait3A_920] : memref<10000x128xf32, #tpu.memory_space<hbm>> -> memref<10000x128xf32, #tpu.memory_space<hbm>>
    tpu.wait_indirect_dma semaphore(%arg17 : memref<!tpu.dma_semaphore, #tpu.memory_space<semaphore_mem>>) src(%dma_wait3A_921 : memref<10000x128xf32, #tpu.memory_space<hbm>>) dst(%arg12 : memref<80x128xf32, #tpu.memory_space<vmem>>)
    %dma_start3A_922 = arith.constant 15 : i32
    %dma_start3A_923 = arith.constant 0 : i32
    %dma_start3A_924 = tpu.memref_slice %arg7[%dma_start3A_922, %dma_start3A_923] : memref<16x80xi32, #tpu.memory_space<vmem>> -> memref<1x80xi32, #tpu.memory_space<vmem>>
    %dma_start3A_925 = tpu.memref_squeeze %dma_start3A_924 : memref<1x80xi32, #tpu.memory_space<vmem>> -> memref<80xi32, #tpu.memory_space<vmem>>
    %dma_start3A_926 = arith.constant 0 : i32
    %dma_start3A_927 = arith.constant 0 : i32
    %dma_start3A_928 = tpu.memref_slice %arg13[%dma_start3A_926, %dma_start3A_927] : memref<10112x128xf32, #tpu.memory_space<vmem_shared>> -> memref<10112x128xf32, #tpu.memory_space<vmem_shared>>
    tpu.enqueue_indirect_dma source(%arg12 : memref<80x128xf32, #tpu.memory_space<vmem>>) target(%dma_start3A_928 : memref<10112x128xf32, #tpu.memory_space<vmem_shared>>) offsets(%dma_start3A_925 : memref<80xi32, #tpu.memory_space<vmem>>) semaphore(%arg21 : memref<!tpu.dma_semaphore, #tpu.memory_space<semaphore_mem>>) {add = true}
    %dma_wait3A_929 = arith.constant 15 : i32
    %dma_wait3A_930 = arith.constant 0 : i32
    %dma_wait3A_931 = tpu.memref_slice %arg7[%dma_wait3A_929, %dma_wait3A_930] : memref<16x80xi32, #tpu.memory_space<vmem>> -> memref<1x80xi32, #tpu.memory_space<vmem>>
    %dma_wait3A_932 = tpu.memref_squeeze %dma_wait3A_931 : memref<1x80xi32, #tpu.memory_space<vmem>> -> memref<80xi32, #tpu.memory_space<vmem>>
    %dma_wait3A_933 = arith.constant 0 : i32
    %dma_wait3A_934 = arith.constant 0 : i32
    %dma_wait3A_935 = tpu.memref_slice %arg13[%dma_wait3A_933, %dma_wait3A_934] : memref<10112x128xf32, #tpu.memory_space<vmem_shared>> -> memref<10112x128xf32, #tpu.memory_space<vmem_shared>>
    tpu.wait_indirect_dma semaphore(%arg21 : memref<!tpu.dma_semaphore, #tpu.memory_space<semaphore_mem>>) src(%arg12 : memref<80x128xf32, #tpu.memory_space<vmem>>) dst(%dma_wait3A_935 : memref<10112x128xf32, #tpu.memory_space<vmem_shared>>)
    %dma_wait3A_936 = arith.constant 0 : i32
    %dma_wait3A_937 = arith.constant 0 : i32
    %dma_wait3A_938 = arith.constant 0 : i32
    %dma_wait3A_939 = tpu.memref_slice %arg6[%dma_wait3A_937, %dma_wait3A_938] : memref<16x80xi32, #tpu.memory_space<vmem>> -> memref<16x80xi32, #tpu.memory_space<vmem>>
    %dma_wait3A_940 = arith.constant 80 : i32
    %dma_wait3A_941 = arith.constant 0 : i32
    %dma_wait3A_942 = tpu.memref_slice %arg3[%dma_wait3A_936, %add3A, %dma_wait3A_940, %dma_wait3A_941] : memref<2x32x125x80xi32, #tpu.memory_space<hbm>> -> memref<1x1x16x80xi32, #tpu.memory_space<hbm>>
    %dma_wait3A_943 = tpu.memref_squeeze %dma_wait3A_942 : memref<1x1x16x80xi32, #tpu.memory_space<hbm>> -> memref<16x80xi32, #tpu.memory_space<hbm>>
    %dma_wait3A_944 = arith.constant 0 : i32
    %dma_wait3A_945 = arith.constant 0 : i32
    %dma_wait3A_946 = tpu.memref_slice %arg6[%dma_wait3A_944, %dma_wait3A_945] : memref<16x80xi32, #tpu.memory_space<vmem>> -> memref<16x80xi32, #tpu.memory_space<vmem>>
    %dma_wait3A_947 = arith.constant 80 : i32
    %dma_wait3A_948 = arith.constant 0 : i32
    %dma_wait3A_949 = tpu.memref_slice %arg3[%dma_wait3A_936, %add3A, %dma_wait3A_947, %dma_wait3A_948] : memref<2x32x125x80xi32, #tpu.memory_space<hbm>> -> memref<1x1x16x80xi32, #tpu.memory_space<hbm>>
    %dma_wait3A_950 = tpu.memref_squeeze %dma_wait3A_949 : memref<1x1x16x80xi32, #tpu.memory_space<hbm>> -> memref<16x80xi32, #tpu.memory_space<hbm>>
    tpu.wait_dma2 semaphore(%arg23 : memref<!tpu.dma_semaphore, #tpu.memory_space<semaphore_mem>>) src(%dma_wait3A_950 : memref<16x80xi32, #tpu.memory_space<hbm>>) dst(%dma_wait3A_946 : memref<16x80xi32, #tpu.memory_space<vmem>>)
    %dma_wait3A_951 = arith.constant 1 : i32
    %dma_wait3A_952 = arith.constant 0 : i32
    %dma_wait3A_953 = arith.constant 0 : i32
    %dma_wait3A_954 = tpu.memref_slice %arg8[%dma_wait3A_952, %dma_wait3A_953] : memref<16x80xi32, #tpu.memory_space<vmem>> -> memref<16x80xi32, #tpu.memory_space<vmem>>
    %dma_wait3A_955 = arith.constant 80 : i32
    %dma_wait3A_956 = arith.constant 0 : i32
    %dma_wait3A_957 = tpu.memref_slice %arg3[%dma_wait3A_951, %add3A, %dma_wait3A_955, %dma_wait3A_956] : memref<2x32x125x80xi32, #tpu.memory_space<hbm>> -> memref<1x1x16x80xi32, #tpu.memory_space<hbm>>
    %dma_wait3A_958 = tpu.memref_squeeze %dma_wait3A_957 : memref<1x1x16x80xi32, #tpu.memory_space<hbm>> -> memref<16x80xi32, #tpu.memory_space<hbm>>
    %dma_wait3A_959 = arith.constant 0 : i32
    %dma_wait3A_960 = arith.constant 0 : i32
    %dma_wait3A_961 = tpu.memref_slice %arg8[%dma_wait3A_959, %dma_wait3A_960] : memref<16x80xi32, #tpu.memory_space<vmem>> -> memref<16x80xi32, #tpu.memory_space<vmem>>
    %dma_wait3A_962 = arith.constant 80 : i32
    %dma_wait3A_963 = arith.constant 0 : i32
    %dma_wait3A_964 = tpu.memref_slice %arg3[%dma_wait3A_951, %add3A, %dma_wait3A_962, %dma_wait3A_963] : memref<2x32x125x80xi32, #tpu.memory_space<hbm>> -> memref<1x1x16x80xi32, #tpu.memory_space<hbm>>
    %dma_wait3A_965 = tpu.memref_squeeze %dma_wait3A_964 : memref<1x1x16x80xi32, #tpu.memory_space<hbm>> -> memref<16x80xi32, #tpu.memory_space<hbm>>
    tpu.wait_dma2 semaphore(%arg25 : memref<!tpu.dma_semaphore, #tpu.memory_space<semaphore_mem>>) src(%dma_wait3A_965 : memref<16x80xi32, #tpu.memory_space<hbm>>) dst(%dma_wait3A_961 : memref<16x80xi32, #tpu.memory_space<vmem>>)
    %dma_start3A_966 = arith.constant 0 : i32
    %dma_start3A_967 = arith.constant 0 : i32
    %dma_start3A_968 = arith.constant 0 : i32
    %dma_start3A_969 = tpu.memref_slice %arg5[%dma_start3A_967, %dma_start3A_968] : memref<16x80xi32, #tpu.memory_space<vmem>> -> memref<16x80xi32, #tpu.memory_space<vmem>>
    %dma_start3A_970 = arith.constant 96 : i32
    %dma_start3A_971 = arith.constant 0 : i32
    %dma_start3A_972 = tpu.memref_slice %arg3[%dma_start3A_966, %add3A, %dma_start3A_970, %dma_start3A_971] : memref<2x32x125x80xi32, #tpu.memory_space<hbm>> -> memref<1x1x16x80xi32, #tpu.memory_space<hbm>>
    %dma_start3A_973 = tpu.memref_squeeze %dma_start3A_972 : memref<1x1x16x80xi32, #tpu.memory_space<hbm>> -> memref<16x80xi32, #tpu.memory_space<hbm>>
    %dma_start3A_974 = arith.constant 0 : i32
    %dma_start3A_975 = arith.constant 0 : i32
    %dma_start3A_976 = tpu.memref_slice %arg5[%dma_start3A_974, %dma_start3A_975] : memref<16x80xi32, #tpu.memory_space<vmem>> -> memref<16x80xi32, #tpu.memory_space<vmem>>
    %dma_start3A_977 = arith.constant 96 : i32
    %dma_start3A_978 = arith.constant 0 : i32
    %dma_start3A_979 = tpu.memref_slice %arg3[%dma_start3A_966, %add3A, %dma_start3A_977, %dma_start3A_978] : memref<2x32x125x80xi32, #tpu.memory_space<hbm>> -> memref<1x1x16x80xi32, #tpu.memory_space<hbm>>
    %dma_start3A_980 = tpu.memref_squeeze %dma_start3A_979 : memref<1x1x16x80xi32, #tpu.memory_space<hbm>> -> memref<16x80xi32, #tpu.memory_space<hbm>>
    tpu.enqueue_dma source(%dma_start3A_980 : memref<16x80xi32, #tpu.memory_space<hbm>>) target(%dma_start3A_976 : memref<16x80xi32, #tpu.memory_space<vmem>>) target_semaphore(%arg22 : memref<!tpu.dma_semaphore, #tpu.memory_space<semaphore_mem>>)
    %dma_start3A_981 = arith.constant 1 : i32
    %dma_start3A_982 = arith.constant 0 : i32
    %dma_start3A_983 = arith.constant 0 : i32
    %dma_start3A_984 = tpu.memref_slice %arg7[%dma_start3A_982, %dma_start3A_983] : memref<16x80xi32, #tpu.memory_space<vmem>> -> memref<16x80xi32, #tpu.memory_space<vmem>>
    %dma_start3A_985 = arith.constant 96 : i32
    %dma_start3A_986 = arith.constant 0 : i32
    %dma_start3A_987 = tpu.memref_slice %arg3[%dma_start3A_981, %add3A, %dma_start3A_985, %dma_start3A_986] : memref<2x32x125x80xi32, #tpu.memory_space<hbm>> -> memref<1x1x16x80xi32, #tpu.memory_space<hbm>>
    %dma_start3A_988 = tpu.memref_squeeze %dma_start3A_987 : memref<1x1x16x80xi32, #tpu.memory_space<hbm>> -> memref<16x80xi32, #tpu.memory_space<hbm>>
    %dma_start3A_989 = arith.constant 0 : i32
    %dma_start3A_990 = arith.constant 0 : i32
    %dma_start3A_991 = tpu.memref_slice %arg7[%dma_start3A_989, %dma_start3A_990] : memref<16x80xi32, #tpu.memory_space<vmem>> -> memref<16x80xi32, #tpu.memory_space<vmem>>
    %dma_start3A_992 = arith.constant 96 : i32
    %dma_start3A_993 = arith.constant 0 : i32
    %dma_start3A_994 = tpu.memref_slice %arg3[%dma_start3A_981, %add3A, %dma_start3A_992, %dma_start3A_993] : memref<2x32x125x80xi32, #tpu.memory_space<hbm>> -> memref<1x1x16x80xi32, #tpu.memory_space<hbm>>
    %dma_start3A_995 = tpu.memref_squeeze %dma_start3A_994 : memref<1x1x16x80xi32, #tpu.memory_space<hbm>> -> memref<16x80xi32, #tpu.memory_space<hbm>>
    tpu.enqueue_dma source(%dma_start3A_995 : memref<16x80xi32, #tpu.memory_space<hbm>>) target(%dma_start3A_991 : memref<16x80xi32, #tpu.memory_space<vmem>>) target_semaphore(%arg24 : memref<!tpu.dma_semaphore, #tpu.memory_space<semaphore_mem>>)
    %dma_start3A_996 = arith.constant 0 : i32
    %dma_start3A_997 = arith.constant 0 : i32
    %dma_start3A_998 = tpu.memref_slice %arg6[%dma_start3A_996, %dma_start3A_997] : memref<16x80xi32, #tpu.memory_space<vmem>> -> memref<1x80xi32, #tpu.memory_space<vmem>>
    %dma_start3A_999 = tpu.memref_squeeze %dma_start3A_998 : memref<1x80xi32, #tpu.memory_space<vmem>> -> memref<80xi32, #tpu.memory_space<vmem>>
    %dma_start3A_1000 = arith.constant 0 : i32
    %dma_start3A_1001 = arith.constant 0 : i32
    %dma_start3A_1002 = tpu.memref_slice %arg2[%dma_start3A_1000, %dma_start3A_1001] : memref<10000x128xf32, #tpu.memory_space<hbm>> -> memref<10000x128xf32, #tpu.memory_space<hbm>>
    tpu.enqueue_indirect_dma source(%dma_start3A_1002 : memref<10000x128xf32, #tpu.memory_space<hbm>>) target(%arg9 : memref<80x128xf32, #tpu.memory_space<vmem>>) offsets(%dma_start3A_999 : memref<80xi32, #tpu.memory_space<vmem>>) semaphore(%arg14 : memref<!tpu.dma_semaphore, #tpu.memory_space<semaphore_mem>>)
    %dma_start3A_1003 = arith.constant 1 : i32
    %dma_start3A_1004 = arith.constant 0 : i32
    %dma_start3A_1005 = tpu.memref_slice %arg6[%dma_start3A_1003, %dma_start3A_1004] : memref<16x80xi32, #tpu.memory_space<vmem>> -> memref<1x80xi32, #tpu.memory_space<vmem>>
    %dma_start3A_1006 = tpu.memref_squeeze %dma_start3A_1005 : memref<1x80xi32, #tpu.memory_space<vmem>> -> memref<80xi32, #tpu.memory_space<vmem>>
    %dma_start3A_1007 = arith.constant 0 : i32
    %dma_start3A_1008 = arith.constant 0 : i32
    %dma_start3A_1009 = tpu.memref_slice %arg2[%dma_start3A_1007, %dma_start3A_1008] : memref<10000x128xf32, #tpu.memory_space<hbm>> -> memref<10000x128xf32, #tpu.memory_space<hbm>>
    tpu.enqueue_indirect_dma source(%dma_start3A_1009 : memref<10000x128xf32, #tpu.memory_space<hbm>>) target(%arg10 : memref<80x128xf32, #tpu.memory_space<vmem>>) offsets(%dma_start3A_1006 : memref<80xi32, #tpu.memory_space<vmem>>) semaphore(%arg15 : memref<!tpu.dma_semaphore, #tpu.memory_space<semaphore_mem>>)
    %dma_start3A_1010 = arith.constant 2 : i32
    %dma_start3A_1011 = arith.constant 0 : i32
    %dma_start3A_1012 = tpu.memref_slice %arg6[%dma_start3A_1010, %dma_start3A_1011] : memref<16x80xi32, #tpu.memory_space<vmem>> -> memref<1x80xi32, #tpu.memory_space<vmem>>
    %dma_start3A_1013 = tpu.memref_squeeze %dma_start3A_1012 : memref<1x80xi32, #tpu.memory_space<vmem>> -> memref<80xi32, #tpu.memory_space<vmem>>
    %dma_start3A_1014 = arith.constant 0 : i32
    %dma_start3A_1015 = arith.constant 0 : i32
    %dma_start3A_1016 = tpu.memref_slice %arg2[%dma_start3A_1014, %dma_start3A_1015] : memref<10000x128xf32, #tpu.memory_space<hbm>> -> memref<10000x128xf32, #tpu.memory_space<hbm>>
    tpu.enqueue_indirect_dma source(%dma_start3A_1016 : memref<10000x128xf32, #tpu.memory_space<hbm>>) target(%arg11 : memref<80x128xf32, #tpu.memory_space<vmem>>) offsets(%dma_start3A_1013 : memref<80xi32, #tpu.memory_space<vmem>>) semaphore(%arg16 : memref<!tpu.dma_semaphore, #tpu.memory_space<semaphore_mem>>)
    %dma_wait3A_1017 = arith.constant 0 : i32
    %dma_wait3A_1018 = arith.constant 0 : i32
    %dma_wait3A_1019 = tpu.memref_slice %arg6[%dma_wait3A_1017, %dma_wait3A_1018] : memref<16x80xi32, #tpu.memory_space<vmem>> -> memref<1x80xi32, #tpu.memory_space<vmem>>
    %dma_wait3A_1020 = tpu.memref_squeeze %dma_wait3A_1019 : memref<1x80xi32, #tpu.memory_space<vmem>> -> memref<80xi32, #tpu.memory_space<vmem>>
    %dma_wait3A_1021 = arith.constant 0 : i32
    %dma_wait3A_1022 = arith.constant 0 : i32
    %dma_wait3A_1023 = tpu.memref_slice %arg2[%dma_wait3A_1021, %dma_wait3A_1022] : memref<10000x128xf32, #tpu.memory_space<hbm>> -> memref<10000x128xf32, #tpu.memory_space<hbm>>
    tpu.wait_indirect_dma semaphore(%arg14 : memref<!tpu.dma_semaphore, #tpu.memory_space<semaphore_mem>>) src(%dma_wait3A_1023 : memref<10000x128xf32, #tpu.memory_space<hbm>>) dst(%arg9 : memref<80x128xf32, #tpu.memory_space<vmem>>)
    %dma_start3A_1024 = arith.constant 0 : i32
    %dma_start3A_1025 = arith.constant 0 : i32
    %dma_start3A_1026 = tpu.memref_slice %arg8[%dma_start3A_1024, %dma_start3A_1025] : memref<16x80xi32, #tpu.memory_space<vmem>> -> memref<1x80xi32, #tpu.memory_space<vmem>>
    %dma_start3A_1027 = tpu.memref_squeeze %dma_start3A_1026 : memref<1x80xi32, #tpu.memory_space<vmem>> -> memref<80xi32, #tpu.memory_space<vmem>>
    %dma_start3A_1028 = arith.constant 0 : i32
    %dma_start3A_1029 = arith.constant 0 : i32
    %dma_start3A_1030 = tpu.memref_slice %arg13[%dma_start3A_1028, %dma_start3A_1029] : memref<10112x128xf32, #tpu.memory_space<vmem_shared>> -> memref<10112x128xf32, #tpu.memory_space<vmem_shared>>
    tpu.enqueue_indirect_dma source(%arg9 : memref<80x128xf32, #tpu.memory_space<vmem>>) target(%dma_start3A_1030 : memref<10112x128xf32, #tpu.memory_space<vmem_shared>>) offsets(%dma_start3A_1027 : memref<80xi32, #tpu.memory_space<vmem>>) semaphore(%arg18 : memref<!tpu.dma_semaphore, #tpu.memory_space<semaphore_mem>>) {add = true}
    %dma_start3A_1031 = arith.constant 3 : i32
    %dma_start3A_1032 = arith.constant 0 : i32
    %dma_start3A_1033 = tpu.memref_slice %arg6[%dma_start3A_1031, %dma_start3A_1032] : memref<16x80xi32, #tpu.memory_space<vmem>> -> memref<1x80xi32, #tpu.memory_space<vmem>>
    %dma_start3A_1034 = tpu.memref_squeeze %dma_start3A_1033 : memref<1x80xi32, #tpu.memory_space<vmem>> -> memref<80xi32, #tpu.memory_space<vmem>>
    %dma_start3A_1035 = arith.constant 0 : i32
    %dma_start3A_1036 = arith.constant 0 : i32
    %dma_start3A_1037 = tpu.memref_slice %arg2[%dma_start3A_1035, %dma_start3A_1036] : memref<10000x128xf32, #tpu.memory_space<hbm>> -> memref<10000x128xf32, #tpu.memory_space<hbm>>
    tpu.enqueue_indirect_dma source(%dma_start3A_1037 : memref<10000x128xf32, #tpu.memory_space<hbm>>) target(%arg12 : memref<80x128xf32, #tpu.memory_space<vmem>>) offsets(%dma_start3A_1034 : memref<80xi32, #tpu.memory_space<vmem>>) semaphore(%arg17 : memref<!tpu.dma_semaphore, #tpu.memory_space<semaphore_mem>>)
    %scan3A_1038 = arith.constant 0 : i32
    %scan3A_1039 = arith.constant 3 : i32
    %scan3A_1040 = arith.addi %scan3A_1038, %scan3A_1039 : i32
    %scan3A_1041 = arith.constant 1 : i32
    scf.for %scan3A_1466 = %scan3A_1038 to %scan3A_1040 step %scan3A_1041  : i32 {
      %mul3A_1467 = arith.constant 4 : i32
      %mul3A_1468 = arith.muli %scan3A_1466, %mul3A_1467 : i32
      %add3A_1469 = arith.constant 1 : i32
      %add3A_1470 = arith.addi %add3A_1469, %mul3A_1468 : i32
      %add3A_1471 = arith.constant 0 : i32
      %add3A_1472 = arith.addi %add3A_1470, %add3A_1471 : i32
      %sub3A = arith.constant 1 : i32
      %sub3A_1473 = arith.subi %add3A_1472, %sub3A : i32
      %dma_wait3A_1474 = arith.constant 0 : i32
      %dma_wait3A_1475 = tpu.memref_slice %arg8[%sub3A_1473, %dma_wait3A_1474] : memref<16x80xi32, #tpu.memory_space<vmem>> -> memref<1x80xi32, #tpu.memory_space<vmem>>
      %dma_wait3A_1476 = tpu.memref_squeeze %dma_wait3A_1475 : memref<1x80xi32, #tpu.memory_space<vmem>> -> memref<80xi32, #tpu.memory_space<vmem>>
      %dma_wait3A_1477 = arith.constant 0 : i32
      %dma_wait3A_1478 = arith.constant 0 : i32
      %dma_wait3A_1479 = tpu.memref_slice %arg13[%dma_wait3A_1477, %dma_wait3A_1478] : memref<10112x128xf32, #tpu.memory_space<vmem_shared>> -> memref<10112x128xf32, #tpu.memory_space<vmem_shared>>
      tpu.wait_indirect_dma semaphore(%arg18 : memref<!tpu.dma_semaphore, #tpu.memory_space<semaphore_mem>>) src(%arg9 : memref<80x128xf32, #tpu.memory_space<vmem>>) dst(%dma_wait3A_1479 : memref<10112x128xf32, #tpu.memory_space<vmem_shared>>)
      %add3A_1480 = arith.constant 3 : i32
      %add3A_1481 = arith.addi %add3A_1472, %add3A_1480 : i32
      %dma_start3A_1482 = arith.constant 0 : i32
      %dma_start3A_1483 = tpu.memref_slice %arg6[%add3A_1481, %dma_start3A_1482] : memref<16x80xi32, #tpu.memory_space<vmem>> -> memref<1x80xi32, #tpu.memory_space<vmem>>
      %dma_start3A_1484 = tpu.memref_squeeze %dma_start3A_1483 : memref<1x80xi32, #tpu.memory_space<vmem>> -> memref<80xi32, #tpu.memory_space<vmem>>
      %dma_start3A_1485 = arith.constant 0 : i32
      %dma_start3A_1486 = arith.constant 0 : i32
      %dma_start3A_1487 = tpu.memref_slice %arg2[%dma_start3A_1485, %dma_start3A_1486] : memref<10000x128xf32, #tpu.memory_space<hbm>> -> memref<10000x128xf32, #tpu.memory_space<hbm>>
      tpu.enqueue_indirect_dma source(%dma_start3A_1487 : memref<10000x128xf32, #tpu.memory_space<hbm>>) target(%arg9 : memref<80x128xf32, #tpu.memory_space<vmem>>) offsets(%dma_start3A_1484 : memref<80xi32, #tpu.memory_space<vmem>>) semaphore(%arg14 : memref<!tpu.dma_semaphore, #tpu.memory_space<semaphore_mem>>)
      %dma_wait3A_1488 = arith.constant 0 : i32
      %dma_wait3A_1489 = tpu.memref_slice %arg6[%add3A_1472, %dma_wait3A_1488] : memref<16x80xi32, #tpu.memory_space<vmem>> -> memref<1x80xi32, #tpu.memory_space<vmem>>
      %dma_wait3A_1490 = tpu.memref_squeeze %dma_wait3A_1489 : memref<1x80xi32, #tpu.memory_space<vmem>> -> memref<80xi32, #tpu.memory_space<vmem>>
      %dma_wait3A_1491 = arith.constant 0 : i32
      %dma_wait3A_1492 = arith.constant 0 : i32
      %dma_wait3A_1493 = tpu.memref_slice %arg2[%dma_wait3A_1491, %dma_wait3A_1492] : memref<10000x128xf32, #tpu.memory_space<hbm>> -> memref<10000x128xf32, #tpu.memory_space<hbm>>
      tpu.wait_indirect_dma semaphore(%arg15 : memref<!tpu.dma_semaphore, #tpu.memory_space<semaphore_mem>>) src(%dma_wait3A_1493 : memref<10000x128xf32, #tpu.memory_space<hbm>>) dst(%arg10 : memref<80x128xf32, #tpu.memory_space<vmem>>)
      %dma_start3A_1494 = arith.constant 0 : i32
      %dma_start3A_1495 = tpu.memref_slice %arg8[%add3A_1472, %dma_start3A_1494] : memref<16x80xi32, #tpu.memory_space<vmem>> -> memref<1x80xi32, #tpu.memory_space<vmem>>
      %dma_start3A_1496 = tpu.memref_squeeze %dma_start3A_1495 : memref<1x80xi32, #tpu.memory_space<vmem>> -> memref<80xi32, #tpu.memory_space<vmem>>
      %dma_start3A_1497 = arith.constant 0 : i32
      %dma_start3A_1498 = arith.constant 0 : i32
      %dma_start3A_1499 = tpu.memref_slice %arg13[%dma_start3A_1497, %dma_start3A_1498] : memref<10112x128xf32, #tpu.memory_space<vmem_shared>> -> memref<10112x128xf32, #tpu.memory_space<vmem_shared>>
      tpu.enqueue_indirect_dma source(%arg10 : memref<80x128xf32, #tpu.memory_space<vmem>>) target(%dma_start3A_1499 : memref<10112x128xf32, #tpu.memory_space<vmem_shared>>) offsets(%dma_start3A_1496 : memref<80xi32, #tpu.memory_space<vmem>>) semaphore(%arg19 : memref<!tpu.dma_semaphore, #tpu.memory_space<semaphore_mem>>) {add = true}
      %add3A_1500 = arith.constant 1 : i32
      %add3A_1501 = arith.addi %add3A_1470, %add3A_1500 : i32
      %sub3A_1502 = arith.constant 1 : i32
      %sub3A_1503 = arith.subi %add3A_1501, %sub3A_1502 : i32
      %dma_wait3A_1504 = arith.constant 0 : i32
      %dma_wait3A_1505 = tpu.memref_slice %arg8[%sub3A_1503, %dma_wait3A_1504] : memref<16x80xi32, #tpu.memory_space<vmem>> -> memref<1x80xi32, #tpu.memory_space<vmem>>
      %dma_wait3A_1506 = tpu.memref_squeeze %dma_wait3A_1505 : memref<1x80xi32, #tpu.memory_space<vmem>> -> memref<80xi32, #tpu.memory_space<vmem>>
      %dma_wait3A_1507 = arith.constant 0 : i32
      %dma_wait3A_1508 = arith.constant 0 : i32
      %dma_wait3A_1509 = tpu.memref_slice %arg13[%dma_wait3A_1507, %dma_wait3A_1508] : memref<10112x128xf32, #tpu.memory_space<vmem_shared>> -> memref<10112x128xf32, #tpu.memory_space<vmem_shared>>
      tpu.wait_indirect_dma semaphore(%arg19 : memref<!tpu.dma_semaphore, #tpu.memory_space<semaphore_mem>>) src(%arg10 : memref<80x128xf32, #tpu.memory_space<vmem>>) dst(%dma_wait3A_1509 : memref<10112x128xf32, #tpu.memory_space<vmem_shared>>)
      %add3A_1510 = arith.constant 3 : i32
      %add3A_1511 = arith.addi %add3A_1501, %add3A_1510 : i32
      %dma_start3A_1512 = arith.constant 0 : i32
      %dma_start3A_1513 = tpu.memref_slice %arg6[%add3A_1511, %dma_start3A_1512] : memref<16x80xi32, #tpu.memory_space<vmem>> -> memref<1x80xi32, #tpu.memory_space<vmem>>
      %dma_start3A_1514 = tpu.memref_squeeze %dma_start3A_1513 : memref<1x80xi32, #tpu.memory_space<vmem>> -> memref<80xi32, #tpu.memory_space<vmem>>
      %dma_start3A_1515 = arith.constant 0 : i32
      %dma_start3A_1516 = arith.constant 0 : i32
      %dma_start3A_1517 = tpu.memref_slice %arg2[%dma_start3A_1515, %dma_start3A_1516] : memref<10000x128xf32, #tpu.memory_space<hbm>> -> memref<10000x128xf32, #tpu.memory_space<hbm>>
      tpu.enqueue_indirect_dma source(%dma_start3A_1517 : memref<10000x128xf32, #tpu.memory_space<hbm>>) target(%arg10 : memref<80x128xf32, #tpu.memory_space<vmem>>) offsets(%dma_start3A_1514 : memref<80xi32, #tpu.memory_space<vmem>>) semaphore(%arg15 : memref<!tpu.dma_semaphore, #tpu.memory_space<semaphore_mem>>)
      %dma_wait3A_1518 = arith.constant 0 : i32
      %dma_wait3A_1519 = tpu.memref_slice %arg6[%add3A_1501, %dma_wait3A_1518] : memref<16x80xi32, #tpu.memory_space<vmem>> -> memref<1x80xi32, #tpu.memory_space<vmem>>
      %dma_wait3A_1520 = tpu.memref_squeeze %dma_wait3A_1519 : memref<1x80xi32, #tpu.memory_space<vmem>> -> memref<80xi32, #tpu.memory_space<vmem>>
      %dma_wait3A_1521 = arith.constant 0 : i32
      %dma_wait3A_1522 = arith.constant 0 : i32
      %dma_wait3A_1523 = tpu.memref_slice %arg2[%dma_wait3A_1521, %dma_wait3A_1522] : memref<10000x128xf32, #tpu.memory_space<hbm>> -> memref<10000x128xf32, #tpu.memory_space<hbm>>
      tpu.wait_indirect_dma semaphore(%arg16 : memref<!tpu.dma_semaphore, #tpu.memory_space<semaphore_mem>>) src(%dma_wait3A_1523 : memref<10000x128xf32, #tpu.memory_space<hbm>>) dst(%arg11 : memref<80x128xf32, #tpu.memory_space<vmem>>)
      %dma_start3A_1524 = arith.constant 0 : i32
      %dma_start3A_1525 = tpu.memref_slice %arg8[%add3A_1501, %dma_start3A_1524] : memref<16x80xi32, #tpu.memory_space<vmem>> -> memref<1x80xi32, #tpu.memory_space<vmem>>
      %dma_start3A_1526 = tpu.memref_squeeze %dma_start3A_1525 : memref<1x80xi32, #tpu.memory_space<vmem>> -> memref<80xi32, #tpu.memory_space<vmem>>
      %dma_start3A_1527 = arith.constant 0 : i32
      %dma_start3A_1528 = arith.constant 0 : i32
      %dma_start3A_1529 = tpu.memref_slice %arg13[%dma_start3A_1527, %dma_start3A_1528] : memref<10112x128xf32, #tpu.memory_space<vmem_shared>> -> memref<10112x128xf32, #tpu.memory_space<vmem_shared>>
      tpu.enqueue_indirect_dma source(%arg11 : memref<80x128xf32, #tpu.memory_space<vmem>>) target(%dma_start3A_1529 : memref<10112x128xf32, #tpu.memory_space<vmem_shared>>) offsets(%dma_start3A_1526 : memref<80xi32, #tpu.memory_space<vmem>>) semaphore(%arg20 : memref<!tpu.dma_semaphore, #tpu.memory_space<semaphore_mem>>) {add = true}
      %add3A_1530 = arith.constant 2 : i32
      %add3A_1531 = arith.addi %add3A_1470, %add3A_1530 : i32
      %sub3A_1532 = arith.constant 1 : i32
      %sub3A_1533 = arith.subi %add3A_1531, %sub3A_1532 : i32
      %dma_wait3A_1534 = arith.constant 0 : i32
      %dma_wait3A_1535 = tpu.memref_slice %arg8[%sub3A_1533, %dma_wait3A_1534] : memref<16x80xi32, #tpu.memory_space<vmem>> -> memref<1x80xi32, #tpu.memory_space<vmem>>
      %dma_wait3A_1536 = tpu.memref_squeeze %dma_wait3A_1535 : memref<1x80xi32, #tpu.memory_space<vmem>> -> memref<80xi32, #tpu.memory_space<vmem>>
      %dma_wait3A_1537 = arith.constant 0 : i32
      %dma_wait3A_1538 = arith.constant 0 : i32
      %dma_wait3A_1539 = tpu.memref_slice %arg13[%dma_wait3A_1537, %dma_wait3A_1538] : memref<10112x128xf32, #tpu.memory_space<vmem_shared>> -> memref<10112x128xf32, #tpu.memory_space<vmem_shared>>
      tpu.wait_indirect_dma semaphore(%arg20 : memref<!tpu.dma_semaphore, #tpu.memory_space<semaphore_mem>>) src(%arg11 : memref<80x128xf32, #tpu.memory_space<vmem>>) dst(%dma_wait3A_1539 : memref<10112x128xf32, #tpu.memory_space<vmem_shared>>)
      %add3A_1540 = arith.constant 3 : i32
      %add3A_1541 = arith.addi %add3A_1531, %add3A_1540 : i32
      %dma_start3A_1542 = arith.constant 0 : i32
      %dma_start3A_1543 = tpu.memref_slice %arg6[%add3A_1541, %dma_start3A_1542] : memref<16x80xi32, #tpu.memory_space<vmem>> -> memref<1x80xi32, #tpu.memory_space<vmem>>
      %dma_start3A_1544 = tpu.memref_squeeze %dma_start3A_1543 : memref<1x80xi32, #tpu.memory_space<vmem>> -> memref<80xi32, #tpu.memory_space<vmem>>
      %dma_start3A_1545 = arith.constant 0 : i32
      %dma_start3A_1546 = arith.constant 0 : i32
      %dma_start3A_1547 = tpu.memref_slice %arg2[%dma_start3A_1545, %dma_start3A_1546] : memref<10000x128xf32, #tpu.memory_space<hbm>> -> memref<10000x128xf32, #tpu.memory_space<hbm>>
      tpu.enqueue_indirect_dma source(%dma_start3A_1547 : memref<10000x128xf32, #tpu.memory_space<hbm>>) target(%arg11 : memref<80x128xf32, #tpu.memory_space<vmem>>) offsets(%dma_start3A_1544 : memref<80xi32, #tpu.memory_space<vmem>>) semaphore(%arg16 : memref<!tpu.dma_semaphore, #tpu.memory_space<semaphore_mem>>)
      %dma_wait3A_1548 = arith.constant 0 : i32
      %dma_wait3A_1549 = tpu.memref_slice %arg6[%add3A_1531, %dma_wait3A_1548] : memref<16x80xi32, #tpu.memory_space<vmem>> -> memref<1x80xi32, #tpu.memory_space<vmem>>
      %dma_wait3A_1550 = tpu.memref_squeeze %dma_wait3A_1549 : memref<1x80xi32, #tpu.memory_space<vmem>> -> memref<80xi32, #tpu.memory_space<vmem>>
      %dma_wait3A_1551 = arith.constant 0 : i32
      %dma_wait3A_1552 = arith.constant 0 : i32
      %dma_wait3A_1553 = tpu.memref_slice %arg2[%dma_wait3A_1551, %dma_wait3A_1552] : memref<10000x128xf32, #tpu.memory_space<hbm>> -> memref<10000x128xf32, #tpu.memory_space<hbm>>
      tpu.wait_indirect_dma semaphore(%arg17 : memref<!tpu.dma_semaphore, #tpu.memory_space<semaphore_mem>>) src(%dma_wait3A_1553 : memref<10000x128xf32, #tpu.memory_space<hbm>>) dst(%arg12 : memref<80x128xf32, #tpu.memory_space<vmem>>)
      %dma_start3A_1554 = arith.constant 0 : i32
      %dma_start3A_1555 = tpu.memref_slice %arg8[%add3A_1531, %dma_start3A_1554] : memref<16x80xi32, #tpu.memory_space<vmem>> -> memref<1x80xi32, #tpu.memory_space<vmem>>
      %dma_start3A_1556 = tpu.memref_squeeze %dma_start3A_1555 : memref<1x80xi32, #tpu.memory_space<vmem>> -> memref<80xi32, #tpu.memory_space<vmem>>
      %dma_start3A_1557 = arith.constant 0 : i32
      %dma_start3A_1558 = arith.constant 0 : i32
      %dma_start3A_1559 = tpu.memref_slice %arg13[%dma_start3A_1557, %dma_start3A_1558] : memref<10112x128xf32, #tpu.memory_space<vmem_shared>> -> memref<10112x128xf32, #tpu.memory_space<vmem_shared>>
      tpu.enqueue_indirect_dma source(%arg12 : memref<80x128xf32, #tpu.memory_space<vmem>>) target(%dma_start3A_1559 : memref<10112x128xf32, #tpu.memory_space<vmem_shared>>) offsets(%dma_start3A_1556 : memref<80xi32, #tpu.memory_space<vmem>>) semaphore(%arg21 : memref<!tpu.dma_semaphore, #tpu.memory_space<semaphore_mem>>) {add = true}
      %add3A_1560 = arith.constant 3 : i32
      %add3A_1561 = arith.addi %add3A_1470, %add3A_1560 : i32
      %sub3A_1562 = arith.constant 1 : i32
      %sub3A_1563 = arith.subi %add3A_1561, %sub3A_1562 : i32
      %dma_wait3A_1564 = arith.constant 0 : i32
      %dma_wait3A_1565 = tpu.memref_slice %arg8[%sub3A_1563, %dma_wait3A_1564] : memref<16x80xi32, #tpu.memory_space<vmem>> -> memref<1x80xi32, #tpu.memory_space<vmem>>
      %dma_wait3A_1566 = tpu.memref_squeeze %dma_wait3A_1565 : memref<1x80xi32, #tpu.memory_space<vmem>> -> memref<80xi32, #tpu.memory_space<vmem>>
      %dma_wait3A_1567 = arith.constant 0 : i32
      %dma_wait3A_1568 = arith.constant 0 : i32
      %dma_wait3A_1569 = tpu.memref_slice %arg13[%dma_wait3A_1567, %dma_wait3A_1568] : memref<10112x128xf32, #tpu.memory_space<vmem_shared>> -> memref<10112x128xf32, #tpu.memory_space<vmem_shared>>
      tpu.wait_indirect_dma semaphore(%arg21 : memref<!tpu.dma_semaphore, #tpu.memory_space<semaphore_mem>>) src(%arg12 : memref<80x128xf32, #tpu.memory_space<vmem>>) dst(%dma_wait3A_1569 : memref<10112x128xf32, #tpu.memory_space<vmem_shared>>)
      %add3A_1570 = arith.constant 3 : i32
      %add3A_1571 = arith.addi %add3A_1561, %add3A_1570 : i32
      %dma_start3A_1572 = arith.constant 0 : i32
      %dma_start3A_1573 = tpu.memref_slice %arg6[%add3A_1571, %dma_start3A_1572] : memref<16x80xi32, #tpu.memory_space<vmem>> -> memref<1x80xi32, #tpu.memory_space<vmem>>
      %dma_start3A_1574 = tpu.memref_squeeze %dma_start3A_1573 : memref<1x80xi32, #tpu.memory_space<vmem>> -> memref<80xi32, #tpu.memory_space<vmem>>
      %dma_start3A_1575 = arith.constant 0 : i32
      %dma_start3A_1576 = arith.constant 0 : i32
      %dma_start3A_1577 = tpu.memref_slice %arg2[%dma_start3A_1575, %dma_start3A_1576] : memref<10000x128xf32, #tpu.memory_space<hbm>> -> memref<10000x128xf32, #tpu.memory_space<hbm>>
      tpu.enqueue_indirect_dma source(%dma_start3A_1577 : memref<10000x128xf32, #tpu.memory_space<hbm>>) target(%arg12 : memref<80x128xf32, #tpu.memory_space<vmem>>) offsets(%dma_start3A_1574 : memref<80xi32, #tpu.memory_space<vmem>>) semaphore(%arg17 : memref<!tpu.dma_semaphore, #tpu.memory_space<semaphore_mem>>)
      %dma_wait3A_1578 = arith.constant 0 : i32
      %dma_wait3A_1579 = tpu.memref_slice %arg6[%add3A_1561, %dma_wait3A_1578] : memref<16x80xi32, #tpu.memory_space<vmem>> -> memref<1x80xi32, #tpu.memory_space<vmem>>
      %dma_wait3A_1580 = tpu.memref_squeeze %dma_wait3A_1579 : memref<1x80xi32, #tpu.memory_space<vmem>> -> memref<80xi32, #tpu.memory_space<vmem>>
      %dma_wait3A_1581 = arith.constant 0 : i32
      %dma_wait3A_1582 = arith.constant 0 : i32
      %dma_wait3A_1583 = tpu.memref_slice %arg2[%dma_wait3A_1581, %dma_wait3A_1582] : memref<10000x128xf32, #tpu.memory_space<hbm>> -> memref<10000x128xf32, #tpu.memory_space<hbm>>
      tpu.wait_indirect_dma semaphore(%arg14 : memref<!tpu.dma_semaphore, #tpu.memory_space<semaphore_mem>>) src(%dma_wait3A_1583 : memref<10000x128xf32, #tpu.memory_space<hbm>>) dst(%arg9 : memref<80x128xf32, #tpu.memory_space<vmem>>)
      %dma_start3A_1584 = arith.constant 0 : i32
      %dma_start3A_1585 = tpu.memref_slice %arg8[%add3A_1561, %dma_start3A_1584] : memref<16x80xi32, #tpu.memory_space<vmem>> -> memref<1x80xi32, #tpu.memory_space<vmem>>
      %dma_start3A_1586 = tpu.memref_squeeze %dma_start3A_1585 : memref<1x80xi32, #tpu.memory_space<vmem>> -> memref<80xi32, #tpu.memory_space<vmem>>
      %dma_start3A_1587 = arith.constant 0 : i32
      %dma_start3A_1588 = arith.constant 0 : i32
      %dma_start3A_1589 = tpu.memref_slice %arg13[%dma_start3A_1587, %dma_start3A_1588] : memref<10112x128xf32, #tpu.memory_space<vmem_shared>> -> memref<10112x128xf32, #tpu.memory_space<vmem_shared>>
      tpu.enqueue_indirect_dma source(%arg9 : memref<80x128xf32, #tpu.memory_space<vmem>>) target(%dma_start3A_1589 : memref<10112x128xf32, #tpu.memory_space<vmem_shared>>) offsets(%dma_start3A_1586 : memref<80xi32, #tpu.memory_space<vmem>>) semaphore(%arg18 : memref<!tpu.dma_semaphore, #tpu.memory_space<semaphore_mem>>) {add = true}
    }
    %scan3A_1042 = arith.constant 3 : i32
    %dma_wait3A_1043 = arith.constant 12 : i32
    %dma_wait3A_1044 = arith.constant 0 : i32
    %dma_wait3A_1045 = tpu.memref_slice %arg8[%dma_wait3A_1043, %dma_wait3A_1044] : memref<16x80xi32, #tpu.memory_space<vmem>> -> memref<1x80xi32, #tpu.memory_space<vmem>>
    %dma_wait3A_1046 = tpu.memref_squeeze %dma_wait3A_1045 : memref<1x80xi32, #tpu.memory_space<vmem>> -> memref<80xi32, #tpu.memory_space<vmem>>
    %dma_wait3A_1047 = arith.constant 0 : i32
    %dma_wait3A_1048 = arith.constant 0 : i32
    %dma_wait3A_1049 = tpu.memref_slice %arg13[%dma_wait3A_1047, %dma_wait3A_1048] : memref<10112x128xf32, #tpu.memory_space<vmem_shared>> -> memref<10112x128xf32, #tpu.memory_space<vmem_shared>>
    tpu.wait_indirect_dma semaphore(%arg18 : memref<!tpu.dma_semaphore, #tpu.memory_space<semaphore_mem>>) src(%arg9 : memref<80x128xf32, #tpu.memory_space<vmem>>) dst(%dma_wait3A_1049 : memref<10112x128xf32, #tpu.memory_space<vmem_shared>>)
    %dma_wait3A_1050 = arith.constant 13 : i32
    %dma_wait3A_1051 = arith.constant 0 : i32
    %dma_wait3A_1052 = tpu.memref_slice %arg6[%dma_wait3A_1050, %dma_wait3A_1051] : memref<16x80xi32, #tpu.memory_space<vmem>> -> memref<1x80xi32, #tpu.memory_space<vmem>>
    %dma_wait3A_1053 = tpu.memref_squeeze %dma_wait3A_1052 : memref<1x80xi32, #tpu.memory_space<vmem>> -> memref<80xi32, #tpu.memory_space<vmem>>
    %dma_wait3A_1054 = arith.constant 0 : i32
    %dma_wait3A_1055 = arith.constant 0 : i32
    %dma_wait3A_1056 = tpu.memref_slice %arg2[%dma_wait3A_1054, %dma_wait3A_1055] : memref<10000x128xf32, #tpu.memory_space<hbm>> -> memref<10000x128xf32, #tpu.memory_space<hbm>>
    tpu.wait_indirect_dma semaphore(%arg15 : memref<!tpu.dma_semaphore, #tpu.memory_space<semaphore_mem>>) src(%dma_wait3A_1056 : memref<10000x128xf32, #tpu.memory_space<hbm>>) dst(%arg10 : memref<80x128xf32, #tpu.memory_space<vmem>>)
    %dma_start3A_1057 = arith.constant 13 : i32
    %dma_start3A_1058 = arith.constant 0 : i32
    %dma_start3A_1059 = tpu.memref_slice %arg8[%dma_start3A_1057, %dma_start3A_1058] : memref<16x80xi32, #tpu.memory_space<vmem>> -> memref<1x80xi32, #tpu.memory_space<vmem>>
    %dma_start3A_1060 = tpu.memref_squeeze %dma_start3A_1059 : memref<1x80xi32, #tpu.memory_space<vmem>> -> memref<80xi32, #tpu.memory_space<vmem>>
    %dma_start3A_1061 = arith.constant 0 : i32
    %dma_start3A_1062 = arith.constant 0 : i32
    %dma_start3A_1063 = tpu.memref_slice %arg13[%dma_start3A_1061, %dma_start3A_1062] : memref<10112x128xf32, #tpu.memory_space<vmem_shared>> -> memref<10112x128xf32, #tpu.memory_space<vmem_shared>>
    tpu.enqueue_indirect_dma source(%arg10 : memref<80x128xf32, #tpu.memory_space<vmem>>) target(%dma_start3A_1063 : memref<10112x128xf32, #tpu.memory_space<vmem_shared>>) offsets(%dma_start3A_1060 : memref<80xi32, #tpu.memory_space<vmem>>) semaphore(%arg19 : memref<!tpu.dma_semaphore, #tpu.memory_space<semaphore_mem>>) {add = true}
    %dma_wait3A_1064 = arith.constant 13 : i32
    %dma_wait3A_1065 = arith.constant 0 : i32
    %dma_wait3A_1066 = tpu.memref_slice %arg8[%dma_wait3A_1064, %dma_wait3A_1065] : memref<16x80xi32, #tpu.memory_space<vmem>> -> memref<1x80xi32, #tpu.memory_space<vmem>>
    %dma_wait3A_1067 = tpu.memref_squeeze %dma_wait3A_1066 : memref<1x80xi32, #tpu.memory_space<vmem>> -> memref<80xi32, #tpu.memory_space<vmem>>
    %dma_wait3A_1068 = arith.constant 0 : i32
    %dma_wait3A_1069 = arith.constant 0 : i32
    %dma_wait3A_1070 = tpu.memref_slice %arg13[%dma_wait3A_1068, %dma_wait3A_1069] : memref<10112x128xf32, #tpu.memory_space<vmem_shared>> -> memref<10112x128xf32, #tpu.memory_space<vmem_shared>>
    tpu.wait_indirect_dma semaphore(%arg19 : memref<!tpu.dma_semaphore, #tpu.memory_space<semaphore_mem>>) src(%arg10 : memref<80x128xf32, #tpu.memory_space<vmem>>) dst(%dma_wait3A_1070 : memref<10112x128xf32, #tpu.memory_space<vmem_shared>>)
    %dma_wait3A_1071 = arith.constant 14 : i32
    %dma_wait3A_1072 = arith.constant 0 : i32
    %dma_wait3A_1073 = tpu.memref_slice %arg6[%dma_wait3A_1071, %dma_wait3A_1072] : memref<16x80xi32, #tpu.memory_space<vmem>> -> memref<1x80xi32, #tpu.memory_space<vmem>>
    %dma_wait3A_1074 = tpu.memref_squeeze %dma_wait3A_1073 : memref<1x80xi32, #tpu.memory_space<vmem>> -> memref<80xi32, #tpu.memory_space<vmem>>
    %dma_wait3A_1075 = arith.constant 0 : i32
    %dma_wait3A_1076 = arith.constant 0 : i32
    %dma_wait3A_1077 = tpu.memref_slice %arg2[%dma_wait3A_1075, %dma_wait3A_1076] : memref<10000x128xf32, #tpu.memory_space<hbm>> -> memref<10000x128xf32, #tpu.memory_space<hbm>>
    tpu.wait_indirect_dma semaphore(%arg16 : memref<!tpu.dma_semaphore, #tpu.memory_space<semaphore_mem>>) src(%dma_wait3A_1077 : memref<10000x128xf32, #tpu.memory_space<hbm>>) dst(%arg11 : memref<80x128xf32, #tpu.memory_space<vmem>>)
    %dma_start3A_1078 = arith.constant 14 : i32
    %dma_start3A_1079 = arith.constant 0 : i32
    %dma_start3A_1080 = tpu.memref_slice %arg8[%dma_start3A_1078, %dma_start3A_1079] : memref<16x80xi32, #tpu.memory_space<vmem>> -> memref<1x80xi32, #tpu.memory_space<vmem>>
    %dma_start3A_1081 = tpu.memref_squeeze %dma_start3A_1080 : memref<1x80xi32, #tpu.memory_space<vmem>> -> memref<80xi32, #tpu.memory_space<vmem>>
    %dma_start3A_1082 = arith.constant 0 : i32
    %dma_start3A_1083 = arith.constant 0 : i32
    %dma_start3A_1084 = tpu.memref_slice %arg13[%dma_start3A_1082, %dma_start3A_1083] : memref<10112x128xf32, #tpu.memory_space<vmem_shared>> -> memref<10112x128xf32, #tpu.memory_space<vmem_shared>>
    tpu.enqueue_indirect_dma source(%arg11 : memref<80x128xf32, #tpu.memory_space<vmem>>) target(%dma_start3A_1084 : memref<10112x128xf32, #tpu.memory_space<vmem_shared>>) offsets(%dma_start3A_1081 : memref<80xi32, #tpu.memory_space<vmem>>) semaphore(%arg20 : memref<!tpu.dma_semaphore, #tpu.memory_space<semaphore_mem>>) {add = true}
    %dma_wait3A_1085 = arith.constant 14 : i32
    %dma_wait3A_1086 = arith.constant 0 : i32
    %dma_wait3A_1087 = tpu.memref_slice %arg8[%dma_wait3A_1085, %dma_wait3A_1086] : memref<16x80xi32, #tpu.memory_space<vmem>> -> memref<1x80xi32, #tpu.memory_space<vmem>>
    %dma_wait3A_1088 = tpu.memref_squeeze %dma_wait3A_1087 : memref<1x80xi32, #tpu.memory_space<vmem>> -> memref<80xi32, #tpu.memory_space<vmem>>
    %dma_wait3A_1089 = arith.constant 0 : i32
    %dma_wait3A_1090 = arith.constant 0 : i32
    %dma_wait3A_1091 = tpu.memref_slice %arg13[%dma_wait3A_1089, %dma_wait3A_1090] : memref<10112x128xf32, #tpu.memory_space<vmem_shared>> -> memref<10112x128xf32, #tpu.memory_space<vmem_shared>>
    tpu.wait_indirect_dma semaphore(%arg20 : memref<!tpu.dma_semaphore, #tpu.memory_space<semaphore_mem>>) src(%arg11 : memref<80x128xf32, #tpu.memory_space<vmem>>) dst(%dma_wait3A_1091 : memref<10112x128xf32, #tpu.memory_space<vmem_shared>>)
    %dma_wait3A_1092 = arith.constant 15 : i32
    %dma_wait3A_1093 = arith.constant 0 : i32
    %dma_wait3A_1094 = tpu.memref_slice %arg6[%dma_wait3A_1092, %dma_wait3A_1093] : memref<16x80xi32, #tpu.memory_space<vmem>> -> memref<1x80xi32, #tpu.memory_space<vmem>>
    %dma_wait3A_1095 = tpu.memref_squeeze %dma_wait3A_1094 : memref<1x80xi32, #tpu.memory_space<vmem>> -> memref<80xi32, #tpu.memory_space<vmem>>
    %dma_wait3A_1096 = arith.constant 0 : i32
    %dma_wait3A_1097 = arith.constant 0 : i32
    %dma_wait3A_1098 = tpu.memref_slice %arg2[%dma_wait3A_1096, %dma_wait3A_1097] : memref<10000x128xf32, #tpu.memory_space<hbm>> -> memref<10000x128xf32, #tpu.memory_space<hbm>>
    tpu.wait_indirect_dma semaphore(%arg17 : memref<!tpu.dma_semaphore, #tpu.memory_space<semaphore_mem>>) src(%dma_wait3A_1098 : memref<10000x128xf32, #tpu.memory_space<hbm>>) dst(%arg12 : memref<80x128xf32, #tpu.memory_space<vmem>>)
    %dma_start3A_1099 = arith.constant 15 : i32
    %dma_start3A_1100 = arith.constant 0 : i32
    %dma_start3A_1101 = tpu.memref_slice %arg8[%dma_start3A_1099, %dma_start3A_1100] : memref<16x80xi32, #tpu.memory_space<vmem>> -> memref<1x80xi32, #tpu.memory_space<vmem>>
    %dma_start3A_1102 = tpu.memref_squeeze %dma_start3A_1101 : memref<1x80xi32, #tpu.memory_space<vmem>> -> memref<80xi32, #tpu.memory_space<vmem>>
    %dma_start3A_1103 = arith.constant 0 : i32
    %dma_start3A_1104 = arith.constant 0 : i32
    %dma_start3A_1105 = tpu.memref_slice %arg13[%dma_start3A_1103, %dma_start3A_1104] : memref<10112x128xf32, #tpu.memory_space<vmem_shared>> -> memref<10112x128xf32, #tpu.memory_space<vmem_shared>>
    tpu.enqueue_indirect_dma source(%arg12 : memref<80x128xf32, #tpu.memory_space<vmem>>) target(%dma_start3A_1105 : memref<10112x128xf32, #tpu.memory_space<vmem_shared>>) offsets(%dma_start3A_1102 : memref<80xi32, #tpu.memory_space<vmem>>) semaphore(%arg21 : memref<!tpu.dma_semaphore, #tpu.memory_space<semaphore_mem>>) {add = true}
    %dma_wait3A_1106 = arith.constant 15 : i32
    %dma_wait3A_1107 = arith.constant 0 : i32
    %dma_wait3A_1108 = tpu.memref_slice %arg8[%dma_wait3A_1106, %dma_wait3A_1107] : memref<16x80xi32, #tpu.memory_space<vmem>> -> memref<1x80xi32, #tpu.memory_space<vmem>>
    %dma_wait3A_1109 = tpu.memref_squeeze %dma_wait3A_1108 : memref<1x80xi32, #tpu.memory_space<vmem>> -> memref<80xi32, #tpu.memory_space<vmem>>
    %dma_wait3A_1110 = arith.constant 0 : i32
    %dma_wait3A_1111 = arith.constant 0 : i32
    %dma_wait3A_1112 = tpu.memref_slice %arg13[%dma_wait3A_1110, %dma_wait3A_1111] : memref<10112x128xf32, #tpu.memory_space<vmem_shared>> -> memref<10112x128xf32, #tpu.memory_space<vmem_shared>>
    tpu.wait_indirect_dma semaphore(%arg21 : memref<!tpu.dma_semaphore, #tpu.memory_space<semaphore_mem>>) src(%arg12 : memref<80x128xf32, #tpu.memory_space<vmem>>) dst(%dma_wait3A_1112 : memref<10112x128xf32, #tpu.memory_space<vmem_shared>>)
    %dma_wait3A_1113 = arith.constant 0 : i32
    %dma_wait3A_1114 = arith.constant 0 : i32
    %dma_wait3A_1115 = arith.constant 0 : i32
    %dma_wait3A_1116 = tpu.memref_slice %arg5[%dma_wait3A_1114, %dma_wait3A_1115] : memref<16x80xi32, #tpu.memory_space<vmem>> -> memref<16x80xi32, #tpu.memory_space<vmem>>
    %dma_wait3A_1117 = arith.constant 96 : i32
    %dma_wait3A_1118 = arith.constant 0 : i32
    %dma_wait3A_1119 = tpu.memref_slice %arg3[%dma_wait3A_1113, %add3A, %dma_wait3A_1117, %dma_wait3A_1118] : memref<2x32x125x80xi32, #tpu.memory_space<hbm>> -> memref<1x1x16x80xi32, #tpu.memory_space<hbm>>
    %dma_wait3A_1120 = tpu.memref_squeeze %dma_wait3A_1119 : memref<1x1x16x80xi32, #tpu.memory_space<hbm>> -> memref<16x80xi32, #tpu.memory_space<hbm>>
    %dma_wait3A_1121 = arith.constant 0 : i32
    %dma_wait3A_1122 = arith.constant 0 : i32
    %dma_wait3A_1123 = tpu.memref_slice %arg5[%dma_wait3A_1121, %dma_wait3A_1122] : memref<16x80xi32, #tpu.memory_space<vmem>> -> memref<16x80xi32, #tpu.memory_space<vmem>>
    %dma_wait3A_1124 = arith.constant 96 : i32
    %dma_wait3A_1125 = arith.constant 0 : i32
    %dma_wait3A_1126 = tpu.memref_slice %arg3[%dma_wait3A_1113, %add3A, %dma_wait3A_1124, %dma_wait3A_1125] : memref<2x32x125x80xi32, #tpu.memory_space<hbm>> -> memref<1x1x16x80xi32, #tpu.memory_space<hbm>>
    %dma_wait3A_1127 = tpu.memref_squeeze %dma_wait3A_1126 : memref<1x1x16x80xi32, #tpu.memory_space<hbm>> -> memref<16x80xi32, #tpu.memory_space<hbm>>
    tpu.wait_dma2 semaphore(%arg22 : memref<!tpu.dma_semaphore, #tpu.memory_space<semaphore_mem>>) src(%dma_wait3A_1127 : memref<16x80xi32, #tpu.memory_space<hbm>>) dst(%dma_wait3A_1123 : memref<16x80xi32, #tpu.memory_space<vmem>>)
    %dma_wait3A_1128 = arith.constant 1 : i32
    %dma_wait3A_1129 = arith.constant 0 : i32
    %dma_wait3A_1130 = arith.constant 0 : i32
    %dma_wait3A_1131 = tpu.memref_slice %arg7[%dma_wait3A_1129, %dma_wait3A_1130] : memref<16x80xi32, #tpu.memory_space<vmem>> -> memref<16x80xi32, #tpu.memory_space<vmem>>
    %dma_wait3A_1132 = arith.constant 96 : i32
    %dma_wait3A_1133 = arith.constant 0 : i32
    %dma_wait3A_1134 = tpu.memref_slice %arg3[%dma_wait3A_1128, %add3A, %dma_wait3A_1132, %dma_wait3A_1133] : memref<2x32x125x80xi32, #tpu.memory_space<hbm>> -> memref<1x1x16x80xi32, #tpu.memory_space<hbm>>
    %dma_wait3A_1135 = tpu.memref_squeeze %dma_wait3A_1134 : memref<1x1x16x80xi32, #tpu.memory_space<hbm>> -> memref<16x80xi32, #tpu.memory_space<hbm>>
    %dma_wait3A_1136 = arith.constant 0 : i32
    %dma_wait3A_1137 = arith.constant 0 : i32
    %dma_wait3A_1138 = tpu.memref_slice %arg7[%dma_wait3A_1136, %dma_wait3A_1137] : memref<16x80xi32, #tpu.memory_space<vmem>> -> memref<16x80xi32, #tpu.memory_space<vmem>>
    %dma_wait3A_1139 = arith.constant 96 : i32
    %dma_wait3A_1140 = arith.constant 0 : i32
    %dma_wait3A_1141 = tpu.memref_slice %arg3[%dma_wait3A_1128, %add3A, %dma_wait3A_1139, %dma_wait3A_1140] : memref<2x32x125x80xi32, #tpu.memory_space<hbm>> -> memref<1x1x16x80xi32, #tpu.memory_space<hbm>>
    %dma_wait3A_1142 = tpu.memref_squeeze %dma_wait3A_1141 : memref<1x1x16x80xi32, #tpu.memory_space<hbm>> -> memref<16x80xi32, #tpu.memory_space<hbm>>
    tpu.wait_dma2 semaphore(%arg24 : memref<!tpu.dma_semaphore, #tpu.memory_space<semaphore_mem>>) src(%dma_wait3A_1142 : memref<16x80xi32, #tpu.memory_space<hbm>>) dst(%dma_wait3A_1138 : memref<16x80xi32, #tpu.memory_space<vmem>>)
    %dma_start3A_1143 = arith.constant 0 : i32
    %dma_start3A_1144 = arith.constant 0 : i32
    %dma_start3A_1145 = arith.constant 0 : i32
    %dma_start3A_1146 = tpu.memref_slice %arg6[%dma_start3A_1144, %dma_start3A_1145] : memref<16x80xi32, #tpu.memory_space<vmem>> -> memref<13x80xi32, #tpu.memory_space<vmem>>
    %dma_start3A_1147 = arith.constant 112 : i32
    %dma_start3A_1148 = arith.constant 0 : i32
    %dma_start3A_1149 = tpu.memref_slice %arg3[%dma_start3A_1143, %add3A, %dma_start3A_1147, %dma_start3A_1148] : memref<2x32x125x80xi32, #tpu.memory_space<hbm>> -> memref<1x1x13x80xi32, #tpu.memory_space<hbm>>
    %dma_start3A_1150 = tpu.memref_squeeze %dma_start3A_1149 : memref<1x1x13x80xi32, #tpu.memory_space<hbm>> -> memref<13x80xi32, #tpu.memory_space<hbm>>
    %dma_start3A_1151 = arith.constant 0 : i32
    %dma_start3A_1152 = arith.constant 0 : i32
    %dma_start3A_1153 = tpu.memref_slice %arg6[%dma_start3A_1151, %dma_start3A_1152] : memref<16x80xi32, #tpu.memory_space<vmem>> -> memref<13x80xi32, #tpu.memory_space<vmem>>
    %dma_start3A_1154 = arith.constant 112 : i32
    %dma_start3A_1155 = arith.constant 0 : i32
    %dma_start3A_1156 = tpu.memref_slice %arg3[%dma_start3A_1143, %add3A, %dma_start3A_1154, %dma_start3A_1155] : memref<2x32x125x80xi32, #tpu.memory_space<hbm>> -> memref<1x1x13x80xi32, #tpu.memory_space<hbm>>
    %dma_start3A_1157 = tpu.memref_squeeze %dma_start3A_1156 : memref<1x1x13x80xi32, #tpu.memory_space<hbm>> -> memref<13x80xi32, #tpu.memory_space<hbm>>
    tpu.enqueue_dma source(%dma_start3A_1157 : memref<13x80xi32, #tpu.memory_space<hbm>>) target(%dma_start3A_1153 : memref<13x80xi32, #tpu.memory_space<vmem>>) target_semaphore(%arg23 : memref<!tpu.dma_semaphore, #tpu.memory_space<semaphore_mem>>)
    %dma_start3A_1158 = arith.constant 1 : i32
    %dma_start3A_1159 = arith.constant 0 : i32
    %dma_start3A_1160 = arith.constant 0 : i32
    %dma_start3A_1161 = tpu.memref_slice %arg8[%dma_start3A_1159, %dma_start3A_1160] : memref<16x80xi32, #tpu.memory_space<vmem>> -> memref<13x80xi32, #tpu.memory_space<vmem>>
    %dma_start3A_1162 = arith.constant 112 : i32
    %dma_start3A_1163 = arith.constant 0 : i32
    %dma_start3A_1164 = tpu.memref_slice %arg3[%dma_start3A_1158, %add3A, %dma_start3A_1162, %dma_start3A_1163] : memref<2x32x125x80xi32, #tpu.memory_space<hbm>> -> memref<1x1x13x80xi32, #tpu.memory_space<hbm>>
    %dma_start3A_1165 = tpu.memref_squeeze %dma_start3A_1164 : memref<1x1x13x80xi32, #tpu.memory_space<hbm>> -> memref<13x80xi32, #tpu.memory_space<hbm>>
    %dma_start3A_1166 = arith.constant 0 : i32
    %dma_start3A_1167 = arith.constant 0 : i32
    %dma_start3A_1168 = tpu.memref_slice %arg8[%dma_start3A_1166, %dma_start3A_1167] : memref<16x80xi32, #tpu.memory_space<vmem>> -> memref<13x80xi32, #tpu.memory_space<vmem>>
    %dma_start3A_1169 = arith.constant 112 : i32
    %dma_start3A_1170 = arith.constant 0 : i32
    %dma_start3A_1171 = tpu.memref_slice %arg3[%dma_start3A_1158, %add3A, %dma_start3A_1169, %dma_start3A_1170] : memref<2x32x125x80xi32, #tpu.memory_space<hbm>> -> memref<1x1x13x80xi32, #tpu.memory_space<hbm>>
    %dma_start3A_1172 = tpu.memref_squeeze %dma_start3A_1171 : memref<1x1x13x80xi32, #tpu.memory_space<hbm>> -> memref<13x80xi32, #tpu.memory_space<hbm>>
    tpu.enqueue_dma source(%dma_start3A_1172 : memref<13x80xi32, #tpu.memory_space<hbm>>) target(%dma_start3A_1168 : memref<13x80xi32, #tpu.memory_space<vmem>>) target_semaphore(%arg25 : memref<!tpu.dma_semaphore, #tpu.memory_space<semaphore_mem>>)
    %dma_start3A_1173 = arith.constant 0 : i32
    %dma_start3A_1174 = arith.constant 0 : i32
    %dma_start3A_1175 = tpu.memref_slice %arg5[%dma_start3A_1173, %dma_start3A_1174] : memref<16x80xi32, #tpu.memory_space<vmem>> -> memref<1x80xi32, #tpu.memory_space<vmem>>
    %dma_start3A_1176 = tpu.memref_squeeze %dma_start3A_1175 : memref<1x80xi32, #tpu.memory_space<vmem>> -> memref<80xi32, #tpu.memory_space<vmem>>
    %dma_start3A_1177 = arith.constant 0 : i32
    %dma_start3A_1178 = arith.constant 0 : i32
    %dma_start3A_1179 = tpu.memref_slice %arg2[%dma_start3A_1177, %dma_start3A_1178] : memref<10000x128xf32, #tpu.memory_space<hbm>> -> memref<10000x128xf32, #tpu.memory_space<hbm>>
    tpu.enqueue_indirect_dma source(%dma_start3A_1179 : memref<10000x128xf32, #tpu.memory_space<hbm>>) target(%arg9 : memref<80x128xf32, #tpu.memory_space<vmem>>) offsets(%dma_start3A_1176 : memref<80xi32, #tpu.memory_space<vmem>>) semaphore(%arg14 : memref<!tpu.dma_semaphore, #tpu.memory_space<semaphore_mem>>)
    %dma_start3A_1180 = arith.constant 1 : i32
    %dma_start3A_1181 = arith.constant 0 : i32
    %dma_start3A_1182 = tpu.memref_slice %arg5[%dma_start3A_1180, %dma_start3A_1181] : memref<16x80xi32, #tpu.memory_space<vmem>> -> memref<1x80xi32, #tpu.memory_space<vmem>>
    %dma_start3A_1183 = tpu.memref_squeeze %dma_start3A_1182 : memref<1x80xi32, #tpu.memory_space<vmem>> -> memref<80xi32, #tpu.memory_space<vmem>>
    %dma_start3A_1184 = arith.constant 0 : i32
    %dma_start3A_1185 = arith.constant 0 : i32
    %dma_start3A_1186 = tpu.memref_slice %arg2[%dma_start3A_1184, %dma_start3A_1185] : memref<10000x128xf32, #tpu.memory_space<hbm>> -> memref<10000x128xf32, #tpu.memory_space<hbm>>
    tpu.enqueue_indirect_dma source(%dma_start3A_1186 : memref<10000x128xf32, #tpu.memory_space<hbm>>) target(%arg10 : memref<80x128xf32, #tpu.memory_space<vmem>>) offsets(%dma_start3A_1183 : memref<80xi32, #tpu.memory_space<vmem>>) semaphore(%arg15 : memref<!tpu.dma_semaphore, #tpu.memory_space<semaphore_mem>>)
    %dma_start3A_1187 = arith.constant 2 : i32
    %dma_start3A_1188 = arith.constant 0 : i32
    %dma_start3A_1189 = tpu.memref_slice %arg5[%dma_start3A_1187, %dma_start3A_1188] : memref<16x80xi32, #tpu.memory_space<vmem>> -> memref<1x80xi32, #tpu.memory_space<vmem>>
    %dma_start3A_1190 = tpu.memref_squeeze %dma_start3A_1189 : memref<1x80xi32, #tpu.memory_space<vmem>> -> memref<80xi32, #tpu.memory_space<vmem>>
    %dma_start3A_1191 = arith.constant 0 : i32
    %dma_start3A_1192 = arith.constant 0 : i32
    %dma_start3A_1193 = tpu.memref_slice %arg2[%dma_start3A_1191, %dma_start3A_1192] : memref<10000x128xf32, #tpu.memory_space<hbm>> -> memref<10000x128xf32, #tpu.memory_space<hbm>>
    tpu.enqueue_indirect_dma source(%dma_start3A_1193 : memref<10000x128xf32, #tpu.memory_space<hbm>>) target(%arg11 : memref<80x128xf32, #tpu.memory_space<vmem>>) offsets(%dma_start3A_1190 : memref<80xi32, #tpu.memory_space<vmem>>) semaphore(%arg16 : memref<!tpu.dma_semaphore, #tpu.memory_space<semaphore_mem>>)
    %dma_wait3A_1194 = arith.constant 0 : i32
    %dma_wait3A_1195 = arith.constant 0 : i32
    %dma_wait3A_1196 = tpu.memref_slice %arg5[%dma_wait3A_1194, %dma_wait3A_1195] : memref<16x80xi32, #tpu.memory_space<vmem>> -> memref<1x80xi32, #tpu.memory_space<vmem>>
    %dma_wait3A_1197 = tpu.memref_squeeze %dma_wait3A_1196 : memref<1x80xi32, #tpu.memory_space<vmem>> -> memref<80xi32, #tpu.memory_space<vmem>>
    %dma_wait3A_1198 = arith.constant 0 : i32
    %dma_wait3A_1199 = arith.constant 0 : i32
    %dma_wait3A_1200 = tpu.memref_slice %arg2[%dma_wait3A_1198, %dma_wait3A_1199] : memref<10000x128xf32, #tpu.memory_space<hbm>> -> memref<10000x128xf32, #tpu.memory_space<hbm>>
    tpu.wait_indirect_dma semaphore(%arg14 : memref<!tpu.dma_semaphore, #tpu.memory_space<semaphore_mem>>) src(%dma_wait3A_1200 : memref<10000x128xf32, #tpu.memory_space<hbm>>) dst(%arg9 : memref<80x128xf32, #tpu.memory_space<vmem>>)
    %dma_start3A_1201 = arith.constant 0 : i32
    %dma_start3A_1202 = arith.constant 0 : i32
    %dma_start3A_1203 = tpu.memref_slice %arg7[%dma_start3A_1201, %dma_start3A_1202] : memref<16x80xi32, #tpu.memory_space<vmem>> -> memref<1x80xi32, #tpu.memory_space<vmem>>
    %dma_start3A_1204 = tpu.memref_squeeze %dma_start3A_1203 : memref<1x80xi32, #tpu.memory_space<vmem>> -> memref<80xi32, #tpu.memory_space<vmem>>
    %dma_start3A_1205 = arith.constant 0 : i32
    %dma_start3A_1206 = arith.constant 0 : i32
    %dma_start3A_1207 = tpu.memref_slice %arg13[%dma_start3A_1205, %dma_start3A_1206] : memref<10112x128xf32, #tpu.memory_space<vmem_shared>> -> memref<10112x128xf32, #tpu.memory_space<vmem_shared>>
    tpu.enqueue_indirect_dma source(%arg9 : memref<80x128xf32, #tpu.memory_space<vmem>>) target(%dma_start3A_1207 : memref<10112x128xf32, #tpu.memory_space<vmem_shared>>) offsets(%dma_start3A_1204 : memref<80xi32, #tpu.memory_space<vmem>>) semaphore(%arg18 : memref<!tpu.dma_semaphore, #tpu.memory_space<semaphore_mem>>) {add = true}
    %dma_start3A_1208 = arith.constant 3 : i32
    %dma_start3A_1209 = arith.constant 0 : i32
    %dma_start3A_1210 = tpu.memref_slice %arg5[%dma_start3A_1208, %dma_start3A_1209] : memref<16x80xi32, #tpu.memory_space<vmem>> -> memref<1x80xi32, #tpu.memory_space<vmem>>
    %dma_start3A_1211 = tpu.memref_squeeze %dma_start3A_1210 : memref<1x80xi32, #tpu.memory_space<vmem>> -> memref<80xi32, #tpu.memory_space<vmem>>
    %dma_start3A_1212 = arith.constant 0 : i32
    %dma_start3A_1213 = arith.constant 0 : i32
    %dma_start3A_1214 = tpu.memref_slice %arg2[%dma_start3A_1212, %dma_start3A_1213] : memref<10000x128xf32, #tpu.memory_space<hbm>> -> memref<10000x128xf32, #tpu.memory_space<hbm>>
    tpu.enqueue_indirect_dma source(%dma_start3A_1214 : memref<10000x128xf32, #tpu.memory_space<hbm>>) target(%arg12 : memref<80x128xf32, #tpu.memory_space<vmem>>) offsets(%dma_start3A_1211 : memref<80xi32, #tpu.memory_space<vmem>>) semaphore(%arg17 : memref<!tpu.dma_semaphore, #tpu.memory_space<semaphore_mem>>)
    %scan3A_1215 = arith.constant 0 : i32
    %scan3A_1216 = arith.constant 3 : i32
    %scan3A_1217 = arith.addi %scan3A_1215, %scan3A_1216 : i32
    %scan3A_1218 = arith.constant 1 : i32
    scf.for %scan3A_1466 = %scan3A_1215 to %scan3A_1217 step %scan3A_1218  : i32 {
      %mul3A_1467 = arith.constant 4 : i32
      %mul3A_1468 = arith.muli %scan3A_1466, %mul3A_1467 : i32
      %add3A_1469 = arith.constant 1 : i32
      %add3A_1470 = arith.addi %add3A_1469, %mul3A_1468 : i32
      %add3A_1471 = arith.constant 0 : i32
      %add3A_1472 = arith.addi %add3A_1470, %add3A_1471 : i32
      %sub3A = arith.constant 1 : i32
      %sub3A_1473 = arith.subi %add3A_1472, %sub3A : i32
      %dma_wait3A_1474 = arith.constant 0 : i32
      %dma_wait3A_1475 = tpu.memref_slice %arg7[%sub3A_1473, %dma_wait3A_1474] : memref<16x80xi32, #tpu.memory_space<vmem>> -> memref<1x80xi32, #tpu.memory_space<vmem>>
      %dma_wait3A_1476 = tpu.memref_squeeze %dma_wait3A_1475 : memref<1x80xi32, #tpu.memory_space<vmem>> -> memref<80xi32, #tpu.memory_space<vmem>>
      %dma_wait3A_1477 = arith.constant 0 : i32
      %dma_wait3A_1478 = arith.constant 0 : i32
      %dma_wait3A_1479 = tpu.memref_slice %arg13[%dma_wait3A_1477, %dma_wait3A_1478] : memref<10112x128xf32, #tpu.memory_space<vmem_shared>> -> memref<10112x128xf32, #tpu.memory_space<vmem_shared>>
      tpu.wait_indirect_dma semaphore(%arg18 : memref<!tpu.dma_semaphore, #tpu.memory_space<semaphore_mem>>) src(%arg9 : memref<80x128xf32, #tpu.memory_space<vmem>>) dst(%dma_wait3A_1479 : memref<10112x128xf32, #tpu.memory_space<vmem_shared>>)
      %add3A_1480 = arith.constant 3 : i32
      %add3A_1481 = arith.addi %add3A_1472, %add3A_1480 : i32
      %dma_start3A_1482 = arith.constant 0 : i32
      %dma_start3A_1483 = tpu.memref_slice %arg5[%add3A_1481, %dma_start3A_1482] : memref<16x80xi32, #tpu.memory_space<vmem>> -> memref<1x80xi32, #tpu.memory_space<vmem>>
      %dma_start3A_1484 = tpu.memref_squeeze %dma_start3A_1483 : memref<1x80xi32, #tpu.memory_space<vmem>> -> memref<80xi32, #tpu.memory_space<vmem>>
      %dma_start3A_1485 = arith.constant 0 : i32
      %dma_start3A_1486 = arith.constant 0 : i32
      %dma_start3A_1487 = tpu.memref_slice %arg2[%dma_start3A_1485, %dma_start3A_1486] : memref<10000x128xf32, #tpu.memory_space<hbm>> -> memref<10000x128xf32, #tpu.memory_space<hbm>>
      tpu.enqueue_indirect_dma source(%dma_start3A_1487 : memref<10000x128xf32, #tpu.memory_space<hbm>>) target(%arg9 : memref<80x128xf32, #tpu.memory_space<vmem>>) offsets(%dma_start3A_1484 : memref<80xi32, #tpu.memory_space<vmem>>) semaphore(%arg14 : memref<!tpu.dma_semaphore, #tpu.memory_space<semaphore_mem>>)
      %dma_wait3A_1488 = arith.constant 0 : i32
      %dma_wait3A_1489 = tpu.memref_slice %arg5[%add3A_1472, %dma_wait3A_1488] : memref<16x80xi32, #tpu.memory_space<vmem>> -> memref<1x80xi32, #tpu.memory_space<vmem>>
      %dma_wait3A_1490 = tpu.memref_squeeze %dma_wait3A_1489 : memref<1x80xi32, #tpu.memory_space<vmem>> -> memref<80xi32, #tpu.memory_space<vmem>>
      %dma_wait3A_1491 = arith.constant 0 : i32
      %dma_wait3A_1492 = arith.constant 0 : i32
      %dma_wait3A_1493 = tpu.memref_slice %arg2[%dma_wait3A_1491, %dma_wait3A_1492] : memref<10000x128xf32, #tpu.memory_space<hbm>> -> memref<10000x128xf32, #tpu.memory_space<hbm>>
      tpu.wait_indirect_dma semaphore(%arg15 : memref<!tpu.dma_semaphore, #tpu.memory_space<semaphore_mem>>) src(%dma_wait3A_1493 : memref<10000x128xf32, #tpu.memory_space<hbm>>) dst(%arg10 : memref<80x128xf32, #tpu.memory_space<vmem>>)
      %dma_start3A_1494 = arith.constant 0 : i32
      %dma_start3A_1495 = tpu.memref_slice %arg7[%add3A_1472, %dma_start3A_1494] : memref<16x80xi32, #tpu.memory_space<vmem>> -> memref<1x80xi32, #tpu.memory_space<vmem>>
      %dma_start3A_1496 = tpu.memref_squeeze %dma_start3A_1495 : memref<1x80xi32, #tpu.memory_space<vmem>> -> memref<80xi32, #tpu.memory_space<vmem>>
      %dma_start3A_1497 = arith.constant 0 : i32
      %dma_start3A_1498 = arith.constant 0 : i32
      %dma_start3A_1499 = tpu.memref_slice %arg13[%dma_start3A_1497, %dma_start3A_1498] : memref<10112x128xf32, #tpu.memory_space<vmem_shared>> -> memref<10112x128xf32, #tpu.memory_space<vmem_shared>>
      tpu.enqueue_indirect_dma source(%arg10 : memref<80x128xf32, #tpu.memory_space<vmem>>) target(%dma_start3A_1499 : memref<10112x128xf32, #tpu.memory_space<vmem_shared>>) offsets(%dma_start3A_1496 : memref<80xi32, #tpu.memory_space<vmem>>) semaphore(%arg19 : memref<!tpu.dma_semaphore, #tpu.memory_space<semaphore_mem>>) {add = true}
      %add3A_1500 = arith.constant 1 : i32
      %add3A_1501 = arith.addi %add3A_1470, %add3A_1500 : i32
      %sub3A_1502 = arith.constant 1 : i32
      %sub3A_1503 = arith.subi %add3A_1501, %sub3A_1502 : i32
      %dma_wait3A_1504 = arith.constant 0 : i32
      %dma_wait3A_1505 = tpu.memref_slice %arg7[%sub3A_1503, %dma_wait3A_1504] : memref<16x80xi32, #tpu.memory_space<vmem>> -> memref<1x80xi32, #tpu.memory_space<vmem>>
      %dma_wait3A_1506 = tpu.memref_squeeze %dma_wait3A_1505 : memref<1x80xi32, #tpu.memory_space<vmem>> -> memref<80xi32, #tpu.memory_space<vmem>>
      %dma_wait3A_1507 = arith.constant 0 : i32
      %dma_wait3A_1508 = arith.constant 0 : i32
      %dma_wait3A_1509 = tpu.memref_slice %arg13[%dma_wait3A_1507, %dma_wait3A_1508] : memref<10112x128xf32, #tpu.memory_space<vmem_shared>> -> memref<10112x128xf32, #tpu.memory_space<vmem_shared>>
      tpu.wait_indirect_dma semaphore(%arg19 : memref<!tpu.dma_semaphore, #tpu.memory_space<semaphore_mem>>) src(%arg10 : memref<80x128xf32, #tpu.memory_space<vmem>>) dst(%dma_wait3A_1509 : memref<10112x128xf32, #tpu.memory_space<vmem_shared>>)
      %add3A_1510 = arith.constant 3 : i32
      %add3A_1511 = arith.addi %add3A_1501, %add3A_1510 : i32
      %dma_start3A_1512 = arith.constant 0 : i32
      %dma_start3A_1513 = tpu.memref_slice %arg5[%add3A_1511, %dma_start3A_1512] : memref<16x80xi32, #tpu.memory_space<vmem>> -> memref<1x80xi32, #tpu.memory_space<vmem>>
      %dma_start3A_1514 = tpu.memref_squeeze %dma_start3A_1513 : memref<1x80xi32, #tpu.memory_space<vmem>> -> memref<80xi32, #tpu.memory_space<vmem>>
      %dma_start3A_1515 = arith.constant 0 : i32
      %dma_start3A_1516 = arith.constant 0 : i32
      %dma_start3A_1517 = tpu.memref_slice %arg2[%dma_start3A_1515, %dma_start3A_1516] : memref<10000x128xf32, #tpu.memory_space<hbm>> -> memref<10000x128xf32, #tpu.memory_space<hbm>>
      tpu.enqueue_indirect_dma source(%dma_start3A_1517 : memref<10000x128xf32, #tpu.memory_space<hbm>>) target(%arg10 : memref<80x128xf32, #tpu.memory_space<vmem>>) offsets(%dma_start3A_1514 : memref<80xi32, #tpu.memory_space<vmem>>) semaphore(%arg15 : memref<!tpu.dma_semaphore, #tpu.memory_space<semaphore_mem>>)
      %dma_wait3A_1518 = arith.constant 0 : i32
      %dma_wait3A_1519 = tpu.memref_slice %arg5[%add3A_1501, %dma_wait3A_1518] : memref<16x80xi32, #tpu.memory_space<vmem>> -> memref<1x80xi32, #tpu.memory_space<vmem>>
      %dma_wait3A_1520 = tpu.memref_squeeze %dma_wait3A_1519 : memref<1x80xi32, #tpu.memory_space<vmem>> -> memref<80xi32, #tpu.memory_space<vmem>>
      %dma_wait3A_1521 = arith.constant 0 : i32
      %dma_wait3A_1522 = arith.constant 0 : i32
      %dma_wait3A_1523 = tpu.memref_slice %arg2[%dma_wait3A_1521, %dma_wait3A_1522] : memref<10000x128xf32, #tpu.memory_space<hbm>> -> memref<10000x128xf32, #tpu.memory_space<hbm>>
      tpu.wait_indirect_dma semaphore(%arg16 : memref<!tpu.dma_semaphore, #tpu.memory_space<semaphore_mem>>) src(%dma_wait3A_1523 : memref<10000x128xf32, #tpu.memory_space<hbm>>) dst(%arg11 : memref<80x128xf32, #tpu.memory_space<vmem>>)
      %dma_start3A_1524 = arith.constant 0 : i32
      %dma_start3A_1525 = tpu.memref_slice %arg7[%add3A_1501, %dma_start3A_1524] : memref<16x80xi32, #tpu.memory_space<vmem>> -> memref<1x80xi32, #tpu.memory_space<vmem>>
      %dma_start3A_1526 = tpu.memref_squeeze %dma_start3A_1525 : memref<1x80xi32, #tpu.memory_space<vmem>> -> memref<80xi32, #tpu.memory_space<vmem>>
      %dma_start3A_1527 = arith.constant 0 : i32
      %dma_start3A_1528 = arith.constant 0 : i32
      %dma_start3A_1529 = tpu.memref_slice %arg13[%dma_start3A_1527, %dma_start3A_1528] : memref<10112x128xf32, #tpu.memory_space<vmem_shared>> -> memref<10112x128xf32, #tpu.memory_space<vmem_shared>>
      tpu.enqueue_indirect_dma source(%arg11 : memref<80x128xf32, #tpu.memory_space<vmem>>) target(%dma_start3A_1529 : memref<10112x128xf32, #tpu.memory_space<vmem_shared>>) offsets(%dma_start3A_1526 : memref<80xi32, #tpu.memory_space<vmem>>) semaphore(%arg20 : memref<!tpu.dma_semaphore, #tpu.memory_space<semaphore_mem>>) {add = true}
      %add3A_1530 = arith.constant 2 : i32
      %add3A_1531 = arith.addi %add3A_1470, %add3A_1530 : i32
      %sub3A_1532 = arith.constant 1 : i32
      %sub3A_1533 = arith.subi %add3A_1531, %sub3A_1532 : i32
      %dma_wait3A_1534 = arith.constant 0 : i32
      %dma_wait3A_1535 = tpu.memref_slice %arg7[%sub3A_1533, %dma_wait3A_1534] : memref<16x80xi32, #tpu.memory_space<vmem>> -> memref<1x80xi32, #tpu.memory_space<vmem>>
      %dma_wait3A_1536 = tpu.memref_squeeze %dma_wait3A_1535 : memref<1x80xi32, #tpu.memory_space<vmem>> -> memref<80xi32, #tpu.memory_space<vmem>>
      %dma_wait3A_1537 = arith.constant 0 : i32
      %dma_wait3A_1538 = arith.constant 0 : i32
      %dma_wait3A_1539 = tpu.memref_slice %arg13[%dma_wait3A_1537, %dma_wait3A_1538] : memref<10112x128xf32, #tpu.memory_space<vmem_shared>> -> memref<10112x128xf32, #tpu.memory_space<vmem_shared>>
      tpu.wait_indirect_dma semaphore(%arg20 : memref<!tpu.dma_semaphore, #tpu.memory_space<semaphore_mem>>) src(%arg11 : memref<80x128xf32, #tpu.memory_space<vmem>>) dst(%dma_wait3A_1539 : memref<10112x128xf32, #tpu.memory_space<vmem_shared>>)
      %add3A_1540 = arith.constant 3 : i32
      %add3A_1541 = arith.addi %add3A_1531, %add3A_1540 : i32
      %dma_start3A_1542 = arith.constant 0 : i32
      %dma_start3A_1543 = tpu.memref_slice %arg5[%add3A_1541, %dma_start3A_1542] : memref<16x80xi32, #tpu.memory_space<vmem>> -> memref<1x80xi32, #tpu.memory_space<vmem>>
      %dma_start3A_1544 = tpu.memref_squeeze %dma_start3A_1543 : memref<1x80xi32, #tpu.memory_space<vmem>> -> memref<80xi32, #tpu.memory_space<vmem>>
      %dma_start3A_1545 = arith.constant 0 : i32
      %dma_start3A_1546 = arith.constant 0 : i32
      %dma_start3A_1547 = tpu.memref_slice %arg2[%dma_start3A_1545, %dma_start3A_1546] : memref<10000x128xf32, #tpu.memory_space<hbm>> -> memref<10000x128xf32, #tpu.memory_space<hbm>>
      tpu.enqueue_indirect_dma source(%dma_start3A_1547 : memref<10000x128xf32, #tpu.memory_space<hbm>>) target(%arg11 : memref<80x128xf32, #tpu.memory_space<vmem>>) offsets(%dma_start3A_1544 : memref<80xi32, #tpu.memory_space<vmem>>) semaphore(%arg16 : memref<!tpu.dma_semaphore, #tpu.memory_space<semaphore_mem>>)
      %dma_wait3A_1548 = arith.constant 0 : i32
      %dma_wait3A_1549 = tpu.memref_slice %arg5[%add3A_1531, %dma_wait3A_1548] : memref<16x80xi32, #tpu.memory_space<vmem>> -> memref<1x80xi32, #tpu.memory_space<vmem>>
      %dma_wait3A_1550 = tpu.memref_squeeze %dma_wait3A_1549 : memref<1x80xi32, #tpu.memory_space<vmem>> -> memref<80xi32, #tpu.memory_space<vmem>>
      %dma_wait3A_1551 = arith.constant 0 : i32
      %dma_wait3A_1552 = arith.constant 0 : i32
      %dma_wait3A_1553 = tpu.memref_slice %arg2[%dma_wait3A_1551, %dma_wait3A_1552] : memref<10000x128xf32, #tpu.memory_space<hbm>> -> memref<10000x128xf32, #tpu.memory_space<hbm>>
      tpu.wait_indirect_dma semaphore(%arg17 : memref<!tpu.dma_semaphore, #tpu.memory_space<semaphore_mem>>) src(%dma_wait3A_1553 : memref<10000x128xf32, #tpu.memory_space<hbm>>) dst(%arg12 : memref<80x128xf32, #tpu.memory_space<vmem>>)
      %dma_start3A_1554 = arith.constant 0 : i32
      %dma_start3A_1555 = tpu.memref_slice %arg7[%add3A_1531, %dma_start3A_1554] : memref<16x80xi32, #tpu.memory_space<vmem>> -> memref<1x80xi32, #tpu.memory_space<vmem>>
      %dma_start3A_1556 = tpu.memref_squeeze %dma_start3A_1555 : memref<1x80xi32, #tpu.memory_space<vmem>> -> memref<80xi32, #tpu.memory_space<vmem>>
      %dma_start3A_1557 = arith.constant 0 : i32
      %dma_start3A_1558 = arith.constant 0 : i32
      %dma_start3A_1559 = tpu.memref_slice %arg13[%dma_start3A_1557, %dma_start3A_1558] : memref<10112x128xf32, #tpu.memory_space<vmem_shared>> -> memref<10112x128xf32, #tpu.memory_space<vmem_shared>>
      tpu.enqueue_indirect_dma source(%arg12 : memref<80x128xf32, #tpu.memory_space<vmem>>) target(%dma_start3A_1559 : memref<10112x128xf32, #tpu.memory_space<vmem_shared>>) offsets(%dma_start3A_1556 : memref<80xi32, #tpu.memory_space<vmem>>) semaphore(%arg21 : memref<!tpu.dma_semaphore, #tpu.memory_space<semaphore_mem>>) {add = true}
      %add3A_1560 = arith.constant 3 : i32
      %add3A_1561 = arith.addi %add3A_1470, %add3A_1560 : i32
      %sub3A_1562 = arith.constant 1 : i32
      %sub3A_1563 = arith.subi %add3A_1561, %sub3A_1562 : i32
      %dma_wait3A_1564 = arith.constant 0 : i32
      %dma_wait3A_1565 = tpu.memref_slice %arg7[%sub3A_1563, %dma_wait3A_1564] : memref<16x80xi32, #tpu.memory_space<vmem>> -> memref<1x80xi32, #tpu.memory_space<vmem>>
      %dma_wait3A_1566 = tpu.memref_squeeze %dma_wait3A_1565 : memref<1x80xi32, #tpu.memory_space<vmem>> -> memref<80xi32, #tpu.memory_space<vmem>>
      %dma_wait3A_1567 = arith.constant 0 : i32
      %dma_wait3A_1568 = arith.constant 0 : i32
      %dma_wait3A_1569 = tpu.memref_slice %arg13[%dma_wait3A_1567, %dma_wait3A_1568] : memref<10112x128xf32, #tpu.memory_space<vmem_shared>> -> memref<10112x128xf32, #tpu.memory_space<vmem_shared>>
      tpu.wait_indirect_dma semaphore(%arg21 : memref<!tpu.dma_semaphore, #tpu.memory_space<semaphore_mem>>) src(%arg12 : memref<80x128xf32, #tpu.memory_space<vmem>>) dst(%dma_wait3A_1569 : memref<10112x128xf32, #tpu.memory_space<vmem_shared>>)
      %add3A_1570 = arith.constant 3 : i32
      %add3A_1571 = arith.addi %add3A_1561, %add3A_1570 : i32
      %dma_start3A_1572 = arith.constant 0 : i32
      %dma_start3A_1573 = tpu.memref_slice %arg5[%add3A_1571, %dma_start3A_1572] : memref<16x80xi32, #tpu.memory_space<vmem>> -> memref<1x80xi32, #tpu.memory_space<vmem>>
      %dma_start3A_1574 = tpu.memref_squeeze %dma_start3A_1573 : memref<1x80xi32, #tpu.memory_space<vmem>> -> memref<80xi32, #tpu.memory_space<vmem>>
      %dma_start3A_1575 = arith.constant 0 : i32
      %dma_start3A_1576 = arith.constant 0 : i32
      %dma_start3A_1577 = tpu.memref_slice %arg2[%dma_start3A_1575, %dma_start3A_1576] : memref<10000x128xf32, #tpu.memory_space<hbm>> -> memref<10000x128xf32, #tpu.memory_space<hbm>>
      tpu.enqueue_indirect_dma source(%dma_start3A_1577 : memref<10000x128xf32, #tpu.memory_space<hbm>>) target(%arg12 : memref<80x128xf32, #tpu.memory_space<vmem>>) offsets(%dma_start3A_1574 : memref<80xi32, #tpu.memory_space<vmem>>) semaphore(%arg17 : memref<!tpu.dma_semaphore, #tpu.memory_space<semaphore_mem>>)
      %dma_wait3A_1578 = arith.constant 0 : i32
      %dma_wait3A_1579 = tpu.memref_slice %arg5[%add3A_1561, %dma_wait3A_1578] : memref<16x80xi32, #tpu.memory_space<vmem>> -> memref<1x80xi32, #tpu.memory_space<vmem>>
      %dma_wait3A_1580 = tpu.memref_squeeze %dma_wait3A_1579 : memref<1x80xi32, #tpu.memory_space<vmem>> -> memref<80xi32, #tpu.memory_space<vmem>>
      %dma_wait3A_1581 = arith.constant 0 : i32
      %dma_wait3A_1582 = arith.constant 0 : i32
      %dma_wait3A_1583 = tpu.memref_slice %arg2[%dma_wait3A_1581, %dma_wait3A_1582] : memref<10000x128xf32, #tpu.memory_space<hbm>> -> memref<10000x128xf32, #tpu.memory_space<hbm>>
      tpu.wait_indirect_dma semaphore(%arg14 : memref<!tpu.dma_semaphore, #tpu.memory_space<semaphore_mem>>) src(%dma_wait3A_1583 : memref<10000x128xf32, #tpu.memory_space<hbm>>) dst(%arg9 : memref<80x128xf32, #tpu.memory_space<vmem>>)
      %dma_start3A_1584 = arith.constant 0 : i32
      %dma_start3A_1585 = tpu.memref_slice %arg7[%add3A_1561, %dma_start3A_1584] : memref<16x80xi32, #tpu.memory_space<vmem>> -> memref<1x80xi32, #tpu.memory_space<vmem>>
      %dma_start3A_1586 = tpu.memref_squeeze %dma_start3A_1585 : memref<1x80xi32, #tpu.memory_space<vmem>> -> memref<80xi32, #tpu.memory_space<vmem>>
      %dma_start3A_1587 = arith.constant 0 : i32
      %dma_start3A_1588 = arith.constant 0 : i32
      %dma_start3A_1589 = tpu.memref_slice %arg13[%dma_start3A_1587, %dma_start3A_1588] : memref<10112x128xf32, #tpu.memory_space<vmem_shared>> -> memref<10112x128xf32, #tpu.memory_space<vmem_shared>>
      tpu.enqueue_indirect_dma source(%arg9 : memref<80x128xf32, #tpu.memory_space<vmem>>) target(%dma_start3A_1589 : memref<10112x128xf32, #tpu.memory_space<vmem_shared>>) offsets(%dma_start3A_1586 : memref<80xi32, #tpu.memory_space<vmem>>) semaphore(%arg18 : memref<!tpu.dma_semaphore, #tpu.memory_space<semaphore_mem>>) {add = true}
    }
    %scan3A_1219 = arith.constant 3 : i32
    %dma_wait3A_1220 = arith.constant 12 : i32
    %dma_wait3A_1221 = arith.constant 0 : i32
    %dma_wait3A_1222 = tpu.memref_slice %arg7[%dma_wait3A_1220, %dma_wait3A_1221] : memref<16x80xi32, #tpu.memory_space<vmem>> -> memref<1x80xi32, #tpu.memory_space<vmem>>
    %dma_wait3A_1223 = tpu.memref_squeeze %dma_wait3A_1222 : memref<1x80xi32, #tpu.memory_space<vmem>> -> memref<80xi32, #tpu.memory_space<vmem>>
    %dma_wait3A_1224 = arith.constant 0 : i32
    %dma_wait3A_1225 = arith.constant 0 : i32
    %dma_wait3A_1226 = tpu.memref_slice %arg13[%dma_wait3A_1224, %dma_wait3A_1225] : memref<10112x128xf32, #tpu.memory_space<vmem_shared>> -> memref<10112x128xf32, #tpu.memory_space<vmem_shared>>
    tpu.wait_indirect_dma semaphore(%arg18 : memref<!tpu.dma_semaphore, #tpu.memory_space<semaphore_mem>>) src(%arg9 : memref<80x128xf32, #tpu.memory_space<vmem>>) dst(%dma_wait3A_1226 : memref<10112x128xf32, #tpu.memory_space<vmem_shared>>)
    %dma_wait3A_1227 = arith.constant 13 : i32
    %dma_wait3A_1228 = arith.constant 0 : i32
    %dma_wait3A_1229 = tpu.memref_slice %arg5[%dma_wait3A_1227, %dma_wait3A_1228] : memref<16x80xi32, #tpu.memory_space<vmem>> -> memref<1x80xi32, #tpu.memory_space<vmem>>
    %dma_wait3A_1230 = tpu.memref_squeeze %dma_wait3A_1229 : memref<1x80xi32, #tpu.memory_space<vmem>> -> memref<80xi32, #tpu.memory_space<vmem>>
    %dma_wait3A_1231 = arith.constant 0 : i32
    %dma_wait3A_1232 = arith.constant 0 : i32
    %dma_wait3A_1233 = tpu.memref_slice %arg2[%dma_wait3A_1231, %dma_wait3A_1232] : memref<10000x128xf32, #tpu.memory_space<hbm>> -> memref<10000x128xf32, #tpu.memory_space<hbm>>
    tpu.wait_indirect_dma semaphore(%arg15 : memref<!tpu.dma_semaphore, #tpu.memory_space<semaphore_mem>>) src(%dma_wait3A_1233 : memref<10000x128xf32, #tpu.memory_space<hbm>>) dst(%arg10 : memref<80x128xf32, #tpu.memory_space<vmem>>)
    %dma_start3A_1234 = arith.constant 13 : i32
    %dma_start3A_1235 = arith.constant 0 : i32
    %dma_start3A_1236 = tpu.memref_slice %arg7[%dma_start3A_1234, %dma_start3A_1235] : memref<16x80xi32, #tpu.memory_space<vmem>> -> memref<1x80xi32, #tpu.memory_space<vmem>>
    %dma_start3A_1237 = tpu.memref_squeeze %dma_start3A_1236 : memref<1x80xi32, #tpu.memory_space<vmem>> -> memref<80xi32, #tpu.memory_space<vmem>>
    %dma_start3A_1238 = arith.constant 0 : i32
    %dma_start3A_1239 = arith.constant 0 : i32
    %dma_start3A_1240 = tpu.memref_slice %arg13[%dma_start3A_1238, %dma_start3A_1239] : memref<10112x128xf32, #tpu.memory_space<vmem_shared>> -> memref<10112x128xf32, #tpu.memory_space<vmem_shared>>
    tpu.enqueue_indirect_dma source(%arg10 : memref<80x128xf32, #tpu.memory_space<vmem>>) target(%dma_start3A_1240 : memref<10112x128xf32, #tpu.memory_space<vmem_shared>>) offsets(%dma_start3A_1237 : memref<80xi32, #tpu.memory_space<vmem>>) semaphore(%arg19 : memref<!tpu.dma_semaphore, #tpu.memory_space<semaphore_mem>>) {add = true}
    %dma_wait3A_1241 = arith.constant 13 : i32
    %dma_wait3A_1242 = arith.constant 0 : i32
    %dma_wait3A_1243 = tpu.memref_slice %arg7[%dma_wait3A_1241, %dma_wait3A_1242] : memref<16x80xi32, #tpu.memory_space<vmem>> -> memref<1x80xi32, #tpu.memory_space<vmem>>
    %dma_wait3A_1244 = tpu.memref_squeeze %dma_wait3A_1243 : memref<1x80xi32, #tpu.memory_space<vmem>> -> memref<80xi32, #tpu.memory_space<vmem>>
    %dma_wait3A_1245 = arith.constant 0 : i32
    %dma_wait3A_1246 = arith.constant 0 : i32
    %dma_wait3A_1247 = tpu.memref_slice %arg13[%dma_wait3A_1245, %dma_wait3A_1246] : memref<10112x128xf32, #tpu.memory_space<vmem_shared>> -> memref<10112x128xf32, #tpu.memory_space<vmem_shared>>
    tpu.wait_indirect_dma semaphore(%arg19 : memref<!tpu.dma_semaphore, #tpu.memory_space<semaphore_mem>>) src(%arg10 : memref<80x128xf32, #tpu.memory_space<vmem>>) dst(%dma_wait3A_1247 : memref<10112x128xf32, #tpu.memory_space<vmem_shared>>)
    %dma_wait3A_1248 = arith.constant 14 : i32
    %dma_wait3A_1249 = arith.constant 0 : i32
    %dma_wait3A_1250 = tpu.memref_slice %arg5[%dma_wait3A_1248, %dma_wait3A_1249] : memref<16x80xi32, #tpu.memory_space<vmem>> -> memref<1x80xi32, #tpu.memory_space<vmem>>
    %dma_wait3A_1251 = tpu.memref_squeeze %dma_wait3A_1250 : memref<1x80xi32, #tpu.memory_space<vmem>> -> memref<80xi32, #tpu.memory_space<vmem>>
    %dma_wait3A_1252 = arith.constant 0 : i32
    %dma_wait3A_1253 = arith.constant 0 : i32
    %dma_wait3A_1254 = tpu.memref_slice %arg2[%dma_wait3A_1252, %dma_wait3A_1253] : memref<10000x128xf32, #tpu.memory_space<hbm>> -> memref<10000x128xf32, #tpu.memory_space<hbm>>
    tpu.wait_indirect_dma semaphore(%arg16 : memref<!tpu.dma_semaphore, #tpu.memory_space<semaphore_mem>>) src(%dma_wait3A_1254 : memref<10000x128xf32, #tpu.memory_space<hbm>>) dst(%arg11 : memref<80x128xf32, #tpu.memory_space<vmem>>)
    %dma_start3A_1255 = arith.constant 14 : i32
    %dma_start3A_1256 = arith.constant 0 : i32
    %dma_start3A_1257 = tpu.memref_slice %arg7[%dma_start3A_1255, %dma_start3A_1256] : memref<16x80xi32, #tpu.memory_space<vmem>> -> memref<1x80xi32, #tpu.memory_space<vmem>>
    %dma_start3A_1258 = tpu.memref_squeeze %dma_start3A_1257 : memref<1x80xi32, #tpu.memory_space<vmem>> -> memref<80xi32, #tpu.memory_space<vmem>>
    %dma_start3A_1259 = arith.constant 0 : i32
    %dma_start3A_1260 = arith.constant 0 : i32
    %dma_start3A_1261 = tpu.memref_slice %arg13[%dma_start3A_1259, %dma_start3A_1260] : memref<10112x128xf32, #tpu.memory_space<vmem_shared>> -> memref<10112x128xf32, #tpu.memory_space<vmem_shared>>
    tpu.enqueue_indirect_dma source(%arg11 : memref<80x128xf32, #tpu.memory_space<vmem>>) target(%dma_start3A_1261 : memref<10112x128xf32, #tpu.memory_space<vmem_shared>>) offsets(%dma_start3A_1258 : memref<80xi32, #tpu.memory_space<vmem>>) semaphore(%arg20 : memref<!tpu.dma_semaphore, #tpu.memory_space<semaphore_mem>>) {add = true}
    %dma_wait3A_1262 = arith.constant 14 : i32
    %dma_wait3A_1263 = arith.constant 0 : i32
    %dma_wait3A_1264 = tpu.memref_slice %arg7[%dma_wait3A_1262, %dma_wait3A_1263] : memref<16x80xi32, #tpu.memory_space<vmem>> -> memref<1x80xi32, #tpu.memory_space<vmem>>
    %dma_wait3A_1265 = tpu.memref_squeeze %dma_wait3A_1264 : memref<1x80xi32, #tpu.memory_space<vmem>> -> memref<80xi32, #tpu.memory_space<vmem>>
    %dma_wait3A_1266 = arith.constant 0 : i32
    %dma_wait3A_1267 = arith.constant 0 : i32
    %dma_wait3A_1268 = tpu.memref_slice %arg13[%dma_wait3A_1266, %dma_wait3A_1267] : memref<10112x128xf32, #tpu.memory_space<vmem_shared>> -> memref<10112x128xf32, #tpu.memory_space<vmem_shared>>
    tpu.wait_indirect_dma semaphore(%arg20 : memref<!tpu.dma_semaphore, #tpu.memory_space<semaphore_mem>>) src(%arg11 : memref<80x128xf32, #tpu.memory_space<vmem>>) dst(%dma_wait3A_1268 : memref<10112x128xf32, #tpu.memory_space<vmem_shared>>)
    %dma_wait3A_1269 = arith.constant 15 : i32
    %dma_wait3A_1270 = arith.constant 0 : i32
    %dma_wait3A_1271 = tpu.memref_slice %arg5[%dma_wait3A_1269, %dma_wait3A_1270] : memref<16x80xi32, #tpu.memory_space<vmem>> -> memref<1x80xi32, #tpu.memory_space<vmem>>
    %dma_wait3A_1272 = tpu.memref_squeeze %dma_wait3A_1271 : memref<1x80xi32, #tpu.memory_space<vmem>> -> memref<80xi32, #tpu.memory_space<vmem>>
    %dma_wait3A_1273 = arith.constant 0 : i32
    %dma_wait3A_1274 = arith.constant 0 : i32
    %dma_wait3A_1275 = tpu.memref_slice %arg2[%dma_wait3A_1273, %dma_wait3A_1274] : memref<10000x128xf32, #tpu.memory_space<hbm>> -> memref<10000x128xf32, #tpu.memory_space<hbm>>
    tpu.wait_indirect_dma semaphore(%arg17 : memref<!tpu.dma_semaphore, #tpu.memory_space<semaphore_mem>>) src(%dma_wait3A_1275 : memref<10000x128xf32, #tpu.memory_space<hbm>>) dst(%arg12 : memref<80x128xf32, #tpu.memory_space<vmem>>)
    %dma_start3A_1276 = arith.constant 15 : i32
    %dma_start3A_1277 = arith.constant 0 : i32
    %dma_start3A_1278 = tpu.memref_slice %arg7[%dma_start3A_1276, %dma_start3A_1277] : memref<16x80xi32, #tpu.memory_space<vmem>> -> memref<1x80xi32, #tpu.memory_space<vmem>>
    %dma_start3A_1279 = tpu.memref_squeeze %dma_start3A_1278 : memref<1x80xi32, #tpu.memory_space<vmem>> -> memref<80xi32, #tpu.memory_space<vmem>>
    %dma_start3A_1280 = arith.constant 0 : i32
    %dma_start3A_1281 = arith.constant 0 : i32
    %dma_start3A_1282 = tpu.memref_slice %arg13[%dma_start3A_1280, %dma_start3A_1281] : memref<10112x128xf32, #tpu.memory_space<vmem_shared>> -> memref<10112x128xf32, #tpu.memory_space<vmem_shared>>
    tpu.enqueue_indirect_dma source(%arg12 : memref<80x128xf32, #tpu.memory_space<vmem>>) target(%dma_start3A_1282 : memref<10112x128xf32, #tpu.memory_space<vmem_shared>>) offsets(%dma_start3A_1279 : memref<80xi32, #tpu.memory_space<vmem>>) semaphore(%arg21 : memref<!tpu.dma_semaphore, #tpu.memory_space<semaphore_mem>>) {add = true}
    %dma_wait3A_1283 = arith.constant 15 : i32
    %dma_wait3A_1284 = arith.constant 0 : i32
    %dma_wait3A_1285 = tpu.memref_slice %arg7[%dma_wait3A_1283, %dma_wait3A_1284] : memref<16x80xi32, #tpu.memory_space<vmem>> -> memref<1x80xi32, #tpu.memory_space<vmem>>
    %dma_wait3A_1286 = tpu.memref_squeeze %dma_wait3A_1285 : memref<1x80xi32, #tpu.memory_space<vmem>> -> memref<80xi32, #tpu.memory_space<vmem>>
    %dma_wait3A_1287 = arith.constant 0 : i32
    %dma_wait3A_1288 = arith.constant 0 : i32
    %dma_wait3A_1289 = tpu.memref_slice %arg13[%dma_wait3A_1287, %dma_wait3A_1288] : memref<10112x128xf32, #tpu.memory_space<vmem_shared>> -> memref<10112x128xf32, #tpu.memory_space<vmem_shared>>
    tpu.wait_indirect_dma semaphore(%arg21 : memref<!tpu.dma_semaphore, #tpu.memory_space<semaphore_mem>>) src(%arg12 : memref<80x128xf32, #tpu.memory_space<vmem>>) dst(%dma_wait3A_1289 : memref<10112x128xf32, #tpu.memory_space<vmem_shared>>)
    %dma_wait3A_1290 = arith.constant 0 : i32
    %dma_wait3A_1291 = arith.constant 0 : i32
    %dma_wait3A_1292 = arith.constant 0 : i32
    %dma_wait3A_1293 = tpu.memref_slice %arg6[%dma_wait3A_1291, %dma_wait3A_1292] : memref<16x80xi32, #tpu.memory_space<vmem>> -> memref<13x80xi32, #tpu.memory_space<vmem>>
    %dma_wait3A_1294 = arith.constant 112 : i32
    %dma_wait3A_1295 = arith.constant 0 : i32
    %dma_wait3A_1296 = tpu.memref_slice %arg3[%dma_wait3A_1290, %add3A, %dma_wait3A_1294, %dma_wait3A_1295] : memref<2x32x125x80xi32, #tpu.memory_space<hbm>> -> memref<1x1x13x80xi32, #tpu.memory_space<hbm>>
    %dma_wait3A_1297 = tpu.memref_squeeze %dma_wait3A_1296 : memref<1x1x13x80xi32, #tpu.memory_space<hbm>> -> memref<13x80xi32, #tpu.memory_space<hbm>>
    %dma_wait3A_1298 = arith.constant 0 : i32
    %dma_wait3A_1299 = arith.constant 0 : i32
    %dma_wait3A_1300 = tpu.memref_slice %arg6[%dma_wait3A_1298, %dma_wait3A_1299] : memref<16x80xi32, #tpu.memory_space<vmem>> -> memref<13x80xi32, #tpu.memory_space<vmem>>
    %dma_wait3A_1301 = arith.constant 112 : i32
    %dma_wait3A_1302 = arith.constant 0 : i32
    %dma_wait3A_1303 = tpu.memref_slice %arg3[%dma_wait3A_1290, %add3A, %dma_wait3A_1301, %dma_wait3A_1302] : memref<2x32x125x80xi32, #tpu.memory_space<hbm>> -> memref<1x1x13x80xi32, #tpu.memory_space<hbm>>
    %dma_wait3A_1304 = tpu.memref_squeeze %dma_wait3A_1303 : memref<1x1x13x80xi32, #tpu.memory_space<hbm>> -> memref<13x80xi32, #tpu.memory_space<hbm>>
    tpu.wait_dma2 semaphore(%arg23 : memref<!tpu.dma_semaphore, #tpu.memory_space<semaphore_mem>>) src(%dma_wait3A_1304 : memref<13x80xi32, #tpu.memory_space<hbm>>) dst(%dma_wait3A_1300 : memref<13x80xi32, #tpu.memory_space<vmem>>)
    %dma_wait3A_1305 = arith.constant 1 : i32
    %dma_wait3A_1306 = arith.constant 0 : i32
    %dma_wait3A_1307 = arith.constant 0 : i32
    %dma_wait3A_1308 = tpu.memref_slice %arg8[%dma_wait3A_1306, %dma_wait3A_1307] : memref<16x80xi32, #tpu.memory_space<vmem>> -> memref<13x80xi32, #tpu.memory_space<vmem>>
    %dma_wait3A_1309 = arith.constant 112 : i32
    %dma_wait3A_1310 = arith.constant 0 : i32
    %dma_wait3A_1311 = tpu.memref_slice %arg3[%dma_wait3A_1305, %add3A, %dma_wait3A_1309, %dma_wait3A_1310] : memref<2x32x125x80xi32, #tpu.memory_space<hbm>> -> memref<1x1x13x80xi32, #tpu.memory_space<hbm>>
    %dma_wait3A_1312 = tpu.memref_squeeze %dma_wait3A_1311 : memref<1x1x13x80xi32, #tpu.memory_space<hbm>> -> memref<13x80xi32, #tpu.memory_space<hbm>>
    %dma_wait3A_1313 = arith.constant 0 : i32
    %dma_wait3A_1314 = arith.constant 0 : i32
    %dma_wait3A_1315 = tpu.memref_slice %arg8[%dma_wait3A_1313, %dma_wait3A_1314] : memref<16x80xi32, #tpu.memory_space<vmem>> -> memref<13x80xi32, #tpu.memory_space<vmem>>
    %dma_wait3A_1316 = arith.constant 112 : i32
    %dma_wait3A_1317 = arith.constant 0 : i32
    %dma_wait3A_1318 = tpu.memref_slice %arg3[%dma_wait3A_1305, %add3A, %dma_wait3A_1316, %dma_wait3A_1317] : memref<2x32x125x80xi32, #tpu.memory_space<hbm>> -> memref<1x1x13x80xi32, #tpu.memory_space<hbm>>
    %dma_wait3A_1319 = tpu.memref_squeeze %dma_wait3A_1318 : memref<1x1x13x80xi32, #tpu.memory_space<hbm>> -> memref<13x80xi32, #tpu.memory_space<hbm>>
    tpu.wait_dma2 semaphore(%arg25 : memref<!tpu.dma_semaphore, #tpu.memory_space<semaphore_mem>>) src(%dma_wait3A_1319 : memref<13x80xi32, #tpu.memory_space<hbm>>) dst(%dma_wait3A_1315 : memref<13x80xi32, #tpu.memory_space<vmem>>)
    %dma_start3A_1320 = arith.constant 0 : i32
    %dma_start3A_1321 = arith.constant 0 : i32
    %dma_start3A_1322 = tpu.memref_slice %arg6[%dma_start3A_1320, %dma_start3A_1321] : memref<16x80xi32, #tpu.memory_space<vmem>> -> memref<1x80xi32, #tpu.memory_space<vmem>>
    %dma_start3A_1323 = tpu.memref_squeeze %dma_start3A_1322 : memref<1x80xi32, #tpu.memory_space<vmem>> -> memref<80xi32, #tpu.memory_space<vmem>>
    %dma_start3A_1324 = arith.constant 0 : i32
    %dma_start3A_1325 = arith.constant 0 : i32
    %dma_start3A_1326 = tpu.memref_slice %arg2[%dma_start3A_1324, %dma_start3A_1325] : memref<10000x128xf32, #tpu.memory_space<hbm>> -> memref<10000x128xf32, #tpu.memory_space<hbm>>
    tpu.enqueue_indirect_dma source(%dma_start3A_1326 : memref<10000x128xf32, #tpu.memory_space<hbm>>) target(%arg9 : memref<80x128xf32, #tpu.memory_space<vmem>>) offsets(%dma_start3A_1323 : memref<80xi32, #tpu.memory_space<vmem>>) semaphore(%arg14 : memref<!tpu.dma_semaphore, #tpu.memory_space<semaphore_mem>>)
    %dma_start3A_1327 = arith.constant 1 : i32
    %dma_start3A_1328 = arith.constant 0 : i32
    %dma_start3A_1329 = tpu.memref_slice %arg6[%dma_start3A_1327, %dma_start3A_1328] : memref<16x80xi32, #tpu.memory_space<vmem>> -> memref<1x80xi32, #tpu.memory_space<vmem>>
    %dma_start3A_1330 = tpu.memref_squeeze %dma_start3A_1329 : memref<1x80xi32, #tpu.memory_space<vmem>> -> memref<80xi32, #tpu.memory_space<vmem>>
    %dma_start3A_1331 = arith.constant 0 : i32
    %dma_start3A_1332 = arith.constant 0 : i32
    %dma_start3A_1333 = tpu.memref_slice %arg2[%dma_start3A_1331, %dma_start3A_1332] : memref<10000x128xf32, #tpu.memory_space<hbm>> -> memref<10000x128xf32, #tpu.memory_space<hbm>>
    tpu.enqueue_indirect_dma source(%dma_start3A_1333 : memref<10000x128xf32, #tpu.memory_space<hbm>>) target(%arg10 : memref<80x128xf32, #tpu.memory_space<vmem>>) offsets(%dma_start3A_1330 : memref<80xi32, #tpu.memory_space<vmem>>) semaphore(%arg15 : memref<!tpu.dma_semaphore, #tpu.memory_space<semaphore_mem>>)
    %dma_start3A_1334 = arith.constant 2 : i32
    %dma_start3A_1335 = arith.constant 0 : i32
    %dma_start3A_1336 = tpu.memref_slice %arg6[%dma_start3A_1334, %dma_start3A_1335] : memref<16x80xi32, #tpu.memory_space<vmem>> -> memref<1x80xi32, #tpu.memory_space<vmem>>
    %dma_start3A_1337 = tpu.memref_squeeze %dma_start3A_1336 : memref<1x80xi32, #tpu.memory_space<vmem>> -> memref<80xi32, #tpu.memory_space<vmem>>
    %dma_start3A_1338 = arith.constant 0 : i32
    %dma_start3A_1339 = arith.constant 0 : i32
    %dma_start3A_1340 = tpu.memref_slice %arg2[%dma_start3A_1338, %dma_start3A_1339] : memref<10000x128xf32, #tpu.memory_space<hbm>> -> memref<10000x128xf32, #tpu.memory_space<hbm>>
    tpu.enqueue_indirect_dma source(%dma_start3A_1340 : memref<10000x128xf32, #tpu.memory_space<hbm>>) target(%arg11 : memref<80x128xf32, #tpu.memory_space<vmem>>) offsets(%dma_start3A_1337 : memref<80xi32, #tpu.memory_space<vmem>>) semaphore(%arg16 : memref<!tpu.dma_semaphore, #tpu.memory_space<semaphore_mem>>)
    %dma_wait3A_1341 = arith.constant 0 : i32
    %dma_wait3A_1342 = arith.constant 0 : i32
    %dma_wait3A_1343 = tpu.memref_slice %arg6[%dma_wait3A_1341, %dma_wait3A_1342] : memref<16x80xi32, #tpu.memory_space<vmem>> -> memref<1x80xi32, #tpu.memory_space<vmem>>
    %dma_wait3A_1344 = tpu.memref_squeeze %dma_wait3A_1343 : memref<1x80xi32, #tpu.memory_space<vmem>> -> memref<80xi32, #tpu.memory_space<vmem>>
    %dma_wait3A_1345 = arith.constant 0 : i32
    %dma_wait3A_1346 = arith.constant 0 : i32
    %dma_wait3A_1347 = tpu.memref_slice %arg2[%dma_wait3A_1345, %dma_wait3A_1346] : memref<10000x128xf32, #tpu.memory_space<hbm>> -> memref<10000x128xf32, #tpu.memory_space<hbm>>
    tpu.wait_indirect_dma semaphore(%arg14 : memref<!tpu.dma_semaphore, #tpu.memory_space<semaphore_mem>>) src(%dma_wait3A_1347 : memref<10000x128xf32, #tpu.memory_space<hbm>>) dst(%arg9 : memref<80x128xf32, #tpu.memory_space<vmem>>)
    %dma_start3A_1348 = arith.constant 0 : i32
    %dma_start3A_1349 = arith.constant 0 : i32
    %dma_start3A_1350 = tpu.memref_slice %arg8[%dma_start3A_1348, %dma_start3A_1349] : memref<16x80xi32, #tpu.memory_space<vmem>> -> memref<1x80xi32, #tpu.memory_space<vmem>>
    %dma_start3A_1351 = tpu.memref_squeeze %dma_start3A_1350 : memref<1x80xi32, #tpu.memory_space<vmem>> -> memref<80xi32, #tpu.memory_space<vmem>>
    %dma_start3A_1352 = arith.constant 0 : i32
    %dma_start3A_1353 = arith.constant 0 : i32
    %dma_start3A_1354 = tpu.memref_slice %arg13[%dma_start3A_1352, %dma_start3A_1353] : memref<10112x128xf32, #tpu.memory_space<vmem_shared>> -> memref<10112x128xf32, #tpu.memory_space<vmem_shared>>
    tpu.enqueue_indirect_dma source(%arg9 : memref<80x128xf32, #tpu.memory_space<vmem>>) target(%dma_start3A_1354 : memref<10112x128xf32, #tpu.memory_space<vmem_shared>>) offsets(%dma_start3A_1351 : memref<80xi32, #tpu.memory_space<vmem>>) semaphore(%arg18 : memref<!tpu.dma_semaphore, #tpu.memory_space<semaphore_mem>>) {add = true}
    %dma_start3A_1355 = arith.constant 3 : i32
    %dma_start3A_1356 = arith.constant 0 : i32
    %dma_start3A_1357 = tpu.memref_slice %arg6[%dma_start3A_1355, %dma_start3A_1356] : memref<16x80xi32, #tpu.memory_space<vmem>> -> memref<1x80xi32, #tpu.memory_space<vmem>>
    %dma_start3A_1358 = tpu.memref_squeeze %dma_start3A_1357 : memref<1x80xi32, #tpu.memory_space<vmem>> -> memref<80xi32, #tpu.memory_space<vmem>>
    %dma_start3A_1359 = arith.constant 0 : i32
    %dma_start3A_1360 = arith.constant 0 : i32
    %dma_start3A_1361 = tpu.memref_slice %arg2[%dma_start3A_1359, %dma_start3A_1360] : memref<10000x128xf32, #tpu.memory_space<hbm>> -> memref<10000x128xf32, #tpu.memory_space<hbm>>
    tpu.enqueue_indirect_dma source(%dma_start3A_1361 : memref<10000x128xf32, #tpu.memory_space<hbm>>) target(%arg12 : memref<80x128xf32, #tpu.memory_space<vmem>>) offsets(%dma_start3A_1358 : memref<80xi32, #tpu.memory_space<vmem>>) semaphore(%arg17 : memref<!tpu.dma_semaphore, #tpu.memory_space<semaphore_mem>>)
    %scan3A_1362 = arith.constant 0 : i32
    %scan3A_1363 = arith.constant 2 : i32
    %scan3A_1364 = arith.addi %scan3A_1362, %scan3A_1363 : i32
    %scan3A_1365 = arith.constant 1 : i32
    scf.for %scan3A_1466 = %scan3A_1362 to %scan3A_1364 step %scan3A_1365  : i32 {
      %mul3A_1467 = arith.constant 4 : i32
      %mul3A_1468 = arith.muli %scan3A_1466, %mul3A_1467 : i32
      %add3A_1469 = arith.constant 1 : i32
      %add3A_1470 = arith.addi %add3A_1469, %mul3A_1468 : i32
      %add3A_1471 = arith.constant 0 : i32
      %add3A_1472 = arith.addi %add3A_1470, %add3A_1471 : i32
      %sub3A = arith.constant 1 : i32
      %sub3A_1473 = arith.subi %add3A_1472, %sub3A : i32
      %dma_wait3A_1474 = arith.constant 0 : i32
      %dma_wait3A_1475 = tpu.memref_slice %arg8[%sub3A_1473, %dma_wait3A_1474] : memref<16x80xi32, #tpu.memory_space<vmem>> -> memref<1x80xi32, #tpu.memory_space<vmem>>
      %dma_wait3A_1476 = tpu.memref_squeeze %dma_wait3A_1475 : memref<1x80xi32, #tpu.memory_space<vmem>> -> memref<80xi32, #tpu.memory_space<vmem>>
      %dma_wait3A_1477 = arith.constant 0 : i32
      %dma_wait3A_1478 = arith.constant 0 : i32
      %dma_wait3A_1479 = tpu.memref_slice %arg13[%dma_wait3A_1477, %dma_wait3A_1478] : memref<10112x128xf32, #tpu.memory_space<vmem_shared>> -> memref<10112x128xf32, #tpu.memory_space<vmem_shared>>
      tpu.wait_indirect_dma semaphore(%arg18 : memref<!tpu.dma_semaphore, #tpu.memory_space<semaphore_mem>>) src(%arg9 : memref<80x128xf32, #tpu.memory_space<vmem>>) dst(%dma_wait3A_1479 : memref<10112x128xf32, #tpu.memory_space<vmem_shared>>)
      %add3A_1480 = arith.constant 3 : i32
      %add3A_1481 = arith.addi %add3A_1472, %add3A_1480 : i32
      %dma_start3A_1482 = arith.constant 0 : i32
      %dma_start3A_1483 = tpu.memref_slice %arg6[%add3A_1481, %dma_start3A_1482] : memref<16x80xi32, #tpu.memory_space<vmem>> -> memref<1x80xi32, #tpu.memory_space<vmem>>
      %dma_start3A_1484 = tpu.memref_squeeze %dma_start3A_1483 : memref<1x80xi32, #tpu.memory_space<vmem>> -> memref<80xi32, #tpu.memory_space<vmem>>
      %dma_start3A_1485 = arith.constant 0 : i32
      %dma_start3A_1486 = arith.constant 0 : i32
      %dma_start3A_1487 = tpu.memref_slice %arg2[%dma_start3A_1485, %dma_start3A_1486] : memref<10000x128xf32, #tpu.memory_space<hbm>> -> memref<10000x128xf32, #tpu.memory_space<hbm>>
      tpu.enqueue_indirect_dma source(%dma_start3A_1487 : memref<10000x128xf32, #tpu.memory_space<hbm>>) target(%arg9 : memref<80x128xf32, #tpu.memory_space<vmem>>) offsets(%dma_start3A_1484 : memref<80xi32, #tpu.memory_space<vmem>>) semaphore(%arg14 : memref<!tpu.dma_semaphore, #tpu.memory_space<semaphore_mem>>)
      %dma_wait3A_1488 = arith.constant 0 : i32
      %dma_wait3A_1489 = tpu.memref_slice %arg6[%add3A_1472, %dma_wait3A_1488] : memref<16x80xi32, #tpu.memory_space<vmem>> -> memref<1x80xi32, #tpu.memory_space<vmem>>
      %dma_wait3A_1490 = tpu.memref_squeeze %dma_wait3A_1489 : memref<1x80xi32, #tpu.memory_space<vmem>> -> memref<80xi32, #tpu.memory_space<vmem>>
      %dma_wait3A_1491 = arith.constant 0 : i32
      %dma_wait3A_1492 = arith.constant 0 : i32
      %dma_wait3A_1493 = tpu.memref_slice %arg2[%dma_wait3A_1491, %dma_wait3A_1492] : memref<10000x128xf32, #tpu.memory_space<hbm>> -> memref<10000x128xf32, #tpu.memory_space<hbm>>
      tpu.wait_indirect_dma semaphore(%arg15 : memref<!tpu.dma_semaphore, #tpu.memory_space<semaphore_mem>>) src(%dma_wait3A_1493 : memref<10000x128xf32, #tpu.memory_space<hbm>>) dst(%arg10 : memref<80x128xf32, #tpu.memory_space<vmem>>)
      %dma_start3A_1494 = arith.constant 0 : i32
      %dma_start3A_1495 = tpu.memref_slice %arg8[%add3A_1472, %dma_start3A_1494] : memref<16x80xi32, #tpu.memory_space<vmem>> -> memref<1x80xi32, #tpu.memory_space<vmem>>
      %dma_start3A_1496 = tpu.memref_squeeze %dma_start3A_1495 : memref<1x80xi32, #tpu.memory_space<vmem>> -> memref<80xi32, #tpu.memory_space<vmem>>
      %dma_start3A_1497 = arith.constant 0 : i32
      %dma_start3A_1498 = arith.constant 0 : i32
      %dma_start3A_1499 = tpu.memref_slice %arg13[%dma_start3A_1497, %dma_start3A_1498] : memref<10112x128xf32, #tpu.memory_space<vmem_shared>> -> memref<10112x128xf32, #tpu.memory_space<vmem_shared>>
      tpu.enqueue_indirect_dma source(%arg10 : memref<80x128xf32, #tpu.memory_space<vmem>>) target(%dma_start3A_1499 : memref<10112x128xf32, #tpu.memory_space<vmem_shared>>) offsets(%dma_start3A_1496 : memref<80xi32, #tpu.memory_space<vmem>>) semaphore(%arg19 : memref<!tpu.dma_semaphore, #tpu.memory_space<semaphore_mem>>) {add = true}
      %add3A_1500 = arith.constant 1 : i32
      %add3A_1501 = arith.addi %add3A_1470, %add3A_1500 : i32
      %sub3A_1502 = arith.constant 1 : i32
      %sub3A_1503 = arith.subi %add3A_1501, %sub3A_1502 : i32
      %dma_wait3A_1504 = arith.constant 0 : i32
      %dma_wait3A_1505 = tpu.memref_slice %arg8[%sub3A_1503, %dma_wait3A_1504] : memref<16x80xi32, #tpu.memory_space<vmem>> -> memref<1x80xi32, #tpu.memory_space<vmem>>
      %dma_wait3A_1506 = tpu.memref_squeeze %dma_wait3A_1505 : memref<1x80xi32, #tpu.memory_space<vmem>> -> memref<80xi32, #tpu.memory_space<vmem>>
      %dma_wait3A_1507 = arith.constant 0 : i32
      %dma_wait3A_1508 = arith.constant 0 : i32
      %dma_wait3A_1509 = tpu.memref_slice %arg13[%dma_wait3A_1507, %dma_wait3A_1508] : memref<10112x128xf32, #tpu.memory_space<vmem_shared>> -> memref<10112x128xf32, #tpu.memory_space<vmem_shared>>
      tpu.wait_indirect_dma semaphore(%arg19 : memref<!tpu.dma_semaphore, #tpu.memory_space<semaphore_mem>>) src(%arg10 : memref<80x128xf32, #tpu.memory_space<vmem>>) dst(%dma_wait3A_1509 : memref<10112x128xf32, #tpu.memory_space<vmem_shared>>)
      %add3A_1510 = arith.constant 3 : i32
      %add3A_1511 = arith.addi %add3A_1501, %add3A_1510 : i32
      %dma_start3A_1512 = arith.constant 0 : i32
      %dma_start3A_1513 = tpu.memref_slice %arg6[%add3A_1511, %dma_start3A_1512] : memref<16x80xi32, #tpu.memory_space<vmem>> -> memref<1x80xi32, #tpu.memory_space<vmem>>
      %dma_start3A_1514 = tpu.memref_squeeze %dma_start3A_1513 : memref<1x80xi32, #tpu.memory_space<vmem>> -> memref<80xi32, #tpu.memory_space<vmem>>
      %dma_start3A_1515 = arith.constant 0 : i32
      %dma_start3A_1516 = arith.constant 0 : i32
      %dma_start3A_1517 = tpu.memref_slice %arg2[%dma_start3A_1515, %dma_start3A_1516] : memref<10000x128xf32, #tpu.memory_space<hbm>> -> memref<10000x128xf32, #tpu.memory_space<hbm>>
      tpu.enqueue_indirect_dma source(%dma_start3A_1517 : memref<10000x128xf32, #tpu.memory_space<hbm>>) target(%arg10 : memref<80x128xf32, #tpu.memory_space<vmem>>) offsets(%dma_start3A_1514 : memref<80xi32, #tpu.memory_space<vmem>>) semaphore(%arg15 : memref<!tpu.dma_semaphore, #tpu.memory_space<semaphore_mem>>)
      %dma_wait3A_1518 = arith.constant 0 : i32
      %dma_wait3A_1519 = tpu.memref_slice %arg6[%add3A_1501, %dma_wait3A_1518] : memref<16x80xi32, #tpu.memory_space<vmem>> -> memref<1x80xi32, #tpu.memory_space<vmem>>
      %dma_wait3A_1520 = tpu.memref_squeeze %dma_wait3A_1519 : memref<1x80xi32, #tpu.memory_space<vmem>> -> memref<80xi32, #tpu.memory_space<vmem>>
      %dma_wait3A_1521 = arith.constant 0 : i32
      %dma_wait3A_1522 = arith.constant 0 : i32
      %dma_wait3A_1523 = tpu.memref_slice %arg2[%dma_wait3A_1521, %dma_wait3A_1522] : memref<10000x128xf32, #tpu.memory_space<hbm>> -> memref<10000x128xf32, #tpu.memory_space<hbm>>
      tpu.wait_indirect_dma semaphore(%arg16 : memref<!tpu.dma_semaphore, #tpu.memory_space<semaphore_mem>>) src(%dma_wait3A_1523 : memref<10000x128xf32, #tpu.memory_space<hbm>>) dst(%arg11 : memref<80x128xf32, #tpu.memory_space<vmem>>)
      %dma_start3A_1524 = arith.constant 0 : i32
      %dma_start3A_1525 = tpu.memref_slice %arg8[%add3A_1501, %dma_start3A_1524] : memref<16x80xi32, #tpu.memory_space<vmem>> -> memref<1x80xi32, #tpu.memory_space<vmem>>
      %dma_start3A_1526 = tpu.memref_squeeze %dma_start3A_1525 : memref<1x80xi32, #tpu.memory_space<vmem>> -> memref<80xi32, #tpu.memory_space<vmem>>
      %dma_start3A_1527 = arith.constant 0 : i32
      %dma_start3A_1528 = arith.constant 0 : i32
      %dma_start3A_1529 = tpu.memref_slice %arg13[%dma_start3A_1527, %dma_start3A_1528] : memref<10112x128xf32, #tpu.memory_space<vmem_shared>> -> memref<10112x128xf32, #tpu.memory_space<vmem_shared>>
      tpu.enqueue_indirect_dma source(%arg11 : memref<80x128xf32, #tpu.memory_space<vmem>>) target(%dma_start3A_1529 : memref<10112x128xf32, #tpu.memory_space<vmem_shared>>) offsets(%dma_start3A_1526 : memref<80xi32, #tpu.memory_space<vmem>>) semaphore(%arg20 : memref<!tpu.dma_semaphore, #tpu.memory_space<semaphore_mem>>) {add = true}
      %add3A_1530 = arith.constant 2 : i32
      %add3A_1531 = arith.addi %add3A_1470, %add3A_1530 : i32
      %sub3A_1532 = arith.constant 1 : i32
      %sub3A_1533 = arith.subi %add3A_1531, %sub3A_1532 : i32
      %dma_wait3A_1534 = arith.constant 0 : i32
      %dma_wait3A_1535 = tpu.memref_slice %arg8[%sub3A_1533, %dma_wait3A_1534] : memref<16x80xi32, #tpu.memory_space<vmem>> -> memref<1x80xi32, #tpu.memory_space<vmem>>
      %dma_wait3A_1536 = tpu.memref_squeeze %dma_wait3A_1535 : memref<1x80xi32, #tpu.memory_space<vmem>> -> memref<80xi32, #tpu.memory_space<vmem>>
      %dma_wait3A_1537 = arith.constant 0 : i32
      %dma_wait3A_1538 = arith.constant 0 : i32
      %dma_wait3A_1539 = tpu.memref_slice %arg13[%dma_wait3A_1537, %dma_wait3A_1538] : memref<10112x128xf32, #tpu.memory_space<vmem_shared>> -> memref<10112x128xf32, #tpu.memory_space<vmem_shared>>
      tpu.wait_indirect_dma semaphore(%arg20 : memref<!tpu.dma_semaphore, #tpu.memory_space<semaphore_mem>>) src(%arg11 : memref<80x128xf32, #tpu.memory_space<vmem>>) dst(%dma_wait3A_1539 : memref<10112x128xf32, #tpu.memory_space<vmem_shared>>)
      %add3A_1540 = arith.constant 3 : i32
      %add3A_1541 = arith.addi %add3A_1531, %add3A_1540 : i32
      %dma_start3A_1542 = arith.constant 0 : i32
      %dma_start3A_1543 = tpu.memref_slice %arg6[%add3A_1541, %dma_start3A_1542] : memref<16x80xi32, #tpu.memory_space<vmem>> -> memref<1x80xi32, #tpu.memory_space<vmem>>
      %dma_start3A_1544 = tpu.memref_squeeze %dma_start3A_1543 : memref<1x80xi32, #tpu.memory_space<vmem>> -> memref<80xi32, #tpu.memory_space<vmem>>
      %dma_start3A_1545 = arith.constant 0 : i32
      %dma_start3A_1546 = arith.constant 0 : i32
      %dma_start3A_1547 = tpu.memref_slice %arg2[%dma_start3A_1545, %dma_start3A_1546] : memref<10000x128xf32, #tpu.memory_space<hbm>> -> memref<10000x128xf32, #tpu.memory_space<hbm>>
      tpu.enqueue_indirect_dma source(%dma_start3A_1547 : memref<10000x128xf32, #tpu.memory_space<hbm>>) target(%arg11 : memref<80x128xf32, #tpu.memory_space<vmem>>) offsets(%dma_start3A_1544 : memref<80xi32, #tpu.memory_space<vmem>>) semaphore(%arg16 : memref<!tpu.dma_semaphore, #tpu.memory_space<semaphore_mem>>)
      %dma_wait3A_1548 = arith.constant 0 : i32
      %dma_wait3A_1549 = tpu.memref_slice %arg6[%add3A_1531, %dma_wait3A_1548] : memref<16x80xi32, #tpu.memory_space<vmem>> -> memref<1x80xi32, #tpu.memory_space<vmem>>
      %dma_wait3A_1550 = tpu.memref_squeeze %dma_wait3A_1549 : memref<1x80xi32, #tpu.memory_space<vmem>> -> memref<80xi32, #tpu.memory_space<vmem>>
      %dma_wait3A_1551 = arith.constant 0 : i32
      %dma_wait3A_1552 = arith.constant 0 : i32
      %dma_wait3A_1553 = tpu.memref_slice %arg2[%dma_wait3A_1551, %dma_wait3A_1552] : memref<10000x128xf32, #tpu.memory_space<hbm>> -> memref<10000x128xf32, #tpu.memory_space<hbm>>
      tpu.wait_indirect_dma semaphore(%arg17 : memref<!tpu.dma_semaphore, #tpu.memory_space<semaphore_mem>>) src(%dma_wait3A_1553 : memref<10000x128xf32, #tpu.memory_space<hbm>>) dst(%arg12 : memref<80x128xf32, #tpu.memory_space<vmem>>)
      %dma_start3A_1554 = arith.constant 0 : i32
      %dma_start3A_1555 = tpu.memref_slice %arg8[%add3A_1531, %dma_start3A_1554] : memref<16x80xi32, #tpu.memory_space<vmem>> -> memref<1x80xi32, #tpu.memory_space<vmem>>
      %dma_start3A_1556 = tpu.memref_squeeze %dma_start3A_1555 : memref<1x80xi32, #tpu.memory_space<vmem>> -> memref<80xi32, #tpu.memory_space<vmem>>
      %dma_start3A_1557 = arith.constant 0 : i32
      %dma_start3A_1558 = arith.constant 0 : i32
      %dma_start3A_1559 = tpu.memref_slice %arg13[%dma_start3A_1557, %dma_start3A_1558] : memref<10112x128xf32, #tpu.memory_space<vmem_shared>> -> memref<10112x128xf32, #tpu.memory_space<vmem_shared>>
      tpu.enqueue_indirect_dma source(%arg12 : memref<80x128xf32, #tpu.memory_space<vmem>>) target(%dma_start3A_1559 : memref<10112x128xf32, #tpu.memory_space<vmem_shared>>) offsets(%dma_start3A_1556 : memref<80xi32, #tpu.memory_space<vmem>>) semaphore(%arg21 : memref<!tpu.dma_semaphore, #tpu.memory_space<semaphore_mem>>) {add = true}
      %add3A_1560 = arith.constant 3 : i32
      %add3A_1561 = arith.addi %add3A_1470, %add3A_1560 : i32
      %sub3A_1562 = arith.constant 1 : i32
      %sub3A_1563 = arith.subi %add3A_1561, %sub3A_1562 : i32
      %dma_wait3A_1564 = arith.constant 0 : i32
      %dma_wait3A_1565 = tpu.memref_slice %arg8[%sub3A_1563, %dma_wait3A_1564] : memref<16x80xi32, #tpu.memory_space<vmem>> -> memref<1x80xi32, #tpu.memory_space<vmem>>
      %dma_wait3A_1566 = tpu.memref_squeeze %dma_wait3A_1565 : memref<1x80xi32, #tpu.memory_space<vmem>> -> memref<80xi32, #tpu.memory_space<vmem>>
      %dma_wait3A_1567 = arith.constant 0 : i32
      %dma_wait3A_1568 = arith.constant 0 : i32
      %dma_wait3A_1569 = tpu.memref_slice %arg13[%dma_wait3A_1567, %dma_wait3A_1568] : memref<10112x128xf32, #tpu.memory_space<vmem_shared>> -> memref<10112x128xf32, #tpu.memory_space<vmem_shared>>
      tpu.wait_indirect_dma semaphore(%arg21 : memref<!tpu.dma_semaphore, #tpu.memory_space<semaphore_mem>>) src(%arg12 : memref<80x128xf32, #tpu.memory_space<vmem>>) dst(%dma_wait3A_1569 : memref<10112x128xf32, #tpu.memory_space<vmem_shared>>)
      %add3A_1570 = arith.constant 3 : i32
      %add3A_1571 = arith.addi %add3A_1561, %add3A_1570 : i32
      %dma_start3A_1572 = arith.constant 0 : i32
      %dma_start3A_1573 = tpu.memref_slice %arg6[%add3A_1571, %dma_start3A_1572] : memref<16x80xi32, #tpu.memory_space<vmem>> -> memref<1x80xi32, #tpu.memory_space<vmem>>
      %dma_start3A_1574 = tpu.memref_squeeze %dma_start3A_1573 : memref<1x80xi32, #tpu.memory_space<vmem>> -> memref<80xi32, #tpu.memory_space<vmem>>
      %dma_start3A_1575 = arith.constant 0 : i32
      %dma_start3A_1576 = arith.constant 0 : i32
      %dma_start3A_1577 = tpu.memref_slice %arg2[%dma_start3A_1575, %dma_start3A_1576] : memref<10000x128xf32, #tpu.memory_space<hbm>> -> memref<10000x128xf32, #tpu.memory_space<hbm>>
      tpu.enqueue_indirect_dma source(%dma_start3A_1577 : memref<10000x128xf32, #tpu.memory_space<hbm>>) target(%arg12 : memref<80x128xf32, #tpu.memory_space<vmem>>) offsets(%dma_start3A_1574 : memref<80xi32, #tpu.memory_space<vmem>>) semaphore(%arg17 : memref<!tpu.dma_semaphore, #tpu.memory_space<semaphore_mem>>)
      %dma_wait3A_1578 = arith.constant 0 : i32
      %dma_wait3A_1579 = tpu.memref_slice %arg6[%add3A_1561, %dma_wait3A_1578] : memref<16x80xi32, #tpu.memory_space<vmem>> -> memref<1x80xi32, #tpu.memory_space<vmem>>
      %dma_wait3A_1580 = tpu.memref_squeeze %dma_wait3A_1579 : memref<1x80xi32, #tpu.memory_space<vmem>> -> memref<80xi32, #tpu.memory_space<vmem>>
      %dma_wait3A_1581 = arith.constant 0 : i32
      %dma_wait3A_1582 = arith.constant 0 : i32
      %dma_wait3A_1583 = tpu.memref_slice %arg2[%dma_wait3A_1581, %dma_wait3A_1582] : memref<10000x128xf32, #tpu.memory_space<hbm>> -> memref<10000x128xf32, #tpu.memory_space<hbm>>
      tpu.wait_indirect_dma semaphore(%arg14 : memref<!tpu.dma_semaphore, #tpu.memory_space<semaphore_mem>>) src(%dma_wait3A_1583 : memref<10000x128xf32, #tpu.memory_space<hbm>>) dst(%arg9 : memref<80x128xf32, #tpu.memory_space<vmem>>)
      %dma_start3A_1584 = arith.constant 0 : i32
      %dma_start3A_1585 = tpu.memref_slice %arg8[%add3A_1561, %dma_start3A_1584] : memref<16x80xi32, #tpu.memory_space<vmem>> -> memref<1x80xi32, #tpu.memory_space<vmem>>
      %dma_start3A_1586 = tpu.memref_squeeze %dma_start3A_1585 : memref<1x80xi32, #tpu.memory_space<vmem>> -> memref<80xi32, #tpu.memory_space<vmem>>
      %dma_start3A_1587 = arith.constant 0 : i32
      %dma_start3A_1588 = arith.constant 0 : i32
      %dma_start3A_1589 = tpu.memref_slice %arg13[%dma_start3A_1587, %dma_start3A_1588] : memref<10112x128xf32, #tpu.memory_space<vmem_shared>> -> memref<10112x128xf32, #tpu.memory_space<vmem_shared>>
      tpu.enqueue_indirect_dma source(%arg9 : memref<80x128xf32, #tpu.memory_space<vmem>>) target(%dma_start3A_1589 : memref<10112x128xf32, #tpu.memory_space<vmem_shared>>) offsets(%dma_start3A_1586 : memref<80xi32, #tpu.memory_space<vmem>>) semaphore(%arg18 : memref<!tpu.dma_semaphore, #tpu.memory_space<semaphore_mem>>) {add = true}
    }
    %scan3A_1366 = arith.constant 2 : i32
    %dma_wait3A_1367 = arith.constant 8 : i32
    %dma_wait3A_1368 = arith.constant 0 : i32
    %dma_wait3A_1369 = tpu.memref_slice %arg8[%dma_wait3A_1367, %dma_wait3A_1368] : memref<16x80xi32, #tpu.memory_space<vmem>> -> memref<1x80xi32, #tpu.memory_space<vmem>>
    %dma_wait3A_1370 = tpu.memref_squeeze %dma_wait3A_1369 : memref<1x80xi32, #tpu.memory_space<vmem>> -> memref<80xi32, #tpu.memory_space<vmem>>
    %dma_wait3A_1371 = arith.constant 0 : i32
    %dma_wait3A_1372 = arith.constant 0 : i32
    %dma_wait3A_1373 = tpu.memref_slice %arg13[%dma_wait3A_1371, %dma_wait3A_1372] : memref<10112x128xf32, #tpu.memory_space<vmem_shared>> -> memref<10112x128xf32, #tpu.memory_space<vmem_shared>>
    tpu.wait_indirect_dma semaphore(%arg18 : memref<!tpu.dma_semaphore, #tpu.memory_space<semaphore_mem>>) src(%arg9 : memref<80x128xf32, #tpu.memory_space<vmem>>) dst(%dma_wait3A_1373 : memref<10112x128xf32, #tpu.memory_space<vmem_shared>>)
    %dma_start3A_1374 = arith.constant 12 : i32
    %dma_start3A_1375 = arith.constant 0 : i32
    %dma_start3A_1376 = tpu.memref_slice %arg6[%dma_start3A_1374, %dma_start3A_1375] : memref<16x80xi32, #tpu.memory_space<vmem>> -> memref<1x80xi32, #tpu.memory_space<vmem>>
    %dma_start3A_1377 = tpu.memref_squeeze %dma_start3A_1376 : memref<1x80xi32, #tpu.memory_space<vmem>> -> memref<80xi32, #tpu.memory_space<vmem>>
    %dma_start3A_1378 = arith.constant 0 : i32
    %dma_start3A_1379 = arith.constant 0 : i32
    %dma_start3A_1380 = tpu.memref_slice %arg2[%dma_start3A_1378, %dma_start3A_1379] : memref<10000x128xf32, #tpu.memory_space<hbm>> -> memref<10000x128xf32, #tpu.memory_space<hbm>>
    tpu.enqueue_indirect_dma source(%dma_start3A_1380 : memref<10000x128xf32, #tpu.memory_space<hbm>>) target(%arg9 : memref<80x128xf32, #tpu.memory_space<vmem>>) offsets(%dma_start3A_1377 : memref<80xi32, #tpu.memory_space<vmem>>) semaphore(%arg14 : memref<!tpu.dma_semaphore, #tpu.memory_space<semaphore_mem>>)
    %dma_wait3A_1381 = arith.constant 9 : i32
    %dma_wait3A_1382 = arith.constant 0 : i32
    %dma_wait3A_1383 = tpu.memref_slice %arg6[%dma_wait3A_1381, %dma_wait3A_1382] : memref<16x80xi32, #tpu.memory_space<vmem>> -> memref<1x80xi32, #tpu.memory_space<vmem>>
    %dma_wait3A_1384 = tpu.memref_squeeze %dma_wait3A_1383 : memref<1x80xi32, #tpu.memory_space<vmem>> -> memref<80xi32, #tpu.memory_space<vmem>>
    %dma_wait3A_1385 = arith.constant 0 : i32
    %dma_wait3A_1386 = arith.constant 0 : i32
    %dma_wait3A_1387 = tpu.memref_slice %arg2[%dma_wait3A_1385, %dma_wait3A_1386] : memref<10000x128xf32, #tpu.memory_space<hbm>> -> memref<10000x128xf32, #tpu.memory_space<hbm>>
    tpu.wait_indirect_dma semaphore(%arg15 : memref<!tpu.dma_semaphore, #tpu.memory_space<semaphore_mem>>) src(%dma_wait3A_1387 : memref<10000x128xf32, #tpu.memory_space<hbm>>) dst(%arg10 : memref<80x128xf32, #tpu.memory_space<vmem>>)
    %dma_start3A_1388 = arith.constant 9 : i32
    %dma_start3A_1389 = arith.constant 0 : i32
    %dma_start3A_1390 = tpu.memref_slice %arg8[%dma_start3A_1388, %dma_start3A_1389] : memref<16x80xi32, #tpu.memory_space<vmem>> -> memref<1x80xi32, #tpu.memory_space<vmem>>
    %dma_start3A_1391 = tpu.memref_squeeze %dma_start3A_1390 : memref<1x80xi32, #tpu.memory_space<vmem>> -> memref<80xi32, #tpu.memory_space<vmem>>
    %dma_start3A_1392 = arith.constant 0 : i32
    %dma_start3A_1393 = arith.constant 0 : i32
    %dma_start3A_1394 = tpu.memref_slice %arg13[%dma_start3A_1392, %dma_start3A_1393] : memref<10112x128xf32, #tpu.memory_space<vmem_shared>> -> memref<10112x128xf32, #tpu.memory_space<vmem_shared>>
    tpu.enqueue_indirect_dma source(%arg10 : memref<80x128xf32, #tpu.memory_space<vmem>>) target(%dma_start3A_1394 : memref<10112x128xf32, #tpu.memory_space<vmem_shared>>) offsets(%dma_start3A_1391 : memref<80xi32, #tpu.memory_space<vmem>>) semaphore(%arg19 : memref<!tpu.dma_semaphore, #tpu.memory_space<semaphore_mem>>) {add = true}
    %dma_wait3A_1395 = arith.constant 9 : i32
    %dma_wait3A_1396 = arith.constant 0 : i32
    %dma_wait3A_1397 = tpu.memref_slice %arg8[%dma_wait3A_1395, %dma_wait3A_1396] : memref<16x80xi32, #tpu.memory_space<vmem>> -> memref<1x80xi32, #tpu.memory_space<vmem>>
    %dma_wait3A_1398 = tpu.memref_squeeze %dma_wait3A_1397 : memref<1x80xi32, #tpu.memory_space<vmem>> -> memref<80xi32, #tpu.memory_space<vmem>>
    %dma_wait3A_1399 = arith.constant 0 : i32
    %dma_wait3A_1400 = arith.constant 0 : i32
    %dma_wait3A_1401 = tpu.memref_slice %arg13[%dma_wait3A_1399, %dma_wait3A_1400] : memref<10112x128xf32, #tpu.memory_space<vmem_shared>> -> memref<10112x128xf32, #tpu.memory_space<vmem_shared>>
    tpu.wait_indirect_dma semaphore(%arg19 : memref<!tpu.dma_semaphore, #tpu.memory_space<semaphore_mem>>) src(%arg10 : memref<80x128xf32, #tpu.memory_space<vmem>>) dst(%dma_wait3A_1401 : memref<10112x128xf32, #tpu.memory_space<vmem_shared>>)
    %dma_wait3A_1402 = arith.constant 10 : i32
    %dma_wait3A_1403 = arith.constant 0 : i32
    %dma_wait3A_1404 = tpu.memref_slice %arg6[%dma_wait3A_1402, %dma_wait3A_1403] : memref<16x80xi32, #tpu.memory_space<vmem>> -> memref<1x80xi32, #tpu.memory_space<vmem>>
    %dma_wait3A_1405 = tpu.memref_squeeze %dma_wait3A_1404 : memref<1x80xi32, #tpu.memory_space<vmem>> -> memref<80xi32, #tpu.memory_space<vmem>>
    %dma_wait3A_1406 = arith.constant 0 : i32
    %dma_wait3A_1407 = arith.constant 0 : i32
    %dma_wait3A_1408 = tpu.memref_slice %arg2[%dma_wait3A_1406, %dma_wait3A_1407] : memref<10000x128xf32, #tpu.memory_space<hbm>> -> memref<10000x128xf32, #tpu.memory_space<hbm>>
    tpu.wait_indirect_dma semaphore(%arg16 : memref<!tpu.dma_semaphore, #tpu.memory_space<semaphore_mem>>) src(%dma_wait3A_1408 : memref<10000x128xf32, #tpu.memory_space<hbm>>) dst(%arg11 : memref<80x128xf32, #tpu.memory_space<vmem>>)
    %dma_start3A_1409 = arith.constant 10 : i32
    %dma_start3A_1410 = arith.constant 0 : i32
    %dma_start3A_1411 = tpu.memref_slice %arg8[%dma_start3A_1409, %dma_start3A_1410] : memref<16x80xi32, #tpu.memory_space<vmem>> -> memref<1x80xi32, #tpu.memory_space<vmem>>
    %dma_start3A_1412 = tpu.memref_squeeze %dma_start3A_1411 : memref<1x80xi32, #tpu.memory_space<vmem>> -> memref<80xi32, #tpu.memory_space<vmem>>
    %dma_start3A_1413 = arith.constant 0 : i32
    %dma_start3A_1414 = arith.constant 0 : i32
    %dma_start3A_1415 = tpu.memref_slice %arg13[%dma_start3A_1413, %dma_start3A_1414] : memref<10112x128xf32, #tpu.memory_space<vmem_shared>> -> memref<10112x128xf32, #tpu.memory_space<vmem_shared>>
    tpu.enqueue_indirect_dma source(%arg11 : memref<80x128xf32, #tpu.memory_space<vmem>>) target(%dma_start3A_1415 : memref<10112x128xf32, #tpu.memory_space<vmem_shared>>) offsets(%dma_start3A_1412 : memref<80xi32, #tpu.memory_space<vmem>>) semaphore(%arg20 : memref<!tpu.dma_semaphore, #tpu.memory_space<semaphore_mem>>) {add = true}
    %dma_wait3A_1416 = arith.constant 10 : i32
    %dma_wait3A_1417 = arith.constant 0 : i32
    %dma_wait3A_1418 = tpu.memref_slice %arg8[%dma_wait3A_1416, %dma_wait3A_1417] : memref<16x80xi32, #tpu.memory_space<vmem>> -> memref<1x80xi32, #tpu.memory_space<vmem>>
    %dma_wait3A_1419 = tpu.memref_squeeze %dma_wait3A_1418 : memref<1x80xi32, #tpu.memory_space<vmem>> -> memref<80xi32, #tpu.memory_space<vmem>>
    %dma_wait3A_1420 = arith.constant 0 : i32
    %dma_wait3A_1421 = arith.constant 0 : i32
    %dma_wait3A_1422 = tpu.memref_slice %arg13[%dma_wait3A_1420, %dma_wait3A_1421] : memref<10112x128xf32, #tpu.memory_space<vmem_shared>> -> memref<10112x128xf32, #tpu.memory_space<vmem_shared>>
    tpu.wait_indirect_dma semaphore(%arg20 : memref<!tpu.dma_semaphore, #tpu.memory_space<semaphore_mem>>) src(%arg11 : memref<80x128xf32, #tpu.memory_space<vmem>>) dst(%dma_wait3A_1422 : memref<10112x128xf32, #tpu.memory_space<vmem_shared>>)
    %dma_wait3A_1423 = arith.constant 11 : i32
    %dma_wait3A_1424 = arith.constant 0 : i32
    %dma_wait3A_1425 = tpu.memref_slice %arg6[%dma_wait3A_1423, %dma_wait3A_1424] : memref<16x80xi32, #tpu.memory_space<vmem>> -> memref<1x80xi32, #tpu.memory_space<vmem>>
    %dma_wait3A_1426 = tpu.memref_squeeze %dma_wait3A_1425 : memref<1x80xi32, #tpu.memory_space<vmem>> -> memref<80xi32, #tpu.memory_space<vmem>>
    %dma_wait3A_1427 = arith.constant 0 : i32
    %dma_wait3A_1428 = arith.constant 0 : i32
    %dma_wait3A_1429 = tpu.memref_slice %arg2[%dma_wait3A_1427, %dma_wait3A_1428] : memref<10000x128xf32, #tpu.memory_space<hbm>> -> memref<10000x128xf32, #tpu.memory_space<hbm>>
    tpu.wait_indirect_dma semaphore(%arg17 : memref<!tpu.dma_semaphore, #tpu.memory_space<semaphore_mem>>) src(%dma_wait3A_1429 : memref<10000x128xf32, #tpu.memory_space<hbm>>) dst(%arg12 : memref<80x128xf32, #tpu.memory_space<vmem>>)
    %dma_start3A_1430 = arith.constant 11 : i32
    %dma_start3A_1431 = arith.constant 0 : i32
    %dma_start3A_1432 = tpu.memref_slice %arg8[%dma_start3A_1430, %dma_start3A_1431] : memref<16x80xi32, #tpu.memory_space<vmem>> -> memref<1x80xi32, #tpu.memory_space<vmem>>
    %dma_start3A_1433 = tpu.memref_squeeze %dma_start3A_1432 : memref<1x80xi32, #tpu.memory_space<vmem>> -> memref<80xi32, #tpu.memory_space<vmem>>
    %dma_start3A_1434 = arith.constant 0 : i32
    %dma_start3A_1435 = arith.constant 0 : i32
    %dma_start3A_1436 = tpu.memref_slice %arg13[%dma_start3A_1434, %dma_start3A_1435] : memref<10112x128xf32, #tpu.memory_space<vmem_shared>> -> memref<10112x128xf32, #tpu.memory_space<vmem_shared>>
    tpu.enqueue_indirect_dma source(%arg12 : memref<80x128xf32, #tpu.memory_space<vmem>>) target(%dma_start3A_1436 : memref<10112x128xf32, #tpu.memory_space<vmem_shared>>) offsets(%dma_start3A_1433 : memref<80xi32, #tpu.memory_space<vmem>>) semaphore(%arg21 : memref<!tpu.dma_semaphore, #tpu.memory_space<semaphore_mem>>) {add = true}
    %dma_wait3A_1437 = arith.constant 11 : i32
    %dma_wait3A_1438 = arith.constant 0 : i32
    %dma_wait3A_1439 = tpu.memref_slice %arg8[%dma_wait3A_1437, %dma_wait3A_1438] : memref<16x80xi32, #tpu.memory_space<vmem>> -> memref<1x80xi32, #tpu.memory_space<vmem>>
    %dma_wait3A_1440 = tpu.memref_squeeze %dma_wait3A_1439 : memref<1x80xi32, #tpu.memory_space<vmem>> -> memref<80xi32, #tpu.memory_space<vmem>>
    %dma_wait3A_1441 = arith.constant 0 : i32
    %dma_wait3A_1442 = arith.constant 0 : i32
    %dma_wait3A_1443 = tpu.memref_slice %arg13[%dma_wait3A_1441, %dma_wait3A_1442] : memref<10112x128xf32, #tpu.memory_space<vmem_shared>> -> memref<10112x128xf32, #tpu.memory_space<vmem_shared>>
    tpu.wait_indirect_dma semaphore(%arg21 : memref<!tpu.dma_semaphore, #tpu.memory_space<semaphore_mem>>) src(%arg12 : memref<80x128xf32, #tpu.memory_space<vmem>>) dst(%dma_wait3A_1443 : memref<10112x128xf32, #tpu.memory_space<vmem_shared>>)
    %dma_wait3A_1444 = arith.constant 12 : i32
    %dma_wait3A_1445 = arith.constant 0 : i32
    %dma_wait3A_1446 = tpu.memref_slice %arg6[%dma_wait3A_1444, %dma_wait3A_1445] : memref<16x80xi32, #tpu.memory_space<vmem>> -> memref<1x80xi32, #tpu.memory_space<vmem>>
    %dma_wait3A_1447 = tpu.memref_squeeze %dma_wait3A_1446 : memref<1x80xi32, #tpu.memory_space<vmem>> -> memref<80xi32, #tpu.memory_space<vmem>>
    %dma_wait3A_1448 = arith.constant 0 : i32
    %dma_wait3A_1449 = arith.constant 0 : i32
    %dma_wait3A_1450 = tpu.memref_slice %arg2[%dma_wait3A_1448, %dma_wait3A_1449] : memref<10000x128xf32, #tpu.memory_space<hbm>> -> memref<10000x128xf32, #tpu.memory_space<hbm>>
    tpu.wait_indirect_dma semaphore(%arg14 : memref<!tpu.dma_semaphore, #tpu.memory_space<semaphore_mem>>) src(%dma_wait3A_1450 : memref<10000x128xf32, #tpu.memory_space<hbm>>) dst(%arg9 : memref<80x128xf32, #tpu.memory_space<vmem>>)
    %dma_start3A_1451 = arith.constant 12 : i32
    %dma_start3A_1452 = arith.constant 0 : i32
    %dma_start3A_1453 = tpu.memref_slice %arg8[%dma_start3A_1451, %dma_start3A_1452] : memref<16x80xi32, #tpu.memory_space<vmem>> -> memref<1x80xi32, #tpu.memory_space<vmem>>
    %dma_start3A_1454 = tpu.memref_squeeze %dma_start3A_1453 : memref<1x80xi32, #tpu.memory_space<vmem>> -> memref<80xi32, #tpu.memory_space<vmem>>
    %dma_start3A_1455 = arith.constant 0 : i32
    %dma_start3A_1456 = arith.constant 0 : i32
    %dma_start3A_1457 = tpu.memref_slice %arg13[%dma_start3A_1455, %dma_start3A_1456] : memref<10112x128xf32, #tpu.memory_space<vmem_shared>> -> memref<10112x128xf32, #tpu.memory_space<vmem_shared>>
    tpu.enqueue_indirect_dma source(%arg9 : memref<80x128xf32, #tpu.memory_space<vmem>>) target(%dma_start3A_1457 : memref<10112x128xf32, #tpu.memory_space<vmem_shared>>) offsets(%dma_start3A_1454 : memref<80xi32, #tpu.memory_space<vmem>>) semaphore(%arg18 : memref<!tpu.dma_semaphore, #tpu.memory_space<semaphore_mem>>) {add = true}
    %dma_wait3A_1458 = arith.constant 12 : i32
    %dma_wait3A_1459 = arith.constant 0 : i32
    %dma_wait3A_1460 = tpu.memref_slice %arg8[%dma_wait3A_1458, %dma_wait3A_1459] : memref<16x80xi32, #tpu.memory_space<vmem>> -> memref<1x80xi32, #tpu.memory_space<vmem>>
    %dma_wait3A_1461 = tpu.memref_squeeze %dma_wait3A_1460 : memref<1x80xi32, #tpu.memory_space<vmem>> -> memref<80xi32, #tpu.memory_space<vmem>>
    %dma_wait3A_1462 = arith.constant 0 : i32
    %dma_wait3A_1463 = arith.constant 0 : i32
    %dma_wait3A_1464 = tpu.memref_slice %arg13[%dma_wait3A_1462, %dma_wait3A_1463] : memref<10112x128xf32, #tpu.memory_space<vmem_shared>> -> memref<10112x128xf32, #tpu.memory_space<vmem_shared>>
    tpu.wait_indirect_dma semaphore(%arg18 : memref<!tpu.dma_semaphore, #tpu.memory_space<semaphore_mem>>) src(%arg9 : memref<80x128xf32, #tpu.memory_space<vmem>>) dst(%dma_wait3A_1464 : memref<10112x128xf32, #tpu.memory_space<vmem_shared>>)
    %barrier3A_1465 = arith.constant 0 : index
    tpu.barrier barrier_id(%barrier3A_1465)
    "tpu.region"() ({
      %run_scoped3A = tpu.sem_alloc : memref<!tpu.dma_semaphore, #tpu.memory_space<semaphore_mem>>
      %dma_start3A_1466 = arith.constant 0 : i32
      %dma_start3A_1467 = tpu.memref_slice %arg4[%arg0, %mul3A_2, %dma_start3A_1466] : memref<2x10112x128xf32, #tpu.memory_space<hbm>> -> memref<1x632x128xf32, #tpu.memory_space<hbm>>
      %dma_start3A_1468 = tpu.memref_squeeze %dma_start3A_1467 : memref<1x632x128xf32, #tpu.memory_space<hbm>> -> memref<632x128xf32, #tpu.memory_space<hbm>>
      %dma_start3A_1469 = arith.constant 0 : i32
      %dma_start3A_1470 = tpu.memref_slice %arg13[%mul3A_2, %dma_start3A_1469] : memref<10112x128xf32, #tpu.memory_space<vmem_shared>> -> memref<632x128xf32, #tpu.memory_space<vmem_shared>>
      tpu.enqueue_dma source(%dma_start3A_1470 : memref<632x128xf32, #tpu.memory_space<vmem_shared>>) target(%dma_start3A_1468 : memref<632x128xf32, #tpu.memory_space<hbm>>) target_semaphore(%run_scoped3A : memref<!tpu.dma_semaphore, #tpu.memory_space<semaphore_mem>>)
      %dma_wait3A_1471 = arith.constant 0 : i32
      %dma_wait3A_1472 = tpu.memref_slice %arg4[%arg0, %mul3A_2, %dma_wait3A_1471] : memref<2x10112x128xf32, #tpu.memory_space<hbm>> -> memref<1x632x128xf32, #tpu.memory_space<hbm>>
      %dma_wait3A_1473 = tpu.memref_squeeze %dma_wait3A_1472 : memref<1x632x128xf32, #tpu.memory_space<hbm>> -> memref<632x128xf32, #tpu.memory_space<hbm>>
      %dma_wait3A_1474 = arith.constant 0 : i32
      %dma_wait3A_1475 = tpu.memref_slice %arg13[%mul3A_2, %dma_wait3A_1474] : memref<10112x128xf32, #tpu.memory_space<vmem_shared>> -> memref<632x128xf32, #tpu.memory_space<vmem_shared>>
      tpu.wait_dma2 semaphore(%run_scoped3A : memref<!tpu.dma_semaphore, #tpu.memory_space<semaphore_mem>>) src(%dma_wait3A_1475 : memref<632x128xf32, #tpu.memory_space<vmem_shared>>) dst(%dma_wait3A_1473 : memref<632x128xf32, #tpu.memory_space<hbm>>)
      tpu.yield
    }) : () -> ()
    return
  }
}

module attributes {stable_mosaic.version = 14 : i64} {
  func.func @_mm_body(%arg0: i32, %arg1: memref<1x2000x128xf32, #tpu.memory_space<vmem>>, %arg2: memref<1x2000x128xf32, #tpu.memory_space<vmem>>, %arg3: memref<128x128xf32, #tpu.memory_space<vmem>>, %arg4: memref<1x128xf32, #tpu.memory_space<vmem>>, %arg5: memref<2000x128xf32, #tpu.memory_space<vmem>>) attributes {dimension_semantics = [#tpu.dimension_semantics<arbitrary>], iteration_bounds = array<i64: 5>, scalar_prefetch = 0 : i64, scratch_operands = 0 : i64, tpu.core_type = #tpu.core_type<tc>, window_params = [{transform_indices = @transform_0, window_bounds = array<i64: 1, 2000, 128>}, {transform_indices = @transform_1, window_bounds = array<i64: 1, 2000, 128>}, {pipeline_mode = #tpu.pipeline_mode<synchronous>, transform_indices = @transform_2, window_bounds = array<i64: 128, 128>}, {pipeline_mode = #tpu.pipeline_mode<synchronous>, transform_indices = @transform_3, window_bounds = array<i64: 1, 128>}, {transform_indices = @transform_4, window_bounds = array<i64: 2000, 128>}]} {
    %get3A = arith.constant 0 : index
    %get3A_0 = arith.constant 0 : index
    %get3A_1 = arith.constant 0 : index
    %get3A_2 = vector.load %arg1[%get3A, %get3A_0, %get3A_1] : memref<1x2000x128xf32, #tpu.memory_space<vmem>>, vector<1x2000x128xf32>
    %get3A_3 = vector.shape_cast %get3A_2 : vector<1x2000x128xf32> to vector<2000x128xf32>
    %get3A_4 = arith.constant 0 : index
    %get3A_5 = arith.constant 0 : index
    %get3A_6 = arith.constant 0 : index
    %get3A_7 = vector.load %arg2[%get3A_4, %get3A_5, %get3A_6] : memref<1x2000x128xf32, #tpu.memory_space<vmem>>, vector<1x2000x128xf32>
    %get3A_8 = vector.shape_cast %get3A_7 : vector<1x2000x128xf32> to vector<2000x128xf32>
    %add3A = arith.addf %get3A_3, %get3A_8 : vector<2000x128xf32>
    %get3A_9 = arith.constant 0 : index
    %get3A_10 = arith.constant 0 : index
    %get3A_11 = vector.load %arg3[%get3A_9, %get3A_10] : memref<128x128xf32, #tpu.memory_space<vmem>>, vector<128x128xf32>
    %dot_general3A = arith.constant dense<0.000000e+00> : vector<2000x128xf32>
    %dot_general3A_12 = tpu.matmul %add3A, %get3A_11, %dot_general3A {dimension_numbers = #tpu.dot_dimension_numbers<[1], [0], [0], [1], [0, 0, 1, 1], [], []>, transpose_lhs_hint = false} : vector<2000x128xf32>, vector<128x128xf32>, vector<2000x128xf32> -> vector<2000x128xf32>
    %get3A_13 = arith.constant 0 : index
    %get3A_14 = arith.constant 0 : index
    %get3A_15 = vector.load %arg4[%get3A_13, %get3A_14] : memref<1x128xf32, #tpu.memory_space<vmem>>, vector<1x128xf32>
    %add3A_16 = vector.broadcast %get3A_15 : vector<1x128xf32> to vector<2000x128xf32>
    %add3A_17 = arith.addf %dot_general3A_12, %add3A_16 : vector<2000x128xf32>
    %swap3A = arith.constant 0 : index
    %swap3A_18 = arith.constant 0 : index
    %swap3A_19 = vector.load %arg5[%swap3A, %swap3A_18] : memref<2000x128xf32, #tpu.memory_space<vmem>>, vector<2000x128xf32>
    tpu.vector_store %arg5[%swap3A, %swap3A_18], %add3A_17 {strides = array<i32>} : memref<2000x128xf32, #tpu.memory_space<vmem>>, vector<2000x128xf32>,
    return
  }
  func.func @transform_0(%arg0: i32) -> (i32, i32, i32) {
    %c0_i32 = arith.constant 0 : i32
    %c0_i32_0 = arith.constant 0 : i32
    %c0_i32_1 = arith.constant 0 : i32
    return %c0_i32, %arg0, %c0_i32_0 : i32, i32, i32
  }
  func.func @transform_1(%arg0: i32) -> (i32, i32, i32) {
    %c1_i32 = arith.constant 1 : i32
    %c0_i32 = arith.constant 0 : i32
    %c0_i32_0 = arith.constant 0 : i32
    return %c1_i32, %arg0, %c0_i32 : i32, i32, i32
  }
  func.func @transform_2(%arg0: i32) -> (i32, i32) {
    %c0_i32 = arith.constant 0 : i32
    %c0_i32_0 = arith.constant 0 : i32
    %c0_i32_1 = arith.constant 0 : i32
    return %c0_i32, %c0_i32_0 : i32, i32
  }
  func.func @transform_3(%arg0: i32) -> (i32, i32) {
    %c0_i32 = arith.constant 0 : i32
    %c0_i32_0 = arith.constant 0 : i32
    %c0_i32_1 = arith.constant 0 : i32
    return %c0_i32, %c0_i32_0 : i32, i32
  }
  func.func @transform_4(%arg0: i32) -> (i32, i32) {
    %c0_i32 = arith.constant 0 : i32
    %c0_i32_0 = arith.constant 0 : i32
    return %arg0, %c0_i32 : i32, i32
  }
}

</mosaic_0001>

<sc_bundles>
// kernel: kernel.4.cloned.1.call-start
scs
__scs_entry_jumppad:
0x0: {  	(pc) =	sbr.rel $0x88, $3  }
0x1: {  	(tag) =	ssettag $0x0;
	lr =	simm.s32 $0x1  }
0x2: {  	[smem:$0x3F9D] =	sst lr;
	_ =	strace $0xD0000000  }
0x3: {  	_ = 	snop  }
0x4: {  	_ = 	snop  }
0x5: {  	_ = 	snop  }
0x6: {  	_ = 	snop  }
0x7: {  	_ = 	snop  }
__scs_overlays_trampoline_lowered:
0x8: {  	[smem:$0x3FAC] =	sst s0  }
0x9: {  	[smem:$0x3FAD] =	sst s1  }
0xa: {  	[smem:$0x3FAE] =	sst s2  }
0xb: {  	[smem:$0x3FAF] =	sst s3  }
0xc: {  	[smem:$0x3FB0] =	sst s4  }
0xd: {  	[smem:$0x3FB1] =	sst s5  }
0xe: {  	[smem:$0x3FB2] =	sst s6  }
0xf: {  	[smem:$0x3FB3] =	sst s7  }
0x10: {  	[smem:$0x3FB4] =	sst s8  }
0x11: {  	[smem:$0x3FB5] =	sst s9;
	s0 =	simm.s32 @!p0 $0x0  }
0x12: {  	s1 =	sld [smem:$0x3F9B];
	s0 =	simm.s32 @p0 $0x1  }
0x13: {  	[smem:$0x3FB6] =	sst s0;
	s0 =	simm.s32 @!p1 $0x0  }
0x14: {  	s2 =	sld [smem:$0x3F9A];
	s0 =	simm.s32 @p1 $0x1  }
0x15: {  	[smem:$0x3FB7] =	sst s0;
	s0 =	simm.s32 @!p2 $0x0  }
0x16: {  	s3 =	sld [smem:$0x3FDB];
	s0 =	simm.s32 @p2 $0x1  }
0x17: {  	s4 =	simm.s32 $0x1BF5;
	[smem:$0x3FB9] =	sst s0  }
0x18: {  	s0 =	sld [smem:$0x3F9C];
	_ =	swait.ge [sflag:s4], $0x0  }
0x19: {  	s7 =	sld [smem:$0x3F9D]  }
0x1a: {  	s8 =	sadd.s32 $0xFFFFE003, lr  }
0x1b: {  	s9 =	sadd.s32 $0xFFFFFEF7, lr;
	s5 =	simm.s32 $0xFFFFFFFF;
	p2 =	slt.u32 s8, $0xFFFFF086  }
0x1c: {  	p1 =	slt.u32 s9, $0xF7A;
	s5 =	simm.s32 @!p2 $0x0  }
0x1d: {  	s5 =	simm.s32 @p1 $0x1;
	p0 =	seq.s32 s7, s2  }
0x1e: {  	s7 =	smul.u32 @!p0 $0xF7A, s2;
	p2 =	seq.s32 @!p0 s5, $0x0  }
0x1f: {  	s9 =	smul.u32 $0xF7A, s1;
	s8 =	simm.s32 @!p0 $0x1BF5;
	p2 =	por !p2, p0  }
0x20: {  	[sflag:s8] =	ssyncset.s32 @!p0 $0xFFFFF086;
	s6 =	sadd.s32 @!p0 s3, s7;
	s7 =	simm.s32 @!p0 $0x108  }
0x21: {  	s3 =	sadd.s32 s3, s9;
	s6 =	sadd.s32 @!p0 $0x88, s6;
	s7 =	simm.s32 @p2 $0x1082  }
0x22: {  	[simem:s7], [sflag:s8] =	dma.local @!p0 [hbm:s6], $0xF7A  }
0x23: {  	s9 =	sor.u32 $0xD0000000, s2;
	s6 =	simm.s32 $0x108;
	_ =	swait.ge @!p0 [sflag:s8], $0x0  }
0x24: {  	s3 =	sadd.s32 $0x88, s3;
	s6 =	simm.s32 @!p1 $0x1082;
	[sflag:s4] =	ssyncset.s32 $0xFFFFF086  }
0x25: {  	[simem:s6], [sflag:s4] =	dma.local [hbm:s3], $0xF7A  }
0x26: {  	[smem:$0x3F9D] =	sst s1;
	(tag) =	ssettag s2;
	_ =	strace s9  }
0x27: {  	s1 =	sld [smem:$0x3FAD]  }
0x28: {  	s2 =	sld [smem:$0x3FAE]  }
0x29: {  	s4 =	sld [smem:$0x3FB0]  }
0x2a: {  	p0 =	seq.s32 s5, $0x0;
	s5 =	sld [smem:$0x3FB1]  }
0x2b: {  	s6 =	sld [smem:$0x3FB2]  }
0x2c: {  	s7 =	sld [smem:$0x3FB3]  }
0x2d: {  	s3 =	simm.s32 $0x108;
	s8 =	sld [smem:$0x3FB4]  }
0x2e: {  	s3 =	simm.s32 @!p0 $0x1082;
	s9 =	sld [smem:$0x3FB5]  }
0x2f: {  	lr =	sadd.s32 s0, s3;
	s0 =	sld [smem:$0x3FAC]  }
0x30: {  	s3 =	sld [smem:$0x3FAF]  }
0x31: {  	[smem:$0x3FB8] =	sst s10  }
0x32: {  	s10 =	sld [smem:$0x3FB6];
	_ =	sdelay $0x3  }
0x33: {  	p0 =	seq.s32 s10, $0x1;
	s10 =	sld [smem:$0x3FB8];
	_ =	sdelay $0x3  }
0x34: {  	[smem:$0x3FB8] =	sst s10  }
0x35: {  	s10 =	sld [smem:$0x3FB7];
	_ =	sdelay $0x3  }
0x36: {  	p1 =	seq.s32 s10, $0x1;
	s10 =	sld [smem:$0x3FB8];
	_ =	sdelay $0x3  }
0x37: {  	[smem:$0x3FB8] =	sst s10  }
0x38: {  	s10 =	sld [smem:$0x3FB9]  }
0x39: {  	_ = 	snop;
	(pc) =	sbr.ind lr, $3  }
0x3a: {  	_ = 	snop  }
0x3b: {  	_ = 	snop  }
0x3c: {  	p2 =	seq.s32 s10, $0x1;
	s10 =	sld [smem:$0x3FB8]  }
0x3d: {  	_ =	shalt  }
0x3e: {  	_ =	shalt  }
0x3f: {  	_ =	shalt  }
0x40: {  	_ =	shalt  }
0x41: {  	_ =	shalt  }
0x42: {  	_ =	shalt  }
0x43: {  	_ =	shalt  }
0x44: {  	_ =	shalt  }
0x45: {  	_ =	shalt  }
0x46: {  	_ =	shalt  }
0x47: {  	_ =	shalt  }
0x48: {  	_ =	shalt  }
0x49: {  	_ =	shalt  }
0x4a: {  	_ =	shalt  }
0x4b: {  	_ =	shalt  }
0x4c: {  	_ =	shalt  }
0x4d: {  	_ =	shalt  }
0x4e: {  	_ =	shalt  }
0x4f: {  	_ =	shalt  }
0x50: {  	_ =	shalt  }
0x51: {  	_ =	shalt  }
0x52: {  	_ =	shalt  }
0x53: {  	_ =	shalt  }
0x54: {  	_ =	shalt  }
0x55: {  	_ =	shalt  }
0x56: {  	_ =	shalt  }
0x57: {  	_ =	shalt  }
0x58: {  	_ =	shalt  }
0x59: {  	_ =	shalt  }
0x5a: {  	_ =	shalt  }
0x5b: {  	_ =	shalt  }
0x5c: {  	_ =	shalt  }
0x5d: {  	_ =	shalt  }
0x5e: {  	_ =	shalt  }
0x5f: {  	_ =	shalt  }
0x60: {  	_ =	shalt  }
0x61: {  	_ =	shalt  }
0x62: {  	_ =	shalt  }
0x63: {  	_ =	shalt  }
0x64: {  	_ =	shalt  }
0x65: {  	_ =	shalt  }
0x66: {  	_ =	shalt  }
0x67: {  	_ =	shalt  }
0x68: {  	_ =	shalt  }
0x69: {  	_ =	shalt  }
0x6a: {  	_ =	shalt  }
0x6b: {  	_ =	shalt  }
0x6c: {  	_ =	shalt  }
0x6d: {  	_ =	shalt  }
0x6e: {  	_ =	shalt  }
0x6f: {  	_ =	shalt  }
0x70: {  	_ =	shalt  }
0x71: {  	_ =	shalt  }
0x72: {  	_ =	shalt  }
0x73: {  	_ =	shalt  }
0x74: {  	_ =	shalt  }
0x75: {  	_ =	shalt  }
0x76: {  	_ =	shalt  }
0x77: {  	_ =	shalt  }
0x78: {  	_ =	shalt  }
0x79: {  	_ =	shalt  }
0x7a: {  	_ =	shalt  }
0x7b: {  	_ =	shalt  }
0x7c: {  	_ =	shalt  }
0x7d: {  	_ =	shalt  }
0x7e: {  	_ =	shalt  }
0x7f: {  	_ =	shalt  }
0x80: {  	_ =	shalt  }
0x81: {  	_ =	shalt  }
0x82: {  	_ =	shalt  }
0x83: {  	_ =	shalt  }
0x84: {  	_ =	shalt  }
0x85: {  	_ =	shalt  }
0x86: {  	_ =	shalt  }
0x87: {  	_ =	shalt  }
.Lfunc_end0:
.L_simem_size_0:
called_computation_lowered:
.L_overlay_start_0:
0x88: {  	s2 =	sld [smem:$0x3FD9]  }
0x89: {  	s3 =	sld [smem:$0x3FFE];
	_ =	sdelay $0x1  }
0x8a: {  	s1 =	srdreg.scid  }
0x8b: {  	s0 =	sand.u32 $0x1, s1  }
0x8c: {  	s17 =	sshll.u32 s0, $0xA;
	s2 =	sadd.s32 s3, s2  }
0x8d: {  	s2 =	sadd.s32 s2, s17  }
0x8e: {  	[smem:$0x3FC4] =	sst s2  }
0x8f: {  	_ = 	snop  }
0x90: {  	s2 =	sld [smem:$0x3FC9]  }
0x91: {  	s18 =	sld [smem:$0x3FD0];
	(tm) =	ssettm $0x1  }
0x92: {  	s4 =	sld [smem:$0x3FFB];
	_ =	sdelay $0x3  }
0x93: {  	_ =	strace s4  }
0x94: {  	s4 =	sld [smem:$0x3FFC];
	_ =	sdelay $0x3  }
0x95: {  	_ =	strace s4  }
0x96: {  	s4 =	sld [smem:$0x3FFD];
	_ =	sdelay $0x3  }
0x97: {  	_ =	strace s4  }
0x98: {  	_ =	strace $0x8FFFFFFF  }
0x99: {  	s19 =	sld [smem:$0x3FDB];
	_ =	sdelay $0x1  }
0x9a: {  	s5 =	simm.s32 $_scs_section_size  }
0x9b: {  	s6 =	simm.s32 $_size__tile_overlayer_lowered;
	s7 =	simm.s32 $_tile_overlayer_lowered  }
0x9c: {  	s22 =	simm.s32 $0x1BFF;
	s21 =	sshll.u32 s7, $0x1;
	s4 =	sadd.s32 s5, s19  }
0x9d: {  	s8 =	simm.s32 $0x0;
	s20 =	sshll.u32 s6, $0x1;
	s6 =	sadd.s32 s21, s4  }
0x9e: {  	[timem:s8], [sflag:s22] =	dma.local [hbm:s6], s20  }
0x9f: {  	_ =	swait.ge [sflag:s22], s20  }
0xa0: {  	s5 =	ssub.s32 $0x0, s20;
	[sflag:s22] =	ssyncset.done $0x0  }
0xa1: {  	[sflag:s22] =	ssyncadd.s32 s5;
	_ =	sdelay $0x1  }
0xa2: {  	s23 =	simm.s32 $0x1B8B  }
0xa3: {  	_ =	swait.ge [sflag:s23], $0x1  }
0xa4: {  	[sflag:s23] =	ssyncset.done $0x0  }
0xa5: {  	s25 =	simm.s32 $0x1B8E;
	s24 =	sld [smem:$0x3FFE];
	[sflag:s23] =	ssyncadd.s32 $0xFFFFFFFF  }
0xa6: {  	s26 =	simm.s32 $execute0_lowered;
	[smem:$0x3FD2] =	sst s25  }
0xa7: {  	s6 =	sshll.u32 s26, $0x1;
	_ =	strace $0x80000046;
	[dreg:$0x1] =	wrdreg $0xFFFFFFFF  }
0xa8: {  	s28 =	simm.s32 $_size_execute0_lowered;
	s4 =	sadd.s32 s4, s6;
	[dreg:$0x0] =	wrdreg $0x0  }
0xa9: {  	s6 =	sshll.u32 s28, $0x1;
	[dreg:$0x2] =	wrdreg s4  }
0xaa: {  	[dreg:$0x3] =	wrdreg s6  }
0xab: {  	[dreg:$0x4] =	wrdreg $0xC0  }
0xac: {  	_ =	task [dreg:s8], $0x5FFFF  }
0xad: {  	[dreg:$0x1] =	wrdreg $0xFFFFFFFF  }
0xae: {  	[dreg:$0x0] =	wrdreg $0x60  }
0xaf: {  	[dreg:$0x2] =	wrdreg s2  }
0xb0: {  	[dreg:$0x3] =	wrdreg s18  }
0xb1: {  	[dreg:$0x4] =	wrdreg s24  }
0xb2: {  	[dreg:$0x5] =	wrdreg $0xC0000  }
0xb3: {  	[dreg:$0x6] =	wrdreg $0x9  }
0xb4: {  	_ =	task.clear_ibuf [dreg:s8], $0x7FFFF;
	_ =	strace $0x90000046  }
0xb5: {  	s29 =	simm.s32 $0x9;
	_ =	strace $0x80000048  }
0xb6: {  	_ =	swait.ge [sflag:s29], $0x1  }
0xb7: {  	[sflag:s29] =	ssyncadd.s32 $0xFFFFFFFF  }
0xb8: {  	_ =	strace $0x90000048  }
0xb9: {  	_ =	sfence  }
0xba: {  	s30 =	sld [smem:$0x0];
	_ =	sdelay $0x2  }
0xbb: {  	s31 =	sshll.u32 s1, $0xD;
	s1 =	sshrl.u32 s1, $0x2  }
0xbc: {  	s3 =	sand.u32 $0x4000, s31;
	s1 =	sadd.s32 s1, s30  }
0xbd: {  	s0 =	sor.u32 s3, s0;
	s1 =	sshll.u32 s1, $0x11  }
0xbe: {  	s0 =	sor.u32 s1, s0  }
0xbf: {  	s0 =	sadd.s32 $0x8F2B, s0  }
0xc0: {  	[sflag:s0] =	ssyncadd.remote.s32 $0x1  }
0xc1: {  	_ =	sfence.sel $0xFFFF  }
0xc2: {  	[dreg:$0x0] =	wrdreg $0xFFFFFFFF;
	(pc) =	sbr.abs _section_cstart, $3  }
0xc3: {  	[dreg:$0x1] =	wrdreg $0xFFFFFFFF  }
0xc4: {  	_ =	task.clear_ibuf [dreg:s8], $0x2FFFF;
	_ =	strace $0x9FFFFFFF  }
0xc5: {  	(tm) =	ssettm $0x7FFFFFFF  }
tec
execute0_lowered:
.L_overlay_start_1:
0x0: {  	(tag) =	ssettag $0x1  }
0x1: {  	s0 =	rddreg [dreg:$0x0]  }
0x2: {  	s1 =	rddreg [dreg:$0x1]  }
0x3: {  	s2 =	rddreg [dreg:$0x2]  }
0x4: {  	s4 =	srdreg.scid;
	s10 =	stileid.u32  }
0x5: {  	s3 =	rddreg [dreg:$0x3];
	s6 =	sand.u32 $0x1, s4;
	s8 =	smul.u32 $0x4F000, s10  }
0x6: {  	s4 =	simm.s32 $0x0;
	s28 =	sshll.u32 s10, $0xC;
	s5 =	smul.u32 $0x13C000, s6  }
0x7: {  	s23 =	ssub.s32 $0x2, s6;
	s6 =	sshll.u32 s6, $0xB;
	s8 =	sshrl.u32 s8, $0x2  }
0x8: {  	[smem:$0x7FF] =	sst s4;
	s6 =	sor.u32 s6, s28;
	s24 =	sadd.s32 s8, s3  }
0x9: {  	_ =	strace $0x80000047;
	s1 =	sadd.s32 s1, s6;
	[dreg:$0x1e] =	wrdreg s24  }
0xa: {  	s8 =	sadd.s32 $0x2800, s24;
	[dreg:$0xc] =	wrdreg s1  }
0xb: {  	s25 =	sadd.s32 $0x5000, s24;
	[dreg:$0x5] =	wrdreg s8  }
0xc: {  	s26 =	sadd.s32 $0x7800, s24;
	[dreg:$0x6] =	wrdreg s25  }
0xd: {  	s7 =	smul.u32 $0x13C00, s10;
	s10 =	sadd.s32 $0xA000, s24;
	[dreg:$0x7] =	wrdreg s26  }
0xe: {  	s11 =	sadd.s32 $0xC800, s24;
	[dreg:$0x8] =	wrdreg s10  }
0xf: {  	s12 =	sadd.s32 $0xF000, s24;
	[dreg:$0x9] =	wrdreg s11  }
0x10: {  	s13 =	sadd.s32 $0x11800, s24;
	[dreg:$0xa] =	wrdreg s12  }
0x11: {  	s6 =	sadd.s32 $0x10000, s1;
	[dreg:$0xb] =	wrdreg s13  }
0x12: {  	s14 =	sadd.s32 $0x100, s1;
	[dreg:$0xd] =	wrdreg s6  }
0x13: {  	s15 =	sadd.s32 $0x10100, s1;
	[dreg:$0xe] =	wrdreg s14  }
0x14: {  	s16 =	sadd.s32 $0x200, s1;
	[dreg:$0xf] =	wrdreg s15  }
0x15: {  	s29 =	simm.s32 $0x7;
	s17 =	sadd.s32 $0x10200, s1;
	[dreg:$0x10] =	wrdreg s16  }
0x16: {  	s31 =	simm.s32 $0x4;
	s18 =	sadd.s32 $0x300, s1;
	[dreg:$0x11] =	wrdreg s17  }
0x17: {  	s30 =	simm.s32 $0xA;
	s19 =	sadd.s32 $0x10300, s1;
	[dreg:$0x12] =	wrdreg s18  }
0x18: {  	s9 =	sshrl.u32 s23, $0x1;
	s20 =	sadd.s32 $0x400, s1;
	[dreg:$0x13] =	wrdreg s19  }
0x19: {  	s5 =	sadd.s32 s7, s5;
	s21 =	sadd.s32 $0x10400, s1;
	[dreg:$0x14] =	wrdreg s20  }
0x1a: {  	s7 =	ssub.s32 s23, s9;
	s22 =	sadd.s32 $0x500, s1;
	[dreg:$0x15] =	wrdreg s21  }
0x1b: {  	s5 =	sshrl.u32 s5, $0x3;
	s23 =	smax.u32 s7, $0x1;
	[dreg:$0x16] =	wrdreg s22  }
0x1c: {  	s24 =	sadd.s32 $0x10500, s1;
	s28 =	sadd.s32 $0x700, s1;
	[dreg:$0x18] =	wrdreg s23  }
0x1d: {  	s2 =	sadd.s32 s5, s2;
	[dreg:$0x19] =	wrdreg s24;
	s25 =	sadd.s32 $0x600, s1  }
0x1e: {  	s26 =	sadd.s32 $0x10600, s1;
	[dreg:$0x1c] =	wrdreg s28;
	s1 =	sadd.s32 $0x10700, s1  }
0x1f: {  	s11 =	simm.s32 $0x50;
	s14 =	simm.s32 $0x4800;
	s16 =	simm.s32 $0x7000  }
0x20: {  	s17 =	simm.s32 $0x1;
	s19 =	simm.s32 $0x9800;
	s20 =	simm.s32 $0x5  }
0x21: {  	s22 =	simm.s32 $0x2;
	s24 =	simm.s32 $0x6;
	[dreg:$0x1a] =	wrdreg s25  }
0x22: {  	s12 =	simm.s32 $0x8;
	s23 =	simm.s32 $0x0;
	[dreg:$0x1b] =	wrdreg s26  }
0x23: {  	s2 =	sadd.s32 $0xA00, s2;
	[dreg:$0x1d] =	wrdreg s1;
	s1 =	simm.s32 $0x2000  }
0x24: {  	v0 =	vimm.f32 $0.0e+00;
	s26 =	simm.s32 $0x3;
	[dreg:$0x17] =	wrdreg s2;
	s2 =	simm.s32 $0xD  }
.LBB2_1:
0x25: {  	s15 =	simm.s32 $0x0;
	s18 =	simm.s32 $0x200  }
.LBB2_2:
0x26: {  	p0 =	sne.s32 s18, $0x9E00;
	[tilespmem:s15+$0x2070] =	vst v0  }
0x27: {  	[tilespmem:s15+$0x2000] =	vst v0  }
0x28: {  	[tilespmem:s15+$0x2010] =	vst v0  }
.Ltmp0:
0x29: {  	[tilespmem:s15+$0x2020] =	vst v0;
	(pc) =	sbr.rel @p0 .LBB2_2-.Ltmp0, $4  }
0x2a: {  	[tilespmem:s15+$0x2030] =	vst v0  }
0x2b: {  	[tilespmem:s15+$0x2040] =	vst v0  }
0x2c: {  	[tilespmem:s15+$0x2050] =	vst v0  }
0x2d: {  	[tilespmem:s15+$0x2060] =	vst v0;
	s15 =	sshra.s32 s18, $0x2;
	s18 =	sadd.s32 $0x200, s18  }
0x2e: {  	[tilespmem:s15+$0x2070] =	vst v0  }
0x2f: {  	[tilespmem:s15+$0x2000] =	vst v0  }
0x30: {  	[tilespmem:s15+$0x2010] =	vst v0  }
0x31: {  	[tilespmem:s15+$0x2020] =	vst v0  }
0x32: {  	[tilespmem:s15+$0x2030] =	vst v0  }
0x33: {  	[tilespmem:s15+$0x2040] =	vst v0  }
0x34: {  	[tilespmem:s15+$0x2050] =	vst v0  }
0x35: {  	[tilespmem:s15+$0x2060] =	vst v0;
	s5 =	rddreg [dreg:$0x1e]  }
0x36: {  	[spmem:s5] =	stream.linear.scatter [tilespmem:s1], [sflag:$0xD], $0x2800, $0x38;
	[tilespmem:$0x1FC00] =	vst v63  }
0x37: {  	_ =	swait.ge [sflag:s2], $0x2800  }
0x38: {  	[sflag:s2] =	ssyncset.done $0x0  }
0x39: {  	s9 =	rddreg [dreg:$0x5];
	[sflag:s2] =	ssyncadd.s32 $0xFFFFD800  }
0x3a: {  	[spmem:s9] =	stream.linear.scatter [tilespmem:s1], [sflag:$0xD], $0x2800, $0x38;
	[tilespmem:$0x1FC00] =	vst v63  }
0x3b: {  	_ =	swait.ge [sflag:s2], $0x2800  }
0x3c: {  	[sflag:s2] =	ssyncset.done $0x0  }
0x3d: {  	s10 =	rddreg [dreg:$0x6];
	[sflag:s2] =	ssyncadd.s32 $0xFFFFD800  }
0x3e: {  	[spmem:s10] =	stream.linear.scatter [tilespmem:s1], [sflag:$0xD], $0x2800, $0x38;
	[tilespmem:$0x1FC00] =	vst v63  }
0x3f: {  	_ =	swait.ge [sflag:s2], $0x2800  }
0x40: {  	[sflag:s2] =	ssyncset.done $0x0  }
0x41: {  	s13 =	rddreg [dreg:$0x7];
	[sflag:s2] =	ssyncadd.s32 $0xFFFFD800  }
0x42: {  	[spmem:s13] =	stream.linear.scatter [tilespmem:s1], [sflag:$0xD], $0x2800, $0x38;
	[tilespmem:$0x1FC00] =	vst v63  }
0x43: {  	_ =	swait.ge [sflag:s2], $0x2800  }
0x44: {  	[sflag:s2] =	ssyncset.done $0x0  }
0x45: {  	s18 =	rddreg [dreg:$0x8];
	[sflag:s2] =	ssyncadd.s32 $0xFFFFD800  }
0x46: {  	[spmem:s18] =	stream.linear.scatter [tilespmem:s1], [sflag:$0xD], $0x2800, $0x38;
	[tilespmem:$0x1FC00] =	vst v63  }
0x47: {  	_ =	swait.ge [sflag:s2], $0x2800  }
0x48: {  	[sflag:s2] =	ssyncset.done $0x0  }
0x49: {  	s21 =	rddreg [dreg:$0x9];
	[sflag:s2] =	ssyncadd.s32 $0xFFFFD800  }
0x4a: {  	[spmem:s21] =	stream.linear.scatter [tilespmem:s1], [sflag:$0xD], $0x2800, $0x38;
	[tilespmem:$0x1FC00] =	vst v63  }
0x4b: {  	_ =	swait.ge [sflag:s2], $0x2800  }
0x4c: {  	[sflag:s2] =	ssyncset.done $0x0  }
0x4d: {  	s25 =	rddreg [dreg:$0xa];
	[sflag:s2] =	ssyncadd.s32 $0xFFFFD800  }
0x4e: {  	[spmem:s25] =	stream.linear.scatter [tilespmem:s1], [sflag:$0xD], $0x2800, $0x38;
	[tilespmem:$0x1FC00] =	vst v63  }
0x4f: {  	_ =	swait.ge [sflag:s2], $0x2800  }
0x50: {  	[sflag:s2] =	ssyncset.done $0x0  }
0x51: {  	s28 =	rddreg [dreg:$0xb];
	[sflag:s2] =	ssyncadd.s32 $0xFFFFD800  }
0x52: {  	[spmem:s28] =	stream.linear.scatter [tilespmem:s1], [sflag:$0xD], $0x2400, $0x38;
	[tilespmem:$0x1FC00] =	vst v63  }
0x53: {  	_ =	swait.ge [sflag:s2], $0x2400  }
0x54: {  	[sflag:s2] =	ssyncset.done $0x0  }
0x55: {  	s5 =	rddreg [dreg:$0xc];
	[sflag:s2] =	ssyncadd.s32 $0xFFFFDC00  }
0x56: {  	[tilespmem:s4], [sflag:$0x9] =	stream.linear.gather [hbm4b:s5+s4], $0x800, $0x38;
	[tilespmem:$0x1FC00] =	vst v63  }
0x57: {  	s9 =	simm.s32 $0x1000;
	s6 =	rddreg [dreg:$0xd]  }
0x58: {  	[tilespmem:s9], [sflag:$0xB] =	stream.linear.gather [hbm4b:s6+s4], $0x800, $0x38;
	[tilespmem:$0x1FC00] =	vst v63  }
0x59: {  	s8 =	simm.s32 $0x9;
	[bflag:$0x0] =	sbarrier.arrive $0xFFFF  }
0x5a: {  	_ =	swait.ge [sflag:s8], $0x800  }
0x5b: {  	[sflag:s8] =	ssyncset.done $0x0  }
0x5c: {  	s28 =	simm.s32 $0xB;
	[sflag:s8] =	ssyncadd.s32 $0xFFFFF800  }
0x5d: {  	_ =	swait.ge [sflag:s28], $0x800  }
0x5e: {  	[sflag:s28] =	ssyncset.done $0x0  }
0x5f: {  	s10 =	simm.s32 $0x800;
	s7 =	rddreg [dreg:$0xe];
	[sflag:s28] =	ssyncadd.s32 $0xFFFFF800  }
0x60: {  	[tilespmem:s10], [sflag:$0xA] =	stream.linear.gather [hbm4b:s7+s4], $0x800, $0x38;
	[tilespmem:$0x1FC00] =	vst v63  }
0x61: {  	s18 =	simm.s32 $0x1800;
	s13 =	rddreg [dreg:$0xf]  }
0x62: {  	[tilespmem:s18], [sflag:$0xC] =	stream.linear.gather [hbm4b:s13+s4], $0x800, $0x38;
	[tilespmem:$0x1FC00] =	vst v63  }
0x63: {  	_ = 	snop  }
0x64: {  	[tilespmem:s1], [sflag:$0x1] =	stream.indirect.gather [hbm4b:s0+s11], $0x80, s4, s11, $0xb8;
	[tilespmem:$0x1FC00] =	vst v63  }
0x65: {  	s6 =	simm.s32 $0x80  }
0x66: {  	[tilespmem:s14], [sflag:$0x2] =	stream.indirect.gather [hbm4b:s0+s11], $0x80, s6, s11, $0xb8;
	[tilespmem:$0x1FC00] =	vst v63  }
0x67: {  	s21 =	simm.s32 $0x100  }
0x68: {  	[tilespmem:s16], [sflag:$0x3] =	stream.indirect.gather [hbm4b:s0+s11], $0x80, s21, s11, $0xb8;
	[tilespmem:$0x1FC00] =	vst v63  }
0x69: {  	_ =	swait.ge [sflag:s17], $0x2800  }
0x6a: {  	[sflag:s17] =	ssyncset.done $0x0  }
0x6b: {  	[sflag:s17] =	ssyncadd.s32 $0xFFFFD800  }
0x6c: {  	[spmem:s3] =	stream.indirect.scatter.add.f32 [tilespmem:s1], [sflag:$0x5], $0x80, s9, s11, $0xb8;
	[tilespmem:$0x1FC00] =	vst v63  }
0x6d: {  	s25 =	simm.s32 $0x180  }
0x6e: {  	[tilespmem:s19], [sflag:$0x4] =	stream.indirect.gather [hbm4b:s0+s11], $0x80, s25, s11, $0xb8;
	[tilespmem:$0x1FC00] =	vst v63  }
0x6f: {  	_ =	swait.ge [sflag:s20], $0x2800  }
0x70: {  	[sflag:s20] =	ssyncset.done $0x0  }
0x71: {  	s5 =	simm.s32 $0x200;
	[sflag:s20] =	ssyncadd.s32 $0xFFFFD800  }
0x72: {  	[tilespmem:s1], [sflag:$0x1] =	stream.indirect.gather [hbm4b:s0+s11], $0x80, s5, s11, $0xb8;
	[tilespmem:$0x1FC00] =	vst v63  }
0x73: {  	_ =	swait.ge [sflag:s22], $0x2800  }
0x74: {  	[sflag:s22] =	ssyncset.done $0x0  }
0x75: {  	s10 =	simm.s32 $0x1080;
	[sflag:s22] =	ssyncadd.s32 $0xFFFFD800  }
0x76: {  	[spmem:s3] =	stream.indirect.scatter.add.f32 [tilespmem:s14], [sflag:$0x6], $0x80, s10, s11, $0xb8;
	[tilespmem:$0x1FC00] =	vst v63  }
0x77: {  	_ =	swait.ge [sflag:s24], $0x2800  }
0x78: {  	[sflag:s24] =	ssyncset.done $0x0  }
0x79: {  	s13 =	simm.s32 $0x280;
	[sflag:s24] =	ssyncadd.s32 $0xFFFFD800  }
0x7a: {  	[tilespmem:s14], [sflag:$0x2] =	stream.indirect.gather [hbm4b:s0+s11], $0x80, s13, s11, $0xb8;
	[tilespmem:$0x1FC00] =	vst v63  }
0x7b: {  	_ =	swait.ge [sflag:s26], $0x2800  }
0x7c: {  	[sflag:s26] =	ssyncset.done $0x0  }
0x7d: {  	s15 =	simm.s32 $0x1100;
	[sflag:s26] =	ssyncadd.s32 $0xFFFFD800  }
0x7e: {  	[spmem:s3] =	stream.indirect.scatter.add.f32 [tilespmem:s16], [sflag:$0x7], $0x80, s15, s11, $0xb8;
	[tilespmem:$0x1FC00] =	vst v63  }
0x7f: {  	_ =	swait.ge [sflag:s29], $0x2800  }
0x80: {  	[sflag:s29] =	ssyncset.done $0x0  }
0x81: {  	s18 =	simm.s32 $0x300;
	[sflag:s29] =	ssyncadd.s32 $0xFFFFD800  }
0x82: {  	[tilespmem:s16], [sflag:$0x3] =	stream.indirect.gather [hbm4b:s0+s11], $0x80, s18, s11, $0xb8;
	[tilespmem:$0x1FC00] =	vst v63  }
0x83: {  	_ =	swait.ge [sflag:s31], $0x2800  }
0x84: {  	[sflag:s31] =	ssyncset.done $0x0  }
0x85: {  	s21 =	simm.s32 $0x1180;
	[sflag:s31] =	ssyncadd.s32 $0xFFFFD800  }
0x86: {  	[spmem:s3] =	stream.indirect.scatter.add.f32 [tilespmem:s19], [sflag:$0x8], $0x80, s21, s11, $0xb8;
	[tilespmem:$0x1FC00] =	vst v63  }
0x87: {  	_ =	swait.ge [sflag:s12], $0x2800  }
0x88: {  	[sflag:s12] =	ssyncset.done $0x0  }
0x89: {  	s25 =	simm.s32 $0x380;
	[sflag:s12] =	ssyncadd.s32 $0xFFFFD800  }
0x8a: {  	[tilespmem:s19], [sflag:$0x4] =	stream.indirect.gather [hbm4b:s0+s11], $0x80, s25, s11, $0xb8;
	[tilespmem:$0x1FC00] =	vst v63  }
0x8b: {  	_ =	swait.ge [sflag:s17], $0x2800  }
0x8c: {  	[sflag:s17] =	ssyncset.done $0x0  }
0x8d: {  	s5 =	simm.s32 $0x1200;
	[sflag:s17] =	ssyncadd.s32 $0xFFFFD800  }
0x8e: {  	[spmem:s3] =	stream.indirect.scatter.add.f32 [tilespmem:s1], [sflag:$0x5], $0x80, s5, s11, $0xb8;
	[tilespmem:$0x1FC00] =	vst v63  }
0x8f: {  	_ =	swait.ge [sflag:s20], $0x2800  }
0x90: {  	[sflag:s20] =	ssyncset.done $0x0  }
0x91: {  	s10 =	simm.s32 $0x400;
	[sflag:s20] =	ssyncadd.s32 $0xFFFFD800  }
0x92: {  	[tilespmem:s1], [sflag:$0x1] =	stream.indirect.gather [hbm4b:s0+s11], $0x80, s10, s11, $0xb8;
	[tilespmem:$0x1FC00] =	vst v63  }
0x93: {  	_ =	swait.ge [sflag:s22], $0x2800  }
0x94: {  	[sflag:s22] =	ssyncset.done $0x0  }
0x95: {  	s13 =	simm.s32 $0x1280;
	[sflag:s22] =	ssyncadd.s32 $0xFFFFD800  }
0x96: {  	[spmem:s3] =	stream.indirect.scatter.add.f32 [tilespmem:s14], [sflag:$0x6], $0x80, s13, s11, $0xb8;
	[tilespmem:$0x1FC00] =	vst v63  }
0x97: {  	_ =	swait.ge [sflag:s24], $0x2800  }
0x98: {  	[sflag:s24] =	ssyncset.done $0x0  }
0x99: {  	s15 =	simm.s32 $0x480;
	[sflag:s24] =	ssyncadd.s32 $0xFFFFD800  }
0x9a: {  	[tilespmem:s14], [sflag:$0x2] =	stream.indirect.gather [hbm4b:s0+s11], $0x80, s15, s11, $0xb8;
	[tilespmem:$0x1FC00] =	vst v63  }
0x9b: {  	_ =	swait.ge [sflag:s26], $0x2800  }
0x9c: {  	[sflag:s26] =	ssyncset.done $0x0  }
0x9d: {  	s18 =	simm.s32 $0x1300;
	[sflag:s26] =	ssyncadd.s32 $0xFFFFD800  }
0x9e: {  	[spmem:s3] =	stream.indirect.scatter.add.f32 [tilespmem:s16], [sflag:$0x7], $0x80, s18, s11, $0xb8;
	[tilespmem:$0x1FC00] =	vst v63  }
0x9f: {  	_ =	swait.ge [sflag:s29], $0x2800  }
0xa0: {  	[sflag:s29] =	ssyncset.done $0x0  }
0xa1: {  	s21 =	simm.s32 $0x500;
	[sflag:s29] =	ssyncadd.s32 $0xFFFFD800  }
0xa2: {  	[tilespmem:s16], [sflag:$0x3] =	stream.indirect.gather [hbm4b:s0+s11], $0x80, s21, s11, $0xb8;
	[tilespmem:$0x1FC00] =	vst v63  }
0xa3: {  	_ =	swait.ge [sflag:s31], $0x2800  }
0xa4: {  	[sflag:s31] =	ssyncset.done $0x0  }
0xa5: {  	s25 =	simm.s32 $0x1380;
	[sflag:s31] =	ssyncadd.s32 $0xFFFFD800  }
0xa6: {  	[spmem:s3] =	stream.indirect.scatter.add.f32 [tilespmem:s19], [sflag:$0x8], $0x80, s25, s11, $0xb8;
	[tilespmem:$0x1FC00] =	vst v63  }
0xa7: {  	_ =	swait.ge [sflag:s12], $0x2800  }
0xa8: {  	[sflag:s12] =	ssyncset.done $0x0  }
0xa9: {  	s5 =	simm.s32 $0x580;
	[sflag:s12] =	ssyncadd.s32 $0xFFFFD800  }
0xaa: {  	[tilespmem:s19], [sflag:$0x4] =	stream.indirect.gather [hbm4b:s0+s11], $0x80, s5, s11, $0xb8;
	[tilespmem:$0x1FC00] =	vst v63  }
0xab: {  	_ =	swait.ge [sflag:s17], $0x2800  }
0xac: {  	[sflag:s17] =	ssyncset.done $0x0  }
0xad: {  	s10 =	simm.s32 $0x1400;
	[sflag:s17] =	ssyncadd.s32 $0xFFFFD800  }
0xae: {  	[spmem:s3] =	stream.indirect.scatter.add.f32 [tilespmem:s1], [sflag:$0x5], $0x80, s10, s11, $0xb8;
	[tilespmem:$0x1FC00] =	vst v63  }
0xaf: {  	_ =	swait.ge [sflag:s20], $0x2800  }
0xb0: {  	[sflag:s20] =	ssyncset.done $0x0  }
0xb1: {  	s13 =	simm.s32 $0x600;
	[sflag:s20] =	ssyncadd.s32 $0xFFFFD800  }
0xb2: {  	[tilespmem:s1], [sflag:$0x1] =	stream.indirect.gather [hbm4b:s0+s11], $0x80, s13, s11, $0xb8;
	[tilespmem:$0x1FC00] =	vst v63  }
0xb3: {  	_ =	swait.ge [sflag:s22], $0x2800  }
0xb4: {  	[sflag:s22] =	ssyncset.done $0x0  }
0xb5: {  	s15 =	simm.s32 $0x1480;
	[sflag:s22] =	ssyncadd.s32 $0xFFFFD800  }
0xb6: {  	[spmem:s3] =	stream.indirect.scatter.add.f32 [tilespmem:s14], [sflag:$0x6], $0x80, s15, s11, $0xb8;
	[tilespmem:$0x1FC00] =	vst v63  }
0xb7: {  	_ =	swait.ge [sflag:s24], $0x2800  }
0xb8: {  	[sflag:s24] =	ssyncset.done $0x0  }
0xb9: {  	s18 =	simm.s32 $0x680;
	[sflag:s24] =	ssyncadd.s32 $0xFFFFD800  }
0xba: {  	[tilespmem:s14], [sflag:$0x2] =	stream.indirect.gather [hbm4b:s0+s11], $0x80, s18, s11, $0xb8;
	[tilespmem:$0x1FC00] =	vst v63  }
0xbb: {  	_ =	swait.ge [sflag:s26], $0x2800  }
0xbc: {  	[sflag:s26] =	ssyncset.done $0x0  }
0xbd: {  	s21 =	simm.s32 $0x1500;
	[sflag:s26] =	ssyncadd.s32 $0xFFFFD800  }
0xbe: {  	[spmem:s3] =	stream.indirect.scatter.add.f32 [tilespmem:s16], [sflag:$0x7], $0x80, s21, s11, $0xb8;
	[tilespmem:$0x1FC00] =	vst v63  }
0xbf: {  	_ =	swait.ge [sflag:s29], $0x2800  }
0xc0: {  	[sflag:s29] =	ssyncset.done $0x0  }
0xc1: {  	s25 =	simm.s32 $0x700;
	[sflag:s29] =	ssyncadd.s32 $0xFFFFD800  }
0xc2: {  	[tilespmem:s16], [sflag:$0x3] =	stream.indirect.gather [hbm4b:s0+s11], $0x80, s25, s11, $0xb8;
	[tilespmem:$0x1FC00] =	vst v63  }
0xc3: {  	_ =	swait.ge [sflag:s31], $0x2800  }
0xc4: {  	[sflag:s31] =	ssyncset.done $0x0  }
0xc5: {  	s5 =	simm.s32 $0x1580;
	[sflag:s31] =	ssyncadd.s32 $0xFFFFD800  }
0xc6: {  	[spmem:s3] =	stream.indirect.scatter.add.f32 [tilespmem:s19], [sflag:$0x8], $0x80, s5, s11, $0xb8;
	[tilespmem:$0x1FC00] =	vst v63  }
0xc7: {  	_ =	swait.ge [sflag:s12], $0x2800  }
0xc8: {  	[sflag:s12] =	ssyncset.done $0x0  }
0xc9: {  	s10 =	simm.s32 $0x780;
	[sflag:s12] =	ssyncadd.s32 $0xFFFFD800  }
0xca: {  	[tilespmem:s19], [sflag:$0x4] =	stream.indirect.gather [hbm4b:s0+s11], $0x80, s10, s11, $0xb8;
	[tilespmem:$0x1FC00] =	vst v63  }
0xcb: {  	_ =	swait.ge [sflag:s17], $0x2800  }
0xcc: {  	[sflag:s17] =	ssyncset.done $0x0  }
0xcd: {  	s13 =	simm.s32 $0x1600;
	[sflag:s17] =	ssyncadd.s32 $0xFFFFD800  }
0xce: {  	[spmem:s3] =	stream.indirect.scatter.add.f32 [tilespmem:s1], [sflag:$0x5], $0x80, s13, s11, $0xb8;
	[tilespmem:$0x1FC00] =	vst v63  }
0xcf: {  	_ =	swait.ge [sflag:s20], $0x2800  }
0xd0: {  	[sflag:s20] =	ssyncset.done $0x0  }
0xd1: {  	[sflag:s20] =	ssyncadd.s32 $0xFFFFD800  }
0xd2: {  	_ =	swait.ge [sflag:s22], $0x2800  }
0xd3: {  	[sflag:s22] =	ssyncset.done $0x0  }
0xd4: {  	s15 =	simm.s32 $0x1680;
	[sflag:s22] =	ssyncadd.s32 $0xFFFFD800  }
0xd5: {  	[spmem:s3] =	stream.indirect.scatter.add.f32 [tilespmem:s14], [sflag:$0x6], $0x80, s15, s11, $0xb8;
	[tilespmem:$0x1FC00] =	vst v63  }
0xd6: {  	_ =	swait.ge [sflag:s24], $0x2800  }
0xd7: {  	[sflag:s24] =	ssyncset.done $0x0  }
0xd8: {  	[sflag:s24] =	ssyncadd.s32 $0xFFFFD800  }
0xd9: {  	_ =	swait.ge [sflag:s26], $0x2800  }
0xda: {  	[sflag:s26] =	ssyncset.done $0x0  }
0xdb: {  	s18 =	simm.s32 $0x1700;
	[sflag:s26] =	ssyncadd.s32 $0xFFFFD800  }
0xdc: {  	[spmem:s3] =	stream.indirect.scatter.add.f32 [tilespmem:s16], [sflag:$0x7], $0x80, s18, s11, $0xb8;
	[tilespmem:$0x1FC00] =	vst v63  }
0xdd: {  	_ =	swait.ge [sflag:s29], $0x2800  }
0xde: {  	[sflag:s29] =	ssyncset.done $0x0  }
0xdf: {  	[sflag:s29] =	ssyncadd.s32 $0xFFFFD800  }
0xe0: {  	_ =	swait.ge [sflag:s31], $0x2800  }
0xe1: {  	[sflag:s31] =	ssyncset.done $0x0  }
0xe2: {  	s21 =	simm.s32 $0x1780;
	[sflag:s31] =	ssyncadd.s32 $0xFFFFD800  }
0xe3: {  	[spmem:s3] =	stream.indirect.scatter.add.f32 [tilespmem:s19], [sflag:$0x8], $0x80, s21, s11, $0xb8;
	[tilespmem:$0x1FC00] =	vst v63  }
0xe4: {  	_ =	swait.ge [sflag:s12], $0x2800  }
0xe5: {  	[sflag:s12] =	ssyncset.done $0x0  }
0xe6: {  	[sflag:s12] =	ssyncadd.s32 $0xFFFFD800  }
0xe7: {  	_ =	swait.ge [sflag:s30], $0x800  }
0xe8: {  	[sflag:s30] =	ssyncset.done $0x0  }
0xe9: {  	s5 =	simm.s32 $0xC;
	[sflag:s30] =	ssyncadd.s32 $0xFFFFF800  }
0xea: {  	_ =	swait.ge [sflag:s5], $0x800  }
0xeb: {  	[sflag:s5] =	ssyncset.done $0x0  }
0xec: {  	s25 =	rddreg [dreg:$0x10];
	[sflag:s5] =	ssyncadd.s32 $0xFFFFF800  }
0xed: {  	[tilespmem:s4], [sflag:$0x9] =	stream.linear.gather [hbm4b:s25+s4], $0x800, $0x38;
	[tilespmem:$0x1FC00] =	vst v63  }
0xee: {  	s6 =	rddreg [dreg:$0x11]  }
0xef: {  	[tilespmem:s9], [sflag:$0xB] =	stream.linear.gather [hbm4b:s6+s4], $0x800, $0x38;
	[tilespmem:$0x1FC00] =	vst v63  }
0xf0: {  	s7 =	simm.s32 $0x800  }
0xf1: {  	[tilespmem:s1], [sflag:$0x1] =	stream.indirect.gather [hbm4b:s0+s11], $0x80, s7, s11, $0xb8;
	[tilespmem:$0x1FC00] =	vst v63  }
0xf2: {  	s10 =	simm.s32 $0x880  }
0xf3: {  	[tilespmem:s14], [sflag:$0x2] =	stream.indirect.gather [hbm4b:s0+s11], $0x80, s10, s11, $0xb8;
	[tilespmem:$0x1FC00] =	vst v63  }
0xf4: {  	s13 =	simm.s32 $0x900  }
0xf5: {  	[tilespmem:s16], [sflag:$0x3] =	stream.indirect.gather [hbm4b:s0+s11], $0x80, s13, s11, $0xb8;
	[tilespmem:$0x1FC00] =	vst v63  }
0xf6: {  	_ =	swait.ge [sflag:s17], $0x2800  }
0xf7: {  	[sflag:s17] =	ssyncset.done $0x0  }
0xf8: {  	s6 =	simm.s32 $0x1800;
	[sflag:s17] =	ssyncadd.s32 $0xFFFFD800  }
0xf9: {  	[spmem:s3] =	stream.indirect.scatter.add.f32 [tilespmem:s1], [sflag:$0x5], $0x80, s6, s11, $0xb8;
	[tilespmem:$0x1FC00] =	vst v63  }
0xfa: {  	s15 =	simm.s32 $0x980  }
0xfb: {  	[tilespmem:s19], [sflag:$0x4] =	stream.indirect.gather [hbm4b:s0+s11], $0x80, s15, s11, $0xb8;
	[tilespmem:$0x1FC00] =	vst v63  }
0xfc: {  	_ =	swait.ge [sflag:s20], $0x2800  }
0xfd: {  	[sflag:s20] =	ssyncset.done $0x0  }
0xfe: {  	s18 =	simm.s32 $0xA00;
	[sflag:s20] =	ssyncadd.s32 $0xFFFFD800  }
0xff: {  	[tilespmem:s1], [sflag:$0x1] =	stream.indirect.gather [hbm4b:s0+s11], $0x80, s18, s11, $0xb8;
	[tilespmem:$0x1FC00] =	vst v63  }
0x100: {  	_ =	swait.ge [sflag:s22], $0x2800  }
0x101: {  	[sflag:s22] =	ssyncset.done $0x0  }
0x102: {  	s21 =	simm.s32 $0x1880;
	[sflag:s22] =	ssyncadd.s32 $0xFFFFD800  }
0x103: {  	[spmem:s3] =	stream.indirect.scatter.add.f32 [tilespmem:s14], [sflag:$0x6], $0x80, s21, s11, $0xb8;
	[tilespmem:$0x1FC00] =	vst v63  }
0x104: {  	_ =	swait.ge [sflag:s24], $0x2800  }
0x105: {  	[sflag:s24] =	ssyncset.done $0x0  }
0x106: {  	s25 =	simm.s32 $0xA80;
	[sflag:s24] =	ssyncadd.s32 $0xFFFFD800  }
0x107: {  	[tilespmem:s14], [sflag:$0x2] =	stream.indirect.gather [hbm4b:s0+s11], $0x80, s25, s11, $0xb8;
	[tilespmem:$0x1FC00] =	vst v63  }
0x108: {  	_ =	swait.ge [sflag:s26], $0x2800  }
0x109: {  	[sflag:s26] =	ssyncset.done $0x0  }
0x10a: {  	s10 =	simm.s32 $0x1900;
	[sflag:s26] =	ssyncadd.s32 $0xFFFFD800  }
0x10b: {  	[spmem:s3] =	stream.indirect.scatter.add.f32 [tilespmem:s16], [sflag:$0x7], $0x80, s10, s11, $0xb8;
	[tilespmem:$0x1FC00] =	vst v63  }
0x10c: {  	_ =	swait.ge [sflag:s29], $0x2800  }
0x10d: {  	[sflag:s29] =	ssyncset.done $0x0  }
0x10e: {  	s13 =	simm.s32 $0xB00;
	[sflag:s29] =	ssyncadd.s32 $0xFFFFD800  }
0x10f: {  	[tilespmem:s16], [sflag:$0x3] =	stream.indirect.gather [hbm4b:s0+s11], $0x80, s13, s11, $0xb8;
	[tilespmem:$0x1FC00] =	vst v63  }
0x110: {  	_ =	swait.ge [sflag:s31], $0x2800  }
0x111: {  	[sflag:s31] =	ssyncset.done $0x0  }
0x112: {  	s15 =	simm.s32 $0x1980;
	[sflag:s31] =	ssyncadd.s32 $0xFFFFD800  }
0x113: {  	[spmem:s3] =	stream.indirect.scatter.add.f32 [tilespmem:s19], [sflag:$0x8], $0x80, s15, s11, $0xb8;
	[tilespmem:$0x1FC00] =	vst v63  }
0x114: {  	_ =	swait.ge [sflag:s12], $0x2800  }
0x115: {  	[sflag:s12] =	ssyncset.done $0x0  }
0x116: {  	s18 =	simm.s32 $0xB80;
	[sflag:s12] =	ssyncadd.s32 $0xFFFFD800  }
0x117: {  	[tilespmem:s19], [sflag:$0x4] =	stream.indirect.gather [hbm4b:s0+s11], $0x80, s18, s11, $0xb8;
	[tilespmem:$0x1FC00] =	vst v63  }
0x118: {  	_ =	swait.ge [sflag:s17], $0x2800  }
0x119: {  	[sflag:s17] =	ssyncset.done $0x0  }
0x11a: {  	s21 =	simm.s32 $0x1A00;
	[sflag:s17] =	ssyncadd.s32 $0xFFFFD800  }
0x11b: {  	[spmem:s3] =	stream.indirect.scatter.add.f32 [tilespmem:s1], [sflag:$0x5], $0x80, s21, s11, $0xb8;
	[tilespmem:$0x1FC00] =	vst v63  }
0x11c: {  	_ =	swait.ge [sflag:s20], $0x2800  }
0x11d: {  	[sflag:s20] =	ssyncset.done $0x0  }
0x11e: {  	s25 =	simm.s32 $0xC00;
	[sflag:s20] =	ssyncadd.s32 $0xFFFFD800  }
0x11f: {  	[tilespmem:s1], [sflag:$0x1] =	stream.indirect.gather [hbm4b:s0+s11], $0x80, s25, s11, $0xb8;
	[tilespmem:$0x1FC00] =	vst v63  }
0x120: {  	_ =	swait.ge [sflag:s22], $0x2800  }
0x121: {  	[sflag:s22] =	ssyncset.done $0x0  }
0x122: {  	s10 =	simm.s32 $0x1A80;
	[sflag:s22] =	ssyncadd.s32 $0xFFFFD800  }
0x123: {  	[spmem:s3] =	stream.indirect.scatter.add.f32 [tilespmem:s14], [sflag:$0x6], $0x80, s10, s11, $0xb8;
	[tilespmem:$0x1FC00] =	vst v63  }
0x124: {  	_ =	swait.ge [sflag:s24], $0x2800  }
0x125: {  	[sflag:s24] =	ssyncset.done $0x0  }
0x126: {  	s13 =	simm.s32 $0xC80;
	[sflag:s24] =	ssyncadd.s32 $0xFFFFD800  }
0x127: {  	[tilespmem:s14], [sflag:$0x2] =	stream.indirect.gather [hbm4b:s0+s11], $0x80, s13, s11, $0xb8;
	[tilespmem:$0x1FC00] =	vst v63  }
0x128: {  	_ =	swait.ge [sflag:s26], $0x2800  }
0x129: {  	[sflag:s26] =	ssyncset.done $0x0  }
0x12a: {  	s15 =	simm.s32 $0x1B00;
	[sflag:s26] =	ssyncadd.s32 $0xFFFFD800  }
0x12b: {  	[spmem:s3] =	stream.indirect.scatter.add.f32 [tilespmem:s16], [sflag:$0x7], $0x80, s15, s11, $0xb8;
	[tilespmem:$0x1FC00] =	vst v63  }
0x12c: {  	_ =	swait.ge [sflag:s29], $0x2800  }
0x12d: {  	[sflag:s29] =	ssyncset.done $0x0  }
0x12e: {  	s18 =	simm.s32 $0xD00;
	[sflag:s29] =	ssyncadd.s32 $0xFFFFD800  }
0x12f: {  	[tilespmem:s16], [sflag:$0x3] =	stream.indirect.gather [hbm4b:s0+s11], $0x80, s18, s11, $0xb8;
	[tilespmem:$0x1FC00] =	vst v63  }
0x130: {  	_ =	swait.ge [sflag:s31], $0x2800  }
0x131: {  	[sflag:s31] =	ssyncset.done $0x0  }
0x132: {  	s21 =	simm.s32 $0x1B80;
	[sflag:s31] =	ssyncadd.s32 $0xFFFFD800  }
0x133: {  	[spmem:s3] =	stream.indirect.scatter.add.f32 [tilespmem:s19], [sflag:$0x8], $0x80, s21, s11, $0xb8;
	[tilespmem:$0x1FC00] =	vst v63  }
0x134: {  	_ =	swait.ge [sflag:s12], $0x2800  }
0x135: {  	[sflag:s12] =	ssyncset.done $0x0  }
0x136: {  	s25 =	simm.s32 $0xD80;
	[sflag:s12] =	ssyncadd.s32 $0xFFFFD800  }
0x137: {  	[tilespmem:s19], [sflag:$0x4] =	stream.indirect.gather [hbm4b:s0+s11], $0x80, s25, s11, $0xb8;
	[tilespmem:$0x1FC00] =	vst v63  }
0x138: {  	_ =	swait.ge [sflag:s17], $0x2800  }
0x139: {  	[sflag:s17] =	ssyncset.done $0x0  }
0x13a: {  	s10 =	simm.s32 $0x1C00;
	[sflag:s17] =	ssyncadd.s32 $0xFFFFD800  }
0x13b: {  	[spmem:s3] =	stream.indirect.scatter.add.f32 [tilespmem:s1], [sflag:$0x5], $0x80, s10, s11, $0xb8;
	[tilespmem:$0x1FC00] =	vst v63  }
0x13c: {  	_ =	swait.ge [sflag:s20], $0x2800  }
0x13d: {  	[sflag:s20] =	ssyncset.done $0x0  }
0x13e: {  	s13 =	simm.s32 $0xE00;
	[sflag:s20] =	ssyncadd.s32 $0xFFFFD800  }
0x13f: {  	[tilespmem:s1], [sflag:$0x1] =	stream.indirect.gather [hbm4b:s0+s11], $0x80, s13, s11, $0xb8;
	[tilespmem:$0x1FC00] =	vst v63  }
0x140: {  	_ =	swait.ge [sflag:s22], $0x2800  }
0x141: {  	[sflag:s22] =	ssyncset.done $0x0  }
0x142: {  	s15 =	simm.s32 $0x1C80;
	[sflag:s22] =	ssyncadd.s32 $0xFFFFD800  }
0x143: {  	[spmem:s3] =	stream.indirect.scatter.add.f32 [tilespmem:s14], [sflag:$0x6], $0x80, s15, s11, $0xb8;
	[tilespmem:$0x1FC00] =	vst v63  }
0x144: {  	_ =	swait.ge [sflag:s24], $0x2800  }
0x145: {  	[sflag:s24] =	ssyncset.done $0x0  }
0x146: {  	s18 =	simm.s32 $0xE80;
	[sflag:s24] =	ssyncadd.s32 $0xFFFFD800  }
0x147: {  	[tilespmem:s14], [sflag:$0x2] =	stream.indirect.gather [hbm4b:s0+s11], $0x80, s18, s11, $0xb8;
	[tilespmem:$0x1FC00] =	vst v63  }
0x148: {  	_ =	swait.ge [sflag:s26], $0x2800  }
0x149: {  	[sflag:s26] =	ssyncset.done $0x0  }
0x14a: {  	s21 =	simm.s32 $0x1D00;
	[sflag:s26] =	ssyncadd.s32 $0xFFFFD800  }
0x14b: {  	[spmem:s3] =	stream.indirect.scatter.add.f32 [tilespmem:s16], [sflag:$0x7], $0x80, s21, s11, $0xb8;
	[tilespmem:$0x1FC00] =	vst v63  }
0x14c: {  	_ =	swait.ge [sflag:s29], $0x2800  }
0x14d: {  	[sflag:s29] =	ssyncset.done $0x0  }
0x14e: {  	s25 =	simm.s32 $0xF00;
	[sflag:s29] =	ssyncadd.s32 $0xFFFFD800  }
0x14f: {  	[tilespmem:s16], [sflag:$0x3] =	stream.indirect.gather [hbm4b:s0+s11], $0x80, s25, s11, $0xb8;
	[tilespmem:$0x1FC00] =	vst v63  }
0x150: {  	_ =	swait.ge [sflag:s31], $0x2800  }
0x151: {  	[sflag:s31] =	ssyncset.done $0x0  }
0x152: {  	s10 =	simm.s32 $0x1D80;
	[sflag:s31] =	ssyncadd.s32 $0xFFFFD800  }
0x153: {  	[spmem:s3] =	stream.indirect.scatter.add.f32 [tilespmem:s19], [sflag:$0x8], $0x80, s10, s11, $0xb8;
	[tilespmem:$0x1FC00] =	vst v63  }
0x154: {  	_ =	swait.ge [sflag:s12], $0x2800  }
0x155: {  	[sflag:s12] =	ssyncset.done $0x0  }
0x156: {  	s13 =	simm.s32 $0xF80;
	[sflag:s12] =	ssyncadd.s32 $0xFFFFD800  }
0x157: {  	[tilespmem:s19], [sflag:$0x4] =	stream.indirect.gather [hbm4b:s0+s11], $0x80, s13, s11, $0xb8;
	[tilespmem:$0x1FC00] =	vst v63  }
0x158: {  	_ =	swait.ge [sflag:s17], $0x2800  }
0x159: {  	[sflag:s17] =	ssyncset.done $0x0  }
0x15a: {  	s15 =	simm.s32 $0x1E00;
	[sflag:s17] =	ssyncadd.s32 $0xFFFFD800  }
0x15b: {  	[spmem:s3] =	stream.indirect.scatter.add.f32 [tilespmem:s1], [sflag:$0x5], $0x80, s15, s11, $0xb8;
	[tilespmem:$0x1FC00] =	vst v63  }
0x15c: {  	_ =	swait.ge [sflag:s20], $0x2800  }
0x15d: {  	[sflag:s20] =	ssyncset.done $0x0  }
0x15e: {  	[sflag:s20] =	ssyncadd.s32 $0xFFFFD800  }
0x15f: {  	_ =	swait.ge [sflag:s22], $0x2800  }
0x160: {  	[sflag:s22] =	ssyncset.done $0x0  }
0x161: {  	s18 =	simm.s32 $0x1E80;
	[sflag:s22] =	ssyncadd.s32 $0xFFFFD800  }
0x162: {  	[spmem:s3] =	stream.indirect.scatter.add.f32 [tilespmem:s14], [sflag:$0x6], $0x80, s18, s11, $0xb8;
	[tilespmem:$0x1FC00] =	vst v63  }
0x163: {  	_ =	swait.ge [sflag:s24], $0x2800  }
0x164: {  	[sflag:s24] =	ssyncset.done $0x0  }
0x165: {  	[sflag:s24] =	ssyncadd.s32 $0xFFFFD800  }
0x166: {  	_ =	swait.ge [sflag:s26], $0x2800  }
0x167: {  	[sflag:s26] =	ssyncset.done $0x0  }
0x168: {  	s21 =	simm.s32 $0x1F00;
	[sflag:s26] =	ssyncadd.s32 $0xFFFFD800  }
0x169: {  	[spmem:s3] =	stream.indirect.scatter.add.f32 [tilespmem:s16], [sflag:$0x7], $0x80, s21, s11, $0xb8;
	[tilespmem:$0x1FC00] =	vst v63  }
0x16a: {  	_ =	swait.ge [sflag:s29], $0x2800  }
0x16b: {  	[sflag:s29] =	ssyncset.done $0x0  }
0x16c: {  	[sflag:s29] =	ssyncadd.s32 $0xFFFFD800  }
0x16d: {  	_ =	swait.ge [sflag:s31], $0x2800  }
0x16e: {  	[sflag:s31] =	ssyncset.done $0x0  }
0x16f: {  	s25 =	simm.s32 $0x1F80;
	[sflag:s31] =	ssyncadd.s32 $0xFFFFD800  }
0x170: {  	[spmem:s3] =	stream.indirect.scatter.add.f32 [tilespmem:s19], [sflag:$0x8], $0x80, s25, s11, $0xb8;
	[tilespmem:$0x1FC00] =	vst v63  }
0x171: {  	_ =	swait.ge [sflag:s12], $0x2800  }
0x172: {  	[sflag:s12] =	ssyncset.done $0x0  }
0x173: {  	[sflag:s12] =	ssyncadd.s32 $0xFFFFD800  }
0x174: {  	_ =	swait.ge [sflag:s8], $0x800  }
0x175: {  	[sflag:s8] =	ssyncset.done $0x0  }
0x176: {  	[sflag:s8] =	ssyncadd.s32 $0xFFFFF800  }
0x177: {  	_ =	swait.ge [sflag:s28], $0x800  }
0x178: {  	[sflag:s28] =	ssyncset.done $0x0  }
0x179: {  	s13 =	simm.s32 $0x800;
	s7 =	rddreg [dreg:$0x12];
	[sflag:s28] =	ssyncadd.s32 $0xFFFFF800  }
0x17a: {  	[tilespmem:s13], [sflag:$0xA] =	stream.linear.gather [hbm4b:s7+s4], $0x800, $0x38;
	[tilespmem:$0x1FC00] =	vst v63  }
0x17b: {  	s10 =	rddreg [dreg:$0x13]  }
0x17c: {  	[tilespmem:s6], [sflag:$0xC] =	stream.linear.gather [hbm4b:s10+s4], $0x800, $0x38;
	[tilespmem:$0x1FC00] =	vst v63  }
0x17d: {  	_ = 	snop  }
0x17e: {  	[tilespmem:s1], [sflag:$0x1] =	stream.indirect.gather [hbm4b:s0+s11], $0x80, s4, s11, $0xb8;
	[tilespmem:$0x1FC00] =	vst v63  }
0x17f: {  	s18 =	simm.s32 $0x80  }
0x180: {  	[tilespmem:s14], [sflag:$0x2] =	stream.indirect.gather [hbm4b:s0+s11], $0x80, s18, s11, $0xb8;
	[tilespmem:$0x1FC00] =	vst v63  }
0x181: {  	s15 =	simm.s32 $0x100  }
0x182: {  	[tilespmem:s16], [sflag:$0x3] =	stream.indirect.gather [hbm4b:s0+s11], $0x80, s15, s11, $0xb8;
	[tilespmem:$0x1FC00] =	vst v63  }
0x183: {  	_ =	swait.ge [sflag:s17], $0x2800  }
0x184: {  	[sflag:s17] =	ssyncset.done $0x0  }
0x185: {  	[sflag:s17] =	ssyncadd.s32 $0xFFFFD800  }
0x186: {  	[spmem:s3] =	stream.indirect.scatter.add.f32 [tilespmem:s1], [sflag:$0x5], $0x80, s9, s11, $0xb8;
	[tilespmem:$0x1FC00] =	vst v63  }
0x187: {  	s21 =	simm.s32 $0x180  }
0x188: {  	[tilespmem:s19], [sflag:$0x4] =	stream.indirect.gather [hbm4b:s0+s11], $0x80, s21, s11, $0xb8;
	[tilespmem:$0x1FC00] =	vst v63  }
0x189: {  	_ =	swait.ge [sflag:s20], $0x2800  }
0x18a: {  	[sflag:s20] =	ssyncset.done $0x0  }
0x18b: {  	s25 =	simm.s32 $0x200;
	[sflag:s20] =	ssyncadd.s32 $0xFFFFD800  }
0x18c: {  	[tilespmem:s1], [sflag:$0x1] =	stream.indirect.gather [hbm4b:s0+s11], $0x80, s25, s11, $0xb8;
	[tilespmem:$0x1FC00] =	vst v63  }
0x18d: {  	_ =	swait.ge [sflag:s22], $0x2800  }
0x18e: {  	[sflag:s22] =	ssyncset.done $0x0  }
0x18f: {  	s25 =	simm.s32 $0x1080;
	[sflag:s22] =	ssyncadd.s32 $0xFFFFD800  }
0x190: {  	[spmem:s3] =	stream.indirect.scatter.add.f32 [tilespmem:s14], [sflag:$0x6], $0x80, s25, s11, $0xb8;
	[tilespmem:$0x1FC00] =	vst v63  }
0x191: {  	_ =	swait.ge [sflag:s24], $0x2800  }
0x192: {  	[sflag:s24] =	ssyncset.done $0x0  }
0x193: {  	s6 =	simm.s32 $0x280;
	[sflag:s24] =	ssyncadd.s32 $0xFFFFD800  }
0x194: {  	[tilespmem:s14], [sflag:$0x2] =	stream.indirect.gather [hbm4b:s0+s11], $0x80, s6, s11, $0xb8;
	[tilespmem:$0x1FC00] =	vst v63  }
0x195: {  	_ =	swait.ge [sflag:s26], $0x2800  }
0x196: {  	[sflag:s26] =	ssyncset.done $0x0  }
0x197: {  	s21 =	simm.s32 $0x1100;
	[sflag:s26] =	ssyncadd.s32 $0xFFFFD800  }
0x198: {  	[spmem:s3] =	stream.indirect.scatter.add.f32 [tilespmem:s16], [sflag:$0x7], $0x80, s21, s11, $0xb8;
	[tilespmem:$0x1FC00] =	vst v63  }
0x199: {  	_ =	swait.ge [sflag:s29], $0x2800  }
0x19a: {  	[sflag:s29] =	ssyncset.done $0x0  }
0x19b: {  	s10 =	simm.s32 $0x300;
	[sflag:s29] =	ssyncadd.s32 $0xFFFFD800  }
0x19c: {  	[tilespmem:s16], [sflag:$0x3] =	stream.indirect.gather [hbm4b:s0+s11], $0x80, s10, s11, $0xb8;
	[tilespmem:$0x1FC00] =	vst v63  }
0x19d: {  	_ =	swait.ge [sflag:s31], $0x2800  }
0x19e: {  	[sflag:s31] =	ssyncset.done $0x0  }
0x19f: {  	s6 =	simm.s32 $0x1180;
	[sflag:s31] =	ssyncadd.s32 $0xFFFFD800  }
0x1a0: {  	[spmem:s3] =	stream.indirect.scatter.add.f32 [tilespmem:s19], [sflag:$0x8], $0x80, s6, s11, $0xb8;
	[tilespmem:$0x1FC00] =	vst v63  }
0x1a1: {  	_ =	swait.ge [sflag:s12], $0x2800  }
0x1a2: {  	[sflag:s12] =	ssyncset.done $0x0  }
0x1a3: {  	s10 =	simm.s32 $0x380;
	[sflag:s12] =	ssyncadd.s32 $0xFFFFD800  }
0x1a4: {  	[tilespmem:s19], [sflag:$0x4] =	stream.indirect.gather [hbm4b:s0+s11], $0x80, s10, s11, $0xb8;
	[tilespmem:$0x1FC00] =	vst v63  }
0x1a5: {  	_ =	swait.ge [sflag:s17], $0x2800  }
0x1a6: {  	[sflag:s17] =	ssyncset.done $0x0  }
0x1a7: {  	s6 =	simm.s32 $0x1200;
	[sflag:s17] =	ssyncadd.s32 $0xFFFFD800  }
0x1a8: {  	[spmem:s3] =	stream.indirect.scatter.add.f32 [tilespmem:s1], [sflag:$0x5], $0x80, s6, s11, $0xb8;
	[tilespmem:$0x1FC00] =	vst v63  }
0x1a9: {  	_ =	swait.ge [sflag:s20], $0x2800  }
0x1aa: {  	[sflag:s20] =	ssyncset.done $0x0  }
0x1ab: {  	s10 =	simm.s32 $0x400;
	[sflag:s20] =	ssyncadd.s32 $0xFFFFD800  }
0x1ac: {  	[tilespmem:s1], [sflag:$0x1] =	stream.indirect.gather [hbm4b:s0+s11], $0x80, s10, s11, $0xb8;
	[tilespmem:$0x1FC00] =	vst v63  }
0x1ad: {  	_ =	swait.ge [sflag:s22], $0x2800  }
0x1ae: {  	[sflag:s22] =	ssyncset.done $0x0  }
0x1af: {  	s6 =	simm.s32 $0x1280;
	[sflag:s22] =	ssyncadd.s32 $0xFFFFD800  }
0x1b0: {  	[spmem:s3] =	stream.indirect.scatter.add.f32 [tilespmem:s14], [sflag:$0x6], $0x80, s6, s11, $0xb8;
	[tilespmem:$0x1FC00] =	vst v63  }
0x1b1: {  	_ =	swait.ge [sflag:s24], $0x2800  }
0x1b2: {  	[sflag:s24] =	ssyncset.done $0x0  }
0x1b3: {  	s10 =	simm.s32 $0x480;
	[sflag:s24] =	ssyncadd.s32 $0xFFFFD800  }
0x1b4: {  	[tilespmem:s14], [sflag:$0x2] =	stream.indirect.gather [hbm4b:s0+s11], $0x80, s10, s11, $0xb8;
	[tilespmem:$0x1FC00] =	vst v63  }
0x1b5: {  	_ =	swait.ge [sflag:s26], $0x2800  }
0x1b6: {  	[sflag:s26] =	ssyncset.done $0x0  }
0x1b7: {  	s6 =	simm.s32 $0x1300;
	[sflag:s26] =	ssyncadd.s32 $0xFFFFD800  }
0x1b8: {  	[spmem:s3] =	stream.indirect.scatter.add.f32 [tilespmem:s16], [sflag:$0x7], $0x80, s6, s11, $0xb8;
	[tilespmem:$0x1FC00] =	vst v63  }
0x1b9: {  	_ =	swait.ge [sflag:s29], $0x2800  }
0x1ba: {  	[sflag:s29] =	ssyncset.done $0x0  }
0x1bb: {  	s10 =	simm.s32 $0x500;
	[sflag:s29] =	ssyncadd.s32 $0xFFFFD800  }
0x1bc: {  	[tilespmem:s16], [sflag:$0x3] =	stream.indirect.gather [hbm4b:s0+s11], $0x80, s10, s11, $0xb8;
	[tilespmem:$0x1FC00] =	vst v63  }
0x1bd: {  	_ =	swait.ge [sflag:s31], $0x2800  }
0x1be: {  	[sflag:s31] =	ssyncset.done $0x0  }
0x1bf: {  	s6 =	simm.s32 $0x1380;
	[sflag:s31] =	ssyncadd.s32 $0xFFFFD800  }
0x1c0: {  	[spmem:s3] =	stream.indirect.scatter.add.f32 [tilespmem:s19], [sflag:$0x8], $0x80, s6, s11, $0xb8;
	[tilespmem:$0x1FC00] =	vst v63  }
0x1c1: {  	_ =	swait.ge [sflag:s12], $0x2800  }
0x1c2: {  	[sflag:s12] =	ssyncset.done $0x0  }
0x1c3: {  	s10 =	simm.s32 $0x580;
	[sflag:s12] =	ssyncadd.s32 $0xFFFFD800  }
0x1c4: {  	[tilespmem:s19], [sflag:$0x4] =	stream.indirect.gather [hbm4b:s0+s11], $0x80, s10, s11, $0xb8;
	[tilespmem:$0x1FC00] =	vst v63  }
0x1c5: {  	_ =	swait.ge [sflag:s17], $0x2800  }
0x1c6: {  	[sflag:s17] =	ssyncset.done $0x0  }
0x1c7: {  	s6 =	simm.s32 $0x1400;
	[sflag:s17] =	ssyncadd.s32 $0xFFFFD800  }
0x1c8: {  	[spmem:s3] =	stream.indirect.scatter.add.f32 [tilespmem:s1], [sflag:$0x5], $0x80, s6, s11, $0xb8;
	[tilespmem:$0x1FC00] =	vst v63  }
0x1c9: {  	_ =	swait.ge [sflag:s20], $0x2800  }
0x1ca: {  	[sflag:s20] =	ssyncset.done $0x0  }
0x1cb: {  	s10 =	simm.s32 $0x600;
	[sflag:s20] =	ssyncadd.s32 $0xFFFFD800  }
0x1cc: {  	[tilespmem:s1], [sflag:$0x1] =	stream.indirect.gather [hbm4b:s0+s11], $0x80, s10, s11, $0xb8;
	[tilespmem:$0x1FC00] =	vst v63  }
0x1cd: {  	_ =	swait.ge [sflag:s22], $0x2800  }
0x1ce: {  	[sflag:s22] =	ssyncset.done $0x0  }
0x1cf: {  	s6 =	simm.s32 $0x1480;
	[sflag:s22] =	ssyncadd.s32 $0xFFFFD800  }
0x1d0: {  	[spmem:s3] =	stream.indirect.scatter.add.f32 [tilespmem:s14], [sflag:$0x6], $0x80, s6, s11, $0xb8;
	[tilespmem:$0x1FC00] =	vst v63  }
0x1d1: {  	_ =	swait.ge [sflag:s24], $0x2800  }
0x1d2: {  	[sflag:s24] =	ssyncset.done $0x0  }
0x1d3: {  	s10 =	simm.s32 $0x680;
	[sflag:s24] =	ssyncadd.s32 $0xFFFFD800  }
0x1d4: {  	[tilespmem:s14], [sflag:$0x2] =	stream.indirect.gather [hbm4b:s0+s11], $0x80, s10, s11, $0xb8;
	[tilespmem:$0x1FC00] =	vst v63  }
0x1d5: {  	_ =	swait.ge [sflag:s26], $0x2800  }
0x1d6: {  	[sflag:s26] =	ssyncset.done $0x0  }
0x1d7: {  	s6 =	simm.s32 $0x1500;
	[sflag:s26] =	ssyncadd.s32 $0xFFFFD800  }
0x1d8: {  	[spmem:s3] =	stream.indirect.scatter.add.f32 [tilespmem:s16], [sflag:$0x7], $0x80, s6, s11, $0xb8;
	[tilespmem:$0x1FC00] =	vst v63  }
0x1d9: {  	_ =	swait.ge [sflag:s29], $0x2800  }
0x1da: {  	[sflag:s29] =	ssyncset.done $0x0  }
0x1db: {  	s10 =	simm.s32 $0x700;
	[sflag:s29] =	ssyncadd.s32 $0xFFFFD800  }
0x1dc: {  	[tilespmem:s16], [sflag:$0x3] =	stream.indirect.gather [hbm4b:s0+s11], $0x80, s10, s11, $0xb8;
	[tilespmem:$0x1FC00] =	vst v63  }
0x1dd: {  	_ =	swait.ge [sflag:s31], $0x2800  }
0x1de: {  	[sflag:s31] =	ssyncset.done $0x0  }
0x1df: {  	s6 =	simm.s32 $0x1580;
	[sflag:s31] =	ssyncadd.s32 $0xFFFFD800  }
0x1e0: {  	[spmem:s3] =	stream.indirect.scatter.add.f32 [tilespmem:s19], [sflag:$0x8], $0x80, s6, s11, $0xb8;
	[tilespmem:$0x1FC00] =	vst v63  }
0x1e1: {  	_ =	swait.ge [sflag:s12], $0x2800  }
0x1e2: {  	[sflag:s12] =	ssyncset.done $0x0  }
0x1e3: {  	s10 =	simm.s32 $0x780;
	[sflag:s12] =	ssyncadd.s32 $0xFFFFD800  }
0x1e4: {  	[tilespmem:s19], [sflag:$0x4] =	stream.indirect.gather [hbm4b:s0+s11], $0x80, s10, s11, $0xb8;
	[tilespmem:$0x1FC00] =	vst v63  }
0x1e5: {  	_ =	swait.ge [sflag:s17], $0x2800  }
0x1e6: {  	[sflag:s17] =	ssyncset.done $0x0  }
0x1e7: {  	s6 =	simm.s32 $0x1600;
	[sflag:s17] =	ssyncadd.s32 $0xFFFFD800  }
0x1e8: {  	[spmem:s3] =	stream.indirect.scatter.add.f32 [tilespmem:s1], [sflag:$0x5], $0x80, s6, s11, $0xb8;
	[tilespmem:$0x1FC00] =	vst v63  }
0x1e9: {  	_ =	swait.ge [sflag:s20], $0x2800  }
0x1ea: {  	[sflag:s20] =	ssyncset.done $0x0  }
0x1eb: {  	[sflag:s20] =	ssyncadd.s32 $0xFFFFD800  }
0x1ec: {  	_ =	swait.ge [sflag:s22], $0x2800  }
0x1ed: {  	[sflag:s22] =	ssyncset.done $0x0  }
0x1ee: {  	s10 =	simm.s32 $0x1680;
	[sflag:s22] =	ssyncadd.s32 $0xFFFFD800  }
0x1ef: {  	[spmem:s3] =	stream.indirect.scatter.add.f32 [tilespmem:s14], [sflag:$0x6], $0x80, s10, s11, $0xb8;
	[tilespmem:$0x1FC00] =	vst v63  }
0x1f0: {  	_ =	swait.ge [sflag:s24], $0x2800  }
0x1f1: {  	[sflag:s24] =	ssyncset.done $0x0  }
0x1f2: {  	[sflag:s24] =	ssyncadd.s32 $0xFFFFD800  }
0x1f3: {  	_ =	swait.ge [sflag:s26], $0x2800  }
0x1f4: {  	[sflag:s26] =	ssyncset.done $0x0  }
0x1f5: {  	s6 =	simm.s32 $0x1700;
	[sflag:s26] =	ssyncadd.s32 $0xFFFFD800  }
0x1f6: {  	[spmem:s3] =	stream.indirect.scatter.add.f32 [tilespmem:s16], [sflag:$0x7], $0x80, s6, s11, $0xb8;
	[tilespmem:$0x1FC00] =	vst v63  }
0x1f7: {  	_ =	swait.ge [sflag:s29], $0x2800  }
0x1f8: {  	[sflag:s29] =	ssyncset.done $0x0  }
0x1f9: {  	[sflag:s29] =	ssyncadd.s32 $0xFFFFD800  }
0x1fa: {  	_ =	swait.ge [sflag:s31], $0x2800  }
0x1fb: {  	[sflag:s31] =	ssyncset.done $0x0  }
0x1fc: {  	s10 =	simm.s32 $0x1780;
	[sflag:s31] =	ssyncadd.s32 $0xFFFFD800  }
0x1fd: {  	[spmem:s3] =	stream.indirect.scatter.add.f32 [tilespmem:s19], [sflag:$0x8], $0x80, s10, s11, $0xb8;
	[tilespmem:$0x1FC00] =	vst v63  }
0x1fe: {  	_ =	swait.ge [sflag:s12], $0x2800  }
0x1ff: {  	[sflag:s12] =	ssyncset.done $0x0  }
0x200: {  	[sflag:s12] =	ssyncadd.s32 $0xFFFFD800  }
0x201: {  	_ =	swait.ge [sflag:s30], $0x800  }
0x202: {  	[sflag:s30] =	ssyncset.done $0x0  }
0x203: {  	[sflag:s30] =	ssyncadd.s32 $0xFFFFF800  }
0x204: {  	_ =	swait.ge [sflag:s5], $0x800  }
0x205: {  	[sflag:s5] =	ssyncset.done $0x0  }
0x206: {  	[sflag:s5] =	ssyncadd.s32 $0xFFFFF800  }
0x207: {  	s6 =	rddreg [dreg:$0x14]  }
0x208: {  	[tilespmem:s4], [sflag:$0x9] =	stream.linear.gather [hbm4b:s6+s4], $0x800, $0x38;
	[tilespmem:$0x1FC00] =	vst v63  }
0x209: {  	s10 =	rddreg [dreg:$0x15]  }
0x20a: {  	[tilespmem:s9], [sflag:$0xB] =	stream.linear.gather [hbm4b:s10+s4], $0x800, $0x38;
	[tilespmem:$0x1FC00] =	vst v63  }
0x20b: {  	_ = 	snop  }
0x20c: {  	[tilespmem:s1], [sflag:$0x1] =	stream.indirect.gather [hbm4b:s0+s11], $0x80, s13, s11, $0xb8;
	[tilespmem:$0x1FC00] =	vst v63  }
0x20d: {  	s10 =	simm.s32 $0x880  }
0x20e: {  	[tilespmem:s14], [sflag:$0x2] =	stream.indirect.gather [hbm4b:s0+s11], $0x80, s10, s11, $0xb8;
	[tilespmem:$0x1FC00] =	vst v63  }
0x20f: {  	s15 =	simm.s32 $0x900  }
0x210: {  	[tilespmem:s16], [sflag:$0x3] =	stream.indirect.gather [hbm4b:s0+s11], $0x80, s15, s11, $0xb8;
	[tilespmem:$0x1FC00] =	vst v63  }
0x211: {  	_ =	swait.ge [sflag:s17], $0x2800  }
0x212: {  	[sflag:s17] =	ssyncset.done $0x0  }
0x213: {  	s7 =	simm.s32 $0x1800;
	[sflag:s17] =	ssyncadd.s32 $0xFFFFD800  }
0x214: {  	[spmem:s3] =	stream.indirect.scatter.add.f32 [tilespmem:s1], [sflag:$0x5], $0x80, s7, s11, $0xb8;
	[tilespmem:$0x1FC00] =	vst v63  }
0x215: {  	s15 =	simm.s32 $0x980  }
0x216: {  	[tilespmem:s19], [sflag:$0x4] =	stream.indirect.gather [hbm4b:s0+s11], $0x80, s15, s11, $0xb8;
	[tilespmem:$0x1FC00] =	vst v63  }
0x217: {  	_ =	swait.ge [sflag:s20], $0x2800  }
0x218: {  	[sflag:s20] =	ssyncset.done $0x0  }
0x219: {  	s15 =	simm.s32 $0xA00;
	[sflag:s20] =	ssyncadd.s32 $0xFFFFD800  }
0x21a: {  	[tilespmem:s1], [sflag:$0x1] =	stream.indirect.gather [hbm4b:s0+s11], $0x80, s15, s11, $0xb8;
	[tilespmem:$0x1FC00] =	vst v63  }
0x21b: {  	_ =	swait.ge [sflag:s22], $0x2800  }
0x21c: {  	[sflag:s22] =	ssyncset.done $0x0  }
0x21d: {  	s15 =	simm.s32 $0x1880;
	[sflag:s22] =	ssyncadd.s32 $0xFFFFD800  }
0x21e: {  	[spmem:s3] =	stream.indirect.scatter.add.f32 [tilespmem:s14], [sflag:$0x6], $0x80, s15, s11, $0xb8;
	[tilespmem:$0x1FC00] =	vst v63  }
0x21f: {  	_ =	swait.ge [sflag:s24], $0x2800  }
0x220: {  	[sflag:s24] =	ssyncset.done $0x0  }
0x221: {  	s15 =	simm.s32 $0xA80;
	[sflag:s24] =	ssyncadd.s32 $0xFFFFD800  }
0x222: {  	[tilespmem:s14], [sflag:$0x2] =	stream.indirect.gather [hbm4b:s0+s11], $0x80, s15, s11, $0xb8;
	[tilespmem:$0x1FC00] =	vst v63  }
0x223: {  	_ =	swait.ge [sflag:s26], $0x2800  }
0x224: {  	[sflag:s26] =	ssyncset.done $0x0  }
0x225: {  	s15 =	simm.s32 $0x1900;
	[sflag:s26] =	ssyncadd.s32 $0xFFFFD800  }
0x226: {  	[spmem:s3] =	stream.indirect.scatter.add.f32 [tilespmem:s16], [sflag:$0x7], $0x80, s15, s11, $0xb8;
	[tilespmem:$0x1FC00] =	vst v63  }
0x227: {  	_ =	swait.ge [sflag:s29], $0x2800  }
0x228: {  	[sflag:s29] =	ssyncset.done $0x0  }
0x229: {  	s15 =	simm.s32 $0xB00;
	[sflag:s29] =	ssyncadd.s32 $0xFFFFD800  }
0x22a: {  	[tilespmem:s16], [sflag:$0x3] =	stream.indirect.gather [hbm4b:s0+s11], $0x80, s15, s11, $0xb8;
	[tilespmem:$0x1FC00] =	vst v63  }
0x22b: {  	_ =	swait.ge [sflag:s31], $0x2800  }
0x22c: {  	[sflag:s31] =	ssyncset.done $0x0  }
0x22d: {  	s15 =	simm.s32 $0x1980;
	[sflag:s31] =	ssyncadd.s32 $0xFFFFD800  }
0x22e: {  	[spmem:s3] =	stream.indirect.scatter.add.f32 [tilespmem:s19], [sflag:$0x8], $0x80, s15, s11, $0xb8;
	[tilespmem:$0x1FC00] =	vst v63  }
0x22f: {  	_ =	swait.ge [sflag:s12], $0x2800  }
0x230: {  	[sflag:s12] =	ssyncset.done $0x0  }
0x231: {  	s15 =	simm.s32 $0xB80;
	[sflag:s12] =	ssyncadd.s32 $0xFFFFD800  }
0x232: {  	[tilespmem:s19], [sflag:$0x4] =	stream.indirect.gather [hbm4b:s0+s11], $0x80, s15, s11, $0xb8;
	[tilespmem:$0x1FC00] =	vst v63  }
0x233: {  	_ =	swait.ge [sflag:s17], $0x2800  }
0x234: {  	[sflag:s17] =	ssyncset.done $0x0  }
0x235: {  	s15 =	simm.s32 $0x1A00;
	[sflag:s17] =	ssyncadd.s32 $0xFFFFD800  }
0x236: {  	[spmem:s3] =	stream.indirect.scatter.add.f32 [tilespmem:s1], [sflag:$0x5], $0x80, s15, s11, $0xb8;
	[tilespmem:$0x1FC00] =	vst v63  }
0x237: {  	_ =	swait.ge [sflag:s20], $0x2800  }
0x238: {  	[sflag:s20] =	ssyncset.done $0x0  }
0x239: {  	s15 =	simm.s32 $0xC00;
	[sflag:s20] =	ssyncadd.s32 $0xFFFFD800  }
0x23a: {  	[tilespmem:s1], [sflag:$0x1] =	stream.indirect.gather [hbm4b:s0+s11], $0x80, s15, s11, $0xb8;
	[tilespmem:$0x1FC00] =	vst v63  }
0x23b: {  	_ =	swait.ge [sflag:s22], $0x2800  }
0x23c: {  	[sflag:s22] =	ssyncset.done $0x0  }
0x23d: {  	s15 =	simm.s32 $0x1A80;
	[sflag:s22] =	ssyncadd.s32 $0xFFFFD800  }
0x23e: {  	[spmem:s3] =	stream.indirect.scatter.add.f32 [tilespmem:s14], [sflag:$0x6], $0x80, s15, s11, $0xb8;
	[tilespmem:$0x1FC00] =	vst v63  }
0x23f: {  	_ =	swait.ge [sflag:s24], $0x2800  }
0x240: {  	[sflag:s24] =	ssyncset.done $0x0  }
0x241: {  	s15 =	simm.s32 $0xC80;
	[sflag:s24] =	ssyncadd.s32 $0xFFFFD800  }
0x242: {  	[tilespmem:s14], [sflag:$0x2] =	stream.indirect.gather [hbm4b:s0+s11], $0x80, s15, s11, $0xb8;
	[tilespmem:$0x1FC00] =	vst v63  }
0x243: {  	_ =	swait.ge [sflag:s26], $0x2800  }
0x244: {  	[sflag:s26] =	ssyncset.done $0x0  }
0x245: {  	s15 =	simm.s32 $0x1B00;
	[sflag:s26] =	ssyncadd.s32 $0xFFFFD800  }
0x246: {  	[spmem:s3] =	stream.indirect.scatter.add.f32 [tilespmem:s16], [sflag:$0x7], $0x80, s15, s11, $0xb8;
	[tilespmem:$0x1FC00] =	vst v63  }
0x247: {  	_ =	swait.ge [sflag:s29], $0x2800  }
0x248: {  	[sflag:s29] =	ssyncset.done $0x0  }
0x249: {  	s15 =	simm.s32 $0xD00;
	[sflag:s29] =	ssyncadd.s32 $0xFFFFD800  }
0x24a: {  	[tilespmem:s16], [sflag:$0x3] =	stream.indirect.gather [hbm4b:s0+s11], $0x80, s15, s11, $0xb8;
	[tilespmem:$0x1FC00] =	vst v63  }
0x24b: {  	_ =	swait.ge [sflag:s31], $0x2800  }
0x24c: {  	[sflag:s31] =	ssyncset.done $0x0  }
0x24d: {  	s15 =	simm.s32 $0x1B80;
	[sflag:s31] =	ssyncadd.s32 $0xFFFFD800  }
0x24e: {  	[spmem:s3] =	stream.indirect.scatter.add.f32 [tilespmem:s19], [sflag:$0x8], $0x80, s15, s11, $0xb8;
	[tilespmem:$0x1FC00] =	vst v63  }
0x24f: {  	_ =	swait.ge [sflag:s12], $0x2800  }
0x250: {  	[sflag:s12] =	ssyncset.done $0x0  }
0x251: {  	s15 =	simm.s32 $0xD80;
	[sflag:s12] =	ssyncadd.s32 $0xFFFFD800  }
0x252: {  	[tilespmem:s19], [sflag:$0x4] =	stream.indirect.gather [hbm4b:s0+s11], $0x80, s15, s11, $0xb8;
	[tilespmem:$0x1FC00] =	vst v63  }
0x253: {  	_ =	swait.ge [sflag:s17], $0x2800  }
0x254: {  	[sflag:s17] =	ssyncset.done $0x0  }
0x255: {  	s15 =	simm.s32 $0x1C00;
	[sflag:s17] =	ssyncadd.s32 $0xFFFFD800  }
0x256: {  	[spmem:s3] =	stream.indirect.scatter.add.f32 [tilespmem:s1], [sflag:$0x5], $0x80, s15, s11, $0xb8;
	[tilespmem:$0x1FC00] =	vst v63  }
0x257: {  	_ =	swait.ge [sflag:s20], $0x2800  }
0x258: {  	[sflag:s20] =	ssyncset.done $0x0  }
0x259: {  	s15 =	simm.s32 $0xE00;
	[sflag:s20] =	ssyncadd.s32 $0xFFFFD800  }
0x25a: {  	[tilespmem:s1], [sflag:$0x1] =	stream.indirect.gather [hbm4b:s0+s11], $0x80, s15, s11, $0xb8;
	[tilespmem:$0x1FC00] =	vst v63  }
0x25b: {  	_ =	swait.ge [sflag:s22], $0x2800  }
0x25c: {  	[sflag:s22] =	ssyncset.done $0x0  }
0x25d: {  	s15 =	simm.s32 $0x1C80;
	[sflag:s22] =	ssyncadd.s32 $0xFFFFD800  }
0x25e: {  	[spmem:s3] =	stream.indirect.scatter.add.f32 [tilespmem:s14], [sflag:$0x6], $0x80, s15, s11, $0xb8;
	[tilespmem:$0x1FC00] =	vst v63  }
0x25f: {  	_ =	swait.ge [sflag:s24], $0x2800  }
0x260: {  	[sflag:s24] =	ssyncset.done $0x0  }
0x261: {  	s15 =	simm.s32 $0xE80;
	[sflag:s24] =	ssyncadd.s32 $0xFFFFD800  }
0x262: {  	[tilespmem:s14], [sflag:$0x2] =	stream.indirect.gather [hbm4b:s0+s11], $0x80, s15, s11, $0xb8;
	[tilespmem:$0x1FC00] =	vst v63  }
0x263: {  	_ =	swait.ge [sflag:s26], $0x2800  }
0x264: {  	[sflag:s26] =	ssyncset.done $0x0  }
0x265: {  	s15 =	simm.s32 $0x1D00;
	[sflag:s26] =	ssyncadd.s32 $0xFFFFD800  }
0x266: {  	[spmem:s3] =	stream.indirect.scatter.add.f32 [tilespmem:s16], [sflag:$0x7], $0x80, s15, s11, $0xb8;
	[tilespmem:$0x1FC00] =	vst v63  }
0x267: {  	_ =	swait.ge [sflag:s29], $0x2800  }
0x268: {  	[sflag:s29] =	ssyncset.done $0x0  }
0x269: {  	s15 =	simm.s32 $0xF00;
	[sflag:s29] =	ssyncadd.s32 $0xFFFFD800  }
0x26a: {  	[tilespmem:s16], [sflag:$0x3] =	stream.indirect.gather [hbm4b:s0+s11], $0x80, s15, s11, $0xb8;
	[tilespmem:$0x1FC00] =	vst v63  }
0x26b: {  	_ =	swait.ge [sflag:s31], $0x2800  }
0x26c: {  	[sflag:s31] =	ssyncset.done $0x0  }
0x26d: {  	s15 =	simm.s32 $0x1D80;
	[sflag:s31] =	ssyncadd.s32 $0xFFFFD800  }
0x26e: {  	[spmem:s3] =	stream.indirect.scatter.add.f32 [tilespmem:s19], [sflag:$0x8], $0x80, s15, s11, $0xb8;
	[tilespmem:$0x1FC00] =	vst v63  }
0x26f: {  	_ =	swait.ge [sflag:s12], $0x2800  }
0x270: {  	[sflag:s12] =	ssyncset.done $0x0  }
0x271: {  	s15 =	simm.s32 $0xF80;
	[sflag:s12] =	ssyncadd.s32 $0xFFFFD800  }
0x272: {  	[tilespmem:s19], [sflag:$0x4] =	stream.indirect.gather [hbm4b:s0+s11], $0x80, s15, s11, $0xb8;
	[tilespmem:$0x1FC00] =	vst v63  }
0x273: {  	_ =	swait.ge [sflag:s17], $0x2800  }
0x274: {  	[sflag:s17] =	ssyncset.done $0x0  }
0x275: {  	s15 =	simm.s32 $0x1E00;
	[sflag:s17] =	ssyncadd.s32 $0xFFFFD800  }
0x276: {  	[spmem:s3] =	stream.indirect.scatter.add.f32 [tilespmem:s1], [sflag:$0x5], $0x80, s15, s11, $0xb8;
	[tilespmem:$0x1FC00] =	vst v63  }
0x277: {  	_ =	swait.ge [sflag:s20], $0x2800  }
0x278: {  	[sflag:s20] =	ssyncset.done $0x0  }
0x279: {  	[sflag:s20] =	ssyncadd.s32 $0xFFFFD800  }
0x27a: {  	_ =	swait.ge [sflag:s22], $0x2800  }
0x27b: {  	[sflag:s22] =	ssyncset.done $0x0  }
0x27c: {  	s15 =	simm.s32 $0x1E80;
	[sflag:s22] =	ssyncadd.s32 $0xFFFFD800  }
0x27d: {  	[spmem:s3] =	stream.indirect.scatter.add.f32 [tilespmem:s14], [sflag:$0x6], $0x80, s15, s11, $0xb8;
	[tilespmem:$0x1FC00] =	vst v63  }
0x27e: {  	_ =	swait.ge [sflag:s24], $0x2800  }
0x27f: {  	[sflag:s24] =	ssyncset.done $0x0  }
0x280: {  	[sflag:s24] =	ssyncadd.s32 $0xFFFFD800  }
0x281: {  	_ =	swait.ge [sflag:s26], $0x2800  }
0x282: {  	[sflag:s26] =	ssyncset.done $0x0  }
0x283: {  	s15 =	simm.s32 $0x1F00;
	[sflag:s26] =	ssyncadd.s32 $0xFFFFD800  }
0x284: {  	[spmem:s3] =	stream.indirect.scatter.add.f32 [tilespmem:s16], [sflag:$0x7], $0x80, s15, s11, $0xb8;
	[tilespmem:$0x1FC00] =	vst v63  }
0x285: {  	_ =	swait.ge [sflag:s29], $0x2800  }
0x286: {  	[sflag:s29] =	ssyncset.done $0x0  }
0x287: {  	[sflag:s29] =	ssyncadd.s32 $0xFFFFD800  }
0x288: {  	_ =	swait.ge [sflag:s31], $0x2800  }
0x289: {  	[sflag:s31] =	ssyncset.done $0x0  }
0x28a: {  	s15 =	simm.s32 $0x1F80;
	[sflag:s31] =	ssyncadd.s32 $0xFFFFD800  }
0x28b: {  	[spmem:s3] =	stream.indirect.scatter.add.f32 [tilespmem:s19], [sflag:$0x8], $0x80, s15, s11, $0xb8;
	[tilespmem:$0x1FC00] =	vst v63  }
0x28c: {  	_ =	swait.ge [sflag:s12], $0x2800  }
0x28d: {  	[sflag:s12] =	ssyncset.done $0x0  }
0x28e: {  	[sflag:s12] =	ssyncadd.s32 $0xFFFFD800  }
0x28f: {  	_ =	swait.ge [sflag:s8], $0x800  }
0x290: {  	[sflag:s8] =	ssyncset.done $0x0  }
0x291: {  	[sflag:s8] =	ssyncadd.s32 $0xFFFFF800  }
0x292: {  	_ =	swait.ge [sflag:s28], $0x800  }
0x293: {  	[sflag:s28] =	ssyncset.done $0x0  }
0x294: {  	s6 =	simm.s32 $0x800;
	s13 =	rddreg [dreg:$0x16];
	[sflag:s28] =	ssyncadd.s32 $0xFFFFF800  }
0x295: {  	[tilespmem:s6], [sflag:$0xA] =	stream.linear.gather [hbm4b:s13+s4], $0x800, $0x38;
	[tilespmem:$0x1FC00] =	vst v63  }
0x296: {  	s13 =	rddreg [dreg:$0x19]  }
0x297: {  	[tilespmem:s7], [sflag:$0xC] =	stream.linear.gather [hbm4b:s13+s4], $0x800, $0x38;
	[tilespmem:$0x1FC00] =	vst v63  }
0x298: {  	_ = 	snop  }
0x299: {  	[tilespmem:s1], [sflag:$0x1] =	stream.indirect.gather [hbm4b:s0+s11], $0x80, s4, s11, $0xb8;
	[tilespmem:$0x1FC00] =	vst v63  }
0x29a: {  	_ = 	snop  }
0x29b: {  	[tilespmem:s14], [sflag:$0x2] =	stream.indirect.gather [hbm4b:s0+s11], $0x80, s18, s11, $0xb8;
	[tilespmem:$0x1FC00] =	vst v63  }
0x29c: {  	s7 =	simm.s32 $0x100  }
0x29d: {  	[tilespmem:s16], [sflag:$0x3] =	stream.indirect.gather [hbm4b:s0+s11], $0x80, s7, s11, $0xb8;
	[tilespmem:$0x1FC00] =	vst v63  }
0x29e: {  	_ =	swait.ge [sflag:s17], $0x2800  }
0x29f: {  	[sflag:s17] =	ssyncset.done $0x0  }
0x2a0: {  	[sflag:s17] =	ssyncadd.s32 $0xFFFFD800  }
0x2a1: {  	[spmem:s3] =	stream.indirect.scatter.add.f32 [tilespmem:s1], [sflag:$0x5], $0x80, s9, s11, $0xb8;
	[tilespmem:$0x1FC00] =	vst v63  }
0x2a2: {  	s13 =	simm.s32 $0x180  }
0x2a3: {  	[tilespmem:s19], [sflag:$0x4] =	stream.indirect.gather [hbm4b:s0+s11], $0x80, s13, s11, $0xb8;
	[tilespmem:$0x1FC00] =	vst v63  }
0x2a4: {  	_ =	swait.ge [sflag:s20], $0x2800  }
0x2a5: {  	[sflag:s20] =	ssyncset.done $0x0  }
0x2a6: {  	s15 =	simm.s32 $0x200;
	[sflag:s20] =	ssyncadd.s32 $0xFFFFD800  }
0x2a7: {  	[tilespmem:s1], [sflag:$0x1] =	stream.indirect.gather [hbm4b:s0+s11], $0x80, s15, s11, $0xb8;
	[tilespmem:$0x1FC00] =	vst v63  }
0x2a8: {  	_ =	swait.ge [sflag:s22], $0x2800  }
0x2a9: {  	[sflag:s22] =	ssyncset.done $0x0  }
0x2aa: {  	[sflag:s22] =	ssyncadd.s32 $0xFFFFD800  }
0x2ab: {  	[spmem:s3] =	stream.indirect.scatter.add.f32 [tilespmem:s14], [sflag:$0x6], $0x80, s25, s11, $0xb8;
	[tilespmem:$0x1FC00] =	vst v63  }
0x2ac: {  	_ =	swait.ge [sflag:s24], $0x2800  }
0x2ad: {  	[sflag:s24] =	ssyncset.done $0x0  }
0x2ae: {  	s18 =	simm.s32 $0x280;
	[sflag:s24] =	ssyncadd.s32 $0xFFFFD800  }
0x2af: {  	[tilespmem:s14], [sflag:$0x2] =	stream.indirect.gather [hbm4b:s0+s11], $0x80, s18, s11, $0xb8;
	[tilespmem:$0x1FC00] =	vst v63  }
0x2b0: {  	_ =	swait.ge [sflag:s26], $0x2800  }
0x2b1: {  	[sflag:s26] =	ssyncset.done $0x0  }
0x2b2: {  	[sflag:s26] =	ssyncadd.s32 $0xFFFFD800  }
0x2b3: {  	[spmem:s3] =	stream.indirect.scatter.add.f32 [tilespmem:s16], [sflag:$0x7], $0x80, s21, s11, $0xb8;
	[tilespmem:$0x1FC00] =	vst v63  }
0x2b4: {  	_ =	swait.ge [sflag:s29], $0x2800  }
0x2b5: {  	[sflag:s29] =	ssyncset.done $0x0  }
0x2b6: {  	s21 =	simm.s32 $0x300;
	[sflag:s29] =	ssyncadd.s32 $0xFFFFD800  }
0x2b7: {  	[tilespmem:s16], [sflag:$0x3] =	stream.indirect.gather [hbm4b:s0+s11], $0x80, s21, s11, $0xb8;
	[tilespmem:$0x1FC00] =	vst v63  }
0x2b8: {  	_ =	swait.ge [sflag:s31], $0x2800  }
0x2b9: {  	[sflag:s31] =	ssyncset.done $0x0  }
0x2ba: {  	s25 =	simm.s32 $0x1180;
	[sflag:s31] =	ssyncadd.s32 $0xFFFFD800  }
0x2bb: {  	[spmem:s3] =	stream.indirect.scatter.add.f32 [tilespmem:s19], [sflag:$0x8], $0x80, s25, s11, $0xb8;
	[tilespmem:$0x1FC00] =	vst v63  }
0x2bc: {  	_ =	swait.ge [sflag:s12], $0x2800  }
0x2bd: {  	[sflag:s12] =	ssyncset.done $0x0  }
0x2be: {  	s7 =	simm.s32 $0x380;
	[sflag:s12] =	ssyncadd.s32 $0xFFFFD800  }
0x2bf: {  	[tilespmem:s19], [sflag:$0x4] =	stream.indirect.gather [hbm4b:s0+s11], $0x80, s7, s11, $0xb8;
	[tilespmem:$0x1FC00] =	vst v63  }
0x2c0: {  	_ =	swait.ge [sflag:s17], $0x2800  }
0x2c1: {  	[sflag:s17] =	ssyncset.done $0x0  }
0x2c2: {  	s13 =	simm.s32 $0x1200;
	[sflag:s17] =	ssyncadd.s32 $0xFFFFD800  }
0x2c3: {  	[spmem:s3] =	stream.indirect.scatter.add.f32 [tilespmem:s1], [sflag:$0x5], $0x80, s13, s11, $0xb8;
	[tilespmem:$0x1FC00] =	vst v63  }
0x2c4: {  	_ =	swait.ge [sflag:s20], $0x2800  }
0x2c5: {  	[sflag:s20] =	ssyncset.done $0x0  }
0x2c6: {  	s18 =	simm.s32 $0x400;
	[sflag:s20] =	ssyncadd.s32 $0xFFFFD800  }
0x2c7: {  	[tilespmem:s1], [sflag:$0x1] =	stream.indirect.gather [hbm4b:s0+s11], $0x80, s18, s11, $0xb8;
	[tilespmem:$0x1FC00] =	vst v63  }
0x2c8: {  	_ =	swait.ge [sflag:s22], $0x2800  }
0x2c9: {  	[sflag:s22] =	ssyncset.done $0x0  }
0x2ca: {  	s21 =	simm.s32 $0x1280;
	[sflag:s22] =	ssyncadd.s32 $0xFFFFD800  }
0x2cb: {  	[spmem:s3] =	stream.indirect.scatter.add.f32 [tilespmem:s14], [sflag:$0x6], $0x80, s21, s11, $0xb8;
	[tilespmem:$0x1FC00] =	vst v63  }
0x2cc: {  	_ =	swait.ge [sflag:s24], $0x2800  }
0x2cd: {  	[sflag:s24] =	ssyncset.done $0x0  }
0x2ce: {  	s25 =	simm.s32 $0x480;
	[sflag:s24] =	ssyncadd.s32 $0xFFFFD800  }
0x2cf: {  	[tilespmem:s14], [sflag:$0x2] =	stream.indirect.gather [hbm4b:s0+s11], $0x80, s25, s11, $0xb8;
	[tilespmem:$0x1FC00] =	vst v63  }
0x2d0: {  	_ =	swait.ge [sflag:s26], $0x2800  }
0x2d1: {  	[sflag:s26] =	ssyncset.done $0x0  }
0x2d2: {  	s7 =	simm.s32 $0x1300;
	[sflag:s26] =	ssyncadd.s32 $0xFFFFD800  }
0x2d3: {  	[spmem:s3] =	stream.indirect.scatter.add.f32 [tilespmem:s16], [sflag:$0x7], $0x80, s7, s11, $0xb8;
	[tilespmem:$0x1FC00] =	vst v63  }
0x2d4: {  	_ =	swait.ge [sflag:s29], $0x2800  }
0x2d5: {  	[sflag:s29] =	ssyncset.done $0x0  }
0x2d6: {  	s13 =	simm.s32 $0x500;
	[sflag:s29] =	ssyncadd.s32 $0xFFFFD800  }
0x2d7: {  	[tilespmem:s16], [sflag:$0x3] =	stream.indirect.gather [hbm4b:s0+s11], $0x80, s13, s11, $0xb8;
	[tilespmem:$0x1FC00] =	vst v63  }
0x2d8: {  	_ =	swait.ge [sflag:s31], $0x2800  }
0x2d9: {  	[sflag:s31] =	ssyncset.done $0x0  }
0x2da: {  	s18 =	simm.s32 $0x1380;
	[sflag:s31] =	ssyncadd.s32 $0xFFFFD800  }
0x2db: {  	[spmem:s3] =	stream.indirect.scatter.add.f32 [tilespmem:s19], [sflag:$0x8], $0x80, s18, s11, $0xb8;
	[tilespmem:$0x1FC00] =	vst v63  }
0x2dc: {  	_ =	swait.ge [sflag:s12], $0x2800  }
0x2dd: {  	[sflag:s12] =	ssyncset.done $0x0  }
0x2de: {  	s21 =	simm.s32 $0x580;
	[sflag:s12] =	ssyncadd.s32 $0xFFFFD800  }
0x2df: {  	[tilespmem:s19], [sflag:$0x4] =	stream.indirect.gather [hbm4b:s0+s11], $0x80, s21, s11, $0xb8;
	[tilespmem:$0x1FC00] =	vst v63  }
0x2e0: {  	_ =	swait.ge [sflag:s17], $0x2800  }
0x2e1: {  	[sflag:s17] =	ssyncset.done $0x0  }
0x2e2: {  	s25 =	simm.s32 $0x1400;
	[sflag:s17] =	ssyncadd.s32 $0xFFFFD800  }
0x2e3: {  	[spmem:s3] =	stream.indirect.scatter.add.f32 [tilespmem:s1], [sflag:$0x5], $0x80, s25, s11, $0xb8;
	[tilespmem:$0x1FC00] =	vst v63  }
0x2e4: {  	_ =	swait.ge [sflag:s20], $0x2800  }
0x2e5: {  	[sflag:s20] =	ssyncset.done $0x0  }
0x2e6: {  	s7 =	simm.s32 $0x600;
	[sflag:s20] =	ssyncadd.s32 $0xFFFFD800  }
0x2e7: {  	[tilespmem:s1], [sflag:$0x1] =	stream.indirect.gather [hbm4b:s0+s11], $0x80, s7, s11, $0xb8;
	[tilespmem:$0x1FC00] =	vst v63  }
0x2e8: {  	_ =	swait.ge [sflag:s22], $0x2800  }
0x2e9: {  	[sflag:s22] =	ssyncset.done $0x0  }
0x2ea: {  	s13 =	simm.s32 $0x1480;
	[sflag:s22] =	ssyncadd.s32 $0xFFFFD800  }
0x2eb: {  	[spmem:s3] =	stream.indirect.scatter.add.f32 [tilespmem:s14], [sflag:$0x6], $0x80, s13, s11, $0xb8;
	[tilespmem:$0x1FC00] =	vst v63  }
0x2ec: {  	_ =	swait.ge [sflag:s24], $0x2800  }
0x2ed: {  	[sflag:s24] =	ssyncset.done $0x0  }
0x2ee: {  	s18 =	simm.s32 $0x680;
	[sflag:s24] =	ssyncadd.s32 $0xFFFFD800  }
0x2ef: {  	[tilespmem:s14], [sflag:$0x2] =	stream.indirect.gather [hbm4b:s0+s11], $0x80, s18, s11, $0xb8;
	[tilespmem:$0x1FC00] =	vst v63  }
0x2f0: {  	_ =	swait.ge [sflag:s26], $0x2800  }
0x2f1: {  	[sflag:s26] =	ssyncset.done $0x0  }
0x2f2: {  	s21 =	simm.s32 $0x1500;
	[sflag:s26] =	ssyncadd.s32 $0xFFFFD800  }
0x2f3: {  	[spmem:s3] =	stream.indirect.scatter.add.f32 [tilespmem:s16], [sflag:$0x7], $0x80, s21, s11, $0xb8;
	[tilespmem:$0x1FC00] =	vst v63  }
0x2f4: {  	_ =	swait.ge [sflag:s29], $0x2800  }
0x2f5: {  	[sflag:s29] =	ssyncset.done $0x0  }
0x2f6: {  	s25 =	simm.s32 $0x700;
	[sflag:s29] =	ssyncadd.s32 $0xFFFFD800  }
0x2f7: {  	[tilespmem:s16], [sflag:$0x3] =	stream.indirect.gather [hbm4b:s0+s11], $0x80, s25, s11, $0xb8;
	[tilespmem:$0x1FC00] =	vst v63  }
0x2f8: {  	_ =	swait.ge [sflag:s31], $0x2800  }
0x2f9: {  	[sflag:s31] =	ssyncset.done $0x0  }
0x2fa: {  	s7 =	simm.s32 $0x1580;
	[sflag:s31] =	ssyncadd.s32 $0xFFFFD800  }
0x2fb: {  	[spmem:s3] =	stream.indirect.scatter.add.f32 [tilespmem:s19], [sflag:$0x8], $0x80, s7, s11, $0xb8;
	[tilespmem:$0x1FC00] =	vst v63  }
0x2fc: {  	_ =	swait.ge [sflag:s12], $0x2800  }
0x2fd: {  	[sflag:s12] =	ssyncset.done $0x0  }
0x2fe: {  	s13 =	simm.s32 $0x780;
	[sflag:s12] =	ssyncadd.s32 $0xFFFFD800  }
0x2ff: {  	[tilespmem:s19], [sflag:$0x4] =	stream.indirect.gather [hbm4b:s0+s11], $0x80, s13, s11, $0xb8;
	[tilespmem:$0x1FC00] =	vst v63  }
0x300: {  	_ =	swait.ge [sflag:s17], $0x2800  }
0x301: {  	[sflag:s17] =	ssyncset.done $0x0  }
0x302: {  	s18 =	simm.s32 $0x1600;
	[sflag:s17] =	ssyncadd.s32 $0xFFFFD800  }
0x303: {  	[spmem:s3] =	stream.indirect.scatter.add.f32 [tilespmem:s1], [sflag:$0x5], $0x80, s18, s11, $0xb8;
	[tilespmem:$0x1FC00] =	vst v63  }
0x304: {  	_ =	swait.ge [sflag:s20], $0x2800  }
0x305: {  	[sflag:s20] =	ssyncset.done $0x0  }
0x306: {  	[sflag:s20] =	ssyncadd.s32 $0xFFFFD800  }
0x307: {  	_ =	swait.ge [sflag:s22], $0x2800  }
0x308: {  	[sflag:s22] =	ssyncset.done $0x0  }
0x309: {  	s21 =	simm.s32 $0x1680;
	[sflag:s22] =	ssyncadd.s32 $0xFFFFD800  }
0x30a: {  	[spmem:s3] =	stream.indirect.scatter.add.f32 [tilespmem:s14], [sflag:$0x6], $0x80, s21, s11, $0xb8;
	[tilespmem:$0x1FC00] =	vst v63  }
0x30b: {  	_ =	swait.ge [sflag:s24], $0x2800  }
0x30c: {  	[sflag:s24] =	ssyncset.done $0x0  }
0x30d: {  	[sflag:s24] =	ssyncadd.s32 $0xFFFFD800  }
0x30e: {  	_ =	swait.ge [sflag:s26], $0x2800  }
0x30f: {  	[sflag:s26] =	ssyncset.done $0x0  }
0x310: {  	s25 =	simm.s32 $0x1700;
	[sflag:s26] =	ssyncadd.s32 $0xFFFFD800  }
0x311: {  	[spmem:s3] =	stream.indirect.scatter.add.f32 [tilespmem:s16], [sflag:$0x7], $0x80, s25, s11, $0xb8;
	[tilespmem:$0x1FC00] =	vst v63  }
0x312: {  	_ =	swait.ge [sflag:s29], $0x2800  }
0x313: {  	[sflag:s29] =	ssyncset.done $0x0  }
0x314: {  	[sflag:s29] =	ssyncadd.s32 $0xFFFFD800  }
0x315: {  	_ =	swait.ge [sflag:s31], $0x2800  }
0x316: {  	[sflag:s31] =	ssyncset.done $0x0  }
0x317: {  	s7 =	simm.s32 $0x1780;
	[sflag:s31] =	ssyncadd.s32 $0xFFFFD800  }
0x318: {  	[spmem:s3] =	stream.indirect.scatter.add.f32 [tilespmem:s19], [sflag:$0x8], $0x80, s7, s11, $0xb8;
	[tilespmem:$0x1FC00] =	vst v63  }
0x319: {  	_ =	swait.ge [sflag:s12], $0x2800  }
0x31a: {  	[sflag:s12] =	ssyncset.done $0x0  }
0x31b: {  	[sflag:s12] =	ssyncadd.s32 $0xFFFFD800  }
0x31c: {  	_ =	swait.ge [sflag:s30], $0x800  }
0x31d: {  	[sflag:s30] =	ssyncset.done $0x0  }
0x31e: {  	[sflag:s30] =	ssyncadd.s32 $0xFFFFF800  }
0x31f: {  	_ =	swait.ge [sflag:s5], $0x800  }
0x320: {  	[sflag:s5] =	ssyncset.done $0x0  }
0x321: {  	s13 =	rddreg [dreg:$0x1a];
	[sflag:s5] =	ssyncadd.s32 $0xFFFFF800  }
0x322: {  	[tilespmem:s4], [sflag:$0x9] =	stream.linear.gather [hbm4b:s13+s4], $0x800, $0x38;
	[tilespmem:$0x1FC00] =	vst v63  }
0x323: {  	s18 =	rddreg [dreg:$0x1b]  }
0x324: {  	[tilespmem:s9], [sflag:$0xB] =	stream.linear.gather [hbm4b:s18+s4], $0x800, $0x38;
	[tilespmem:$0x1FC00] =	vst v63  }
0x325: {  	_ = 	snop  }
0x326: {  	[tilespmem:s1], [sflag:$0x1] =	stream.indirect.gather [hbm4b:s0+s11], $0x80, s6, s11, $0xb8;
	[tilespmem:$0x1FC00] =	vst v63  }
0x327: {  	_ = 	snop  }
0x328: {  	[tilespmem:s14], [sflag:$0x2] =	stream.indirect.gather [hbm4b:s0+s11], $0x80, s10, s11, $0xb8;
	[tilespmem:$0x1FC00] =	vst v63  }
0x329: {  	s21 =	simm.s32 $0x900  }
0x32a: {  	[tilespmem:s16], [sflag:$0x3] =	stream.indirect.gather [hbm4b:s0+s11], $0x80, s21, s11, $0xb8;
	[tilespmem:$0x1FC00] =	vst v63  }
0x32b: {  	_ =	swait.ge [sflag:s17], $0x2800  }
0x32c: {  	[sflag:s17] =	ssyncset.done $0x0  }
0x32d: {  	s10 =	simm.s32 $0x1800;
	[sflag:s17] =	ssyncadd.s32 $0xFFFFD800  }
0x32e: {  	[spmem:s3] =	stream.indirect.scatter.add.f32 [tilespmem:s1], [sflag:$0x5], $0x80, s10, s11, $0xb8;
	[tilespmem:$0x1FC00] =	vst v63  }
0x32f: {  	s25 =	simm.s32 $0x980  }
0x330: {  	[tilespmem:s19], [sflag:$0x4] =	stream.indirect.gather [hbm4b:s0+s11], $0x80, s25, s11, $0xb8;
	[tilespmem:$0x1FC00] =	vst v63  }
0x331: {  	_ =	swait.ge [sflag:s20], $0x2800  }
0x332: {  	[sflag:s20] =	ssyncset.done $0x0  }
0x333: {  	s6 =	simm.s32 $0xA00;
	[sflag:s20] =	ssyncadd.s32 $0xFFFFD800  }
0x334: {  	[tilespmem:s1], [sflag:$0x1] =	stream.indirect.gather [hbm4b:s0+s11], $0x80, s6, s11, $0xb8;
	[tilespmem:$0x1FC00] =	vst v63  }
0x335: {  	_ =	swait.ge [sflag:s22], $0x2800  }
0x336: {  	[sflag:s22] =	ssyncset.done $0x0  }
0x337: {  	s7 =	simm.s32 $0x1880;
	[sflag:s22] =	ssyncadd.s32 $0xFFFFD800  }
0x338: {  	[spmem:s3] =	stream.indirect.scatter.add.f32 [tilespmem:s14], [sflag:$0x6], $0x80, s7, s11, $0xb8;
	[tilespmem:$0x1FC00] =	vst v63  }
0x339: {  	_ =	swait.ge [sflag:s24], $0x2800  }
0x33a: {  	[sflag:s24] =	ssyncset.done $0x0  }
0x33b: {  	s13 =	simm.s32 $0xA80;
	[sflag:s24] =	ssyncadd.s32 $0xFFFFD800  }
0x33c: {  	[tilespmem:s14], [sflag:$0x2] =	stream.indirect.gather [hbm4b:s0+s11], $0x80, s13, s11, $0xb8;
	[tilespmem:$0x1FC00] =	vst v63  }
0x33d: {  	_ =	swait.ge [sflag:s26], $0x2800  }
0x33e: {  	[sflag:s26] =	ssyncset.done $0x0  }
0x33f: {  	s25 =	simm.s32 $0x1900;
	[sflag:s26] =	ssyncadd.s32 $0xFFFFD800  }
0x340: {  	[spmem:s3] =	stream.indirect.scatter.add.f32 [tilespmem:s16], [sflag:$0x7], $0x80, s25, s11, $0xb8;
	[tilespmem:$0x1FC00] =	vst v63  }
0x341: {  	_ =	swait.ge [sflag:s29], $0x2800  }
0x342: {  	[sflag:s29] =	ssyncset.done $0x0  }
0x343: {  	s6 =	simm.s32 $0xB00;
	[sflag:s29] =	ssyncadd.s32 $0xFFFFD800  }
0x344: {  	[tilespmem:s16], [sflag:$0x3] =	stream.indirect.gather [hbm4b:s0+s11], $0x80, s6, s11, $0xb8;
	[tilespmem:$0x1FC00] =	vst v63  }
0x345: {  	_ =	swait.ge [sflag:s31], $0x2800  }
0x346: {  	[sflag:s31] =	ssyncset.done $0x0  }
0x347: {  	s7 =	simm.s32 $0x1980;
	[sflag:s31] =	ssyncadd.s32 $0xFFFFD800  }
0x348: {  	[spmem:s3] =	stream.indirect.scatter.add.f32 [tilespmem:s19], [sflag:$0x8], $0x80, s7, s11, $0xb8;
	[tilespmem:$0x1FC00] =	vst v63  }
0x349: {  	_ =	swait.ge [sflag:s12], $0x2800  }
0x34a: {  	[sflag:s12] =	ssyncset.done $0x0  }
0x34b: {  	s13 =	simm.s32 $0xB80;
	[sflag:s12] =	ssyncadd.s32 $0xFFFFD800  }
0x34c: {  	[tilespmem:s19], [sflag:$0x4] =	stream.indirect.gather [hbm4b:s0+s11], $0x80, s13, s11, $0xb8;
	[tilespmem:$0x1FC00] =	vst v63  }
0x34d: {  	_ =	swait.ge [sflag:s17], $0x2800  }
0x34e: {  	[sflag:s17] =	ssyncset.done $0x0  }
0x34f: {  	s6 =	simm.s32 $0x1A00;
	[sflag:s17] =	ssyncadd.s32 $0xFFFFD800  }
0x350: {  	[spmem:s3] =	stream.indirect.scatter.add.f32 [tilespmem:s1], [sflag:$0x5], $0x80, s6, s11, $0xb8;
	[tilespmem:$0x1FC00] =	vst v63  }
0x351: {  	_ =	swait.ge [sflag:s20], $0x2800  }
0x352: {  	[sflag:s20] =	ssyncset.done $0x0  }
0x353: {  	s7 =	simm.s32 $0xC00;
	[sflag:s20] =	ssyncadd.s32 $0xFFFFD800  }
0x354: {  	[tilespmem:s1], [sflag:$0x1] =	stream.indirect.gather [hbm4b:s0+s11], $0x80, s7, s11, $0xb8;
	[tilespmem:$0x1FC00] =	vst v63  }
0x355: {  	_ =	swait.ge [sflag:s22], $0x2800  }
0x356: {  	[sflag:s22] =	ssyncset.done $0x0  }
0x357: {  	s13 =	simm.s32 $0x1A80;
	[sflag:s22] =	ssyncadd.s32 $0xFFFFD800  }
0x358: {  	[spmem:s3] =	stream.indirect.scatter.add.f32 [tilespmem:s14], [sflag:$0x6], $0x80, s13, s11, $0xb8;
	[tilespmem:$0x1FC00] =	vst v63  }
0x359: {  	_ =	swait.ge [sflag:s24], $0x2800  }
0x35a: {  	[sflag:s24] =	ssyncset.done $0x0  }
0x35b: {  	s6 =	simm.s32 $0xC80;
	[sflag:s24] =	ssyncadd.s32 $0xFFFFD800  }
0x35c: {  	[tilespmem:s14], [sflag:$0x2] =	stream.indirect.gather [hbm4b:s0+s11], $0x80, s6, s11, $0xb8;
	[tilespmem:$0x1FC00] =	vst v63  }
0x35d: {  	_ =	swait.ge [sflag:s26], $0x2800  }
0x35e: {  	[sflag:s26] =	ssyncset.done $0x0  }
0x35f: {  	s7 =	simm.s32 $0x1B00;
	[sflag:s26] =	ssyncadd.s32 $0xFFFFD800  }
0x360: {  	[spmem:s3] =	stream.indirect.scatter.add.f32 [tilespmem:s16], [sflag:$0x7], $0x80, s7, s11, $0xb8;
	[tilespmem:$0x1FC00] =	vst v63  }
0x361: {  	_ =	swait.ge [sflag:s29], $0x2800  }
0x362: {  	[sflag:s29] =	ssyncset.done $0x0  }
0x363: {  	s13 =	simm.s32 $0xD00;
	[sflag:s29] =	ssyncadd.s32 $0xFFFFD800  }
0x364: {  	[tilespmem:s16], [sflag:$0x3] =	stream.indirect.gather [hbm4b:s0+s11], $0x80, s13, s11, $0xb8;
	[tilespmem:$0x1FC00] =	vst v63  }
0x365: {  	_ =	swait.ge [sflag:s31], $0x2800  }
0x366: {  	[sflag:s31] =	ssyncset.done $0x0  }
0x367: {  	s6 =	simm.s32 $0x1B80;
	[sflag:s31] =	ssyncadd.s32 $0xFFFFD800  }
0x368: {  	[spmem:s3] =	stream.indirect.scatter.add.f32 [tilespmem:s19], [sflag:$0x8], $0x80, s6, s11, $0xb8;
	[tilespmem:$0x1FC00] =	vst v63  }
0x369: {  	_ =	swait.ge [sflag:s12], $0x2800  }
0x36a: {  	[sflag:s12] =	ssyncset.done $0x0  }
0x36b: {  	s7 =	simm.s32 $0xD80;
	[sflag:s12] =	ssyncadd.s32 $0xFFFFD800  }
0x36c: {  	[tilespmem:s19], [sflag:$0x4] =	stream.indirect.gather [hbm4b:s0+s11], $0x80, s7, s11, $0xb8;
	[tilespmem:$0x1FC00] =	vst v63  }
0x36d: {  	_ =	swait.ge [sflag:s17], $0x2800  }
0x36e: {  	[sflag:s17] =	ssyncset.done $0x0  }
0x36f: {  	s13 =	simm.s32 $0x1C00;
	[sflag:s17] =	ssyncadd.s32 $0xFFFFD800  }
0x370: {  	[spmem:s3] =	stream.indirect.scatter.add.f32 [tilespmem:s1], [sflag:$0x5], $0x80, s13, s11, $0xb8;
	[tilespmem:$0x1FC00] =	vst v63  }
0x371: {  	_ =	swait.ge [sflag:s20], $0x2800  }
0x372: {  	[sflag:s20] =	ssyncset.done $0x0  }
0x373: {  	s6 =	simm.s32 $0xE00;
	[sflag:s20] =	ssyncadd.s32 $0xFFFFD800  }
0x374: {  	[tilespmem:s1], [sflag:$0x1] =	stream.indirect.gather [hbm4b:s0+s11], $0x80, s6, s11, $0xb8;
	[tilespmem:$0x1FC00] =	vst v63  }
0x375: {  	_ =	swait.ge [sflag:s22], $0x2800  }
0x376: {  	[sflag:s22] =	ssyncset.done $0x0  }
0x377: {  	s7 =	simm.s32 $0x1C80;
	[sflag:s22] =	ssyncadd.s32 $0xFFFFD800  }
0x378: {  	[spmem:s3] =	stream.indirect.scatter.add.f32 [tilespmem:s14], [sflag:$0x6], $0x80, s7, s11, $0xb8;
	[tilespmem:$0x1FC00] =	vst v63  }
0x379: {  	_ =	swait.ge [sflag:s24], $0x2800  }
0x37a: {  	[sflag:s24] =	ssyncset.done $0x0  }
0x37b: {  	s13 =	simm.s32 $0xE80;
	[sflag:s24] =	ssyncadd.s32 $0xFFFFD800  }
0x37c: {  	[tilespmem:s14], [sflag:$0x2] =	stream.indirect.gather [hbm4b:s0+s11], $0x80, s13, s11, $0xb8;
	[tilespmem:$0x1FC00] =	vst v63  }
0x37d: {  	_ =	swait.ge [sflag:s26], $0x2800  }
0x37e: {  	[sflag:s26] =	ssyncset.done $0x0  }
0x37f: {  	s15 =	simm.s32 $0x1D00;
	[sflag:s26] =	ssyncadd.s32 $0xFFFFD800  }
0x380: {  	[spmem:s3] =	stream.indirect.scatter.add.f32 [tilespmem:s16], [sflag:$0x7], $0x80, s15, s11, $0xb8;
	[tilespmem:$0x1FC00] =	vst v63  }
0x381: {  	_ =	swait.ge [sflag:s29], $0x2800  }
0x382: {  	[sflag:s29] =	ssyncset.done $0x0  }
0x383: {  	s7 =	simm.s32 $0xF00;
	[sflag:s29] =	ssyncadd.s32 $0xFFFFD800  }
0x384: {  	[tilespmem:s16], [sflag:$0x3] =	stream.indirect.gather [hbm4b:s0+s11], $0x80, s7, s11, $0xb8;
	[tilespmem:$0x1FC00] =	vst v63  }
0x385: {  	_ =	swait.ge [sflag:s31], $0x2800  }
0x386: {  	[sflag:s31] =	ssyncset.done $0x0  }
0x387: {  	s7 =	simm.s32 $0x1D80;
	[sflag:s31] =	ssyncadd.s32 $0xFFFFD800  }
0x388: {  	[spmem:s3] =	stream.indirect.scatter.add.f32 [tilespmem:s19], [sflag:$0x8], $0x80, s7, s11, $0xb8;
	[tilespmem:$0x1FC00] =	vst v63  }
0x389: {  	_ =	swait.ge [sflag:s12], $0x2800  }
0x38a: {  	[sflag:s12] =	ssyncset.done $0x0  }
0x38b: {  	s15 =	simm.s32 $0xF80;
	[sflag:s12] =	ssyncadd.s32 $0xFFFFD800  }
0x38c: {  	[tilespmem:s19], [sflag:$0x4] =	stream.indirect.gather [hbm4b:s0+s11], $0x80, s15, s11, $0xb8;
	[tilespmem:$0x1FC00] =	vst v63  }
0x38d: {  	_ =	swait.ge [sflag:s17], $0x2800  }
0x38e: {  	[sflag:s17] =	ssyncset.done $0x0  }
0x38f: {  	s6 =	simm.s32 $0x1E00;
	[sflag:s17] =	ssyncadd.s32 $0xFFFFD800  }
0x390: {  	[spmem:s3] =	stream.indirect.scatter.add.f32 [tilespmem:s1], [sflag:$0x5], $0x80, s6, s11, $0xb8;
	[tilespmem:$0x1FC00] =	vst v63  }
0x391: {  	_ =	swait.ge [sflag:s20], $0x2800  }
0x392: {  	[sflag:s20] =	ssyncset.done $0x0  }
0x393: {  	[sflag:s20] =	ssyncadd.s32 $0xFFFFD800  }
0x394: {  	_ =	swait.ge [sflag:s22], $0x2800  }
0x395: {  	[sflag:s22] =	ssyncset.done $0x0  }
0x396: {  	s15 =	simm.s32 $0x1E80;
	[sflag:s22] =	ssyncadd.s32 $0xFFFFD800  }
0x397: {  	[spmem:s3] =	stream.indirect.scatter.add.f32 [tilespmem:s14], [sflag:$0x6], $0x80, s15, s11, $0xb8;
	[tilespmem:$0x1FC00] =	vst v63  }
0x398: {  	_ =	swait.ge [sflag:s24], $0x2800  }
0x399: {  	[sflag:s24] =	ssyncset.done $0x0  }
0x39a: {  	[sflag:s24] =	ssyncadd.s32 $0xFFFFD800  }
0x39b: {  	_ =	swait.ge [sflag:s26], $0x2800  }
0x39c: {  	[sflag:s26] =	ssyncset.done $0x0  }
0x39d: {  	s15 =	simm.s32 $0x1F00;
	[sflag:s26] =	ssyncadd.s32 $0xFFFFD800  }
0x39e: {  	[spmem:s3] =	stream.indirect.scatter.add.f32 [tilespmem:s16], [sflag:$0x7], $0x80, s15, s11, $0xb8;
	[tilespmem:$0x1FC00] =	vst v63  }
0x39f: {  	_ =	swait.ge [sflag:s29], $0x2800  }
0x3a0: {  	[sflag:s29] =	ssyncset.done $0x0  }
0x3a1: {  	[sflag:s29] =	ssyncadd.s32 $0xFFFFD800  }
0x3a2: {  	_ =	swait.ge [sflag:s31], $0x2800  }
0x3a3: {  	[sflag:s31] =	ssyncset.done $0x0  }
0x3a4: {  	s15 =	simm.s32 $0x1F80;
	[sflag:s31] =	ssyncadd.s32 $0xFFFFD800  }
0x3a5: {  	[spmem:s3] =	stream.indirect.scatter.add.f32 [tilespmem:s19], [sflag:$0x8], $0x80, s15, s11, $0xb8;
	[tilespmem:$0x1FC00] =	vst v63  }
0x3a6: {  	_ =	swait.ge [sflag:s12], $0x2800  }
0x3a7: {  	[sflag:s12] =	ssyncset.done $0x0  }
0x3a8: {  	[sflag:s12] =	ssyncadd.s32 $0xFFFFD800  }
0x3a9: {  	_ =	swait.ge [sflag:s8], $0x800  }
0x3aa: {  	[sflag:s8] =	ssyncset.done $0x0  }
0x3ab: {  	[sflag:s8] =	ssyncadd.s32 $0xFFFFF800  }
0x3ac: {  	_ =	swait.ge [sflag:s28], $0x800  }
0x3ad: {  	[sflag:s28] =	ssyncset.done $0x0  }
0x3ae: {  	s8 =	rddreg [dreg:$0x1c];
	[sflag:s28] =	ssyncadd.s32 $0xFFFFF800;
	s28 =	simm.s32 $0x800  }
0x3af: {  	[tilespmem:s28], [sflag:$0xA] =	stream.linear.gather [hbm4b:s8+s4], $0x680, $0x38;
	[tilespmem:$0x1FC00] =	vst v63  }
0x3b0: {  	s8 =	rddreg [dreg:$0x1d]  }
0x3b1: {  	[tilespmem:s10], [sflag:$0xC] =	stream.linear.gather [hbm4b:s8+s4], $0x680, $0x38;
	[tilespmem:$0x1FC00] =	vst v63  }
0x3b2: {  	_ = 	snop  }
0x3b3: {  	[tilespmem:s1], [sflag:$0x1] =	stream.indirect.gather [hbm4b:s0+s11], $0x80, s4, s11, $0xb8;
	[tilespmem:$0x1FC00] =	vst v63  }
0x3b4: {  	s15 =	simm.s32 $0x80  }
0x3b5: {  	[tilespmem:s14], [sflag:$0x2] =	stream.indirect.gather [hbm4b:s0+s11], $0x80, s15, s11, $0xb8;
	[tilespmem:$0x1FC00] =	vst v63  }
0x3b6: {  	s15 =	simm.s32 $0x100  }
0x3b7: {  	[tilespmem:s16], [sflag:$0x3] =	stream.indirect.gather [hbm4b:s0+s11], $0x80, s15, s11, $0xb8;
	[tilespmem:$0x1FC00] =	vst v63  }
0x3b8: {  	_ =	swait.ge [sflag:s17], $0x2800  }
0x3b9: {  	[sflag:s17] =	ssyncset.done $0x0  }
0x3ba: {  	[sflag:s17] =	ssyncadd.s32 $0xFFFFD800  }
0x3bb: {  	[spmem:s3] =	stream.indirect.scatter.add.f32 [tilespmem:s1], [sflag:$0x5], $0x80, s9, s11, $0xb8;
	[tilespmem:$0x1FC00] =	vst v63  }
0x3bc: {  	s10 =	simm.s32 $0x180  }
0x3bd: {  	[tilespmem:s19], [sflag:$0x4] =	stream.indirect.gather [hbm4b:s0+s11], $0x80, s10, s11, $0xb8;
	[tilespmem:$0x1FC00] =	vst v63  }
0x3be: {  	_ =	swait.ge [sflag:s20], $0x2800  }
0x3bf: {  	[sflag:s20] =	ssyncset.done $0x0  }
0x3c0: {  	s15 =	simm.s32 $0x200;
	[sflag:s20] =	ssyncadd.s32 $0xFFFFD800  }
0x3c1: {  	[tilespmem:s1], [sflag:$0x1] =	stream.indirect.gather [hbm4b:s0+s11], $0x80, s15, s11, $0xb8;
	[tilespmem:$0x1FC00] =	vst v63  }
0x3c2: {  	_ =	swait.ge [sflag:s22], $0x2800  }
0x3c3: {  	[sflag:s22] =	ssyncset.done $0x0  }
0x3c4: {  	s10 =	simm.s32 $0x1080;
	[sflag:s22] =	ssyncadd.s32 $0xFFFFD800  }
0x3c5: {  	[spmem:s3] =	stream.indirect.scatter.add.f32 [tilespmem:s14], [sflag:$0x6], $0x80, s10, s11, $0xb8;
	[tilespmem:$0x1FC00] =	vst v63  }
0x3c6: {  	_ =	swait.ge [sflag:s24], $0x2800  }
0x3c7: {  	[sflag:s24] =	ssyncset.done $0x0  }
0x3c8: {  	s15 =	simm.s32 $0x280;
	[sflag:s24] =	ssyncadd.s32 $0xFFFFD800  }
0x3c9: {  	[tilespmem:s14], [sflag:$0x2] =	stream.indirect.gather [hbm4b:s0+s11], $0x80, s15, s11, $0xb8;
	[tilespmem:$0x1FC00] =	vst v63  }
0x3ca: {  	_ =	swait.ge [sflag:s26], $0x2800  }
0x3cb: {  	[sflag:s26] =	ssyncset.done $0x0  }
0x3cc: {  	s10 =	simm.s32 $0x1100;
	[sflag:s26] =	ssyncadd.s32 $0xFFFFD800  }
0x3cd: {  	[spmem:s3] =	stream.indirect.scatter.add.f32 [tilespmem:s16], [sflag:$0x7], $0x80, s10, s11, $0xb8;
	[tilespmem:$0x1FC00] =	vst v63  }
0x3ce: {  	_ =	swait.ge [sflag:s29], $0x2800  }
0x3cf: {  	[sflag:s29] =	ssyncset.done $0x0  }
0x3d0: {  	s15 =	simm.s32 $0x300;
	[sflag:s29] =	ssyncadd.s32 $0xFFFFD800  }
0x3d1: {  	[tilespmem:s16], [sflag:$0x3] =	stream.indirect.gather [hbm4b:s0+s11], $0x80, s15, s11, $0xb8;
	[tilespmem:$0x1FC00] =	vst v63  }
0x3d2: {  	_ =	swait.ge [sflag:s31], $0x2800  }
0x3d3: {  	[sflag:s31] =	ssyncset.done $0x0  }
0x3d4: {  	s10 =	simm.s32 $0x1180;
	[sflag:s31] =	ssyncadd.s32 $0xFFFFD800  }
0x3d5: {  	[spmem:s3] =	stream.indirect.scatter.add.f32 [tilespmem:s19], [sflag:$0x8], $0x80, s10, s11, $0xb8;
	[tilespmem:$0x1FC00] =	vst v63  }
0x3d6: {  	_ =	swait.ge [sflag:s12], $0x2800  }
0x3d7: {  	[sflag:s12] =	ssyncset.done $0x0  }
0x3d8: {  	s15 =	simm.s32 $0x380;
	[sflag:s12] =	ssyncadd.s32 $0xFFFFD800  }
0x3d9: {  	[tilespmem:s19], [sflag:$0x4] =	stream.indirect.gather [hbm4b:s0+s11], $0x80, s15, s11, $0xb8;
	[tilespmem:$0x1FC00] =	vst v63  }
0x3da: {  	_ =	swait.ge [sflag:s17], $0x2800  }
0x3db: {  	[sflag:s17] =	ssyncset.done $0x0  }
0x3dc: {  	s10 =	simm.s32 $0x1200;
	[sflag:s17] =	ssyncadd.s32 $0xFFFFD800  }
0x3dd: {  	[spmem:s3] =	stream.indirect.scatter.add.f32 [tilespmem:s1], [sflag:$0x5], $0x80, s10, s11, $0xb8;
	[tilespmem:$0x1FC00] =	vst v63  }
0x3de: {  	_ =	swait.ge [sflag:s20], $0x2800  }
0x3df: {  	[sflag:s20] =	ssyncset.done $0x0  }
0x3e0: {  	s15 =	simm.s32 $0x400;
	[sflag:s20] =	ssyncadd.s32 $0xFFFFD800  }
0x3e1: {  	[tilespmem:s1], [sflag:$0x1] =	stream.indirect.gather [hbm4b:s0+s11], $0x80, s15, s11, $0xb8;
	[tilespmem:$0x1FC00] =	vst v63  }
0x3e2: {  	_ =	swait.ge [sflag:s22], $0x2800  }
0x3e3: {  	[sflag:s22] =	ssyncset.done $0x0  }
0x3e4: {  	s10 =	simm.s32 $0x1280;
	[sflag:s22] =	ssyncadd.s32 $0xFFFFD800  }
0x3e5: {  	[spmem:s3] =	stream.indirect.scatter.add.f32 [tilespmem:s14], [sflag:$0x6], $0x80, s10, s11, $0xb8;
	[tilespmem:$0x1FC00] =	vst v63  }
0x3e6: {  	_ =	swait.ge [sflag:s24], $0x2800  }
0x3e7: {  	[sflag:s24] =	ssyncset.done $0x0  }
0x3e8: {  	s15 =	simm.s32 $0x480;
	[sflag:s24] =	ssyncadd.s32 $0xFFFFD800  }
0x3e9: {  	[tilespmem:s14], [sflag:$0x2] =	stream.indirect.gather [hbm4b:s0+s11], $0x80, s15, s11, $0xb8;
	[tilespmem:$0x1FC00] =	vst v63  }
0x3ea: {  	_ =	swait.ge [sflag:s26], $0x2800  }
0x3eb: {  	[sflag:s26] =	ssyncset.done $0x0  }
0x3ec: {  	s10 =	simm.s32 $0x1300;
	[sflag:s26] =	ssyncadd.s32 $0xFFFFD800  }
0x3ed: {  	[spmem:s3] =	stream.indirect.scatter.add.f32 [tilespmem:s16], [sflag:$0x7], $0x80, s10, s11, $0xb8;
	[tilespmem:$0x1FC00] =	vst v63  }
0x3ee: {  	_ =	swait.ge [sflag:s29], $0x2800  }
0x3ef: {  	[sflag:s29] =	ssyncset.done $0x0  }
0x3f0: {  	s15 =	simm.s32 $0x500;
	[sflag:s29] =	ssyncadd.s32 $0xFFFFD800  }
0x3f1: {  	[tilespmem:s16], [sflag:$0x3] =	stream.indirect.gather [hbm4b:s0+s11], $0x80, s15, s11, $0xb8;
	[tilespmem:$0x1FC00] =	vst v63  }
0x3f2: {  	_ =	swait.ge [sflag:s31], $0x2800  }
0x3f3: {  	[sflag:s31] =	ssyncset.done $0x0  }
0x3f4: {  	s10 =	simm.s32 $0x1380;
	[sflag:s31] =	ssyncadd.s32 $0xFFFFD800  }
0x3f5: {  	[spmem:s3] =	stream.indirect.scatter.add.f32 [tilespmem:s19], [sflag:$0x8], $0x80, s10, s11, $0xb8;
	[tilespmem:$0x1FC00] =	vst v63  }
0x3f6: {  	_ =	swait.ge [sflag:s12], $0x2800  }
0x3f7: {  	[sflag:s12] =	ssyncset.done $0x0  }
0x3f8: {  	s15 =	simm.s32 $0x580;
	[sflag:s12] =	ssyncadd.s32 $0xFFFFD800  }
0x3f9: {  	[tilespmem:s19], [sflag:$0x4] =	stream.indirect.gather [hbm4b:s0+s11], $0x80, s15, s11, $0xb8;
	[tilespmem:$0x1FC00] =	vst v63  }
0x3fa: {  	_ =	swait.ge [sflag:s17], $0x2800  }
0x3fb: {  	[sflag:s17] =	ssyncset.done $0x0  }
0x3fc: {  	s10 =	simm.s32 $0x1400;
	[sflag:s17] =	ssyncadd.s32 $0xFFFFD800  }
0x3fd: {  	[spmem:s3] =	stream.indirect.scatter.add.f32 [tilespmem:s1], [sflag:$0x5], $0x80, s10, s11, $0xb8;
	[tilespmem:$0x1FC00] =	vst v63  }
0x3fe: {  	_ =	swait.ge [sflag:s20], $0x2800  }
0x3ff: {  	[sflag:s20] =	ssyncset.done $0x0  }
0x400: {  	s15 =	simm.s32 $0x600;
	[sflag:s20] =	ssyncadd.s32 $0xFFFFD800  }
0x401: {  	[tilespmem:s1], [sflag:$0x1] =	stream.indirect.gather [hbm4b:s0+s11], $0x80, s15, s11, $0xb8;
	[tilespmem:$0x1FC00] =	vst v63  }
0x402: {  	_ =	swait.ge [sflag:s22], $0x2800  }
0x403: {  	[sflag:s22] =	ssyncset.done $0x0  }
0x404: {  	s10 =	simm.s32 $0x1480;
	[sflag:s22] =	ssyncadd.s32 $0xFFFFD800  }
0x405: {  	[spmem:s3] =	stream.indirect.scatter.add.f32 [tilespmem:s14], [sflag:$0x6], $0x80, s10, s11, $0xb8;
	[tilespmem:$0x1FC00] =	vst v63  }
0x406: {  	_ =	swait.ge [sflag:s24], $0x2800  }
0x407: {  	[sflag:s24] =	ssyncset.done $0x0  }
0x408: {  	s15 =	simm.s32 $0x680;
	[sflag:s24] =	ssyncadd.s32 $0xFFFFD800  }
0x409: {  	[tilespmem:s14], [sflag:$0x2] =	stream.indirect.gather [hbm4b:s0+s11], $0x80, s15, s11, $0xb8;
	[tilespmem:$0x1FC00] =	vst v63  }
0x40a: {  	_ =	swait.ge [sflag:s26], $0x2800  }
0x40b: {  	[sflag:s26] =	ssyncset.done $0x0  }
0x40c: {  	s10 =	simm.s32 $0x1500;
	[sflag:s26] =	ssyncadd.s32 $0xFFFFD800  }
0x40d: {  	[spmem:s3] =	stream.indirect.scatter.add.f32 [tilespmem:s16], [sflag:$0x7], $0x80, s10, s11, $0xb8;
	[tilespmem:$0x1FC00] =	vst v63  }
0x40e: {  	_ =	swait.ge [sflag:s29], $0x2800  }
0x40f: {  	[sflag:s29] =	ssyncset.done $0x0  }
0x410: {  	s15 =	simm.s32 $0x700;
	[sflag:s29] =	ssyncadd.s32 $0xFFFFD800  }
0x411: {  	[tilespmem:s16], [sflag:$0x3] =	stream.indirect.gather [hbm4b:s0+s11], $0x80, s15, s11, $0xb8;
	[tilespmem:$0x1FC00] =	vst v63  }
0x412: {  	_ =	swait.ge [sflag:s31], $0x2800  }
0x413: {  	[sflag:s31] =	ssyncset.done $0x0  }
0x414: {  	s10 =	simm.s32 $0x1580;
	[sflag:s31] =	ssyncadd.s32 $0xFFFFD800  }
0x415: {  	[spmem:s3] =	stream.indirect.scatter.add.f32 [tilespmem:s19], [sflag:$0x8], $0x80, s10, s11, $0xb8;
	[tilespmem:$0x1FC00] =	vst v63  }
0x416: {  	_ =	swait.ge [sflag:s12], $0x2800  }
0x417: {  	[sflag:s12] =	ssyncset.done $0x0  }
0x418: {  	s15 =	simm.s32 $0x780;
	[sflag:s12] =	ssyncadd.s32 $0xFFFFD800  }
0x419: {  	[tilespmem:s19], [sflag:$0x4] =	stream.indirect.gather [hbm4b:s0+s11], $0x80, s15, s11, $0xb8;
	[tilespmem:$0x1FC00] =	vst v63  }
0x41a: {  	_ =	swait.ge [sflag:s17], $0x2800  }
0x41b: {  	[sflag:s17] =	ssyncset.done $0x0  }
0x41c: {  	s10 =	simm.s32 $0x1600;
	[sflag:s17] =	ssyncadd.s32 $0xFFFFD800  }
0x41d: {  	[spmem:s3] =	stream.indirect.scatter.add.f32 [tilespmem:s1], [sflag:$0x5], $0x80, s10, s11, $0xb8;
	[tilespmem:$0x1FC00] =	vst v63  }
0x41e: {  	_ =	swait.ge [sflag:s20], $0x2800  }
0x41f: {  	[sflag:s20] =	ssyncset.done $0x0  }
0x420: {  	[sflag:s20] =	ssyncadd.s32 $0xFFFFD800  }
0x421: {  	_ =	swait.ge [sflag:s22], $0x2800  }
0x422: {  	[sflag:s22] =	ssyncset.done $0x0  }
0x423: {  	s15 =	simm.s32 $0x1680;
	[sflag:s22] =	ssyncadd.s32 $0xFFFFD800  }
0x424: {  	[spmem:s3] =	stream.indirect.scatter.add.f32 [tilespmem:s14], [sflag:$0x6], $0x80, s15, s11, $0xb8;
	[tilespmem:$0x1FC00] =	vst v63  }
0x425: {  	_ =	swait.ge [sflag:s24], $0x2800  }
0x426: {  	[sflag:s24] =	ssyncset.done $0x0  }
0x427: {  	[sflag:s24] =	ssyncadd.s32 $0xFFFFD800  }
0x428: {  	_ =	swait.ge [sflag:s26], $0x2800  }
0x429: {  	[sflag:s26] =	ssyncset.done $0x0  }
0x42a: {  	s10 =	simm.s32 $0x1700;
	[sflag:s26] =	ssyncadd.s32 $0xFFFFD800  }
0x42b: {  	[spmem:s3] =	stream.indirect.scatter.add.f32 [tilespmem:s16], [sflag:$0x7], $0x80, s10, s11, $0xb8;
	[tilespmem:$0x1FC00] =	vst v63  }
0x42c: {  	_ =	swait.ge [sflag:s29], $0x2800  }
0x42d: {  	[sflag:s29] =	ssyncset.done $0x0  }
0x42e: {  	[sflag:s29] =	ssyncadd.s32 $0xFFFFD800  }
0x42f: {  	_ =	swait.ge [sflag:s31], $0x2800  }
0x430: {  	[sflag:s31] =	ssyncset.done $0x0  }
0x431: {  	s15 =	simm.s32 $0x1780;
	[sflag:s31] =	ssyncadd.s32 $0xFFFFD800  }
0x432: {  	[spmem:s3] =	stream.indirect.scatter.add.f32 [tilespmem:s19], [sflag:$0x8], $0x80, s15, s11, $0xb8;
	[tilespmem:$0x1FC00] =	vst v63  }
0x433: {  	_ =	swait.ge [sflag:s12], $0x2800  }
0x434: {  	[sflag:s12] =	ssyncset.done $0x0  }
0x435: {  	[sflag:s12] =	ssyncadd.s32 $0xFFFFD800  }
0x436: {  	_ =	swait.ge [sflag:s30], $0x680  }
0x437: {  	[sflag:s30] =	ssyncset.done $0x0  }
0x438: {  	[sflag:s30] =	ssyncadd.s32 $0xFFFFF980  }
0x439: {  	_ =	swait.ge [sflag:s5], $0x680  }
0x43a: {  	[sflag:s5] =	ssyncset.done $0x0  }
0x43b: {  	[sflag:s5] =	ssyncadd.s32 $0xFFFFF980  }
0x43c: {  	[tilespmem:s1], [sflag:$0x1] =	stream.indirect.gather [hbm4b:s0+s11], $0x80, s28, s11, $0xb8;
	[tilespmem:$0x1FC00] =	vst v63  }
0x43d: {  	s9 =	simm.s32 $0x880  }
0x43e: {  	[tilespmem:s14], [sflag:$0x2] =	stream.indirect.gather [hbm4b:s0+s11], $0x80, s9, s11, $0xb8;
	[tilespmem:$0x1FC00] =	vst v63  }
0x43f: {  	s10 =	simm.s32 $0x900  }
0x440: {  	[tilespmem:s16], [sflag:$0x3] =	stream.indirect.gather [hbm4b:s0+s11], $0x80, s10, s11, $0xb8;
	[tilespmem:$0x1FC00] =	vst v63  }
0x441: {  	_ =	swait.ge [sflag:s17], $0x2800  }
0x442: {  	[sflag:s17] =	ssyncset.done $0x0  }
0x443: {  	s8 =	simm.s32 $0x1800;
	[sflag:s17] =	ssyncadd.s32 $0xFFFFD800  }
0x444: {  	[spmem:s3] =	stream.indirect.scatter.add.f32 [tilespmem:s1], [sflag:$0x5], $0x80, s8, s11, $0xb8;
	[tilespmem:$0x1FC00] =	vst v63  }
0x445: {  	s15 =	simm.s32 $0x980  }
0x446: {  	[tilespmem:s19], [sflag:$0x4] =	stream.indirect.gather [hbm4b:s0+s11], $0x80, s15, s11, $0xb8;
	[tilespmem:$0x1FC00] =	vst v63  }
0x447: {  	_ =	swait.ge [sflag:s20], $0x2800  }
0x448: {  	[sflag:s20] =	ssyncset.done $0x0  }
0x449: {  	s18 =	simm.s32 $0xA00;
	[sflag:s20] =	ssyncadd.s32 $0xFFFFD800  }
0x44a: {  	[tilespmem:s1], [sflag:$0x1] =	stream.indirect.gather [hbm4b:s0+s11], $0x80, s18, s11, $0xb8;
	[tilespmem:$0x1FC00] =	vst v63  }
0x44b: {  	_ =	swait.ge [sflag:s22], $0x2800  }
0x44c: {  	[sflag:s22] =	ssyncset.done $0x0  }
0x44d: {  	s21 =	simm.s32 $0x1880;
	[sflag:s22] =	ssyncadd.s32 $0xFFFFD800  }
0x44e: {  	[spmem:s3] =	stream.indirect.scatter.add.f32 [tilespmem:s14], [sflag:$0x6], $0x80, s21, s11, $0xb8;
	[tilespmem:$0x1FC00] =	vst v63  }
0x44f: {  	_ =	swait.ge [sflag:s24], $0x2800  }
0x450: {  	[sflag:s24] =	ssyncset.done $0x0  }
0x451: {  	s18 =	simm.s32 $0xA80;
	[sflag:s24] =	ssyncadd.s32 $0xFFFFD800  }
0x452: {  	[tilespmem:s14], [sflag:$0x2] =	stream.indirect.gather [hbm4b:s0+s11], $0x80, s18, s11, $0xb8;
	[tilespmem:$0x1FC00] =	vst v63  }
0x453: {  	_ =	swait.ge [sflag:s26], $0x2800  }
0x454: {  	[sflag:s26] =	ssyncset.done $0x0  }
0x455: {  	s25 =	simm.s32 $0x1900;
	[sflag:s26] =	ssyncadd.s32 $0xFFFFD800  }
0x456: {  	[spmem:s3] =	stream.indirect.scatter.add.f32 [tilespmem:s16], [sflag:$0x7], $0x80, s25, s11, $0xb8;
	[tilespmem:$0x1FC00] =	vst v63  }
0x457: {  	_ =	swait.ge [sflag:s29], $0x2800  }
0x458: {  	[sflag:s29] =	ssyncset.done $0x0  }
0x459: {  	s21 =	simm.s32 $0xB00;
	[sflag:s29] =	ssyncadd.s32 $0xFFFFD800  }
0x45a: {  	[tilespmem:s16], [sflag:$0x3] =	stream.indirect.gather [hbm4b:s0+s11], $0x80, s21, s11, $0xb8;
	[tilespmem:$0x1FC00] =	vst v63  }
0x45b: {  	_ =	swait.ge [sflag:s31], $0x2800  }
0x45c: {  	[sflag:s31] =	ssyncset.done $0x0  }
0x45d: {  	s25 =	simm.s32 $0x1980;
	[sflag:s31] =	ssyncadd.s32 $0xFFFFD800  }
0x45e: {  	[spmem:s3] =	stream.indirect.scatter.add.f32 [tilespmem:s19], [sflag:$0x8], $0x80, s25, s11, $0xb8;
	[tilespmem:$0x1FC00] =	vst v63  }
0x45f: {  	_ =	swait.ge [sflag:s12], $0x2800  }
0x460: {  	[sflag:s12] =	ssyncset.done $0x0  }
0x461: {  	s28 =	simm.s32 $0xB80;
	[sflag:s12] =	ssyncadd.s32 $0xFFFFD800  }
0x462: {  	[tilespmem:s19], [sflag:$0x4] =	stream.indirect.gather [hbm4b:s0+s11], $0x80, s28, s11, $0xb8;
	[tilespmem:$0x1FC00] =	vst v63  }
0x463: {  	_ =	swait.ge [sflag:s17], $0x2800  }
0x464: {  	[sflag:s17] =	ssyncset.done $0x0  }
0x465: {  	s8 =	simm.s32 $0x1A00;
	[sflag:s17] =	ssyncadd.s32 $0xFFFFD800  }
0x466: {  	[spmem:s3] =	stream.indirect.scatter.add.f32 [tilespmem:s1], [sflag:$0x5], $0x80, s8, s11, $0xb8;
	[tilespmem:$0x1FC00] =	vst v63  }
0x467: {  	_ =	swait.ge [sflag:s20], $0x2800  }
0x468: {  	[sflag:s20] =	ssyncset.done $0x0  }
0x469: {  	s9 =	simm.s32 $0xC00;
	[sflag:s20] =	ssyncadd.s32 $0xFFFFD800  }
0x46a: {  	[tilespmem:s1], [sflag:$0x1] =	stream.indirect.gather [hbm4b:s0+s11], $0x80, s9, s11, $0xb8;
	[tilespmem:$0x1FC00] =	vst v63  }
0x46b: {  	_ =	swait.ge [sflag:s22], $0x2800  }
0x46c: {  	[sflag:s22] =	ssyncset.done $0x0  }
0x46d: {  	s10 =	simm.s32 $0x1A80;
	[sflag:s22] =	ssyncadd.s32 $0xFFFFD800  }
0x46e: {  	[spmem:s3] =	stream.indirect.scatter.add.f32 [tilespmem:s14], [sflag:$0x6], $0x80, s10, s11, $0xb8;
	[tilespmem:$0x1FC00] =	vst v63  }
0x46f: {  	_ =	swait.ge [sflag:s24], $0x2800  }
0x470: {  	[sflag:s24] =	ssyncset.done $0x0  }
0x471: {  	s15 =	simm.s32 $0xC80;
	[sflag:s24] =	ssyncadd.s32 $0xFFFFD800  }
0x472: {  	[tilespmem:s14], [sflag:$0x2] =	stream.indirect.gather [hbm4b:s0+s11], $0x80, s15, s11, $0xb8;
	[tilespmem:$0x1FC00] =	vst v63  }
0x473: {  	_ =	swait.ge [sflag:s26], $0x2800  }
0x474: {  	[sflag:s26] =	ssyncset.done $0x0  }
0x475: {  	s18 =	simm.s32 $0x1B00;
	[sflag:s26] =	ssyncadd.s32 $0xFFFFD800  }
0x476: {  	[spmem:s3] =	stream.indirect.scatter.add.f32 [tilespmem:s16], [sflag:$0x7], $0x80, s18, s11, $0xb8;
	[tilespmem:$0x1FC00] =	vst v63  }
0x477: {  	_ =	swait.ge [sflag:s29], $0x2800  }
0x478: {  	[sflag:s29] =	ssyncset.done $0x0  }
0x479: {  	s21 =	simm.s32 $0xD00;
	[sflag:s29] =	ssyncadd.s32 $0xFFFFD800  }
0x47a: {  	[tilespmem:s16], [sflag:$0x3] =	stream.indirect.gather [hbm4b:s0+s11], $0x80, s21, s11, $0xb8;
	[tilespmem:$0x1FC00] =	vst v63  }
0x47b: {  	_ =	swait.ge [sflag:s31], $0x2800  }
0x47c: {  	[sflag:s31] =	ssyncset.done $0x0  }
0x47d: {  	s25 =	simm.s32 $0x1B80;
	[sflag:s31] =	ssyncadd.s32 $0xFFFFD800  }
0x47e: {  	[spmem:s3] =	stream.indirect.scatter.add.f32 [tilespmem:s19], [sflag:$0x8], $0x80, s25, s11, $0xb8;
	[tilespmem:$0x1FC00] =	vst v63  }
0x47f: {  	_ =	swait.ge [sflag:s12], $0x2800  }
0x480: {  	[sflag:s12] =	ssyncset.done $0x0  }
0x481: {  	s28 =	simm.s32 $0xD80;
	[sflag:s12] =	ssyncadd.s32 $0xFFFFD800  }
0x482: {  	[tilespmem:s19], [sflag:$0x4] =	stream.indirect.gather [hbm4b:s0+s11], $0x80, s28, s11, $0xb8;
	[tilespmem:$0x1FC00] =	vst v63  }
0x483: {  	_ =	swait.ge [sflag:s17], $0x2800  }
0x484: {  	[sflag:s17] =	ssyncset.done $0x0  }
0x485: {  	s8 =	simm.s32 $0x1C00;
	[sflag:s17] =	ssyncadd.s32 $0xFFFFD800  }
0x486: {  	[spmem:s3] =	stream.indirect.scatter.add.f32 [tilespmem:s1], [sflag:$0x5], $0x80, s8, s11, $0xb8;
	[tilespmem:$0x1FC00] =	vst v63  }
0x487: {  	_ =	swait.ge [sflag:s20], $0x2800  }
0x488: {  	[sflag:s20] =	ssyncset.done $0x0  }
0x489: {  	s9 =	simm.s32 $0xE00;
	[sflag:s20] =	ssyncadd.s32 $0xFFFFD800  }
0x48a: {  	[tilespmem:s1], [sflag:$0x1] =	stream.indirect.gather [hbm4b:s0+s11], $0x80, s9, s11, $0xb8;
	[tilespmem:$0x1FC00] =	vst v63  }
0x48b: {  	_ =	swait.ge [sflag:s22], $0x2800  }
0x48c: {  	[sflag:s22] =	ssyncset.done $0x0  }
0x48d: {  	s10 =	simm.s32 $0x1C80;
	[sflag:s22] =	ssyncadd.s32 $0xFFFFD800  }
0x48e: {  	[spmem:s3] =	stream.indirect.scatter.add.f32 [tilespmem:s14], [sflag:$0x6], $0x80, s10, s11, $0xb8;
	[tilespmem:$0x1FC00] =	vst v63  }
0x48f: {  	_ =	swait.ge [sflag:s24], $0x2800  }
0x490: {  	[sflag:s24] =	ssyncset.done $0x0  }
0x491: {  	[sflag:s24] =	ssyncadd.s32 $0xFFFFD800  }
0x492: {  	_ =	swait.ge [sflag:s26], $0x2800  }
0x493: {  	[sflag:s26] =	ssyncset.done $0x0  }
0x494: {  	s13 =	simm.s32 $0x1D00;
	[sflag:s26] =	ssyncadd.s32 $0xFFFFD800  }
0x495: {  	[spmem:s3] =	stream.indirect.scatter.add.f32 [tilespmem:s16], [sflag:$0x7], $0x80, s13, s11, $0xb8;
	[tilespmem:$0x1FC00] =	vst v63  }
0x496: {  	_ =	swait.ge [sflag:s29], $0x2800  }
0x497: {  	[sflag:s29] =	ssyncset.done $0x0  }
0x498: {  	[sflag:s29] =	ssyncadd.s32 $0xFFFFD800  }
0x499: {  	_ =	swait.ge [sflag:s31], $0x2800  }
0x49a: {  	[sflag:s31] =	ssyncset.done $0x0  }
0x49b: {  	[sflag:s31] =	ssyncadd.s32 $0xFFFFD800  }
0x49c: {  	[spmem:s3] =	stream.indirect.scatter.add.f32 [tilespmem:s19], [sflag:$0x8], $0x80, s7, s11, $0xb8;
	[tilespmem:$0x1FC00] =	vst v63  }
0x49d: {  	_ =	swait.ge [sflag:s12], $0x2800  }
0x49e: {  	[sflag:s12] =	ssyncset.done $0x0  }
0x49f: {  	[sflag:s12] =	ssyncadd.s32 $0xFFFFD800  }
0x4a0: {  	_ =	swait.ge [sflag:s17], $0x2800  }
0x4a1: {  	[sflag:s17] =	ssyncset.done $0x0  }
0x4a2: {  	[sflag:s17] =	ssyncadd.s32 $0xFFFFD800  }
0x4a3: {  	[spmem:s3] =	stream.indirect.scatter.add.f32 [tilespmem:s1], [sflag:$0x5], $0x80, s6, s11, $0xb8;
	[tilespmem:$0x1FC00] =	vst v63  }
0x4a4: {  	_ =	swait.ge [sflag:s20], $0x2800  }
0x4a5: {  	[sflag:s20] =	ssyncset.done $0x0  }
0x4a6: {  	[sflag:s20] =	ssyncadd.s32 $0xFFFFD800  }
0x4a7: {  	s13 =	stileid.u32;
	[bflag:$0x0] =	sbarrier.arrive $0xFFFF  }
0x4a8: {  	s15 =	sshll.u32 s13, $0x6;
	s18 =	rddreg [dreg:$0x1e]  }
0x4a9: {  	s15 =	sor.u32 $0x1C0D, s15;
	s25 =	rddreg [dreg:$0x17];
	s21 =	sshrl.u32 s18, $0x3  }
0x4aa: {  	[hbm:s25], [sflag:s15] =	dma.local [spmem:s21], $0x2780  }
0x4ab: {  	_ =	swait.ge [sflag:s2], $0x2780  }
0x4ac: {  	s23 =	sadd.s32 $0x1, s23;
	s28 =	rddreg [dreg:$0x18]  }
0x4ad: {  	p0 =	sne.s32 s23, s28  }
.Ltmp1:
0x4ae: {  	_ = 	snop;
	(pc) =	sbr.rel @p0 .LBB2_1-.Ltmp1, $3  }
0x4af: {  	_ =	sdelay $0x1  }
0x4b0: {  	[sflag:s2] =	ssyncset.done $0x0  }
0x4b1: {  	[sflag:s2] =	ssyncadd.s32 $0xFFFFD880  }
0x4b2: {  	_ =	sfence.sel $0x180000  }
0x4b3: {  	[bflag:$0x0] =	sbarrier.arrive $0xFFFF  }
0x4b4: {  	_ =	strace $0x90000047  }
0x4b5: {  	s0 =	stileid.u32;
	[bflag:$0x2] =	sbarrier.arrive $0xFFFF  }
0x4b6: {  	p0 =	sne.s32 s0, $0x0;
	s0 =	rddreg [dreg:$0x4]  }
0x4b7: {  	s0 =	sadd.s32 @!p0 $0x100000, s0  }
0x4b8: {  	[sflag:s0] =	ssyncadd.tile.s32 @!p0 $0x1;
	_ =	shalt  }
.Lfunc_end2:
_tile_overlayer_lowered:
.L_overlay_start_2:
0x4b9: {  	(tag) =	ssettag $0x2  }
0x4ba: {  	s0 =	rddreg [dreg:$0x0];
	s2 =	stileid.u32  }
0x4bb: {  	s1 =	rddreg [dreg:$0x1];
	p0 =	sne.s32 s2, $0x0  }
0x4bc: {  	s3 =	rddreg [dreg:$0x2];
	[bflag:$0x3] =	sbarrier.arrive $0xFFFF;
	s2 =	simm.s32 @!p0 $0x1C0D  }
0x4bd: {  	[timem:s3], [sflag:s2] =	dma.local @!p0 [hbm:s0], s1  }
0x4be: {  	s0 =	simm.s32 @!p0 $0xD  }
0x4bf: {  	_ =	swait.ge @!p0 [sflag:s0], s1  }
0x4c0: {  	s1 =	ssub.s32 @!p0 $0x0, s1;
	[sflag:s0] =	ssyncset.done @!p0 $0x0  }
0x4c1: {  	[sflag:s0] =	ssyncadd.s32 @!p0 s1  }
0x4c2: {  	[bflag:$0x3] =	sbarrier.arrive $0xFFFF  }
0x4c3: {  	_ =	shalt  }

</sc_bundles>
